<compile_context>
chip_gen: v7x
topology: tpu7x:2x2x1
jax: 0.10.2.dev20260603
libtpu: 0.0.44.dev20260713+nightly
codegen_flags: <defaults>
</compile_context>

<pallas_src>
import functools

import jax
import jax.numpy as jnp
from jax import lax
from jax.experimental import pallas as pl
from jax.experimental.pallas import tpu as pltpu
from jax.experimental.pallas import tpu_sc as plsc

B_ROWS = 16384
B_COLS = 26
DIM = 64
PDIM = 128

_info = plsc.get_sparse_core_info()
NC = _info.num_cores
NS = _info.num_subcores
NW = NC * NS
ROWS_PER_W = B_ROWS // NW
RCHUNK = 8
NIDX = RCHUNK * B_COLS
N_CHUNKS = ROWS_PER_W // RCHUNK
NBUF = 2

_mesh = plsc.VectorSubcoreMesh(core_axis_name="c", subcore_axis_name="s")


@functools.partial(
    pl.kernel,
    out_type=jax.ShapeDtypeStruct((B_ROWS, B_COLS, DIM), jnp.float32),
    mesh=_mesh,
    scratch_types=[
        pltpu.VMEM((RCHUNK, B_COLS), jnp.int32),
        pltpu.VMEM((RCHUNK, B_COLS), jnp.int32),
        pltpu.VMEM((NIDX,), jnp.int32),
        pltpu.VMEM((NIDX,), jnp.int32),
        pltpu.VMEM((NIDX, PDIM), jnp.float32),
        pltpu.VMEM((NIDX, PDIM), jnp.float32),
        pltpu.VMEM((NIDX, DIM), jnp.float32),
        pltpu.VMEM((NIDX, DIM), jnp.float32),
        pltpu.SemaphoreType.DMA,
        pltpu.SemaphoreType.DMA,
        pltpu.SemaphoreType.DMA,
        pltpu.SemaphoreType.DMA,
    ],
)
def _gather_kernel(x_hbm, tab_hbm, out_hbm,
                   xv0, xv1, kb0, kb1, rw0, rw1, pk0, pk1,
                   gsem0, gsem1, osem0, osem1):
    wid = lax.axis_index("s") * NC + lax.axis_index("c")
    base = wid * ROWS_PER_W
    bufs = ((xv0, kb0, rw0, pk0, gsem0, osem0),
            (xv1, kb1, rw1, pk1, gsem1, osem1))

    def stage_and_fire(xv, kb, rows, gsem, row0):
        pltpu.sync_copy(x_hbm.at[pl.ds(row0, RCHUNK)], xv)
        for r in range(RCHUNK):
            kb[pl.ds(r * B_COLS, 16)] = xv[r, pl.ds(0, 16)]
            kb[pl.ds(r * B_COLS + B_COLS - 16, 16)] = \
                xv[r, pl.ds(B_COLS - 16, 16)]
        pltpu.async_copy(tab_hbm.at[kb], rows, gsem)

    def compact(rows, packed, r):
        for j in range(B_COLS):
            n = r * B_COLS + j
            for q in range(DIM // 16):
                packed[n, pl.ds(q * 16, 16)] = rows[n, pl.ds(q * 16, 16)]

    def wait_writeback(packed, osem, row0):
        for r in range(RCHUNK):
            pltpu.make_async_copy(packed.at[pl.ds(r * B_COLS, B_COLS)],
                                  out_hbm.at[row0 + r], osem).wait()

    for b in range(NBUF):
        xv, kb, rows, _, gsem, _ = bufs[b]
        stage_and_fire(xv, kb, rows, gsem, base + b * RCHUNK)

    def outer(j, carry):
        for b in range(NBUF):
            i = j * NBUF + b
            xv, kb, rows, packed, gsem, osem = bufs[b]
            row0 = base + i * RCHUNK
            pltpu.make_async_copy(tab_hbm.at[kb], rows, gsem).wait()

            @pl.when(i >= NBUF)
            def _():
                wait_writeback(packed, osem, row0 - NBUF * RCHUNK)

            def crun(r, c):
                compact(rows, packed, r)
                return c

            lax.fori_loop(0, RCHUNK, crun, 0)
            for r in range(RCHUNK):
                pltpu.async_copy(packed.at[pl.ds(r * B_COLS, B_COLS)],
                                 out_hbm.at[row0 + r], osem)

            @pl.when(i + NBUF < N_CHUNKS)
            def _():
                stage_and_fire(xv, kb, rows, gsem,
                               base + (i + NBUF) * RCHUNK)

        return carry

    lax.fori_loop(0, N_CHUNKS // NBUF, outer, 0)

    for b in range(NBUF):
        _, _, _, packed, _, osem = bufs[b]
        i = N_CHUNKS - NBUF + b
        wait_writeback(packed, osem, base + i * RCHUNK)


def kernel(x, emb_weight):
    tab_pad = lax.optimization_barrier(
        jnp.pad(lax.optimization_barrier(emb_weight),
                ((0, 0), (0, PDIM - DIM))))
    out = _gather_kernel(x, tab_pad)
    return lax.optimization_barrier(out)

# --- scband reference (transcript-rebuilt; emitter-appended) ---
"""Pipeline reference for scband-flat-embedding-14714557956449 (READ-ONLY COPY).

The authoritative reference and input builder live on the scoring server;
editing this copy changes nothing except your own understanding.
"""

import jax, jax.numpy as jnp
import numpy as np

NB_TOKENS = 1000000
DIM_EMBS = 64
INIT_RANGE = 0.1


def setup_inputs(seed: int = 0) -> dict:
    key = jax.random.key(seed)
    k_idx, k_emb = jax.random.split(key)
    x = jax.random.randint(k_idx, (16384, 26), 0, NB_TOKENS, dtype=jnp.int64 if jax.config.jax_enable_x64 else jnp.int32)
    emb_weight = jax.random.uniform(k_emb, (NB_TOKENS, DIM_EMBS), dtype=jnp.float32, minval=-INIT_RANGE, maxval=INIT_RANGE)
    return {"x": x, "emb_weight": emb_weight}


def reference(x, emb_weight):
    # FlatEmbedding.forward: nn.Embedding lookup -> gather rows of table
    return jnp.take(emb_weight, x, axis=0)

if __name__ == "__main__":
    import jax
    _d = setup_inputs()
    print(jax.jit(kernel)(*tuple(_d.values())))

</pallas_src>

<mosaic_0001>
#map = affine_map<(d0, d1) -> (0, 0)>
#map1 = affine_map<(d0, d1) -> (0, 0, 0)>
module attributes {stable_mosaic.version = 14 : i64} {
  func.func @_gather_kernel(%arg0: i32, %arg1: i32, %arg2: memref<16384x26xi32, #tpu.memory_space<hbm>>, %arg3: memref<1000000x128xf32, #tpu.memory_space<hbm>>, %arg4: memref<16384x26x64xf32, #tpu.memory_space<hbm>>, %arg5: memref<8x26xi32, #tpu.memory_space<vmem>>, %arg6: memref<8x26xi32, #tpu.memory_space<vmem>>, %arg7: memref<208xi32, #tpu.memory_space<vmem>>, %arg8: memref<208xi32, #tpu.memory_space<vmem>>, %arg9: memref<208x128xf32, #tpu.memory_space<vmem>>, %arg10: memref<208x128xf32, #tpu.memory_space<vmem>>, %arg11: memref<208x64xf32, #tpu.memory_space<vmem>>, %arg12: memref<208x64xf32, #tpu.memory_space<vmem>>, %arg13: memref<!tpu.dma_semaphore, #tpu.memory_space<semaphore_mem>>, %arg14: memref<!tpu.dma_semaphore, #tpu.memory_space<semaphore_mem>>, %arg15: memref<!tpu.dma_semaphore, #tpu.memory_space<semaphore_mem>>, %arg16: memref<!tpu.dma_semaphore, #tpu.memory_space<semaphore_mem>>) attributes {dimension_semantics = [#tpu.dimension_semantics<core_parallel>, #tpu.dimension_semantics<subcore_parallel>], iteration_bounds = array<i64: 2, 16>, scalar_prefetch = 0 : i64, scratch_operands = 12 : i64, tpu.core_type = #tpu.core_type<sc_vector_subcore>, window_params = [{transform_indices = #map}, {transform_indices = #map}, {transform_indices = #map1}]} {
    %mul3A = arith.constant 2 : i32
    %mul3A_0 = arith.muli %arg1, %mul3A : i32
    %add3A = arith.addi %mul3A_0, %arg0 : i32
    %mul3A_1 = arith.constant 512 : i32
    %mul3A_2 = arith.muli %add3A, %mul3A_1 : i32
    %add3A_3 = arith.constant 0 : i32
    %add3A_4 = arith.addi %mul3A_2, %add3A_3 : i32
    "tpu.region"() ({
      %run_scoped3A = tpu.sem_alloc : memref<!tpu.dma_semaphore, #tpu.memory_space<semaphore_mem>>
      %dma_start3A_562 = arith.constant 0 : i32
      %dma_start3A_563 = tpu.memref_slice %arg2[%add3A_4, %dma_start3A_562] : memref<16384x26xi32, #tpu.memory_space<hbm>> -> memref<8x26xi32, #tpu.memory_space<hbm>>
      %dma_start3A_564 = arith.constant 0 : i32
      %dma_start3A_565 = tpu.memref_slice %arg2[%add3A_4, %dma_start3A_564] : memref<16384x26xi32, #tpu.memory_space<hbm>> -> memref<8x26xi32, #tpu.memory_space<hbm>>
      tpu.enqueue_dma source(%dma_start3A_565 : memref<8x26xi32, #tpu.memory_space<hbm>>) target(%arg5 : memref<8x26xi32, #tpu.memory_space<vmem>>) target_semaphore(%run_scoped3A : memref<!tpu.dma_semaphore, #tpu.memory_space<semaphore_mem>>)
      %dma_wait3A_566 = arith.constant 0 : i32
      %dma_wait3A_567 = tpu.memref_slice %arg2[%add3A_4, %dma_wait3A_566] : memref<16384x26xi32, #tpu.memory_space<hbm>> -> memref<8x26xi32, #tpu.memory_space<hbm>>
      %dma_wait3A_568 = arith.constant 0 : i32
      %dma_wait3A_569 = tpu.memref_slice %arg2[%add3A_4, %dma_wait3A_568] : memref<16384x26xi32, #tpu.memory_space<hbm>> -> memref<8x26xi32, #tpu.memory_space<hbm>>
      tpu.wait_dma2 semaphore(%run_scoped3A : memref<!tpu.dma_semaphore, #tpu.memory_space<semaphore_mem>>) src(%dma_wait3A_569 : memref<8x26xi32, #tpu.memory_space<hbm>>) dst(%arg5 : memref<8x26xi32, #tpu.memory_space<vmem>>)
      tpu.yield
    }) : () -> ()
    %get3A = arith.constant 0 : i32
    %get3A_5 = arith.index_cast %get3A : i32 to index
    %get3A_6 = arith.constant 0 : index
    %get3A_7 = tpu.vector_load %arg5[%get3A_5, %get3A_6] {strides = array<i32>} : memref<8x26xi32, #tpu.memory_space<vmem>>, vector<1x16xi32>,
    %get3A_8 = vector.shape_cast %get3A_7 : vector<1x16xi32> to vector<16xi32>
    %swap3A = arith.constant 0 : index
    %swap3A_9 = tpu.vector_load %arg7[%swap3A] {strides = array<i32>} : memref<208xi32, #tpu.memory_space<vmem>>, vector<16xi32>,
    %swap3A_10 = vector.shape_cast %swap3A_9 : vector<16xi32> to vector<16xi32>
    %swap3A_11 = vector.shape_cast %get3A_8 : vector<16xi32> to vector<16xi32>
    tpu.vector_store %arg7[%swap3A], %swap3A_11 {strides = array<i32>} : memref<208xi32, #tpu.memory_space<vmem>>, vector<16xi32>,
    %get3A_12 = arith.constant 0 : i32
    %get3A_13 = arith.index_cast %get3A_12 : i32 to index
    %get3A_14 = arith.constant 10 : index
    %get3A_15 = tpu.vector_load %arg5[%get3A_13, %get3A_14] {strides = array<i32>} : memref<8x26xi32, #tpu.memory_space<vmem>>, vector<1x16xi32>,
    %get3A_16 = vector.shape_cast %get3A_15 : vector<1x16xi32> to vector<16xi32>
    %swap3A_17 = arith.constant 10 : index
    %swap3A_18 = tpu.vector_load %arg7[%swap3A_17] {strides = array<i32>} : memref<208xi32, #tpu.memory_space<vmem>>, vector<16xi32>,
    %swap3A_19 = vector.shape_cast %swap3A_18 : vector<16xi32> to vector<16xi32>
    %swap3A_20 = vector.shape_cast %get3A_16 : vector<16xi32> to vector<16xi32>
    tpu.vector_store %arg7[%swap3A_17], %swap3A_20 {strides = array<i32>} : memref<208xi32, #tpu.memory_space<vmem>>, vector<16xi32>,
    %get3A_21 = arith.constant 1 : i32
    %get3A_22 = arith.index_cast %get3A_21 : i32 to index
    %get3A_23 = arith.constant 0 : index
    %get3A_24 = tpu.vector_load %arg5[%get3A_22, %get3A_23] {strides = array<i32>} : memref<8x26xi32, #tpu.memory_space<vmem>>, vector<1x16xi32>,
    %get3A_25 = vector.shape_cast %get3A_24 : vector<1x16xi32> to vector<16xi32>
    %swap3A_26 = arith.constant 26 : index
    %swap3A_27 = tpu.vector_load %arg7[%swap3A_26] {strides = array<i32>} : memref<208xi32, #tpu.memory_space<vmem>>, vector<16xi32>,
    %swap3A_28 = vector.shape_cast %swap3A_27 : vector<16xi32> to vector<16xi32>
    %swap3A_29 = vector.shape_cast %get3A_25 : vector<16xi32> to vector<16xi32>
    tpu.vector_store %arg7[%swap3A_26], %swap3A_29 {strides = array<i32>} : memref<208xi32, #tpu.memory_space<vmem>>, vector<16xi32>,
    %get3A_30 = arith.constant 1 : i32
    %get3A_31 = arith.index_cast %get3A_30 : i32 to index
    %get3A_32 = arith.constant 10 : index
    %get3A_33 = tpu.vector_load %arg5[%get3A_31, %get3A_32] {strides = array<i32>} : memref<8x26xi32, #tpu.memory_space<vmem>>, vector<1x16xi32>,
    %get3A_34 = vector.shape_cast %get3A_33 : vector<1x16xi32> to vector<16xi32>
    %swap3A_35 = arith.constant 36 : index
    %swap3A_36 = tpu.vector_load %arg7[%swap3A_35] {strides = array<i32>} : memref<208xi32, #tpu.memory_space<vmem>>, vector<16xi32>,
    %swap3A_37 = vector.shape_cast %swap3A_36 : vector<16xi32> to vector<16xi32>
    %swap3A_38 = vector.shape_cast %get3A_34 : vector<16xi32> to vector<16xi32>
    tpu.vector_store %arg7[%swap3A_35], %swap3A_38 {strides = array<i32>} : memref<208xi32, #tpu.memory_space<vmem>>, vector<16xi32>,
    %get3A_39 = arith.constant 2 : i32
    %get3A_40 = arith.index_cast %get3A_39 : i32 to index
    %get3A_41 = arith.constant 0 : index
    %get3A_42 = tpu.vector_load %arg5[%get3A_40, %get3A_41] {strides = array<i32>} : memref<8x26xi32, #tpu.memory_space<vmem>>, vector<1x16xi32>,
    %get3A_43 = vector.shape_cast %get3A_42 : vector<1x16xi32> to vector<16xi32>
    %swap3A_44 = arith.constant 52 : index
    %swap3A_45 = tpu.vector_load %arg7[%swap3A_44] {strides = array<i32>} : memref<208xi32, #tpu.memory_space<vmem>>, vector<16xi32>,
    %swap3A_46 = vector.shape_cast %swap3A_45 : vector<16xi32> to vector<16xi32>
    %swap3A_47 = vector.shape_cast %get3A_43 : vector<16xi32> to vector<16xi32>
    tpu.vector_store %arg7[%swap3A_44], %swap3A_47 {strides = array<i32>} : memref<208xi32, #tpu.memory_space<vmem>>, vector<16xi32>,
    %get3A_48 = arith.constant 2 : i32
    %get3A_49 = arith.index_cast %get3A_48 : i32 to index
    %get3A_50 = arith.constant 10 : index
    %get3A_51 = tpu.vector_load %arg5[%get3A_49, %get3A_50] {strides = array<i32>} : memref<8x26xi32, #tpu.memory_space<vmem>>, vector<1x16xi32>,
    %get3A_52 = vector.shape_cast %get3A_51 : vector<1x16xi32> to vector<16xi32>
    %swap3A_53 = arith.constant 62 : index
    %swap3A_54 = tpu.vector_load %arg7[%swap3A_53] {strides = array<i32>} : memref<208xi32, #tpu.memory_space<vmem>>, vector<16xi32>,
    %swap3A_55 = vector.shape_cast %swap3A_54 : vector<16xi32> to vector<16xi32>
    %swap3A_56 = vector.shape_cast %get3A_52 : vector<16xi32> to vector<16xi32>
    tpu.vector_store %arg7[%swap3A_53], %swap3A_56 {strides = array<i32>} : memref<208xi32, #tpu.memory_space<vmem>>, vector<16xi32>,
    %get3A_57 = arith.constant 3 : i32
    %get3A_58 = arith.index_cast %get3A_57 : i32 to index
    %get3A_59 = arith.constant 0 : index
    %get3A_60 = tpu.vector_load %arg5[%get3A_58, %get3A_59] {strides = array<i32>} : memref<8x26xi32, #tpu.memory_space<vmem>>, vector<1x16xi32>,
    %get3A_61 = vector.shape_cast %get3A_60 : vector<1x16xi32> to vector<16xi32>
    %swap3A_62 = arith.constant 78 : index
    %swap3A_63 = tpu.vector_load %arg7[%swap3A_62] {strides = array<i32>} : memref<208xi32, #tpu.memory_space<vmem>>, vector<16xi32>,
    %swap3A_64 = vector.shape_cast %swap3A_63 : vector<16xi32> to vector<16xi32>
    %swap3A_65 = vector.shape_cast %get3A_61 : vector<16xi32> to vector<16xi32>
    tpu.vector_store %arg7[%swap3A_62], %swap3A_65 {strides = array<i32>} : memref<208xi32, #tpu.memory_space<vmem>>, vector<16xi32>,
    %get3A_66 = arith.constant 3 : i32
    %get3A_67 = arith.index_cast %get3A_66 : i32 to index
    %get3A_68 = arith.constant 10 : index
    %get3A_69 = tpu.vector_load %arg5[%get3A_67, %get3A_68] {strides = array<i32>} : memref<8x26xi32, #tpu.memory_space<vmem>>, vector<1x16xi32>,
    %get3A_70 = vector.shape_cast %get3A_69 : vector<1x16xi32> to vector<16xi32>
    %swap3A_71 = arith.constant 88 : index
    %swap3A_72 = tpu.vector_load %arg7[%swap3A_71] {strides = array<i32>} : memref<208xi32, #tpu.memory_space<vmem>>, vector<16xi32>,
    %swap3A_73 = vector.shape_cast %swap3A_72 : vector<16xi32> to vector<16xi32>
    %swap3A_74 = vector.shape_cast %get3A_70 : vector<16xi32> to vector<16xi32>
    tpu.vector_store %arg7[%swap3A_71], %swap3A_74 {strides = array<i32>} : memref<208xi32, #tpu.memory_space<vmem>>, vector<16xi32>,
    %get3A_75 = arith.constant 4 : i32
    %get3A_76 = arith.index_cast %get3A_75 : i32 to index
    %get3A_77 = arith.constant 0 : index
    %get3A_78 = tpu.vector_load %arg5[%get3A_76, %get3A_77] {strides = array<i32>} : memref<8x26xi32, #tpu.memory_space<vmem>>, vector<1x16xi32>,
    %get3A_79 = vector.shape_cast %get3A_78 : vector<1x16xi32> to vector<16xi32>
    %swap3A_80 = arith.constant 104 : index
    %swap3A_81 = tpu.vector_load %arg7[%swap3A_80] {strides = array<i32>} : memref<208xi32, #tpu.memory_space<vmem>>, vector<16xi32>,
    %swap3A_82 = vector.shape_cast %swap3A_81 : vector<16xi32> to vector<16xi32>
    %swap3A_83 = vector.shape_cast %get3A_79 : vector<16xi32> to vector<16xi32>
    tpu.vector_store %arg7[%swap3A_80], %swap3A_83 {strides = array<i32>} : memref<208xi32, #tpu.memory_space<vmem>>, vector<16xi32>,
    %get3A_84 = arith.constant 4 : i32
    %get3A_85 = arith.index_cast %get3A_84 : i32 to index
    %get3A_86 = arith.constant 10 : index
    %get3A_87 = tpu.vector_load %arg5[%get3A_85, %get3A_86] {strides = array<i32>} : memref<8x26xi32, #tpu.memory_space<vmem>>, vector<1x16xi32>,
    %get3A_88 = vector.shape_cast %get3A_87 : vector<1x16xi32> to vector<16xi32>
    %swap3A_89 = arith.constant 114 : index
    %swap3A_90 = tpu.vector_load %arg7[%swap3A_89] {strides = array<i32>} : memref<208xi32, #tpu.memory_space<vmem>>, vector<16xi32>,
    %swap3A_91 = vector.shape_cast %swap3A_90 : vector<16xi32> to vector<16xi32>
    %swap3A_92 = vector.shape_cast %get3A_88 : vector<16xi32> to vector<16xi32>
    tpu.vector_store %arg7[%swap3A_89], %swap3A_92 {strides = array<i32>} : memref<208xi32, #tpu.memory_space<vmem>>, vector<16xi32>,
    %get3A_93 = arith.constant 5 : i32
    %get3A_94 = arith.index_cast %get3A_93 : i32 to index
    %get3A_95 = arith.constant 0 : index
    %get3A_96 = tpu.vector_load %arg5[%get3A_94, %get3A_95] {strides = array<i32>} : memref<8x26xi32, #tpu.memory_space<vmem>>, vector<1x16xi32>,
    %get3A_97 = vector.shape_cast %get3A_96 : vector<1x16xi32> to vector<16xi32>
    %swap3A_98 = arith.constant 130 : index
    %swap3A_99 = tpu.vector_load %arg7[%swap3A_98] {strides = array<i32>} : memref<208xi32, #tpu.memory_space<vmem>>, vector<16xi32>,
    %swap3A_100 = vector.shape_cast %swap3A_99 : vector<16xi32> to vector<16xi32>
    %swap3A_101 = vector.shape_cast %get3A_97 : vector<16xi32> to vector<16xi32>
    tpu.vector_store %arg7[%swap3A_98], %swap3A_101 {strides = array<i32>} : memref<208xi32, #tpu.memory_space<vmem>>, vector<16xi32>,
    %get3A_102 = arith.constant 5 : i32
    %get3A_103 = arith.index_cast %get3A_102 : i32 to index
    %get3A_104 = arith.constant 10 : index
    %get3A_105 = tpu.vector_load %arg5[%get3A_103, %get3A_104] {strides = array<i32>} : memref<8x26xi32, #tpu.memory_space<vmem>>, vector<1x16xi32>,
    %get3A_106 = vector.shape_cast %get3A_105 : vector<1x16xi32> to vector<16xi32>
    %swap3A_107 = arith.constant 140 : index
    %swap3A_108 = tpu.vector_load %arg7[%swap3A_107] {strides = array<i32>} : memref<208xi32, #tpu.memory_space<vmem>>, vector<16xi32>,
    %swap3A_109 = vector.shape_cast %swap3A_108 : vector<16xi32> to vector<16xi32>
    %swap3A_110 = vector.shape_cast %get3A_106 : vector<16xi32> to vector<16xi32>
    tpu.vector_store %arg7[%swap3A_107], %swap3A_110 {strides = array<i32>} : memref<208xi32, #tpu.memory_space<vmem>>, vector<16xi32>,
    %get3A_111 = arith.constant 6 : i32
    %get3A_112 = arith.index_cast %get3A_111 : i32 to index
    %get3A_113 = arith.constant 0 : index
    %get3A_114 = tpu.vector_load %arg5[%get3A_112, %get3A_113] {strides = array<i32>} : memref<8x26xi32, #tpu.memory_space<vmem>>, vector<1x16xi32>,
    %get3A_115 = vector.shape_cast %get3A_114 : vector<1x16xi32> to vector<16xi32>
    %swap3A_116 = arith.constant 156 : index
    %swap3A_117 = tpu.vector_load %arg7[%swap3A_116] {strides = array<i32>} : memref<208xi32, #tpu.memory_space<vmem>>, vector<16xi32>,
    %swap3A_118 = vector.shape_cast %swap3A_117 : vector<16xi32> to vector<16xi32>
    %swap3A_119 = vector.shape_cast %get3A_115 : vector<16xi32> to vector<16xi32>
    tpu.vector_store %arg7[%swap3A_116], %swap3A_119 {strides = array<i32>} : memref<208xi32, #tpu.memory_space<vmem>>, vector<16xi32>,
    %get3A_120 = arith.constant 6 : i32
    %get3A_121 = arith.index_cast %get3A_120 : i32 to index
    %get3A_122 = arith.constant 10 : index
    %get3A_123 = tpu.vector_load %arg5[%get3A_121, %get3A_122] {strides = array<i32>} : memref<8x26xi32, #tpu.memory_space<vmem>>, vector<1x16xi32>,
    %get3A_124 = vector.shape_cast %get3A_123 : vector<1x16xi32> to vector<16xi32>
    %swap3A_125 = arith.constant 166 : index
    %swap3A_126 = tpu.vector_load %arg7[%swap3A_125] {strides = array<i32>} : memref<208xi32, #tpu.memory_space<vmem>>, vector<16xi32>,
    %swap3A_127 = vector.shape_cast %swap3A_126 : vector<16xi32> to vector<16xi32>
    %swap3A_128 = vector.shape_cast %get3A_124 : vector<16xi32> to vector<16xi32>
    tpu.vector_store %arg7[%swap3A_125], %swap3A_128 {strides = array<i32>} : memref<208xi32, #tpu.memory_space<vmem>>, vector<16xi32>,
    %get3A_129 = arith.constant 7 : i32
    %get3A_130 = arith.index_cast %get3A_129 : i32 to index
    %get3A_131 = arith.constant 0 : index
    %get3A_132 = tpu.vector_load %arg5[%get3A_130, %get3A_131] {strides = array<i32>} : memref<8x26xi32, #tpu.memory_space<vmem>>, vector<1x16xi32>,
    %get3A_133 = vector.shape_cast %get3A_132 : vector<1x16xi32> to vector<16xi32>
    %swap3A_134 = arith.constant 182 : index
    %swap3A_135 = tpu.vector_load %arg7[%swap3A_134] {strides = array<i32>} : memref<208xi32, #tpu.memory_space<vmem>>, vector<16xi32>,
    %swap3A_136 = vector.shape_cast %swap3A_135 : vector<16xi32> to vector<16xi32>
    %swap3A_137 = vector.shape_cast %get3A_133 : vector<16xi32> to vector<16xi32>
    tpu.vector_store %arg7[%swap3A_134], %swap3A_137 {strides = array<i32>} : memref<208xi32, #tpu.memory_space<vmem>>, vector<16xi32>,
    %get3A_138 = arith.constant 7 : i32
    %get3A_139 = arith.index_cast %get3A_138 : i32 to index
    %get3A_140 = arith.constant 10 : index
    %get3A_141 = tpu.vector_load %arg5[%get3A_139, %get3A_140] {strides = array<i32>} : memref<8x26xi32, #tpu.memory_space<vmem>>, vector<1x16xi32>,
    %get3A_142 = vector.shape_cast %get3A_141 : vector<1x16xi32> to vector<16xi32>
    %swap3A_143 = arith.constant 192 : index
    %swap3A_144 = tpu.vector_load %arg7[%swap3A_143] {strides = array<i32>} : memref<208xi32, #tpu.memory_space<vmem>>, vector<16xi32>,
    %swap3A_145 = vector.shape_cast %swap3A_144 : vector<16xi32> to vector<16xi32>
    %swap3A_146 = vector.shape_cast %get3A_142 : vector<16xi32> to vector<16xi32>
    tpu.vector_store %arg7[%swap3A_143], %swap3A_146 {strides = array<i32>} : memref<208xi32, #tpu.memory_space<vmem>>, vector<16xi32>,
    %dma_start3A = arith.constant 0 : i32
    %dma_start3A_147 = arith.constant 0 : i32
    %dma_start3A_148 = tpu.memref_slice %arg3[%dma_start3A, %dma_start3A_147] : memref<1000000x128xf32, #tpu.memory_space<hbm>> -> memref<1000000x128xf32, #tpu.memory_space<hbm>>
    tpu.enqueue_indirect_dma source(%dma_start3A_148 : memref<1000000x128xf32, #tpu.memory_space<hbm>>) target(%arg9 : memref<208x128xf32, #tpu.memory_space<vmem>>) offsets(%arg7 : memref<208xi32, #tpu.memory_space<vmem>>) semaphore(%arg13 : memref<!tpu.dma_semaphore, #tpu.memory_space<semaphore_mem>>)
    %add3A_149 = arith.constant 8 : i32
    %add3A_150 = arith.addi %mul3A_2, %add3A_149 : i32
    "tpu.region"() ({
      %run_scoped3A = tpu.sem_alloc : memref<!tpu.dma_semaphore, #tpu.memory_space<semaphore_mem>>
      %dma_start3A_562 = arith.constant 0 : i32
      %dma_start3A_563 = tpu.memref_slice %arg2[%add3A_150, %dma_start3A_562] : memref<16384x26xi32, #tpu.memory_space<hbm>> -> memref<8x26xi32, #tpu.memory_space<hbm>>
      %dma_start3A_564 = arith.constant 0 : i32
      %dma_start3A_565 = tpu.memref_slice %arg2[%add3A_150, %dma_start3A_564] : memref<16384x26xi32, #tpu.memory_space<hbm>> -> memref<8x26xi32, #tpu.memory_space<hbm>>
      tpu.enqueue_dma source(%dma_start3A_565 : memref<8x26xi32, #tpu.memory_space<hbm>>) target(%arg6 : memref<8x26xi32, #tpu.memory_space<vmem>>) target_semaphore(%run_scoped3A : memref<!tpu.dma_semaphore, #tpu.memory_space<semaphore_mem>>)
      %dma_wait3A_566 = arith.constant 0 : i32
      %dma_wait3A_567 = tpu.memref_slice %arg2[%add3A_150, %dma_wait3A_566] : memref<16384x26xi32, #tpu.memory_space<hbm>> -> memref<8x26xi32, #tpu.memory_space<hbm>>
      %dma_wait3A_568 = arith.constant 0 : i32
      %dma_wait3A_569 = tpu.memref_slice %arg2[%add3A_150, %dma_wait3A_568] : memref<16384x26xi32, #tpu.memory_space<hbm>> -> memref<8x26xi32, #tpu.memory_space<hbm>>
      tpu.wait_dma2 semaphore(%run_scoped3A : memref<!tpu.dma_semaphore, #tpu.memory_space<semaphore_mem>>) src(%dma_wait3A_569 : memref<8x26xi32, #tpu.memory_space<hbm>>) dst(%arg6 : memref<8x26xi32, #tpu.memory_space<vmem>>)
      tpu.yield
    }) : () -> ()
    %get3A_151 = arith.constant 0 : i32
    %get3A_152 = arith.index_cast %get3A_151 : i32 to index
    %get3A_153 = arith.constant 0 : index
    %get3A_154 = tpu.vector_load %arg6[%get3A_152, %get3A_153] {strides = array<i32>} : memref<8x26xi32, #tpu.memory_space<vmem>>, vector<1x16xi32>,
    %get3A_155 = vector.shape_cast %get3A_154 : vector<1x16xi32> to vector<16xi32>
    %swap3A_156 = arith.constant 0 : index
    %swap3A_157 = tpu.vector_load %arg8[%swap3A_156] {strides = array<i32>} : memref<208xi32, #tpu.memory_space<vmem>>, vector<16xi32>,
    %swap3A_158 = vector.shape_cast %swap3A_157 : vector<16xi32> to vector<16xi32>
    %swap3A_159 = vector.shape_cast %get3A_155 : vector<16xi32> to vector<16xi32>
    tpu.vector_store %arg8[%swap3A_156], %swap3A_159 {strides = array<i32>} : memref<208xi32, #tpu.memory_space<vmem>>, vector<16xi32>,
    %get3A_160 = arith.constant 0 : i32
    %get3A_161 = arith.index_cast %get3A_160 : i32 to index
    %get3A_162 = arith.constant 10 : index
    %get3A_163 = tpu.vector_load %arg6[%get3A_161, %get3A_162] {strides = array<i32>} : memref<8x26xi32, #tpu.memory_space<vmem>>, vector<1x16xi32>,
    %get3A_164 = vector.shape_cast %get3A_163 : vector<1x16xi32> to vector<16xi32>
    %swap3A_165 = arith.constant 10 : index
    %swap3A_166 = tpu.vector_load %arg8[%swap3A_165] {strides = array<i32>} : memref<208xi32, #tpu.memory_space<vmem>>, vector<16xi32>,
    %swap3A_167 = vector.shape_cast %swap3A_166 : vector<16xi32> to vector<16xi32>
    %swap3A_168 = vector.shape_cast %get3A_164 : vector<16xi32> to vector<16xi32>
    tpu.vector_store %arg8[%swap3A_165], %swap3A_168 {strides = array<i32>} : memref<208xi32, #tpu.memory_space<vmem>>, vector<16xi32>,
    %get3A_169 = arith.constant 1 : i32
    %get3A_170 = arith.index_cast %get3A_169 : i32 to index
    %get3A_171 = arith.constant 0 : index
    %get3A_172 = tpu.vector_load %arg6[%get3A_170, %get3A_171] {strides = array<i32>} : memref<8x26xi32, #tpu.memory_space<vmem>>, vector<1x16xi32>,
    %get3A_173 = vector.shape_cast %get3A_172 : vector<1x16xi32> to vector<16xi32>
    %swap3A_174 = arith.constant 26 : index
    %swap3A_175 = tpu.vector_load %arg8[%swap3A_174] {strides = array<i32>} : memref<208xi32, #tpu.memory_space<vmem>>, vector<16xi32>,
    %swap3A_176 = vector.shape_cast %swap3A_175 : vector<16xi32> to vector<16xi32>
    %swap3A_177 = vector.shape_cast %get3A_173 : vector<16xi32> to vector<16xi32>
    tpu.vector_store %arg8[%swap3A_174], %swap3A_177 {strides = array<i32>} : memref<208xi32, #tpu.memory_space<vmem>>, vector<16xi32>,
    %get3A_178 = arith.constant 1 : i32
    %get3A_179 = arith.index_cast %get3A_178 : i32 to index
    %get3A_180 = arith.constant 10 : index
    %get3A_181 = tpu.vector_load %arg6[%get3A_179, %get3A_180] {strides = array<i32>} : memref<8x26xi32, #tpu.memory_space<vmem>>, vector<1x16xi32>,
    %get3A_182 = vector.shape_cast %get3A_181 : vector<1x16xi32> to vector<16xi32>
    %swap3A_183 = arith.constant 36 : index
    %swap3A_184 = tpu.vector_load %arg8[%swap3A_183] {strides = array<i32>} : memref<208xi32, #tpu.memory_space<vmem>>, vector<16xi32>,
    %swap3A_185 = vector.shape_cast %swap3A_184 : vector<16xi32> to vector<16xi32>
    %swap3A_186 = vector.shape_cast %get3A_182 : vector<16xi32> to vector<16xi32>
    tpu.vector_store %arg8[%swap3A_183], %swap3A_186 {strides = array<i32>} : memref<208xi32, #tpu.memory_space<vmem>>, vector<16xi32>,
    %get3A_187 = arith.constant 2 : i32
    %get3A_188 = arith.index_cast %get3A_187 : i32 to index
    %get3A_189 = arith.constant 0 : index
    %get3A_190 = tpu.vector_load %arg6[%get3A_188, %get3A_189] {strides = array<i32>} : memref<8x26xi32, #tpu.memory_space<vmem>>, vector<1x16xi32>,
    %get3A_191 = vector.shape_cast %get3A_190 : vector<1x16xi32> to vector<16xi32>
    %swap3A_192 = arith.constant 52 : index
    %swap3A_193 = tpu.vector_load %arg8[%swap3A_192] {strides = array<i32>} : memref<208xi32, #tpu.memory_space<vmem>>, vector<16xi32>,
    %swap3A_194 = vector.shape_cast %swap3A_193 : vector<16xi32> to vector<16xi32>
    %swap3A_195 = vector.shape_cast %get3A_191 : vector<16xi32> to vector<16xi32>
    tpu.vector_store %arg8[%swap3A_192], %swap3A_195 {strides = array<i32>} : memref<208xi32, #tpu.memory_space<vmem>>, vector<16xi32>,
    %get3A_196 = arith.constant 2 : i32
    %get3A_197 = arith.index_cast %get3A_196 : i32 to index
    %get3A_198 = arith.constant 10 : index
    %get3A_199 = tpu.vector_load %arg6[%get3A_197, %get3A_198] {strides = array<i32>} : memref<8x26xi32, #tpu.memory_space<vmem>>, vector<1x16xi32>,
    %get3A_200 = vector.shape_cast %get3A_199 : vector<1x16xi32> to vector<16xi32>
    %swap3A_201 = arith.constant 62 : index
    %swap3A_202 = tpu.vector_load %arg8[%swap3A_201] {strides = array<i32>} : memref<208xi32, #tpu.memory_space<vmem>>, vector<16xi32>,
    %swap3A_203 = vector.shape_cast %swap3A_202 : vector<16xi32> to vector<16xi32>
    %swap3A_204 = vector.shape_cast %get3A_200 : vector<16xi32> to vector<16xi32>
    tpu.vector_store %arg8[%swap3A_201], %swap3A_204 {strides = array<i32>} : memref<208xi32, #tpu.memory_space<vmem>>, vector<16xi32>,
    %get3A_205 = arith.constant 3 : i32
    %get3A_206 = arith.index_cast %get3A_205 : i32 to index
    %get3A_207 = arith.constant 0 : index
    %get3A_208 = tpu.vector_load %arg6[%get3A_206, %get3A_207] {strides = array<i32>} : memref<8x26xi32, #tpu.memory_space<vmem>>, vector<1x16xi32>,
    %get3A_209 = vector.shape_cast %get3A_208 : vector<1x16xi32> to vector<16xi32>
    %swap3A_210 = arith.constant 78 : index
    %swap3A_211 = tpu.vector_load %arg8[%swap3A_210] {strides = array<i32>} : memref<208xi32, #tpu.memory_space<vmem>>, vector<16xi32>,
    %swap3A_212 = vector.shape_cast %swap3A_211 : vector<16xi32> to vector<16xi32>
    %swap3A_213 = vector.shape_cast %get3A_209 : vector<16xi32> to vector<16xi32>
    tpu.vector_store %arg8[%swap3A_210], %swap3A_213 {strides = array<i32>} : memref<208xi32, #tpu.memory_space<vmem>>, vector<16xi32>,
    %get3A_214 = arith.constant 3 : i32
    %get3A_215 = arith.index_cast %get3A_214 : i32 to index
    %get3A_216 = arith.constant 10 : index
    %get3A_217 = tpu.vector_load %arg6[%get3A_215, %get3A_216] {strides = array<i32>} : memref<8x26xi32, #tpu.memory_space<vmem>>, vector<1x16xi32>,
    %get3A_218 = vector.shape_cast %get3A_217 : vector<1x16xi32> to vector<16xi32>
    %swap3A_219 = arith.constant 88 : index
    %swap3A_220 = tpu.vector_load %arg8[%swap3A_219] {strides = array<i32>} : memref<208xi32, #tpu.memory_space<vmem>>, vector<16xi32>,
    %swap3A_221 = vector.shape_cast %swap3A_220 : vector<16xi32> to vector<16xi32>
    %swap3A_222 = vector.shape_cast %get3A_218 : vector<16xi32> to vector<16xi32>
    tpu.vector_store %arg8[%swap3A_219], %swap3A_222 {strides = array<i32>} : memref<208xi32, #tpu.memory_space<vmem>>, vector<16xi32>,
    %get3A_223 = arith.constant 4 : i32
    %get3A_224 = arith.index_cast %get3A_223 : i32 to index
    %get3A_225 = arith.constant 0 : index
    %get3A_226 = tpu.vector_load %arg6[%get3A_224, %get3A_225] {strides = array<i32>} : memref<8x26xi32, #tpu.memory_space<vmem>>, vector<1x16xi32>,
    %get3A_227 = vector.shape_cast %get3A_226 : vector<1x16xi32> to vector<16xi32>
    %swap3A_228 = arith.constant 104 : index
    %swap3A_229 = tpu.vector_load %arg8[%swap3A_228] {strides = array<i32>} : memref<208xi32, #tpu.memory_space<vmem>>, vector<16xi32>,
    %swap3A_230 = vector.shape_cast %swap3A_229 : vector<16xi32> to vector<16xi32>
    %swap3A_231 = vector.shape_cast %get3A_227 : vector<16xi32> to vector<16xi32>
    tpu.vector_store %arg8[%swap3A_228], %swap3A_231 {strides = array<i32>} : memref<208xi32, #tpu.memory_space<vmem>>, vector<16xi32>,
    %get3A_232 = arith.constant 4 : i32
    %get3A_233 = arith.index_cast %get3A_232 : i32 to index
    %get3A_234 = arith.constant 10 : index
    %get3A_235 = tpu.vector_load %arg6[%get3A_233, %get3A_234] {strides = array<i32>} : memref<8x26xi32, #tpu.memory_space<vmem>>, vector<1x16xi32>,
    %get3A_236 = vector.shape_cast %get3A_235 : vector<1x16xi32> to vector<16xi32>
    %swap3A_237 = arith.constant 114 : index
    %swap3A_238 = tpu.vector_load %arg8[%swap3A_237] {strides = array<i32>} : memref<208xi32, #tpu.memory_space<vmem>>, vector<16xi32>,
    %swap3A_239 = vector.shape_cast %swap3A_238 : vector<16xi32> to vector<16xi32>
    %swap3A_240 = vector.shape_cast %get3A_236 : vector<16xi32> to vector<16xi32>
    tpu.vector_store %arg8[%swap3A_237], %swap3A_240 {strides = array<i32>} : memref<208xi32, #tpu.memory_space<vmem>>, vector<16xi32>,
    %get3A_241 = arith.constant 5 : i32
    %get3A_242 = arith.index_cast %get3A_241 : i32 to index
    %get3A_243 = arith.constant 0 : index
    %get3A_244 = tpu.vector_load %arg6[%get3A_242, %get3A_243] {strides = array<i32>} : memref<8x26xi32, #tpu.memory_space<vmem>>, vector<1x16xi32>,
    %get3A_245 = vector.shape_cast %get3A_244 : vector<1x16xi32> to vector<16xi32>
    %swap3A_246 = arith.constant 130 : index
    %swap3A_247 = tpu.vector_load %arg8[%swap3A_246] {strides = array<i32>} : memref<208xi32, #tpu.memory_space<vmem>>, vector<16xi32>,
    %swap3A_248 = vector.shape_cast %swap3A_247 : vector<16xi32> to vector<16xi32>
    %swap3A_249 = vector.shape_cast %get3A_245 : vector<16xi32> to vector<16xi32>
    tpu.vector_store %arg8[%swap3A_246], %swap3A_249 {strides = array<i32>} : memref<208xi32, #tpu.memory_space<vmem>>, vector<16xi32>,
    %get3A_250 = arith.constant 5 : i32
    %get3A_251 = arith.index_cast %get3A_250 : i32 to index
    %get3A_252 = arith.constant 10 : index
    %get3A_253 = tpu.vector_load %arg6[%get3A_251, %get3A_252] {strides = array<i32>} : memref<8x26xi32, #tpu.memory_space<vmem>>, vector<1x16xi32>,
    %get3A_254 = vector.shape_cast %get3A_253 : vector<1x16xi32> to vector<16xi32>
    %swap3A_255 = arith.constant 140 : index
    %swap3A_256 = tpu.vector_load %arg8[%swap3A_255] {strides = array<i32>} : memref<208xi32, #tpu.memory_space<vmem>>, vector<16xi32>,
    %swap3A_257 = vector.shape_cast %swap3A_256 : vector<16xi32> to vector<16xi32>
    %swap3A_258 = vector.shape_cast %get3A_254 : vector<16xi32> to vector<16xi32>
    tpu.vector_store %arg8[%swap3A_255], %swap3A_258 {strides = array<i32>} : memref<208xi32, #tpu.memory_space<vmem>>, vector<16xi32>,
    %get3A_259 = arith.constant 6 : i32
    %get3A_260 = arith.index_cast %get3A_259 : i32 to index
    %get3A_261 = arith.constant 0 : index
    %get3A_262 = tpu.vector_load %arg6[%get3A_260, %get3A_261] {strides = array<i32>} : memref<8x26xi32, #tpu.memory_space<vmem>>, vector<1x16xi32>,
    %get3A_263 = vector.shape_cast %get3A_262 : vector<1x16xi32> to vector<16xi32>
    %swap3A_264 = arith.constant 156 : index
    %swap3A_265 = tpu.vector_load %arg8[%swap3A_264] {strides = array<i32>} : memref<208xi32, #tpu.memory_space<vmem>>, vector<16xi32>,
    %swap3A_266 = vector.shape_cast %swap3A_265 : vector<16xi32> to vector<16xi32>
    %swap3A_267 = vector.shape_cast %get3A_263 : vector<16xi32> to vector<16xi32>
    tpu.vector_store %arg8[%swap3A_264], %swap3A_267 {strides = array<i32>} : memref<208xi32, #tpu.memory_space<vmem>>, vector<16xi32>,
    %get3A_268 = arith.constant 6 : i32
    %get3A_269 = arith.index_cast %get3A_268 : i32 to index
    %get3A_270 = arith.constant 10 : index
    %get3A_271 = tpu.vector_load %arg6[%get3A_269, %get3A_270] {strides = array<i32>} : memref<8x26xi32, #tpu.memory_space<vmem>>, vector<1x16xi32>,
    %get3A_272 = vector.shape_cast %get3A_271 : vector<1x16xi32> to vector<16xi32>
    %swap3A_273 = arith.constant 166 : index
    %swap3A_274 = tpu.vector_load %arg8[%swap3A_273] {strides = array<i32>} : memref<208xi32, #tpu.memory_space<vmem>>, vector<16xi32>,
    %swap3A_275 = vector.shape_cast %swap3A_274 : vector<16xi32> to vector<16xi32>
    %swap3A_276 = vector.shape_cast %get3A_272 : vector<16xi32> to vector<16xi32>
    tpu.vector_store %arg8[%swap3A_273], %swap3A_276 {strides = array<i32>} : memref<208xi32, #tpu.memory_space<vmem>>, vector<16xi32>,
    %get3A_277 = arith.constant 7 : i32
    %get3A_278 = arith.index_cast %get3A_277 : i32 to index
    %get3A_279 = arith.constant 0 : index
    %get3A_280 = tpu.vector_load %arg6[%get3A_278, %get3A_279] {strides = array<i32>} : memref<8x26xi32, #tpu.memory_space<vmem>>, vector<1x16xi32>,
    %get3A_281 = vector.shape_cast %get3A_280 : vector<1x16xi32> to vector<16xi32>
    %swap3A_282 = arith.constant 182 : index
    %swap3A_283 = tpu.vector_load %arg8[%swap3A_282] {strides = array<i32>} : memref<208xi32, #tpu.memory_space<vmem>>, vector<16xi32>,
    %swap3A_284 = vector.shape_cast %swap3A_283 : vector<16xi32> to vector<16xi32>
    %swap3A_285 = vector.shape_cast %get3A_281 : vector<16xi32> to vector<16xi32>
    tpu.vector_store %arg8[%swap3A_282], %swap3A_285 {strides = array<i32>} : memref<208xi32, #tpu.memory_space<vmem>>, vector<16xi32>,
    %get3A_286 = arith.constant 7 : i32
    %get3A_287 = arith.index_cast %get3A_286 : i32 to index
    %get3A_288 = arith.constant 10 : index
    %get3A_289 = tpu.vector_load %arg6[%get3A_287, %get3A_288] {strides = array<i32>} : memref<8x26xi32, #tpu.memory_space<vmem>>, vector<1x16xi32>,
    %get3A_290 = vector.shape_cast %get3A_289 : vector<1x16xi32> to vector<16xi32>
    %swap3A_291 = arith.constant 192 : index
    %swap3A_292 = tpu.vector_load %arg8[%swap3A_291] {strides = array<i32>} : memref<208xi32, #tpu.memory_space<vmem>>, vector<16xi32>,
    %swap3A_293 = vector.shape_cast %swap3A_292 : vector<16xi32> to vector<16xi32>
    %swap3A_294 = vector.shape_cast %get3A_290 : vector<16xi32> to vector<16xi32>
    tpu.vector_store %arg8[%swap3A_291], %swap3A_294 {strides = array<i32>} : memref<208xi32, #tpu.memory_space<vmem>>, vector<16xi32>,
    %dma_start3A_295 = arith.constant 0 : i32
    %dma_start3A_296 = arith.constant 0 : i32
    %dma_start3A_297 = tpu.memref_slice %arg3[%dma_start3A_295, %dma_start3A_296] : memref<1000000x128xf32, #tpu.memory_space<hbm>> -> memref<1000000x128xf32, #tpu.memory_space<hbm>>
    tpu.enqueue_indirect_dma source(%dma_start3A_297 : memref<1000000x128xf32, #tpu.memory_space<hbm>>) target(%arg10 : memref<208x128xf32, #tpu.memory_space<vmem>>) offsets(%arg8 : memref<208xi32, #tpu.memory_space<vmem>>) semaphore(%arg14 : memref<!tpu.dma_semaphore, #tpu.memory_space<semaphore_mem>>)
    %scan3A = arith.constant 0 : i32
    %scan3A_298 = arith.constant 0 : i32
    %scan3A_299 = arith.constant 32 : i32
    %scan3A_300 = arith.addi %scan3A_298, %scan3A_299 : i32
    %scan3A_301 = arith.constant 1 : i32
    scf.for %scan3A_562 = %scan3A_298 to %scan3A_300 step %scan3A_301  : i32 {
      %mul3A_563 = arith.constant 2 : i32
      %mul3A_564 = arith.muli %scan3A_562, %mul3A_563 : i32
      %add3A_565 = arith.constant 0 : i32
      %add3A_566 = arith.addi %mul3A_564, %add3A_565 : i32
      %mul3A_567 = arith.constant 8 : i32
      %mul3A_568 = arith.muli %add3A_566, %mul3A_567 : i32
      %add3A_569 = arith.addi %mul3A_2, %mul3A_568 : i32
      %dma_wait3A_570 = arith.constant 0 : i32
      %dma_wait3A_571 = arith.constant 0 : i32
      %dma_wait3A_572 = tpu.memref_slice %arg3[%dma_wait3A_570, %dma_wait3A_571] : memref<1000000x128xf32, #tpu.memory_space<hbm>> -> memref<1000000x128xf32, #tpu.memory_space<hbm>>
      tpu.wait_indirect_dma semaphore(%arg13 : memref<!tpu.dma_semaphore, #tpu.memory_space<semaphore_mem>>) src(%dma_wait3A_572 : memref<1000000x128xf32, #tpu.memory_space<hbm>>) dst(%arg9 : memref<208x128xf32, #tpu.memory_space<vmem>>)
      %ge3A = arith.constant 2 : i32
      %ge3A_573 = arith.cmpi sge, %add3A_566, %ge3A : i32
      %convert_element_type3A = arith.extui %ge3A_573 : i1 to i32
      %cond3A = arith.constant 0 : i32
      %cond3A_574 = arith.cmpi ne, %convert_element_type3A, %cond3A : i32
      scf.if %cond3A_574 {
        %sub3A = arith.constant 16 : i32
        %sub3A_871 = arith.subi %add3A_569, %sub3A : i32
        %add3A_872 = arith.constant 0 : i32
        %add3A_873 = arith.addi %sub3A_871, %add3A_872 : i32
        %dma_wait3A_874 = arith.constant 0 : i32
        %dma_wait3A_875 = arith.constant 0 : i32
        %dma_wait3A_876 = tpu.memref_slice %arg11[%dma_wait3A_874, %dma_wait3A_875] : memref<208x64xf32, #tpu.memory_space<vmem>> -> memref<26x64xf32, #tpu.memory_space<vmem>>
        %dma_wait3A_877 = arith.constant 0 : i32
        %dma_wait3A_878 = arith.constant 0 : i32
        %dma_wait3A_879 = tpu.memref_slice %arg4[%add3A_873, %dma_wait3A_877, %dma_wait3A_878] : memref<16384x26x64xf32, #tpu.memory_space<hbm>> -> memref<1x26x64xf32, #tpu.memory_space<hbm>>
        %dma_wait3A_880 = tpu.memref_squeeze %dma_wait3A_879 : memref<1x26x64xf32, #tpu.memory_space<hbm>> -> memref<26x64xf32, #tpu.memory_space<hbm>>
        %dma_wait3A_881 = arith.constant 0 : i32
        %dma_wait3A_882 = arith.constant 0 : i32
        %dma_wait3A_883 = tpu.memref_slice %arg4[%add3A_873, %dma_wait3A_881, %dma_wait3A_882] : memref<16384x26x64xf32, #tpu.memory_space<hbm>> -> memref<1x26x64xf32, #tpu.memory_space<hbm>>
        %dma_wait3A_884 = tpu.memref_squeeze %dma_wait3A_883 : memref<1x26x64xf32, #tpu.memory_space<hbm>> -> memref<26x64xf32, #tpu.memory_space<hbm>>
        %dma_wait3A_885 = arith.constant 0 : i32
        %dma_wait3A_886 = arith.constant 0 : i32
        %dma_wait3A_887 = tpu.memref_slice %arg11[%dma_wait3A_885, %dma_wait3A_886] : memref<208x64xf32, #tpu.memory_space<vmem>> -> memref<26x64xf32, #tpu.memory_space<vmem>>
        tpu.wait_dma2 semaphore(%arg15 : memref<!tpu.dma_semaphore, #tpu.memory_space<semaphore_mem>>) src(%dma_wait3A_887 : memref<26x64xf32, #tpu.memory_space<vmem>>) dst(%dma_wait3A_884 : memref<26x64xf32, #tpu.memory_space<hbm>>)
        %add3A_888 = arith.constant 1 : i32
        %add3A_889 = arith.addi %sub3A_871, %add3A_888 : i32
        %dma_wait3A_890 = arith.constant 26 : i32
        %dma_wait3A_891 = arith.constant 0 : i32
        %dma_wait3A_892 = tpu.memref_slice %arg11[%dma_wait3A_890, %dma_wait3A_891] : memref<208x64xf32, #tpu.memory_space<vmem>> -> memref<26x64xf32, #tpu.memory_space<vmem>>
        %dma_wait3A_893 = arith.constant 0 : i32
        %dma_wait3A_894 = arith.constant 0 : i32
        %dma_wait3A_895 = tpu.memref_slice %arg4[%add3A_889, %dma_wait3A_893, %dma_wait3A_894] : memref<16384x26x64xf32, #tpu.memory_space<hbm>> -> memref<1x26x64xf32, #tpu.memory_space<hbm>>
        %dma_wait3A_896 = tpu.memref_squeeze %dma_wait3A_895 : memref<1x26x64xf32, #tpu.memory_space<hbm>> -> memref<26x64xf32, #tpu.memory_space<hbm>>
        %dma_wait3A_897 = arith.constant 0 : i32
        %dma_wait3A_898 = arith.constant 0 : i32
        %dma_wait3A_899 = tpu.memref_slice %arg4[%add3A_889, %dma_wait3A_897, %dma_wait3A_898] : memref<16384x26x64xf32, #tpu.memory_space<hbm>> -> memref<1x26x64xf32, #tpu.memory_space<hbm>>
        %dma_wait3A_900 = tpu.memref_squeeze %dma_wait3A_899 : memref<1x26x64xf32, #tpu.memory_space<hbm>> -> memref<26x64xf32, #tpu.memory_space<hbm>>
        %dma_wait3A_901 = arith.constant 26 : i32
        %dma_wait3A_902 = arith.constant 0 : i32
        %dma_wait3A_903 = tpu.memref_slice %arg11[%dma_wait3A_901, %dma_wait3A_902] : memref<208x64xf32, #tpu.memory_space<vmem>> -> memref<26x64xf32, #tpu.memory_space<vmem>>
        tpu.wait_dma2 semaphore(%arg15 : memref<!tpu.dma_semaphore, #tpu.memory_space<semaphore_mem>>) src(%dma_wait3A_903 : memref<26x64xf32, #tpu.memory_space<vmem>>) dst(%dma_wait3A_900 : memref<26x64xf32, #tpu.memory_space<hbm>>)
        %add3A_904 = arith.constant 2 : i32
        %add3A_905 = arith.addi %sub3A_871, %add3A_904 : i32
        %dma_wait3A_906 = arith.constant 52 : i32
        %dma_wait3A_907 = arith.constant 0 : i32
        %dma_wait3A_908 = tpu.memref_slice %arg11[%dma_wait3A_906, %dma_wait3A_907] : memref<208x64xf32, #tpu.memory_space<vmem>> -> memref<26x64xf32, #tpu.memory_space<vmem>>
        %dma_wait3A_909 = arith.constant 0 : i32
        %dma_wait3A_910 = arith.constant 0 : i32
        %dma_wait3A_911 = tpu.memref_slice %arg4[%add3A_905, %dma_wait3A_909, %dma_wait3A_910] : memref<16384x26x64xf32, #tpu.memory_space<hbm>> -> memref<1x26x64xf32, #tpu.memory_space<hbm>>
        %dma_wait3A_912 = tpu.memref_squeeze %dma_wait3A_911 : memref<1x26x64xf32, #tpu.memory_space<hbm>> -> memref<26x64xf32, #tpu.memory_space<hbm>>
        %dma_wait3A_913 = arith.constant 0 : i32
        %dma_wait3A_914 = arith.constant 0 : i32
        %dma_wait3A_915 = tpu.memref_slice %arg4[%add3A_905, %dma_wait3A_913, %dma_wait3A_914] : memref<16384x26x64xf32, #tpu.memory_space<hbm>> -> memref<1x26x64xf32, #tpu.memory_space<hbm>>
        %dma_wait3A_916 = tpu.memref_squeeze %dma_wait3A_915 : memref<1x26x64xf32, #tpu.memory_space<hbm>> -> memref<26x64xf32, #tpu.memory_space<hbm>>
        %dma_wait3A_917 = arith.constant 52 : i32
        %dma_wait3A_918 = arith.constant 0 : i32
        %dma_wait3A_919 = tpu.memref_slice %arg11[%dma_wait3A_917, %dma_wait3A_918] : memref<208x64xf32, #tpu.memory_space<vmem>> -> memref<26x64xf32, #tpu.memory_space<vmem>>
        tpu.wait_dma2 semaphore(%arg15 : memref<!tpu.dma_semaphore, #tpu.memory_space<semaphore_mem>>) src(%dma_wait3A_919 : memref<26x64xf32, #tpu.memory_space<vmem>>) dst(%dma_wait3A_916 : memref<26x64xf32, #tpu.memory_space<hbm>>)
        %add3A_920 = arith.constant 3 : i32
        %add3A_921 = arith.addi %sub3A_871, %add3A_920 : i32
        %dma_wait3A_922 = arith.constant 78 : i32
        %dma_wait3A_923 = arith.constant 0 : i32
        %dma_wait3A_924 = tpu.memref_slice %arg11[%dma_wait3A_922, %dma_wait3A_923] : memref<208x64xf32, #tpu.memory_space<vmem>> -> memref<26x64xf32, #tpu.memory_space<vmem>>
        %dma_wait3A_925 = arith.constant 0 : i32
        %dma_wait3A_926 = arith.constant 0 : i32
        %dma_wait3A_927 = tpu.memref_slice %arg4[%add3A_921, %dma_wait3A_925, %dma_wait3A_926] : memref<16384x26x64xf32, #tpu.memory_space<hbm>> -> memref<1x26x64xf32, #tpu.memory_space<hbm>>
        %dma_wait3A_928 = tpu.memref_squeeze %dma_wait3A_927 : memref<1x26x64xf32, #tpu.memory_space<hbm>> -> memref<26x64xf32, #tpu.memory_space<hbm>>
        %dma_wait3A_929 = arith.constant 0 : i32
        %dma_wait3A_930 = arith.constant 0 : i32
        %dma_wait3A_931 = tpu.memref_slice %arg4[%add3A_921, %dma_wait3A_929, %dma_wait3A_930] : memref<16384x26x64xf32, #tpu.memory_space<hbm>> -> memref<1x26x64xf32, #tpu.memory_space<hbm>>
        %dma_wait3A_932 = tpu.memref_squeeze %dma_wait3A_931 : memref<1x26x64xf32, #tpu.memory_space<hbm>> -> memref<26x64xf32, #tpu.memory_space<hbm>>
        %dma_wait3A_933 = arith.constant 78 : i32
        %dma_wait3A_934 = arith.constant 0 : i32
        %dma_wait3A_935 = tpu.memref_slice %arg11[%dma_wait3A_933, %dma_wait3A_934] : memref<208x64xf32, #tpu.memory_space<vmem>> -> memref<26x64xf32, #tpu.memory_space<vmem>>
        tpu.wait_dma2 semaphore(%arg15 : memref<!tpu.dma_semaphore, #tpu.memory_space<semaphore_mem>>) src(%dma_wait3A_935 : memref<26x64xf32, #tpu.memory_space<vmem>>) dst(%dma_wait3A_932 : memref<26x64xf32, #tpu.memory_space<hbm>>)
        %add3A_936 = arith.constant 4 : i32
        %add3A_937 = arith.addi %sub3A_871, %add3A_936 : i32
        %dma_wait3A_938 = arith.constant 104 : i32
        %dma_wait3A_939 = arith.constant 0 : i32
        %dma_wait3A_940 = tpu.memref_slice %arg11[%dma_wait3A_938, %dma_wait3A_939] : memref<208x64xf32, #tpu.memory_space<vmem>> -> memref<26x64xf32, #tpu.memory_space<vmem>>
        %dma_wait3A_941 = arith.constant 0 : i32
        %dma_wait3A_942 = arith.constant 0 : i32
        %dma_wait3A_943 = tpu.memref_slice %arg4[%add3A_937, %dma_wait3A_941, %dma_wait3A_942] : memref<16384x26x64xf32, #tpu.memory_space<hbm>> -> memref<1x26x64xf32, #tpu.memory_space<hbm>>
        %dma_wait3A_944 = tpu.memref_squeeze %dma_wait3A_943 : memref<1x26x64xf32, #tpu.memory_space<hbm>> -> memref<26x64xf32, #tpu.memory_space<hbm>>
        %dma_wait3A_945 = arith.constant 0 : i32
        %dma_wait3A_946 = arith.constant 0 : i32
        %dma_wait3A_947 = tpu.memref_slice %arg4[%add3A_937, %dma_wait3A_945, %dma_wait3A_946] : memref<16384x26x64xf32, #tpu.memory_space<hbm>> -> memref<1x26x64xf32, #tpu.memory_space<hbm>>
        %dma_wait3A_948 = tpu.memref_squeeze %dma_wait3A_947 : memref<1x26x64xf32, #tpu.memory_space<hbm>> -> memref<26x64xf32, #tpu.memory_space<hbm>>
        %dma_wait3A_949 = arith.constant 104 : i32
        %dma_wait3A_950 = arith.constant 0 : i32
        %dma_wait3A_951 = tpu.memref_slice %arg11[%dma_wait3A_949, %dma_wait3A_950] : memref<208x64xf32, #tpu.memory_space<vmem>> -> memref<26x64xf32, #tpu.memory_space<vmem>>
        tpu.wait_dma2 semaphore(%arg15 : memref<!tpu.dma_semaphore, #tpu.memory_space<semaphore_mem>>) src(%dma_wait3A_951 : memref<26x64xf32, #tpu.memory_space<vmem>>) dst(%dma_wait3A_948 : memref<26x64xf32, #tpu.memory_space<hbm>>)
        %add3A_952 = arith.constant 5 : i32
        %add3A_953 = arith.addi %sub3A_871, %add3A_952 : i32
        %dma_wait3A_954 = arith.constant 130 : i32
        %dma_wait3A_955 = arith.constant 0 : i32
        %dma_wait3A_956 = tpu.memref_slice %arg11[%dma_wait3A_954, %dma_wait3A_955] : memref<208x64xf32, #tpu.memory_space<vmem>> -> memref<26x64xf32, #tpu.memory_space<vmem>>
        %dma_wait3A_957 = arith.constant 0 : i32
        %dma_wait3A_958 = arith.constant 0 : i32
        %dma_wait3A_959 = tpu.memref_slice %arg4[%add3A_953, %dma_wait3A_957, %dma_wait3A_958] : memref<16384x26x64xf32, #tpu.memory_space<hbm>> -> memref<1x26x64xf32, #tpu.memory_space<hbm>>
        %dma_wait3A_960 = tpu.memref_squeeze %dma_wait3A_959 : memref<1x26x64xf32, #tpu.memory_space<hbm>> -> memref<26x64xf32, #tpu.memory_space<hbm>>
        %dma_wait3A_961 = arith.constant 0 : i32
        %dma_wait3A_962 = arith.constant 0 : i32
        %dma_wait3A_963 = tpu.memref_slice %arg4[%add3A_953, %dma_wait3A_961, %dma_wait3A_962] : memref<16384x26x64xf32, #tpu.memory_space<hbm>> -> memref<1x26x64xf32, #tpu.memory_space<hbm>>
        %dma_wait3A_964 = tpu.memref_squeeze %dma_wait3A_963 : memref<1x26x64xf32, #tpu.memory_space<hbm>> -> memref<26x64xf32, #tpu.memory_space<hbm>>
        %dma_wait3A_965 = arith.constant 130 : i32
        %dma_wait3A_966 = arith.constant 0 : i32
        %dma_wait3A_967 = tpu.memref_slice %arg11[%dma_wait3A_965, %dma_wait3A_966] : memref<208x64xf32, #tpu.memory_space<vmem>> -> memref<26x64xf32, #tpu.memory_space<vmem>>
        tpu.wait_dma2 semaphore(%arg15 : memref<!tpu.dma_semaphore, #tpu.memory_space<semaphore_mem>>) src(%dma_wait3A_967 : memref<26x64xf32, #tpu.memory_space<vmem>>) dst(%dma_wait3A_964 : memref<26x64xf32, #tpu.memory_space<hbm>>)
        %add3A_968 = arith.constant 6 : i32
        %add3A_969 = arith.addi %sub3A_871, %add3A_968 : i32
        %dma_wait3A_970 = arith.constant 156 : i32
        %dma_wait3A_971 = arith.constant 0 : i32
        %dma_wait3A_972 = tpu.memref_slice %arg11[%dma_wait3A_970, %dma_wait3A_971] : memref<208x64xf32, #tpu.memory_space<vmem>> -> memref<26x64xf32, #tpu.memory_space<vmem>>
        %dma_wait3A_973 = arith.constant 0 : i32
        %dma_wait3A_974 = arith.constant 0 : i32
        %dma_wait3A_975 = tpu.memref_slice %arg4[%add3A_969, %dma_wait3A_973, %dma_wait3A_974] : memref<16384x26x64xf32, #tpu.memory_space<hbm>> -> memref<1x26x64xf32, #tpu.memory_space<hbm>>
        %dma_wait3A_976 = tpu.memref_squeeze %dma_wait3A_975 : memref<1x26x64xf32, #tpu.memory_space<hbm>> -> memref<26x64xf32, #tpu.memory_space<hbm>>
        %dma_wait3A_977 = arith.constant 0 : i32
        %dma_wait3A_978 = arith.constant 0 : i32
        %dma_wait3A_979 = tpu.memref_slice %arg4[%add3A_969, %dma_wait3A_977, %dma_wait3A_978] : memref<16384x26x64xf32, #tpu.memory_space<hbm>> -> memref<1x26x64xf32, #tpu.memory_space<hbm>>
        %dma_wait3A_980 = tpu.memref_squeeze %dma_wait3A_979 : memref<1x26x64xf32, #tpu.memory_space<hbm>> -> memref<26x64xf32, #tpu.memory_space<hbm>>
        %dma_wait3A_981 = arith.constant 156 : i32
        %dma_wait3A_982 = arith.constant 0 : i32
        %dma_wait3A_983 = tpu.memref_slice %arg11[%dma_wait3A_981, %dma_wait3A_982] : memref<208x64xf32, #tpu.memory_space<vmem>> -> memref<26x64xf32, #tpu.memory_space<vmem>>
        tpu.wait_dma2 semaphore(%arg15 : memref<!tpu.dma_semaphore, #tpu.memory_space<semaphore_mem>>) src(%dma_wait3A_983 : memref<26x64xf32, #tpu.memory_space<vmem>>) dst(%dma_wait3A_980 : memref<26x64xf32, #tpu.memory_space<hbm>>)
        %add3A_984 = arith.constant 7 : i32
        %add3A_985 = arith.addi %sub3A_871, %add3A_984 : i32
        %dma_wait3A_986 = arith.constant 182 : i32
        %dma_wait3A_987 = arith.constant 0 : i32
        %dma_wait3A_988 = tpu.memref_slice %arg11[%dma_wait3A_986, %dma_wait3A_987] : memref<208x64xf32, #tpu.memory_space<vmem>> -> memref<26x64xf32, #tpu.memory_space<vmem>>
        %dma_wait3A_989 = arith.constant 0 : i32
        %dma_wait3A_990 = arith.constant 0 : i32
        %dma_wait3A_991 = tpu.memref_slice %arg4[%add3A_985, %dma_wait3A_989, %dma_wait3A_990] : memref<16384x26x64xf32, #tpu.memory_space<hbm>> -> memref<1x26x64xf32, #tpu.memory_space<hbm>>
        %dma_wait3A_992 = tpu.memref_squeeze %dma_wait3A_991 : memref<1x26x64xf32, #tpu.memory_space<hbm>> -> memref<26x64xf32, #tpu.memory_space<hbm>>
        %dma_wait3A_993 = arith.constant 0 : i32
        %dma_wait3A_994 = arith.constant 0 : i32
        %dma_wait3A_995 = tpu.memref_slice %arg4[%add3A_985, %dma_wait3A_993, %dma_wait3A_994] : memref<16384x26x64xf32, #tpu.memory_space<hbm>> -> memref<1x26x64xf32, #tpu.memory_space<hbm>>
        %dma_wait3A_996 = tpu.memref_squeeze %dma_wait3A_995 : memref<1x26x64xf32, #tpu.memory_space<hbm>> -> memref<26x64xf32, #tpu.memory_space<hbm>>
        %dma_wait3A_997 = arith.constant 182 : i32
        %dma_wait3A_998 = arith.constant 0 : i32
        %dma_wait3A_999 = tpu.memref_slice %arg11[%dma_wait3A_997, %dma_wait3A_998] : memref<208x64xf32, #tpu.memory_space<vmem>> -> memref<26x64xf32, #tpu.memory_space<vmem>>
        tpu.wait_dma2 semaphore(%arg15 : memref<!tpu.dma_semaphore, #tpu.memory_space<semaphore_mem>>) src(%dma_wait3A_999 : memref<26x64xf32, #tpu.memory_space<vmem>>) dst(%dma_wait3A_996 : memref<26x64xf32, #tpu.memory_space<hbm>>)
      } else {
      }
      %scan3A_575 = arith.constant 0 : i32
      %scan3A_576 = arith.constant 0 : i32
      %scan3A_577 = arith.constant 8 : i32
      %scan3A_578 = arith.addi %scan3A_576, %scan3A_577 : i32
      %scan3A_579 = arith.constant 1 : i32
      scf.for %scan3A_871 = %scan3A_576 to %scan3A_578 step %scan3A_579  : i32 {
        %mul3A_872 = arith.constant 26 : i32
        %mul3A_873 = arith.muli %scan3A_871, %mul3A_872 : i32
        %add3A_874 = arith.constant 0 : i32
        %add3A_875 = arith.addi %mul3A_873, %add3A_874 : i32
        %get3A_876 = arith.index_cast %add3A_875 : i32 to index
        %get3A_877 = arith.constant 0 : index
        %get3A_878 = tpu.vector_load %arg9[%get3A_876, %get3A_877] {strides = array<i32>} : memref<208x128xf32, #tpu.memory_space<vmem>>, vector<1x16xf32>,
        %get3A_879 = vector.shape_cast %get3A_878 : vector<1x16xf32> to vector<16xf32>
        %swap3A_880 = arith.index_cast %add3A_875 : i32 to index
        %swap3A_881 = arith.constant 0 : index
        %swap3A_882 = tpu.vector_load %arg11[%swap3A_880, %swap3A_881] {strides = array<i32>} : memref<208x64xf32, #tpu.memory_space<vmem>>, vector<1x16xf32>,
        %swap3A_883 = vector.shape_cast %swap3A_882 : vector<1x16xf32> to vector<16xf32>
        %swap3A_884 = vector.shape_cast %get3A_879 : vector<16xf32> to vector<1x16xf32>
        tpu.vector_store %arg11[%swap3A_880, %swap3A_881], %swap3A_884 {strides = array<i32>} : memref<208x64xf32, #tpu.memory_space<vmem>>, vector<1x16xf32>,
        %get3A_885 = arith.index_cast %add3A_875 : i32 to index
        %get3A_886 = arith.constant 16 : index
        %get3A_887 = tpu.vector_load %arg9[%get3A_885, %get3A_886] {strides = array<i32>} : memref<208x128xf32, #tpu.memory_space<vmem>>, vector<1x16xf32>,
        %get3A_888 = vector.shape_cast %get3A_887 : vector<1x16xf32> to vector<16xf32>
        %swap3A_889 = arith.index_cast %add3A_875 : i32 to index
        %swap3A_890 = arith.constant 16 : index
        %swap3A_891 = tpu.vector_load %arg11[%swap3A_889, %swap3A_890] {strides = array<i32>} : memref<208x64xf32, #tpu.memory_space<vmem>>, vector<1x16xf32>,
        %swap3A_892 = vector.shape_cast %swap3A_891 : vector<1x16xf32> to vector<16xf32>
        %swap3A_893 = vector.shape_cast %get3A_888 : vector<16xf32> to vector<1x16xf32>
        tpu.vector_store %arg11[%swap3A_889, %swap3A_890], %swap3A_893 {strides = array<i32>} : memref<208x64xf32, #tpu.memory_space<vmem>>, vector<1x16xf32>,
        %get3A_894 = arith.index_cast %add3A_875 : i32 to index
        %get3A_895 = arith.constant 32 : index
        %get3A_896 = tpu.vector_load %arg9[%get3A_894, %get3A_895] {strides = array<i32>} : memref<208x128xf32, #tpu.memory_space<vmem>>, vector<1x16xf32>,
        %get3A_897 = vector.shape_cast %get3A_896 : vector<1x16xf32> to vector<16xf32>
        %swap3A_898 = arith.index_cast %add3A_875 : i32 to index
        %swap3A_899 = arith.constant 32 : index
        %swap3A_900 = tpu.vector_load %arg11[%swap3A_898, %swap3A_899] {strides = array<i32>} : memref<208x64xf32, #tpu.memory_space<vmem>>, vector<1x16xf32>,
        %swap3A_901 = vector.shape_cast %swap3A_900 : vector<1x16xf32> to vector<16xf32>
        %swap3A_902 = vector.shape_cast %get3A_897 : vector<16xf32> to vector<1x16xf32>
        tpu.vector_store %arg11[%swap3A_898, %swap3A_899], %swap3A_902 {strides = array<i32>} : memref<208x64xf32, #tpu.memory_space<vmem>>, vector<1x16xf32>,
        %get3A_903 = arith.index_cast %add3A_875 : i32 to index
        %get3A_904 = arith.constant 48 : index
        %get3A_905 = tpu.vector_load %arg9[%get3A_903, %get3A_904] {strides = array<i32>} : memref<208x128xf32, #tpu.memory_space<vmem>>, vector<1x16xf32>,
        %get3A_906 = vector.shape_cast %get3A_905 : vector<1x16xf32> to vector<16xf32>
        %swap3A_907 = arith.index_cast %add3A_875 : i32 to index
        %swap3A_908 = arith.constant 48 : index
        %swap3A_909 = tpu.vector_load %arg11[%swap3A_907, %swap3A_908] {strides = array<i32>} : memref<208x64xf32, #tpu.memory_space<vmem>>, vector<1x16xf32>,
        %swap3A_910 = vector.shape_cast %swap3A_909 : vector<1x16xf32> to vector<16xf32>
        %swap3A_911 = vector.shape_cast %get3A_906 : vector<16xf32> to vector<1x16xf32>
        tpu.vector_store %arg11[%swap3A_907, %swap3A_908], %swap3A_911 {strides = array<i32>} : memref<208x64xf32, #tpu.memory_space<vmem>>, vector<1x16xf32>,
        %mul3A_912 = arith.constant 26 : i32
        %mul3A_913 = arith.muli %scan3A_871, %mul3A_912 : i32
        %add3A_914 = arith.constant 1 : i32
        %add3A_915 = arith.addi %mul3A_913, %add3A_914 : i32
        %get3A_916 = arith.index_cast %add3A_915 : i32 to index
        %get3A_917 = arith.constant 0 : index
        %get3A_918 = tpu.vector_load %arg9[%get3A_916, %get3A_917] {strides = array<i32>} : memref<208x128xf32, #tpu.memory_space<vmem>>, vector<1x16xf32>,
        %get3A_919 = vector.shape_cast %get3A_918 : vector<1x16xf32> to vector<16xf32>
        %swap3A_920 = arith.index_cast %add3A_915 : i32 to index
        %swap3A_921 = arith.constant 0 : index
        %swap3A_922 = tpu.vector_load %arg11[%swap3A_920, %swap3A_921] {strides = array<i32>} : memref<208x64xf32, #tpu.memory_space<vmem>>, vector<1x16xf32>,
        %swap3A_923 = vector.shape_cast %swap3A_922 : vector<1x16xf32> to vector<16xf32>
        %swap3A_924 = vector.shape_cast %get3A_919 : vector<16xf32> to vector<1x16xf32>
        tpu.vector_store %arg11[%swap3A_920, %swap3A_921], %swap3A_924 {strides = array<i32>} : memref<208x64xf32, #tpu.memory_space<vmem>>, vector<1x16xf32>,
        %get3A_925 = arith.index_cast %add3A_915 : i32 to index
        %get3A_926 = arith.constant 16 : index
        %get3A_927 = tpu.vector_load %arg9[%get3A_925, %get3A_926] {strides = array<i32>} : memref<208x128xf32, #tpu.memory_space<vmem>>, vector<1x16xf32>,
        %get3A_928 = vector.shape_cast %get3A_927 : vector<1x16xf32> to vector<16xf32>
        %swap3A_929 = arith.index_cast %add3A_915 : i32 to index
        %swap3A_930 = arith.constant 16 : index
        %swap3A_931 = tpu.vector_load %arg11[%swap3A_929, %swap3A_930] {strides = array<i32>} : memref<208x64xf32, #tpu.memory_space<vmem>>, vector<1x16xf32>,
        %swap3A_932 = vector.shape_cast %swap3A_931 : vector<1x16xf32> to vector<16xf32>
        %swap3A_933 = vector.shape_cast %get3A_928 : vector<16xf32> to vector<1x16xf32>
        tpu.vector_store %arg11[%swap3A_929, %swap3A_930], %swap3A_933 {strides = array<i32>} : memref<208x64xf32, #tpu.memory_space<vmem>>, vector<1x16xf32>,
        %get3A_934 = arith.index_cast %add3A_915 : i32 to index
        %get3A_935 = arith.constant 32 : index
        %get3A_936 = tpu.vector_load %arg9[%get3A_934, %get3A_935] {strides = array<i32>} : memref<208x128xf32, #tpu.memory_space<vmem>>, vector<1x16xf32>,
        %get3A_937 = vector.shape_cast %get3A_936 : vector<1x16xf32> to vector<16xf32>
        %swap3A_938 = arith.index_cast %add3A_915 : i32 to index
        %swap3A_939 = arith.constant 32 : index
        %swap3A_940 = tpu.vector_load %arg11[%swap3A_938, %swap3A_939] {strides = array<i32>} : memref<208x64xf32, #tpu.memory_space<vmem>>, vector<1x16xf32>,
        %swap3A_941 = vector.shape_cast %swap3A_940 : vector<1x16xf32> to vector<16xf32>
        %swap3A_942 = vector.shape_cast %get3A_937 : vector<16xf32> to vector<1x16xf32>
        tpu.vector_store %arg11[%swap3A_938, %swap3A_939], %swap3A_942 {strides = array<i32>} : memref<208x64xf32, #tpu.memory_space<vmem>>, vector<1x16xf32>,
        %get3A_943 = arith.index_cast %add3A_915 : i32 to index
        %get3A_944 = arith.constant 48 : index
        %get3A_945 = tpu.vector_load %arg9[%get3A_943, %get3A_944] {strides = array<i32>} : memref<208x128xf32, #tpu.memory_space<vmem>>, vector<1x16xf32>,
        %get3A_946 = vector.shape_cast %get3A_945 : vector<1x16xf32> to vector<16xf32>
        %swap3A_947 = arith.index_cast %add3A_915 : i32 to index
        %swap3A_948 = arith.constant 48 : index
        %swap3A_949 = tpu.vector_load %arg11[%swap3A_947, %swap3A_948] {strides = array<i32>} : memref<208x64xf32, #tpu.memory_space<vmem>>, vector<1x16xf32>,
        %swap3A_950 = vector.shape_cast %swap3A_949 : vector<1x16xf32> to vector<16xf32>
        %swap3A_951 = vector.shape_cast %get3A_946 : vector<16xf32> to vector<1x16xf32>
        tpu.vector_store %arg11[%swap3A_947, %swap3A_948], %swap3A_951 {strides = array<i32>} : memref<208x64xf32, #tpu.memory_space<vmem>>, vector<1x16xf32>,
        %mul3A_952 = arith.constant 26 : i32
        %mul3A_953 = arith.muli %scan3A_871, %mul3A_952 : i32
        %add3A_954 = arith.constant 2 : i32
        %add3A_955 = arith.addi %mul3A_953, %add3A_954 : i32
        %get3A_956 = arith.index_cast %add3A_955 : i32 to index
        %get3A_957 = arith.constant 0 : index
        %get3A_958 = tpu.vector_load %arg9[%get3A_956, %get3A_957] {strides = array<i32>} : memref<208x128xf32, #tpu.memory_space<vmem>>, vector<1x16xf32>,
        %get3A_959 = vector.shape_cast %get3A_958 : vector<1x16xf32> to vector<16xf32>
        %swap3A_960 = arith.index_cast %add3A_955 : i32 to index
        %swap3A_961 = arith.constant 0 : index
        %swap3A_962 = tpu.vector_load %arg11[%swap3A_960, %swap3A_961] {strides = array<i32>} : memref<208x64xf32, #tpu.memory_space<vmem>>, vector<1x16xf32>,
        %swap3A_963 = vector.shape_cast %swap3A_962 : vector<1x16xf32> to vector<16xf32>
        %swap3A_964 = vector.shape_cast %get3A_959 : vector<16xf32> to vector<1x16xf32>
        tpu.vector_store %arg11[%swap3A_960, %swap3A_961], %swap3A_964 {strides = array<i32>} : memref<208x64xf32, #tpu.memory_space<vmem>>, vector<1x16xf32>,
        %get3A_965 = arith.index_cast %add3A_955 : i32 to index
        %get3A_966 = arith.constant 16 : index
        %get3A_967 = tpu.vector_load %arg9[%get3A_965, %get3A_966] {strides = array<i32>} : memref<208x128xf32, #tpu.memory_space<vmem>>, vector<1x16xf32>,
        %get3A_968 = vector.shape_cast %get3A_967 : vector<1x16xf32> to vector<16xf32>
        %swap3A_969 = arith.index_cast %add3A_955 : i32 to index
        %swap3A_970 = arith.constant 16 : index
        %swap3A_971 = tpu.vector_load %arg11[%swap3A_969, %swap3A_970] {strides = array<i32>} : memref<208x64xf32, #tpu.memory_space<vmem>>, vector<1x16xf32>,
        %swap3A_972 = vector.shape_cast %swap3A_971 : vector<1x16xf32> to vector<16xf32>
        %swap3A_973 = vector.shape_cast %get3A_968 : vector<16xf32> to vector<1x16xf32>
        tpu.vector_store %arg11[%swap3A_969, %swap3A_970], %swap3A_973 {strides = array<i32>} : memref<208x64xf32, #tpu.memory_space<vmem>>, vector<1x16xf32>,
        %get3A_974 = arith.index_cast %add3A_955 : i32 to index
        %get3A_975 = arith.constant 32 : index
        %get3A_976 = tpu.vector_load %arg9[%get3A_974, %get3A_975] {strides = array<i32>} : memref<208x128xf32, #tpu.memory_space<vmem>>, vector<1x16xf32>,
        %get3A_977 = vector.shape_cast %get3A_976 : vector<1x16xf32> to vector<16xf32>
        %swap3A_978 = arith.index_cast %add3A_955 : i32 to index
        %swap3A_979 = arith.constant 32 : index
        %swap3A_980 = tpu.vector_load %arg11[%swap3A_978, %swap3A_979] {strides = array<i32>} : memref<208x64xf32, #tpu.memory_space<vmem>>, vector<1x16xf32>,
        %swap3A_981 = vector.shape_cast %swap3A_980 : vector<1x16xf32> to vector<16xf32>
        %swap3A_982 = vector.shape_cast %get3A_977 : vector<16xf32> to vector<1x16xf32>
        tpu.vector_store %arg11[%swap3A_978, %swap3A_979], %swap3A_982 {strides = array<i32>} : memref<208x64xf32, #tpu.memory_space<vmem>>, vector<1x16xf32>,
        %get3A_983 = arith.index_cast %add3A_955 : i32 to index
        %get3A_984 = arith.constant 48 : index
        %get3A_985 = tpu.vector_load %arg9[%get3A_983, %get3A_984] {strides = array<i32>} : memref<208x128xf32, #tpu.memory_space<vmem>>, vector<1x16xf32>,
        %get3A_986 = vector.shape_cast %get3A_985 : vector<1x16xf32> to vector<16xf32>
        %swap3A_987 = arith.index_cast %add3A_955 : i32 to index
        %swap3A_988 = arith.constant 48 : index
        %swap3A_989 = tpu.vector_load %arg11[%swap3A_987, %swap3A_988] {strides = array<i32>} : memref<208x64xf32, #tpu.memory_space<vmem>>, vector<1x16xf32>,
        %swap3A_990 = vector.shape_cast %swap3A_989 : vector<1x16xf32> to vector<16xf32>
        %swap3A_991 = vector.shape_cast %get3A_986 : vector<16xf32> to vector<1x16xf32>
        tpu.vector_store %arg11[%swap3A_987, %swap3A_988], %swap3A_991 {strides = array<i32>} : memref<208x64xf32, #tpu.memory_space<vmem>>, vector<1x16xf32>,
        %mul3A_992 = arith.constant 26 : i32
        %mul3A_993 = arith.muli %scan3A_871, %mul3A_992 : i32
        %add3A_994 = arith.constant 3 : i32
        %add3A_995 = arith.addi %mul3A_993, %add3A_994 : i32
        %get3A_996 = arith.index_cast %add3A_995 : i32 to index
        %get3A_997 = arith.constant 0 : index
        %get3A_998 = tpu.vector_load %arg9[%get3A_996, %get3A_997] {strides = array<i32>} : memref<208x128xf32, #tpu.memory_space<vmem>>, vector<1x16xf32>,
        %get3A_999 = vector.shape_cast %get3A_998 : vector<1x16xf32> to vector<16xf32>
        %swap3A_1000 = arith.index_cast %add3A_995 : i32 to index
        %swap3A_1001 = arith.constant 0 : index
        %swap3A_1002 = tpu.vector_load %arg11[%swap3A_1000, %swap3A_1001] {strides = array<i32>} : memref<208x64xf32, #tpu.memory_space<vmem>>, vector<1x16xf32>,
        %swap3A_1003 = vector.shape_cast %swap3A_1002 : vector<1x16xf32> to vector<16xf32>
        %swap3A_1004 = vector.shape_cast %get3A_999 : vector<16xf32> to vector<1x16xf32>
        tpu.vector_store %arg11[%swap3A_1000, %swap3A_1001], %swap3A_1004 {strides = array<i32>} : memref<208x64xf32, #tpu.memory_space<vmem>>, vector<1x16xf32>,
        %get3A_1005 = arith.index_cast %add3A_995 : i32 to index
        %get3A_1006 = arith.constant 16 : index
        %get3A_1007 = tpu.vector_load %arg9[%get3A_1005, %get3A_1006] {strides = array<i32>} : memref<208x128xf32, #tpu.memory_space<vmem>>, vector<1x16xf32>,
        %get3A_1008 = vector.shape_cast %get3A_1007 : vector<1x16xf32> to vector<16xf32>
        %swap3A_1009 = arith.index_cast %add3A_995 : i32 to index
        %swap3A_1010 = arith.constant 16 : index
        %swap3A_1011 = tpu.vector_load %arg11[%swap3A_1009, %swap3A_1010] {strides = array<i32>} : memref<208x64xf32, #tpu.memory_space<vmem>>, vector<1x16xf32>,
        %swap3A_1012 = vector.shape_cast %swap3A_1011 : vector<1x16xf32> to vector<16xf32>
        %swap3A_1013 = vector.shape_cast %get3A_1008 : vector<16xf32> to vector<1x16xf32>
        tpu.vector_store %arg11[%swap3A_1009, %swap3A_1010], %swap3A_1013 {strides = array<i32>} : memref<208x64xf32, #tpu.memory_space<vmem>>, vector<1x16xf32>,
        %get3A_1014 = arith.index_cast %add3A_995 : i32 to index
        %get3A_1015 = arith.constant 32 : index
        %get3A_1016 = tpu.vector_load %arg9[%get3A_1014, %get3A_1015] {strides = array<i32>} : memref<208x128xf32, #tpu.memory_space<vmem>>, vector<1x16xf32>,
        %get3A_1017 = vector.shape_cast %get3A_1016 : vector<1x16xf32> to vector<16xf32>
        %swap3A_1018 = arith.index_cast %add3A_995 : i32 to index
        %swap3A_1019 = arith.constant 32 : index
        %swap3A_1020 = tpu.vector_load %arg11[%swap3A_1018, %swap3A_1019] {strides = array<i32>} : memref<208x64xf32, #tpu.memory_space<vmem>>, vector<1x16xf32>,
        %swap3A_1021 = vector.shape_cast %swap3A_1020 : vector<1x16xf32> to vector<16xf32>
        %swap3A_1022 = vector.shape_cast %get3A_1017 : vector<16xf32> to vector<1x16xf32>
        tpu.vector_store %arg11[%swap3A_1018, %swap3A_1019], %swap3A_1022 {strides = array<i32>} : memref<208x64xf32, #tpu.memory_space<vmem>>, vector<1x16xf32>,
        %get3A_1023 = arith.index_cast %add3A_995 : i32 to index
        %get3A_1024 = arith.constant 48 : index
        %get3A_1025 = tpu.vector_load %arg9[%get3A_1023, %get3A_1024] {strides = array<i32>} : memref<208x128xf32, #tpu.memory_space<vmem>>, vector<1x16xf32>,
        %get3A_1026 = vector.shape_cast %get3A_1025 : vector<1x16xf32> to vector<16xf32>
        %swap3A_1027 = arith.index_cast %add3A_995 : i32 to index
        %swap3A_1028 = arith.constant 48 : index
        %swap3A_1029 = tpu.vector_load %arg11[%swap3A_1027, %swap3A_1028] {strides = array<i32>} : memref<208x64xf32, #tpu.memory_space<vmem>>, vector<1x16xf32>,
        %swap3A_1030 = vector.shape_cast %swap3A_1029 : vector<1x16xf32> to vector<16xf32>
        %swap3A_1031 = vector.shape_cast %get3A_1026 : vector<16xf32> to vector<1x16xf32>
        tpu.vector_store %arg11[%swap3A_1027, %swap3A_1028], %swap3A_1031 {strides = array<i32>} : memref<208x64xf32, #tpu.memory_space<vmem>>, vector<1x16xf32>,
        %mul3A_1032 = arith.constant 26 : i32
        %mul3A_1033 = arith.muli %scan3A_871, %mul3A_1032 : i32
        %add3A_1034 = arith.constant 4 : i32
        %add3A_1035 = arith.addi %mul3A_1033, %add3A_1034 : i32
        %get3A_1036 = arith.index_cast %add3A_1035 : i32 to index
        %get3A_1037 = arith.constant 0 : index
        %get3A_1038 = tpu.vector_load %arg9[%get3A_1036, %get3A_1037] {strides = array<i32>} : memref<208x128xf32, #tpu.memory_space<vmem>>, vector<1x16xf32>,
        %get3A_1039 = vector.shape_cast %get3A_1038 : vector<1x16xf32> to vector<16xf32>
        %swap3A_1040 = arith.index_cast %add3A_1035 : i32 to index
        %swap3A_1041 = arith.constant 0 : index
        %swap3A_1042 = tpu.vector_load %arg11[%swap3A_1040, %swap3A_1041] {strides = array<i32>} : memref<208x64xf32, #tpu.memory_space<vmem>>, vector<1x16xf32>,
        %swap3A_1043 = vector.shape_cast %swap3A_1042 : vector<1x16xf32> to vector<16xf32>
        %swap3A_1044 = vector.shape_cast %get3A_1039 : vector<16xf32> to vector<1x16xf32>
        tpu.vector_store %arg11[%swap3A_1040, %swap3A_1041], %swap3A_1044 {strides = array<i32>} : memref<208x64xf32, #tpu.memory_space<vmem>>, vector<1x16xf32>,
        %get3A_1045 = arith.index_cast %add3A_1035 : i32 to index
        %get3A_1046 = arith.constant 16 : index
        %get3A_1047 = tpu.vector_load %arg9[%get3A_1045, %get3A_1046] {strides = array<i32>} : memref<208x128xf32, #tpu.memory_space<vmem>>, vector<1x16xf32>,
        %get3A_1048 = vector.shape_cast %get3A_1047 : vector<1x16xf32> to vector<16xf32>
        %swap3A_1049 = arith.index_cast %add3A_1035 : i32 to index
        %swap3A_1050 = arith.constant 16 : index
        %swap3A_1051 = tpu.vector_load %arg11[%swap3A_1049, %swap3A_1050] {strides = array<i32>} : memref<208x64xf32, #tpu.memory_space<vmem>>, vector<1x16xf32>,
        %swap3A_1052 = vector.shape_cast %swap3A_1051 : vector<1x16xf32> to vector<16xf32>
        %swap3A_1053 = vector.shape_cast %get3A_1048 : vector<16xf32> to vector<1x16xf32>
        tpu.vector_store %arg11[%swap3A_1049, %swap3A_1050], %swap3A_1053 {strides = array<i32>} : memref<208x64xf32, #tpu.memory_space<vmem>>, vector<1x16xf32>,
        %get3A_1054 = arith.index_cast %add3A_1035 : i32 to index
        %get3A_1055 = arith.constant 32 : index
        %get3A_1056 = tpu.vector_load %arg9[%get3A_1054, %get3A_1055] {strides = array<i32>} : memref<208x128xf32, #tpu.memory_space<vmem>>, vector<1x16xf32>,
        %get3A_1057 = vector.shape_cast %get3A_1056 : vector<1x16xf32> to vector<16xf32>
        %swap3A_1058 = arith.index_cast %add3A_1035 : i32 to index
        %swap3A_1059 = arith.constant 32 : index
        %swap3A_1060 = tpu.vector_load %arg11[%swap3A_1058, %swap3A_1059] {strides = array<i32>} : memref<208x64xf32, #tpu.memory_space<vmem>>, vector<1x16xf32>,
        %swap3A_1061 = vector.shape_cast %swap3A_1060 : vector<1x16xf32> to vector<16xf32>
        %swap3A_1062 = vector.shape_cast %get3A_1057 : vector<16xf32> to vector<1x16xf32>
        tpu.vector_store %arg11[%swap3A_1058, %swap3A_1059], %swap3A_1062 {strides = array<i32>} : memref<208x64xf32, #tpu.memory_space<vmem>>, vector<1x16xf32>,
        %get3A_1063 = arith.index_cast %add3A_1035 : i32 to index
        %get3A_1064 = arith.constant 48 : index
        %get3A_1065 = tpu.vector_load %arg9[%get3A_1063, %get3A_1064] {strides = array<i32>} : memref<208x128xf32, #tpu.memory_space<vmem>>, vector<1x16xf32>,
        %get3A_1066 = vector.shape_cast %get3A_1065 : vector<1x16xf32> to vector<16xf32>
        %swap3A_1067 = arith.index_cast %add3A_1035 : i32 to index
        %swap3A_1068 = arith.constant 48 : index
        %swap3A_1069 = tpu.vector_load %arg11[%swap3A_1067, %swap3A_1068] {strides = array<i32>} : memref<208x64xf32, #tpu.memory_space<vmem>>, vector<1x16xf32>,
        %swap3A_1070 = vector.shape_cast %swap3A_1069 : vector<1x16xf32> to vector<16xf32>
        %swap3A_1071 = vector.shape_cast %get3A_1066 : vector<16xf32> to vector<1x16xf32>
        tpu.vector_store %arg11[%swap3A_1067, %swap3A_1068], %swap3A_1071 {strides = array<i32>} : memref<208x64xf32, #tpu.memory_space<vmem>>, vector<1x16xf32>,
        %mul3A_1072 = arith.constant 26 : i32
        %mul3A_1073 = arith.muli %scan3A_871, %mul3A_1072 : i32
        %add3A_1074 = arith.constant 5 : i32
        %add3A_1075 = arith.addi %mul3A_1073, %add3A_1074 : i32
        %get3A_1076 = arith.index_cast %add3A_1075 : i32 to index
        %get3A_1077 = arith.constant 0 : index
        %get3A_1078 = tpu.vector_load %arg9[%get3A_1076, %get3A_1077] {strides = array<i32>} : memref<208x128xf32, #tpu.memory_space<vmem>>, vector<1x16xf32>,
        %get3A_1079 = vector.shape_cast %get3A_1078 : vector<1x16xf32> to vector<16xf32>
        %swap3A_1080 = arith.index_cast %add3A_1075 : i32 to index
        %swap3A_1081 = arith.constant 0 : index
        %swap3A_1082 = tpu.vector_load %arg11[%swap3A_1080, %swap3A_1081] {strides = array<i32>} : memref<208x64xf32, #tpu.memory_space<vmem>>, vector<1x16xf32>,
        %swap3A_1083 = vector.shape_cast %swap3A_1082 : vector<1x16xf32> to vector<16xf32>
        %swap3A_1084 = vector.shape_cast %get3A_1079 : vector<16xf32> to vector<1x16xf32>
        tpu.vector_store %arg11[%swap3A_1080, %swap3A_1081], %swap3A_1084 {strides = array<i32>} : memref<208x64xf32, #tpu.memory_space<vmem>>, vector<1x16xf32>,
        %get3A_1085 = arith.index_cast %add3A_1075 : i32 to index
        %get3A_1086 = arith.constant 16 : index
        %get3A_1087 = tpu.vector_load %arg9[%get3A_1085, %get3A_1086] {strides = array<i32>} : memref<208x128xf32, #tpu.memory_space<vmem>>, vector<1x16xf32>,
        %get3A_1088 = vector.shape_cast %get3A_1087 : vector<1x16xf32> to vector<16xf32>
        %swap3A_1089 = arith.index_cast %add3A_1075 : i32 to index
        %swap3A_1090 = arith.constant 16 : index
        %swap3A_1091 = tpu.vector_load %arg11[%swap3A_1089, %swap3A_1090] {strides = array<i32>} : memref<208x64xf32, #tpu.memory_space<vmem>>, vector<1x16xf32>,
        %swap3A_1092 = vector.shape_cast %swap3A_1091 : vector<1x16xf32> to vector<16xf32>
        %swap3A_1093 = vector.shape_cast %get3A_1088 : vector<16xf32> to vector<1x16xf32>
        tpu.vector_store %arg11[%swap3A_1089, %swap3A_1090], %swap3A_1093 {strides = array<i32>} : memref<208x64xf32, #tpu.memory_space<vmem>>, vector<1x16xf32>,
        %get3A_1094 = arith.index_cast %add3A_1075 : i32 to index
        %get3A_1095 = arith.constant 32 : index
        %get3A_1096 = tpu.vector_load %arg9[%get3A_1094, %get3A_1095] {strides = array<i32>} : memref<208x128xf32, #tpu.memory_space<vmem>>, vector<1x16xf32>,
        %get3A_1097 = vector.shape_cast %get3A_1096 : vector<1x16xf32> to vector<16xf32>
        %swap3A_1098 = arith.index_cast %add3A_1075 : i32 to index
        %swap3A_1099 = arith.constant 32 : index
        %swap3A_1100 = tpu.vector_load %arg11[%swap3A_1098, %swap3A_1099] {strides = array<i32>} : memref<208x64xf32, #tpu.memory_space<vmem>>, vector<1x16xf32>,
        %swap3A_1101 = vector.shape_cast %swap3A_1100 : vector<1x16xf32> to vector<16xf32>
        %swap3A_1102 = vector.shape_cast %get3A_1097 : vector<16xf32> to vector<1x16xf32>
        tpu.vector_store %arg11[%swap3A_1098, %swap3A_1099], %swap3A_1102 {strides = array<i32>} : memref<208x64xf32, #tpu.memory_space<vmem>>, vector<1x16xf32>,
        %get3A_1103 = arith.index_cast %add3A_1075 : i32 to index
        %get3A_1104 = arith.constant 48 : index
        %get3A_1105 = tpu.vector_load %arg9[%get3A_1103, %get3A_1104] {strides = array<i32>} : memref<208x128xf32, #tpu.memory_space<vmem>>, vector<1x16xf32>,
        %get3A_1106 = vector.shape_cast %get3A_1105 : vector<1x16xf32> to vector<16xf32>
        %swap3A_1107 = arith.index_cast %add3A_1075 : i32 to index
        %swap3A_1108 = arith.constant 48 : index
        %swap3A_1109 = tpu.vector_load %arg11[%swap3A_1107, %swap3A_1108] {strides = array<i32>} : memref<208x64xf32, #tpu.memory_space<vmem>>, vector<1x16xf32>,
        %swap3A_1110 = vector.shape_cast %swap3A_1109 : vector<1x16xf32> to vector<16xf32>
        %swap3A_1111 = vector.shape_cast %get3A_1106 : vector<16xf32> to vector<1x16xf32>
        tpu.vector_store %arg11[%swap3A_1107, %swap3A_1108], %swap3A_1111 {strides = array<i32>} : memref<208x64xf32, #tpu.memory_space<vmem>>, vector<1x16xf32>,
        %mul3A_1112 = arith.constant 26 : i32
        %mul3A_1113 = arith.muli %scan3A_871, %mul3A_1112 : i32
        %add3A_1114 = arith.constant 6 : i32
        %add3A_1115 = arith.addi %mul3A_1113, %add3A_1114 : i32
        %get3A_1116 = arith.index_cast %add3A_1115 : i32 to index
        %get3A_1117 = arith.constant 0 : index
        %get3A_1118 = tpu.vector_load %arg9[%get3A_1116, %get3A_1117] {strides = array<i32>} : memref<208x128xf32, #tpu.memory_space<vmem>>, vector<1x16xf32>,
        %get3A_1119 = vector.shape_cast %get3A_1118 : vector<1x16xf32> to vector<16xf32>
        %swap3A_1120 = arith.index_cast %add3A_1115 : i32 to index
        %swap3A_1121 = arith.constant 0 : index
        %swap3A_1122 = tpu.vector_load %arg11[%swap3A_1120, %swap3A_1121] {strides = array<i32>} : memref<208x64xf32, #tpu.memory_space<vmem>>, vector<1x16xf32>,
        %swap3A_1123 = vector.shape_cast %swap3A_1122 : vector<1x16xf32> to vector<16xf32>
        %swap3A_1124 = vector.shape_cast %get3A_1119 : vector<16xf32> to vector<1x16xf32>
        tpu.vector_store %arg11[%swap3A_1120, %swap3A_1121], %swap3A_1124 {strides = array<i32>} : memref<208x64xf32, #tpu.memory_space<vmem>>, vector<1x16xf32>,
        %get3A_1125 = arith.index_cast %add3A_1115 : i32 to index
        %get3A_1126 = arith.constant 16 : index
        %get3A_1127 = tpu.vector_load %arg9[%get3A_1125, %get3A_1126] {strides = array<i32>} : memref<208x128xf32, #tpu.memory_space<vmem>>, vector<1x16xf32>,
        %get3A_1128 = vector.shape_cast %get3A_1127 : vector<1x16xf32> to vector<16xf32>
        %swap3A_1129 = arith.index_cast %add3A_1115 : i32 to index
        %swap3A_1130 = arith.constant 16 : index
        %swap3A_1131 = tpu.vector_load %arg11[%swap3A_1129, %swap3A_1130] {strides = array<i32>} : memref<208x64xf32, #tpu.memory_space<vmem>>, vector<1x16xf32>,
        %swap3A_1132 = vector.shape_cast %swap3A_1131 : vector<1x16xf32> to vector<16xf32>
        %swap3A_1133 = vector.shape_cast %get3A_1128 : vector<16xf32> to vector<1x16xf32>
        tpu.vector_store %arg11[%swap3A_1129, %swap3A_1130], %swap3A_1133 {strides = array<i32>} : memref<208x64xf32, #tpu.memory_space<vmem>>, vector<1x16xf32>,
        %get3A_1134 = arith.index_cast %add3A_1115 : i32 to index
        %get3A_1135 = arith.constant 32 : index
        %get3A_1136 = tpu.vector_load %arg9[%get3A_1134, %get3A_1135] {strides = array<i32>} : memref<208x128xf32, #tpu.memory_space<vmem>>, vector<1x16xf32>,
        %get3A_1137 = vector.shape_cast %get3A_1136 : vector<1x16xf32> to vector<16xf32>
        %swap3A_1138 = arith.index_cast %add3A_1115 : i32 to index
        %swap3A_1139 = arith.constant 32 : index
        %swap3A_1140 = tpu.vector_load %arg11[%swap3A_1138, %swap3A_1139] {strides = array<i32>} : memref<208x64xf32, #tpu.memory_space<vmem>>, vector<1x16xf32>,
        %swap3A_1141 = vector.shape_cast %swap3A_1140 : vector<1x16xf32> to vector<16xf32>
        %swap3A_1142 = vector.shape_cast %get3A_1137 : vector<16xf32> to vector<1x16xf32>
        tpu.vector_store %arg11[%swap3A_1138, %swap3A_1139], %swap3A_1142 {strides = array<i32>} : memref<208x64xf32, #tpu.memory_space<vmem>>, vector<1x16xf32>,
        %get3A_1143 = arith.index_cast %add3A_1115 : i32 to index
        %get3A_1144 = arith.constant 48 : index
        %get3A_1145 = tpu.vector_load %arg9[%get3A_1143, %get3A_1144] {strides = array<i32>} : memref<208x128xf32, #tpu.memory_space<vmem>>, vector<1x16xf32>,
        %get3A_1146 = vector.shape_cast %get3A_1145 : vector<1x16xf32> to vector<16xf32>
        %swap3A_1147 = arith.index_cast %add3A_1115 : i32 to index
        %swap3A_1148 = arith.constant 48 : index
        %swap3A_1149 = tpu.vector_load %arg11[%swap3A_1147, %swap3A_1148] {strides = array<i32>} : memref<208x64xf32, #tpu.memory_space<vmem>>, vector<1x16xf32>,
        %swap3A_1150 = vector.shape_cast %swap3A_1149 : vector<1x16xf32> to vector<16xf32>
        %swap3A_1151 = vector.shape_cast %get3A_1146 : vector<16xf32> to vector<1x16xf32>
        tpu.vector_store %arg11[%swap3A_1147, %swap3A_1148], %swap3A_1151 {strides = array<i32>} : memref<208x64xf32, #tpu.memory_space<vmem>>, vector<1x16xf32>,
        %mul3A_1152 = arith.constant 26 : i32
        %mul3A_1153 = arith.muli %scan3A_871, %mul3A_1152 : i32
        %add3A_1154 = arith.constant 7 : i32
        %add3A_1155 = arith.addi %mul3A_1153, %add3A_1154 : i32
        %get3A_1156 = arith.index_cast %add3A_1155 : i32 to index
        %get3A_1157 = arith.constant 0 : index
        %get3A_1158 = tpu.vector_load %arg9[%get3A_1156, %get3A_1157] {strides = array<i32>} : memref<208x128xf32, #tpu.memory_space<vmem>>, vector<1x16xf32>,
        %get3A_1159 = vector.shape_cast %get3A_1158 : vector<1x16xf32> to vector<16xf32>
        %swap3A_1160 = arith.index_cast %add3A_1155 : i32 to index
        %swap3A_1161 = arith.constant 0 : index
        %swap3A_1162 = tpu.vector_load %arg11[%swap3A_1160, %swap3A_1161] {strides = array<i32>} : memref<208x64xf32, #tpu.memory_space<vmem>>, vector<1x16xf32>,
        %swap3A_1163 = vector.shape_cast %swap3A_1162 : vector<1x16xf32> to vector<16xf32>
        %swap3A_1164 = vector.shape_cast %get3A_1159 : vector<16xf32> to vector<1x16xf32>
        tpu.vector_store %arg11[%swap3A_1160, %swap3A_1161], %swap3A_1164 {strides = array<i32>} : memref<208x64xf32, #tpu.memory_space<vmem>>, vector<1x16xf32>,
        %get3A_1165 = arith.index_cast %add3A_1155 : i32 to index
        %get3A_1166 = arith.constant 16 : index
        %get3A_1167 = tpu.vector_load %arg9[%get3A_1165, %get3A_1166] {strides = array<i32>} : memref<208x128xf32, #tpu.memory_space<vmem>>, vector<1x16xf32>,
        %get3A_1168 = vector.shape_cast %get3A_1167 : vector<1x16xf32> to vector<16xf32>
        %swap3A_1169 = arith.index_cast %add3A_1155 : i32 to index
        %swap3A_1170 = arith.constant 16 : index
        %swap3A_1171 = tpu.vector_load %arg11[%swap3A_1169, %swap3A_1170] {strides = array<i32>} : memref<208x64xf32, #tpu.memory_space<vmem>>, vector<1x16xf32>,
        %swap3A_1172 = vector.shape_cast %swap3A_1171 : vector<1x16xf32> to vector<16xf32>
        %swap3A_1173 = vector.shape_cast %get3A_1168 : vector<16xf32> to vector<1x16xf32>
        tpu.vector_store %arg11[%swap3A_1169, %swap3A_1170], %swap3A_1173 {strides = array<i32>} : memref<208x64xf32, #tpu.memory_space<vmem>>, vector<1x16xf32>,
        %get3A_1174 = arith.index_cast %add3A_1155 : i32 to index
        %get3A_1175 = arith.constant 32 : index
        %get3A_1176 = tpu.vector_load %arg9[%get3A_1174, %get3A_1175] {strides = array<i32>} : memref<208x128xf32, #tpu.memory_space<vmem>>, vector<1x16xf32>,
        %get3A_1177 = vector.shape_cast %get3A_1176 : vector<1x16xf32> to vector<16xf32>
        %swap3A_1178 = arith.index_cast %add3A_1155 : i32 to index
        %swap3A_1179 = arith.constant 32 : index
        %swap3A_1180 = tpu.vector_load %arg11[%swap3A_1178, %swap3A_1179] {strides = array<i32>} : memref<208x64xf32, #tpu.memory_space<vmem>>, vector<1x16xf32>,
        %swap3A_1181 = vector.shape_cast %swap3A_1180 : vector<1x16xf32> to vector<16xf32>
        %swap3A_1182 = vector.shape_cast %get3A_1177 : vector<16xf32> to vector<1x16xf32>
        tpu.vector_store %arg11[%swap3A_1178, %swap3A_1179], %swap3A_1182 {strides = array<i32>} : memref<208x64xf32, #tpu.memory_space<vmem>>, vector<1x16xf32>,
        %get3A_1183 = arith.index_cast %add3A_1155 : i32 to index
        %get3A_1184 = arith.constant 48 : index
        %get3A_1185 = tpu.vector_load %arg9[%get3A_1183, %get3A_1184] {strides = array<i32>} : memref<208x128xf32, #tpu.memory_space<vmem>>, vector<1x16xf32>,
        %get3A_1186 = vector.shape_cast %get3A_1185 : vector<1x16xf32> to vector<16xf32>
        %swap3A_1187 = arith.index_cast %add3A_1155 : i32 to index
        %swap3A_1188 = arith.constant 48 : index
        %swap3A_1189 = tpu.vector_load %arg11[%swap3A_1187, %swap3A_1188] {strides = array<i32>} : memref<208x64xf32, #tpu.memory_space<vmem>>, vector<1x16xf32>,
        %swap3A_1190 = vector.shape_cast %swap3A_1189 : vector<1x16xf32> to vector<16xf32>
        %swap3A_1191 = vector.shape_cast %get3A_1186 : vector<16xf32> to vector<1x16xf32>
        tpu.vector_store %arg11[%swap3A_1187, %swap3A_1188], %swap3A_1191 {strides = array<i32>} : memref<208x64xf32, #tpu.memory_space<vmem>>, vector<1x16xf32>,
        %mul3A_1192 = arith.constant 26 : i32
        %mul3A_1193 = arith.muli %scan3A_871, %mul3A_1192 : i32
        %add3A_1194 = arith.constant 8 : i32
        %add3A_1195 = arith.addi %mul3A_1193, %add3A_1194 : i32
        %get3A_1196 = arith.index_cast %add3A_1195 : i32 to index
        %get3A_1197 = arith.constant 0 : index
        %get3A_1198 = tpu.vector_load %arg9[%get3A_1196, %get3A_1197] {strides = array<i32>} : memref<208x128xf32, #tpu.memory_space<vmem>>, vector<1x16xf32>,
        %get3A_1199 = vector.shape_cast %get3A_1198 : vector<1x16xf32> to vector<16xf32>
        %swap3A_1200 = arith.index_cast %add3A_1195 : i32 to index
        %swap3A_1201 = arith.constant 0 : index
        %swap3A_1202 = tpu.vector_load %arg11[%swap3A_1200, %swap3A_1201] {strides = array<i32>} : memref<208x64xf32, #tpu.memory_space<vmem>>, vector<1x16xf32>,
        %swap3A_1203 = vector.shape_cast %swap3A_1202 : vector<1x16xf32> to vector<16xf32>
        %swap3A_1204 = vector.shape_cast %get3A_1199 : vector<16xf32> to vector<1x16xf32>
        tpu.vector_store %arg11[%swap3A_1200, %swap3A_1201], %swap3A_1204 {strides = array<i32>} : memref<208x64xf32, #tpu.memory_space<vmem>>, vector<1x16xf32>,
        %get3A_1205 = arith.index_cast %add3A_1195 : i32 to index
        %get3A_1206 = arith.constant 16 : index
        %get3A_1207 = tpu.vector_load %arg9[%get3A_1205, %get3A_1206] {strides = array<i32>} : memref<208x128xf32, #tpu.memory_space<vmem>>, vector<1x16xf32>,
        %get3A_1208 = vector.shape_cast %get3A_1207 : vector<1x16xf32> to vector<16xf32>
        %swap3A_1209 = arith.index_cast %add3A_1195 : i32 to index
        %swap3A_1210 = arith.constant 16 : index
        %swap3A_1211 = tpu.vector_load %arg11[%swap3A_1209, %swap3A_1210] {strides = array<i32>} : memref<208x64xf32, #tpu.memory_space<vmem>>, vector<1x16xf32>,
        %swap3A_1212 = vector.shape_cast %swap3A_1211 : vector<1x16xf32> to vector<16xf32>
        %swap3A_1213 = vector.shape_cast %get3A_1208 : vector<16xf32> to vector<1x16xf32>
        tpu.vector_store %arg11[%swap3A_1209, %swap3A_1210], %swap3A_1213 {strides = array<i32>} : memref<208x64xf32, #tpu.memory_space<vmem>>, vector<1x16xf32>,
        %get3A_1214 = arith.index_cast %add3A_1195 : i32 to index
        %get3A_1215 = arith.constant 32 : index
        %get3A_1216 = tpu.vector_load %arg9[%get3A_1214, %get3A_1215] {strides = array<i32>} : memref<208x128xf32, #tpu.memory_space<vmem>>, vector<1x16xf32>,
        %get3A_1217 = vector.shape_cast %get3A_1216 : vector<1x16xf32> to vector<16xf32>
        %swap3A_1218 = arith.index_cast %add3A_1195 : i32 to index
        %swap3A_1219 = arith.constant 32 : index
        %swap3A_1220 = tpu.vector_load %arg11[%swap3A_1218, %swap3A_1219] {strides = array<i32>} : memref<208x64xf32, #tpu.memory_space<vmem>>, vector<1x16xf32>,
        %swap3A_1221 = vector.shape_cast %swap3A_1220 : vector<1x16xf32> to vector<16xf32>
        %swap3A_1222 = vector.shape_cast %get3A_1217 : vector<16xf32> to vector<1x16xf32>
        tpu.vector_store %arg11[%swap3A_1218, %swap3A_1219], %swap3A_1222 {strides = array<i32>} : memref<208x64xf32, #tpu.memory_space<vmem>>, vector<1x16xf32>,
        %get3A_1223 = arith.index_cast %add3A_1195 : i32 to index
        %get3A_1224 = arith.constant 48 : index
        %get3A_1225 = tpu.vector_load %arg9[%get3A_1223, %get3A_1224] {strides = array<i32>} : memref<208x128xf32, #tpu.memory_space<vmem>>, vector<1x16xf32>,
        %get3A_1226 = vector.shape_cast %get3A_1225 : vector<1x16xf32> to vector<16xf32>
        %swap3A_1227 = arith.index_cast %add3A_1195 : i32 to index
        %swap3A_1228 = arith.constant 48 : index
        %swap3A_1229 = tpu.vector_load %arg11[%swap3A_1227, %swap3A_1228] {strides = array<i32>} : memref<208x64xf32, #tpu.memory_space<vmem>>, vector<1x16xf32>,
        %swap3A_1230 = vector.shape_cast %swap3A_1229 : vector<1x16xf32> to vector<16xf32>
        %swap3A_1231 = vector.shape_cast %get3A_1226 : vector<16xf32> to vector<1x16xf32>
        tpu.vector_store %arg11[%swap3A_1227, %swap3A_1228], %swap3A_1231 {strides = array<i32>} : memref<208x64xf32, #tpu.memory_space<vmem>>, vector<1x16xf32>,
        %mul3A_1232 = arith.constant 26 : i32
        %mul3A_1233 = arith.muli %scan3A_871, %mul3A_1232 : i32
        %add3A_1234 = arith.constant 9 : i32
        %add3A_1235 = arith.addi %mul3A_1233, %add3A_1234 : i32
        %get3A_1236 = arith.index_cast %add3A_1235 : i32 to index
        %get3A_1237 = arith.constant 0 : index
        %get3A_1238 = tpu.vector_load %arg9[%get3A_1236, %get3A_1237] {strides = array<i32>} : memref<208x128xf32, #tpu.memory_space<vmem>>, vector<1x16xf32>,
        %get3A_1239 = vector.shape_cast %get3A_1238 : vector<1x16xf32> to vector<16xf32>
        %swap3A_1240 = arith.index_cast %add3A_1235 : i32 to index
        %swap3A_1241 = arith.constant 0 : index
        %swap3A_1242 = tpu.vector_load %arg11[%swap3A_1240, %swap3A_1241] {strides = array<i32>} : memref<208x64xf32, #tpu.memory_space<vmem>>, vector<1x16xf32>,
        %swap3A_1243 = vector.shape_cast %swap3A_1242 : vector<1x16xf32> to vector<16xf32>
        %swap3A_1244 = vector.shape_cast %get3A_1239 : vector<16xf32> to vector<1x16xf32>
        tpu.vector_store %arg11[%swap3A_1240, %swap3A_1241], %swap3A_1244 {strides = array<i32>} : memref<208x64xf32, #tpu.memory_space<vmem>>, vector<1x16xf32>,
        %get3A_1245 = arith.index_cast %add3A_1235 : i32 to index
        %get3A_1246 = arith.constant 16 : index
        %get3A_1247 = tpu.vector_load %arg9[%get3A_1245, %get3A_1246] {strides = array<i32>} : memref<208x128xf32, #tpu.memory_space<vmem>>, vector<1x16xf32>,
        %get3A_1248 = vector.shape_cast %get3A_1247 : vector<1x16xf32> to vector<16xf32>
        %swap3A_1249 = arith.index_cast %add3A_1235 : i32 to index
        %swap3A_1250 = arith.constant 16 : index
        %swap3A_1251 = tpu.vector_load %arg11[%swap3A_1249, %swap3A_1250] {strides = array<i32>} : memref<208x64xf32, #tpu.memory_space<vmem>>, vector<1x16xf32>,
        %swap3A_1252 = vector.shape_cast %swap3A_1251 : vector<1x16xf32> to vector<16xf32>
        %swap3A_1253 = vector.shape_cast %get3A_1248 : vector<16xf32> to vector<1x16xf32>
        tpu.vector_store %arg11[%swap3A_1249, %swap3A_1250], %swap3A_1253 {strides = array<i32>} : memref<208x64xf32, #tpu.memory_space<vmem>>, vector<1x16xf32>,
        %get3A_1254 = arith.index_cast %add3A_1235 : i32 to index
        %get3A_1255 = arith.constant 32 : index
        %get3A_1256 = tpu.vector_load %arg9[%get3A_1254, %get3A_1255] {strides = array<i32>} : memref<208x128xf32, #tpu.memory_space<vmem>>, vector<1x16xf32>,
        %get3A_1257 = vector.shape_cast %get3A_1256 : vector<1x16xf32> to vector<16xf32>
        %swap3A_1258 = arith.index_cast %add3A_1235 : i32 to index
        %swap3A_1259 = arith.constant 32 : index
        %swap3A_1260 = tpu.vector_load %arg11[%swap3A_1258, %swap3A_1259] {strides = array<i32>} : memref<208x64xf32, #tpu.memory_space<vmem>>, vector<1x16xf32>,
        %swap3A_1261 = vector.shape_cast %swap3A_1260 : vector<1x16xf32> to vector<16xf32>
        %swap3A_1262 = vector.shape_cast %get3A_1257 : vector<16xf32> to vector<1x16xf32>
        tpu.vector_store %arg11[%swap3A_1258, %swap3A_1259], %swap3A_1262 {strides = array<i32>} : memref<208x64xf32, #tpu.memory_space<vmem>>, vector<1x16xf32>,
        %get3A_1263 = arith.index_cast %add3A_1235 : i32 to index
        %get3A_1264 = arith.constant 48 : index
        %get3A_1265 = tpu.vector_load %arg9[%get3A_1263, %get3A_1264] {strides = array<i32>} : memref<208x128xf32, #tpu.memory_space<vmem>>, vector<1x16xf32>,
        %get3A_1266 = vector.shape_cast %get3A_1265 : vector<1x16xf32> to vector<16xf32>
        %swap3A_1267 = arith.index_cast %add3A_1235 : i32 to index
        %swap3A_1268 = arith.constant 48 : index
        %swap3A_1269 = tpu.vector_load %arg11[%swap3A_1267, %swap3A_1268] {strides = array<i32>} : memref<208x64xf32, #tpu.memory_space<vmem>>, vector<1x16xf32>,
        %swap3A_1270 = vector.shape_cast %swap3A_1269 : vector<1x16xf32> to vector<16xf32>
        %swap3A_1271 = vector.shape_cast %get3A_1266 : vector<16xf32> to vector<1x16xf32>
        tpu.vector_store %arg11[%swap3A_1267, %swap3A_1268], %swap3A_1271 {strides = array<i32>} : memref<208x64xf32, #tpu.memory_space<vmem>>, vector<1x16xf32>,
        %mul3A_1272 = arith.constant 26 : i32
        %mul3A_1273 = arith.muli %scan3A_871, %mul3A_1272 : i32
        %add3A_1274 = arith.constant 10 : i32
        %add3A_1275 = arith.addi %mul3A_1273, %add3A_1274 : i32
        %get3A_1276 = arith.index_cast %add3A_1275 : i32 to index
        %get3A_1277 = arith.constant 0 : index
        %get3A_1278 = tpu.vector_load %arg9[%get3A_1276, %get3A_1277] {strides = array<i32>} : memref<208x128xf32, #tpu.memory_space<vmem>>, vector<1x16xf32>,
        %get3A_1279 = vector.shape_cast %get3A_1278 : vector<1x16xf32> to vector<16xf32>
        %swap3A_1280 = arith.index_cast %add3A_1275 : i32 to index
        %swap3A_1281 = arith.constant 0 : index
        %swap3A_1282 = tpu.vector_load %arg11[%swap3A_1280, %swap3A_1281] {strides = array<i32>} : memref<208x64xf32, #tpu.memory_space<vmem>>, vector<1x16xf32>,
        %swap3A_1283 = vector.shape_cast %swap3A_1282 : vector<1x16xf32> to vector<16xf32>
        %swap3A_1284 = vector.shape_cast %get3A_1279 : vector<16xf32> to vector<1x16xf32>
        tpu.vector_store %arg11[%swap3A_1280, %swap3A_1281], %swap3A_1284 {strides = array<i32>} : memref<208x64xf32, #tpu.memory_space<vmem>>, vector<1x16xf32>,
        %get3A_1285 = arith.index_cast %add3A_1275 : i32 to index
        %get3A_1286 = arith.constant 16 : index
        %get3A_1287 = tpu.vector_load %arg9[%get3A_1285, %get3A_1286] {strides = array<i32>} : memref<208x128xf32, #tpu.memory_space<vmem>>, vector<1x16xf32>,
        %get3A_1288 = vector.shape_cast %get3A_1287 : vector<1x16xf32> to vector<16xf32>
        %swap3A_1289 = arith.index_cast %add3A_1275 : i32 to index
        %swap3A_1290 = arith.constant 16 : index
        %swap3A_1291 = tpu.vector_load %arg11[%swap3A_1289, %swap3A_1290] {strides = array<i32>} : memref<208x64xf32, #tpu.memory_space<vmem>>, vector<1x16xf32>,
        %swap3A_1292 = vector.shape_cast %swap3A_1291 : vector<1x16xf32> to vector<16xf32>
        %swap3A_1293 = vector.shape_cast %get3A_1288 : vector<16xf32> to vector<1x16xf32>
        tpu.vector_store %arg11[%swap3A_1289, %swap3A_1290], %swap3A_1293 {strides = array<i32>} : memref<208x64xf32, #tpu.memory_space<vmem>>, vector<1x16xf32>,
        %get3A_1294 = arith.index_cast %add3A_1275 : i32 to index
        %get3A_1295 = arith.constant 32 : index
        %get3A_1296 = tpu.vector_load %arg9[%get3A_1294, %get3A_1295] {strides = array<i32>} : memref<208x128xf32, #tpu.memory_space<vmem>>, vector<1x16xf32>,
        %get3A_1297 = vector.shape_cast %get3A_1296 : vector<1x16xf32> to vector<16xf32>
        %swap3A_1298 = arith.index_cast %add3A_1275 : i32 to index
        %swap3A_1299 = arith.constant 32 : index
        %swap3A_1300 = tpu.vector_load %arg11[%swap3A_1298, %swap3A_1299] {strides = array<i32>} : memref<208x64xf32, #tpu.memory_space<vmem>>, vector<1x16xf32>,
        %swap3A_1301 = vector.shape_cast %swap3A_1300 : vector<1x16xf32> to vector<16xf32>
        %swap3A_1302 = vector.shape_cast %get3A_1297 : vector<16xf32> to vector<1x16xf32>
        tpu.vector_store %arg11[%swap3A_1298, %swap3A_1299], %swap3A_1302 {strides = array<i32>} : memref<208x64xf32, #tpu.memory_space<vmem>>, vector<1x16xf32>,
        %get3A_1303 = arith.index_cast %add3A_1275 : i32 to index
        %get3A_1304 = arith.constant 48 : index
        %get3A_1305 = tpu.vector_load %arg9[%get3A_1303, %get3A_1304] {strides = array<i32>} : memref<208x128xf32, #tpu.memory_space<vmem>>, vector<1x16xf32>,
        %get3A_1306 = vector.shape_cast %get3A_1305 : vector<1x16xf32> to vector<16xf32>
        %swap3A_1307 = arith.index_cast %add3A_1275 : i32 to index
        %swap3A_1308 = arith.constant 48 : index
        %swap3A_1309 = tpu.vector_load %arg11[%swap3A_1307, %swap3A_1308] {strides = array<i32>} : memref<208x64xf32, #tpu.memory_space<vmem>>, vector<1x16xf32>,
        %swap3A_1310 = vector.shape_cast %swap3A_1309 : vector<1x16xf32> to vector<16xf32>
        %swap3A_1311 = vector.shape_cast %get3A_1306 : vector<16xf32> to vector<1x16xf32>
        tpu.vector_store %arg11[%swap3A_1307, %swap3A_1308], %swap3A_1311 {strides = array<i32>} : memref<208x64xf32, #tpu.memory_space<vmem>>, vector<1x16xf32>,
        %mul3A_1312 = arith.constant 26 : i32
        %mul3A_1313 = arith.muli %scan3A_871, %mul3A_1312 : i32
        %add3A_1314 = arith.constant 11 : i32
        %add3A_1315 = arith.addi %mul3A_1313, %add3A_1314 : i32
        %get3A_1316 = arith.index_cast %add3A_1315 : i32 to index
        %get3A_1317 = arith.constant 0 : index
        %get3A_1318 = tpu.vector_load %arg9[%get3A_1316, %get3A_1317] {strides = array<i32>} : memref<208x128xf32, #tpu.memory_space<vmem>>, vector<1x16xf32>,
        %get3A_1319 = vector.shape_cast %get3A_1318 : vector<1x16xf32> to vector<16xf32>
        %swap3A_1320 = arith.index_cast %add3A_1315 : i32 to index
        %swap3A_1321 = arith.constant 0 : index
        %swap3A_1322 = tpu.vector_load %arg11[%swap3A_1320, %swap3A_1321] {strides = array<i32>} : memref<208x64xf32, #tpu.memory_space<vmem>>, vector<1x16xf32>,
        %swap3A_1323 = vector.shape_cast %swap3A_1322 : vector<1x16xf32> to vector<16xf32>
        %swap3A_1324 = vector.shape_cast %get3A_1319 : vector<16xf32> to vector<1x16xf32>
        tpu.vector_store %arg11[%swap3A_1320, %swap3A_1321], %swap3A_1324 {strides = array<i32>} : memref<208x64xf32, #tpu.memory_space<vmem>>, vector<1x16xf32>,
        %get3A_1325 = arith.index_cast %add3A_1315 : i32 to index
        %get3A_1326 = arith.constant 16 : index
        %get3A_1327 = tpu.vector_load %arg9[%get3A_1325, %get3A_1326] {strides = array<i32>} : memref<208x128xf32, #tpu.memory_space<vmem>>, vector<1x16xf32>,
        %get3A_1328 = vector.shape_cast %get3A_1327 : vector<1x16xf32> to vector<16xf32>
        %swap3A_1329 = arith.index_cast %add3A_1315 : i32 to index
        %swap3A_1330 = arith.constant 16 : index
        %swap3A_1331 = tpu.vector_load %arg11[%swap3A_1329, %swap3A_1330] {strides = array<i32>} : memref<208x64xf32, #tpu.memory_space<vmem>>, vector<1x16xf32>,
        %swap3A_1332 = vector.shape_cast %swap3A_1331 : vector<1x16xf32> to vector<16xf32>
        %swap3A_1333 = vector.shape_cast %get3A_1328 : vector<16xf32> to vector<1x16xf32>
        tpu.vector_store %arg11[%swap3A_1329, %swap3A_1330], %swap3A_1333 {strides = array<i32>} : memref<208x64xf32, #tpu.memory_space<vmem>>, vector<1x16xf32>,
        %get3A_1334 = arith.index_cast %add3A_1315 : i32 to index
        %get3A_1335 = arith.constant 32 : index
        %get3A_1336 = tpu.vector_load %arg9[%get3A_1334, %get3A_1335] {strides = array<i32>} : memref<208x128xf32, #tpu.memory_space<vmem>>, vector<1x16xf32>,
        %get3A_1337 = vector.shape_cast %get3A_1336 : vector<1x16xf32> to vector<16xf32>
        %swap3A_1338 = arith.index_cast %add3A_1315 : i32 to index
        %swap3A_1339 = arith.constant 32 : index
        %swap3A_1340 = tpu.vector_load %arg11[%swap3A_1338, %swap3A_1339] {strides = array<i32>} : memref<208x64xf32, #tpu.memory_space<vmem>>, vector<1x16xf32>,
        %swap3A_1341 = vector.shape_cast %swap3A_1340 : vector<1x16xf32> to vector<16xf32>
        %swap3A_1342 = vector.shape_cast %get3A_1337 : vector<16xf32> to vector<1x16xf32>
        tpu.vector_store %arg11[%swap3A_1338, %swap3A_1339], %swap3A_1342 {strides = array<i32>} : memref<208x64xf32, #tpu.memory_space<vmem>>, vector<1x16xf32>,
        %get3A_1343 = arith.index_cast %add3A_1315 : i32 to index
        %get3A_1344 = arith.constant 48 : index
        %get3A_1345 = tpu.vector_load %arg9[%get3A_1343, %get3A_1344] {strides = array<i32>} : memref<208x128xf32, #tpu.memory_space<vmem>>, vector<1x16xf32>,
        %get3A_1346 = vector.shape_cast %get3A_1345 : vector<1x16xf32> to vector<16xf32>
        %swap3A_1347 = arith.index_cast %add3A_1315 : i32 to index
        %swap3A_1348 = arith.constant 48 : index
        %swap3A_1349 = tpu.vector_load %arg11[%swap3A_1347, %swap3A_1348] {strides = array<i32>} : memref<208x64xf32, #tpu.memory_space<vmem>>, vector<1x16xf32>,
        %swap3A_1350 = vector.shape_cast %swap3A_1349 : vector<1x16xf32> to vector<16xf32>
        %swap3A_1351 = vector.shape_cast %get3A_1346 : vector<16xf32> to vector<1x16xf32>
        tpu.vector_store %arg11[%swap3A_1347, %swap3A_1348], %swap3A_1351 {strides = array<i32>} : memref<208x64xf32, #tpu.memory_space<vmem>>, vector<1x16xf32>,
        %mul3A_1352 = arith.constant 26 : i32
        %mul3A_1353 = arith.muli %scan3A_871, %mul3A_1352 : i32
        %add3A_1354 = arith.constant 12 : i32
        %add3A_1355 = arith.addi %mul3A_1353, %add3A_1354 : i32
        %get3A_1356 = arith.index_cast %add3A_1355 : i32 to index
        %get3A_1357 = arith.constant 0 : index
        %get3A_1358 = tpu.vector_load %arg9[%get3A_1356, %get3A_1357] {strides = array<i32>} : memref<208x128xf32, #tpu.memory_space<vmem>>, vector<1x16xf32>,
        %get3A_1359 = vector.shape_cast %get3A_1358 : vector<1x16xf32> to vector<16xf32>
        %swap3A_1360 = arith.index_cast %add3A_1355 : i32 to index
        %swap3A_1361 = arith.constant 0 : index
        %swap3A_1362 = tpu.vector_load %arg11[%swap3A_1360, %swap3A_1361] {strides = array<i32>} : memref<208x64xf32, #tpu.memory_space<vmem>>, vector<1x16xf32>,
        %swap3A_1363 = vector.shape_cast %swap3A_1362 : vector<1x16xf32> to vector<16xf32>
        %swap3A_1364 = vector.shape_cast %get3A_1359 : vector<16xf32> to vector<1x16xf32>
        tpu.vector_store %arg11[%swap3A_1360, %swap3A_1361], %swap3A_1364 {strides = array<i32>} : memref<208x64xf32, #tpu.memory_space<vmem>>, vector<1x16xf32>,
        %get3A_1365 = arith.index_cast %add3A_1355 : i32 to index
        %get3A_1366 = arith.constant 16 : index
        %get3A_1367 = tpu.vector_load %arg9[%get3A_1365, %get3A_1366] {strides = array<i32>} : memref<208x128xf32, #tpu.memory_space<vmem>>, vector<1x16xf32>,
        %get3A_1368 = vector.shape_cast %get3A_1367 : vector<1x16xf32> to vector<16xf32>
        %swap3A_1369 = arith.index_cast %add3A_1355 : i32 to index
        %swap3A_1370 = arith.constant 16 : index
        %swap3A_1371 = tpu.vector_load %arg11[%swap3A_1369, %swap3A_1370] {strides = array<i32>} : memref<208x64xf32, #tpu.memory_space<vmem>>, vector<1x16xf32>,
        %swap3A_1372 = vector.shape_cast %swap3A_1371 : vector<1x16xf32> to vector<16xf32>
        %swap3A_1373 = vector.shape_cast %get3A_1368 : vector<16xf32> to vector<1x16xf32>
        tpu.vector_store %arg11[%swap3A_1369, %swap3A_1370], %swap3A_1373 {strides = array<i32>} : memref<208x64xf32, #tpu.memory_space<vmem>>, vector<1x16xf32>,
        %get3A_1374 = arith.index_cast %add3A_1355 : i32 to index
        %get3A_1375 = arith.constant 32 : index
        %get3A_1376 = tpu.vector_load %arg9[%get3A_1374, %get3A_1375] {strides = array<i32>} : memref<208x128xf32, #tpu.memory_space<vmem>>, vector<1x16xf32>,
        %get3A_1377 = vector.shape_cast %get3A_1376 : vector<1x16xf32> to vector<16xf32>
        %swap3A_1378 = arith.index_cast %add3A_1355 : i32 to index
        %swap3A_1379 = arith.constant 32 : index
        %swap3A_1380 = tpu.vector_load %arg11[%swap3A_1378, %swap3A_1379] {strides = array<i32>} : memref<208x64xf32, #tpu.memory_space<vmem>>, vector<1x16xf32>,
        %swap3A_1381 = vector.shape_cast %swap3A_1380 : vector<1x16xf32> to vector<16xf32>
        %swap3A_1382 = vector.shape_cast %get3A_1377 : vector<16xf32> to vector<1x16xf32>
        tpu.vector_store %arg11[%swap3A_1378, %swap3A_1379], %swap3A_1382 {strides = array<i32>} : memref<208x64xf32, #tpu.memory_space<vmem>>, vector<1x16xf32>,
        %get3A_1383 = arith.index_cast %add3A_1355 : i32 to index
        %get3A_1384 = arith.constant 48 : index
        %get3A_1385 = tpu.vector_load %arg9[%get3A_1383, %get3A_1384] {strides = array<i32>} : memref<208x128xf32, #tpu.memory_space<vmem>>, vector<1x16xf32>,
        %get3A_1386 = vector.shape_cast %get3A_1385 : vector<1x16xf32> to vector<16xf32>
        %swap3A_1387 = arith.index_cast %add3A_1355 : i32 to index
        %swap3A_1388 = arith.constant 48 : index
        %swap3A_1389 = tpu.vector_load %arg11[%swap3A_1387, %swap3A_1388] {strides = array<i32>} : memref<208x64xf32, #tpu.memory_space<vmem>>, vector<1x16xf32>,
        %swap3A_1390 = vector.shape_cast %swap3A_1389 : vector<1x16xf32> to vector<16xf32>
        %swap3A_1391 = vector.shape_cast %get3A_1386 : vector<16xf32> to vector<1x16xf32>
        tpu.vector_store %arg11[%swap3A_1387, %swap3A_1388], %swap3A_1391 {strides = array<i32>} : memref<208x64xf32, #tpu.memory_space<vmem>>, vector<1x16xf32>,
        %mul3A_1392 = arith.constant 26 : i32
        %mul3A_1393 = arith.muli %scan3A_871, %mul3A_1392 : i32
        %add3A_1394 = arith.constant 13 : i32
        %add3A_1395 = arith.addi %mul3A_1393, %add3A_1394 : i32
        %get3A_1396 = arith.index_cast %add3A_1395 : i32 to index
        %get3A_1397 = arith.constant 0 : index
        %get3A_1398 = tpu.vector_load %arg9[%get3A_1396, %get3A_1397] {strides = array<i32>} : memref<208x128xf32, #tpu.memory_space<vmem>>, vector<1x16xf32>,
        %get3A_1399 = vector.shape_cast %get3A_1398 : vector<1x16xf32> to vector<16xf32>
        %swap3A_1400 = arith.index_cast %add3A_1395 : i32 to index
        %swap3A_1401 = arith.constant 0 : index
        %swap3A_1402 = tpu.vector_load %arg11[%swap3A_1400, %swap3A_1401] {strides = array<i32>} : memref<208x64xf32, #tpu.memory_space<vmem>>, vector<1x16xf32>,
        %swap3A_1403 = vector.shape_cast %swap3A_1402 : vector<1x16xf32> to vector<16xf32>
        %swap3A_1404 = vector.shape_cast %get3A_1399 : vector<16xf32> to vector<1x16xf32>
        tpu.vector_store %arg11[%swap3A_1400, %swap3A_1401], %swap3A_1404 {strides = array<i32>} : memref<208x64xf32, #tpu.memory_space<vmem>>, vector<1x16xf32>,
        %get3A_1405 = arith.index_cast %add3A_1395 : i32 to index
        %get3A_1406 = arith.constant 16 : index
        %get3A_1407 = tpu.vector_load %arg9[%get3A_1405, %get3A_1406] {strides = array<i32>} : memref<208x128xf32, #tpu.memory_space<vmem>>, vector<1x16xf32>,
        %get3A_1408 = vector.shape_cast %get3A_1407 : vector<1x16xf32> to vector<16xf32>
        %swap3A_1409 = arith.index_cast %add3A_1395 : i32 to index
        %swap3A_1410 = arith.constant 16 : index
        %swap3A_1411 = tpu.vector_load %arg11[%swap3A_1409, %swap3A_1410] {strides = array<i32>} : memref<208x64xf32, #tpu.memory_space<vmem>>, vector<1x16xf32>,
        %swap3A_1412 = vector.shape_cast %swap3A_1411 : vector<1x16xf32> to vector<16xf32>
        %swap3A_1413 = vector.shape_cast %get3A_1408 : vector<16xf32> to vector<1x16xf32>
        tpu.vector_store %arg11[%swap3A_1409, %swap3A_1410], %swap3A_1413 {strides = array<i32>} : memref<208x64xf32, #tpu.memory_space<vmem>>, vector<1x16xf32>,
        %get3A_1414 = arith.index_cast %add3A_1395 : i32 to index
        %get3A_1415 = arith.constant 32 : index
        %get3A_1416 = tpu.vector_load %arg9[%get3A_1414, %get3A_1415] {strides = array<i32>} : memref<208x128xf32, #tpu.memory_space<vmem>>, vector<1x16xf32>,
        %get3A_1417 = vector.shape_cast %get3A_1416 : vector<1x16xf32> to vector<16xf32>
        %swap3A_1418 = arith.index_cast %add3A_1395 : i32 to index
        %swap3A_1419 = arith.constant 32 : index
        %swap3A_1420 = tpu.vector_load %arg11[%swap3A_1418, %swap3A_1419] {strides = array<i32>} : memref<208x64xf32, #tpu.memory_space<vmem>>, vector<1x16xf32>,
        %swap3A_1421 = vector.shape_cast %swap3A_1420 : vector<1x16xf32> to vector<16xf32>
        %swap3A_1422 = vector.shape_cast %get3A_1417 : vector<16xf32> to vector<1x16xf32>
        tpu.vector_store %arg11[%swap3A_1418, %swap3A_1419], %swap3A_1422 {strides = array<i32>} : memref<208x64xf32, #tpu.memory_space<vmem>>, vector<1x16xf32>,
        %get3A_1423 = arith.index_cast %add3A_1395 : i32 to index
        %get3A_1424 = arith.constant 48 : index
        %get3A_1425 = tpu.vector_load %arg9[%get3A_1423, %get3A_1424] {strides = array<i32>} : memref<208x128xf32, #tpu.memory_space<vmem>>, vector<1x16xf32>,
        %get3A_1426 = vector.shape_cast %get3A_1425 : vector<1x16xf32> to vector<16xf32>
        %swap3A_1427 = arith.index_cast %add3A_1395 : i32 to index
        %swap3A_1428 = arith.constant 48 : index
        %swap3A_1429 = tpu.vector_load %arg11[%swap3A_1427, %swap3A_1428] {strides = array<i32>} : memref<208x64xf32, #tpu.memory_space<vmem>>, vector<1x16xf32>,
        %swap3A_1430 = vector.shape_cast %swap3A_1429 : vector<1x16xf32> to vector<16xf32>
        %swap3A_1431 = vector.shape_cast %get3A_1426 : vector<16xf32> to vector<1x16xf32>
        tpu.vector_store %arg11[%swap3A_1427, %swap3A_1428], %swap3A_1431 {strides = array<i32>} : memref<208x64xf32, #tpu.memory_space<vmem>>, vector<1x16xf32>,
        %mul3A_1432 = arith.constant 26 : i32
        %mul3A_1433 = arith.muli %scan3A_871, %mul3A_1432 : i32
        %add3A_1434 = arith.constant 14 : i32
        %add3A_1435 = arith.addi %mul3A_1433, %add3A_1434 : i32
        %get3A_1436 = arith.index_cast %add3A_1435 : i32 to index
        %get3A_1437 = arith.constant 0 : index
        %get3A_1438 = tpu.vector_load %arg9[%get3A_1436, %get3A_1437] {strides = array<i32>} : memref<208x128xf32, #tpu.memory_space<vmem>>, vector<1x16xf32>,
        %get3A_1439 = vector.shape_cast %get3A_1438 : vector<1x16xf32> to vector<16xf32>
        %swap3A_1440 = arith.index_cast %add3A_1435 : i32 to index
        %swap3A_1441 = arith.constant 0 : index
        %swap3A_1442 = tpu.vector_load %arg11[%swap3A_1440, %swap3A_1441] {strides = array<i32>} : memref<208x64xf32, #tpu.memory_space<vmem>>, vector<1x16xf32>,
        %swap3A_1443 = vector.shape_cast %swap3A_1442 : vector<1x16xf32> to vector<16xf32>
        %swap3A_1444 = vector.shape_cast %get3A_1439 : vector<16xf32> to vector<1x16xf32>
        tpu.vector_store %arg11[%swap3A_1440, %swap3A_1441], %swap3A_1444 {strides = array<i32>} : memref<208x64xf32, #tpu.memory_space<vmem>>, vector<1x16xf32>,
        %get3A_1445 = arith.index_cast %add3A_1435 : i32 to index
        %get3A_1446 = arith.constant 16 : index
        %get3A_1447 = tpu.vector_load %arg9[%get3A_1445, %get3A_1446] {strides = array<i32>} : memref<208x128xf32, #tpu.memory_space<vmem>>, vector<1x16xf32>,
        %get3A_1448 = vector.shape_cast %get3A_1447 : vector<1x16xf32> to vector<16xf32>
        %swap3A_1449 = arith.index_cast %add3A_1435 : i32 to index
        %swap3A_1450 = arith.constant 16 : index
        %swap3A_1451 = tpu.vector_load %arg11[%swap3A_1449, %swap3A_1450] {strides = array<i32>} : memref<208x64xf32, #tpu.memory_space<vmem>>, vector<1x16xf32>,
        %swap3A_1452 = vector.shape_cast %swap3A_1451 : vector<1x16xf32> to vector<16xf32>
        %swap3A_1453 = vector.shape_cast %get3A_1448 : vector<16xf32> to vector<1x16xf32>
        tpu.vector_store %arg11[%swap3A_1449, %swap3A_1450], %swap3A_1453 {strides = array<i32>} : memref<208x64xf32, #tpu.memory_space<vmem>>, vector<1x16xf32>,
        %get3A_1454 = arith.index_cast %add3A_1435 : i32 to index
        %get3A_1455 = arith.constant 32 : index
        %get3A_1456 = tpu.vector_load %arg9[%get3A_1454, %get3A_1455] {strides = array<i32>} : memref<208x128xf32, #tpu.memory_space<vmem>>, vector<1x16xf32>,
        %get3A_1457 = vector.shape_cast %get3A_1456 : vector<1x16xf32> to vector<16xf32>
        %swap3A_1458 = arith.index_cast %add3A_1435 : i32 to index
        %swap3A_1459 = arith.constant 32 : index
        %swap3A_1460 = tpu.vector_load %arg11[%swap3A_1458, %swap3A_1459] {strides = array<i32>} : memref<208x64xf32, #tpu.memory_space<vmem>>, vector<1x16xf32>,
        %swap3A_1461 = vector.shape_cast %swap3A_1460 : vector<1x16xf32> to vector<16xf32>
        %swap3A_1462 = vector.shape_cast %get3A_1457 : vector<16xf32> to vector<1x16xf32>
        tpu.vector_store %arg11[%swap3A_1458, %swap3A_1459], %swap3A_1462 {strides = array<i32>} : memref<208x64xf32, #tpu.memory_space<vmem>>, vector<1x16xf32>,
        %get3A_1463 = arith.index_cast %add3A_1435 : i32 to index
        %get3A_1464 = arith.constant 48 : index
        %get3A_1465 = tpu.vector_load %arg9[%get3A_1463, %get3A_1464] {strides = array<i32>} : memref<208x128xf32, #tpu.memory_space<vmem>>, vector<1x16xf32>,
        %get3A_1466 = vector.shape_cast %get3A_1465 : vector<1x16xf32> to vector<16xf32>
        %swap3A_1467 = arith.index_cast %add3A_1435 : i32 to index
        %swap3A_1468 = arith.constant 48 : index
        %swap3A_1469 = tpu.vector_load %arg11[%swap3A_1467, %swap3A_1468] {strides = array<i32>} : memref<208x64xf32, #tpu.memory_space<vmem>>, vector<1x16xf32>,
        %swap3A_1470 = vector.shape_cast %swap3A_1469 : vector<1x16xf32> to vector<16xf32>
        %swap3A_1471 = vector.shape_cast %get3A_1466 : vector<16xf32> to vector<1x16xf32>
        tpu.vector_store %arg11[%swap3A_1467, %swap3A_1468], %swap3A_1471 {strides = array<i32>} : memref<208x64xf32, #tpu.memory_space<vmem>>, vector<1x16xf32>,
        %mul3A_1472 = arith.constant 26 : i32
        %mul3A_1473 = arith.muli %scan3A_871, %mul3A_1472 : i32
        %add3A_1474 = arith.constant 15 : i32
        %add3A_1475 = arith.addi %mul3A_1473, %add3A_1474 : i32
        %get3A_1476 = arith.index_cast %add3A_1475 : i32 to index
        %get3A_1477 = arith.constant 0 : index
        %get3A_1478 = tpu.vector_load %arg9[%get3A_1476, %get3A_1477] {strides = array<i32>} : memref<208x128xf32, #tpu.memory_space<vmem>>, vector<1x16xf32>,
        %get3A_1479 = vector.shape_cast %get3A_1478 : vector<1x16xf32> to vector<16xf32>
        %swap3A_1480 = arith.index_cast %add3A_1475 : i32 to index
        %swap3A_1481 = arith.constant 0 : index
        %swap3A_1482 = tpu.vector_load %arg11[%swap3A_1480, %swap3A_1481] {strides = array<i32>} : memref<208x64xf32, #tpu.memory_space<vmem>>, vector<1x16xf32>,
        %swap3A_1483 = vector.shape_cast %swap3A_1482 : vector<1x16xf32> to vector<16xf32>
        %swap3A_1484 = vector.shape_cast %get3A_1479 : vector<16xf32> to vector<1x16xf32>
        tpu.vector_store %arg11[%swap3A_1480, %swap3A_1481], %swap3A_1484 {strides = array<i32>} : memref<208x64xf32, #tpu.memory_space<vmem>>, vector<1x16xf32>,
        %get3A_1485 = arith.index_cast %add3A_1475 : i32 to index
        %get3A_1486 = arith.constant 16 : index
        %get3A_1487 = tpu.vector_load %arg9[%get3A_1485, %get3A_1486] {strides = array<i32>} : memref<208x128xf32, #tpu.memory_space<vmem>>, vector<1x16xf32>,
        %get3A_1488 = vector.shape_cast %get3A_1487 : vector<1x16xf32> to vector<16xf32>
        %swap3A_1489 = arith.index_cast %add3A_1475 : i32 to index
        %swap3A_1490 = arith.constant 16 : index
        %swap3A_1491 = tpu.vector_load %arg11[%swap3A_1489, %swap3A_1490] {strides = array<i32>} : memref<208x64xf32, #tpu.memory_space<vmem>>, vector<1x16xf32>,
        %swap3A_1492 = vector.shape_cast %swap3A_1491 : vector<1x16xf32> to vector<16xf32>
        %swap3A_1493 = vector.shape_cast %get3A_1488 : vector<16xf32> to vector<1x16xf32>
        tpu.vector_store %arg11[%swap3A_1489, %swap3A_1490], %swap3A_1493 {strides = array<i32>} : memref<208x64xf32, #tpu.memory_space<vmem>>, vector<1x16xf32>,
        %get3A_1494 = arith.index_cast %add3A_1475 : i32 to index
        %get3A_1495 = arith.constant 32 : index
        %get3A_1496 = tpu.vector_load %arg9[%get3A_1494, %get3A_1495] {strides = array<i32>} : memref<208x128xf32, #tpu.memory_space<vmem>>, vector<1x16xf32>,
        %get3A_1497 = vector.shape_cast %get3A_1496 : vector<1x16xf32> to vector<16xf32>
        %swap3A_1498 = arith.index_cast %add3A_1475 : i32 to index
        %swap3A_1499 = arith.constant 32 : index
        %swap3A_1500 = tpu.vector_load %arg11[%swap3A_1498, %swap3A_1499] {strides = array<i32>} : memref<208x64xf32, #tpu.memory_space<vmem>>, vector<1x16xf32>,
        %swap3A_1501 = vector.shape_cast %swap3A_1500 : vector<1x16xf32> to vector<16xf32>
        %swap3A_1502 = vector.shape_cast %get3A_1497 : vector<16xf32> to vector<1x16xf32>
        tpu.vector_store %arg11[%swap3A_1498, %swap3A_1499], %swap3A_1502 {strides = array<i32>} : memref<208x64xf32, #tpu.memory_space<vmem>>, vector<1x16xf32>,
        %get3A_1503 = arith.index_cast %add3A_1475 : i32 to index
        %get3A_1504 = arith.constant 48 : index
        %get3A_1505 = tpu.vector_load %arg9[%get3A_1503, %get3A_1504] {strides = array<i32>} : memref<208x128xf32, #tpu.memory_space<vmem>>, vector<1x16xf32>,
        %get3A_1506 = vector.shape_cast %get3A_1505 : vector<1x16xf32> to vector<16xf32>
        %swap3A_1507 = arith.index_cast %add3A_1475 : i32 to index
        %swap3A_1508 = arith.constant 48 : index
        %swap3A_1509 = tpu.vector_load %arg11[%swap3A_1507, %swap3A_1508] {strides = array<i32>} : memref<208x64xf32, #tpu.memory_space<vmem>>, vector<1x16xf32>,
        %swap3A_1510 = vector.shape_cast %swap3A_1509 : vector<1x16xf32> to vector<16xf32>
        %swap3A_1511 = vector.shape_cast %get3A_1506 : vector<16xf32> to vector<1x16xf32>
        tpu.vector_store %arg11[%swap3A_1507, %swap3A_1508], %swap3A_1511 {strides = array<i32>} : memref<208x64xf32, #tpu.memory_space<vmem>>, vector<1x16xf32>,
        %mul3A_1512 = arith.constant 26 : i32
        %mul3A_1513 = arith.muli %scan3A_871, %mul3A_1512 : i32
        %add3A_1514 = arith.constant 16 : i32
        %add3A_1515 = arith.addi %mul3A_1513, %add3A_1514 : i32
        %get3A_1516 = arith.index_cast %add3A_1515 : i32 to index
        %get3A_1517 = arith.constant 0 : index
        %get3A_1518 = tpu.vector_load %arg9[%get3A_1516, %get3A_1517] {strides = array<i32>} : memref<208x128xf32, #tpu.memory_space<vmem>>, vector<1x16xf32>,
        %get3A_1519 = vector.shape_cast %get3A_1518 : vector<1x16xf32> to vector<16xf32>
        %swap3A_1520 = arith.index_cast %add3A_1515 : i32 to index
        %swap3A_1521 = arith.constant 0 : index
        %swap3A_1522 = tpu.vector_load %arg11[%swap3A_1520, %swap3A_1521] {strides = array<i32>} : memref<208x64xf32, #tpu.memory_space<vmem>>, vector<1x16xf32>,
        %swap3A_1523 = vector.shape_cast %swap3A_1522 : vector<1x16xf32> to vector<16xf32>
        %swap3A_1524 = vector.shape_cast %get3A_1519 : vector<16xf32> to vector<1x16xf32>
        tpu.vector_store %arg11[%swap3A_1520, %swap3A_1521], %swap3A_1524 {strides = array<i32>} : memref<208x64xf32, #tpu.memory_space<vmem>>, vector<1x16xf32>,
        %get3A_1525 = arith.index_cast %add3A_1515 : i32 to index
        %get3A_1526 = arith.constant 16 : index
        %get3A_1527 = tpu.vector_load %arg9[%get3A_1525, %get3A_1526] {strides = array<i32>} : memref<208x128xf32, #tpu.memory_space<vmem>>, vector<1x16xf32>,
        %get3A_1528 = vector.shape_cast %get3A_1527 : vector<1x16xf32> to vector<16xf32>
        %swap3A_1529 = arith.index_cast %add3A_1515 : i32 to index
        %swap3A_1530 = arith.constant 16 : index
        %swap3A_1531 = tpu.vector_load %arg11[%swap3A_1529, %swap3A_1530] {strides = array<i32>} : memref<208x64xf32, #tpu.memory_space<vmem>>, vector<1x16xf32>,
        %swap3A_1532 = vector.shape_cast %swap3A_1531 : vector<1x16xf32> to vector<16xf32>
        %swap3A_1533 = vector.shape_cast %get3A_1528 : vector<16xf32> to vector<1x16xf32>
        tpu.vector_store %arg11[%swap3A_1529, %swap3A_1530], %swap3A_1533 {strides = array<i32>} : memref<208x64xf32, #tpu.memory_space<vmem>>, vector<1x16xf32>,
        %get3A_1534 = arith.index_cast %add3A_1515 : i32 to index
        %get3A_1535 = arith.constant 32 : index
        %get3A_1536 = tpu.vector_load %arg9[%get3A_1534, %get3A_1535] {strides = array<i32>} : memref<208x128xf32, #tpu.memory_space<vmem>>, vector<1x16xf32>,
        %get3A_1537 = vector.shape_cast %get3A_1536 : vector<1x16xf32> to vector<16xf32>
        %swap3A_1538 = arith.index_cast %add3A_1515 : i32 to index
        %swap3A_1539 = arith.constant 32 : index
        %swap3A_1540 = tpu.vector_load %arg11[%swap3A_1538, %swap3A_1539] {strides = array<i32>} : memref<208x64xf32, #tpu.memory_space<vmem>>, vector<1x16xf32>,
        %swap3A_1541 = vector.shape_cast %swap3A_1540 : vector<1x16xf32> to vector<16xf32>
        %swap3A_1542 = vector.shape_cast %get3A_1537 : vector<16xf32> to vector<1x16xf32>
        tpu.vector_store %arg11[%swap3A_1538, %swap3A_1539], %swap3A_1542 {strides = array<i32>} : memref<208x64xf32, #tpu.memory_space<vmem>>, vector<1x16xf32>,
        %get3A_1543 = arith.index_cast %add3A_1515 : i32 to index
        %get3A_1544 = arith.constant 48 : index
        %get3A_1545 = tpu.vector_load %arg9[%get3A_1543, %get3A_1544] {strides = array<i32>} : memref<208x128xf32, #tpu.memory_space<vmem>>, vector<1x16xf32>,
        %get3A_1546 = vector.shape_cast %get3A_1545 : vector<1x16xf32> to vector<16xf32>
        %swap3A_1547 = arith.index_cast %add3A_1515 : i32 to index
        %swap3A_1548 = arith.constant 48 : index
        %swap3A_1549 = tpu.vector_load %arg11[%swap3A_1547, %swap3A_1548] {strides = array<i32>} : memref<208x64xf32, #tpu.memory_space<vmem>>, vector<1x16xf32>,
        %swap3A_1550 = vector.shape_cast %swap3A_1549 : vector<1x16xf32> to vector<16xf32>
        %swap3A_1551 = vector.shape_cast %get3A_1546 : vector<16xf32> to vector<1x16xf32>
        tpu.vector_store %arg11[%swap3A_1547, %swap3A_1548], %swap3A_1551 {strides = array<i32>} : memref<208x64xf32, #tpu.memory_space<vmem>>, vector<1x16xf32>,
        %mul3A_1552 = arith.constant 26 : i32
        %mul3A_1553 = arith.muli %scan3A_871, %mul3A_1552 : i32
        %add3A_1554 = arith.constant 17 : i32
        %add3A_1555 = arith.addi %mul3A_1553, %add3A_1554 : i32
        %get3A_1556 = arith.index_cast %add3A_1555 : i32 to index
        %get3A_1557 = arith.constant 0 : index
        %get3A_1558 = tpu.vector_load %arg9[%get3A_1556, %get3A_1557] {strides = array<i32>} : memref<208x128xf32, #tpu.memory_space<vmem>>, vector<1x16xf32>,
        %get3A_1559 = vector.shape_cast %get3A_1558 : vector<1x16xf32> to vector<16xf32>
        %swap3A_1560 = arith.index_cast %add3A_1555 : i32 to index
        %swap3A_1561 = arith.constant 0 : index
        %swap3A_1562 = tpu.vector_load %arg11[%swap3A_1560, %swap3A_1561] {strides = array<i32>} : memref<208x64xf32, #tpu.memory_space<vmem>>, vector<1x16xf32>,
        %swap3A_1563 = vector.shape_cast %swap3A_1562 : vector<1x16xf32> to vector<16xf32>
        %swap3A_1564 = vector.shape_cast %get3A_1559 : vector<16xf32> to vector<1x16xf32>
        tpu.vector_store %arg11[%swap3A_1560, %swap3A_1561], %swap3A_1564 {strides = array<i32>} : memref<208x64xf32, #tpu.memory_space<vmem>>, vector<1x16xf32>,
        %get3A_1565 = arith.index_cast %add3A_1555 : i32 to index
        %get3A_1566 = arith.constant 16 : index
        %get3A_1567 = tpu.vector_load %arg9[%get3A_1565, %get3A_1566] {strides = array<i32>} : memref<208x128xf32, #tpu.memory_space<vmem>>, vector<1x16xf32>,
        %get3A_1568 = vector.shape_cast %get3A_1567 : vector<1x16xf32> to vector<16xf32>
        %swap3A_1569 = arith.index_cast %add3A_1555 : i32 to index
        %swap3A_1570 = arith.constant 16 : index
        %swap3A_1571 = tpu.vector_load %arg11[%swap3A_1569, %swap3A_1570] {strides = array<i32>} : memref<208x64xf32, #tpu.memory_space<vmem>>, vector<1x16xf32>,
        %swap3A_1572 = vector.shape_cast %swap3A_1571 : vector<1x16xf32> to vector<16xf32>
        %swap3A_1573 = vector.shape_cast %get3A_1568 : vector<16xf32> to vector<1x16xf32>
        tpu.vector_store %arg11[%swap3A_1569, %swap3A_1570], %swap3A_1573 {strides = array<i32>} : memref<208x64xf32, #tpu.memory_space<vmem>>, vector<1x16xf32>,
        %get3A_1574 = arith.index_cast %add3A_1555 : i32 to index
        %get3A_1575 = arith.constant 32 : index
        %get3A_1576 = tpu.vector_load %arg9[%get3A_1574, %get3A_1575] {strides = array<i32>} : memref<208x128xf32, #tpu.memory_space<vmem>>, vector<1x16xf32>,
        %get3A_1577 = vector.shape_cast %get3A_1576 : vector<1x16xf32> to vector<16xf32>
        %swap3A_1578 = arith.index_cast %add3A_1555 : i32 to index
        %swap3A_1579 = arith.constant 32 : index
        %swap3A_1580 = tpu.vector_load %arg11[%swap3A_1578, %swap3A_1579] {strides = array<i32>} : memref<208x64xf32, #tpu.memory_space<vmem>>, vector<1x16xf32>,
        %swap3A_1581 = vector.shape_cast %swap3A_1580 : vector<1x16xf32> to vector<16xf32>
        %swap3A_1582 = vector.shape_cast %get3A_1577 : vector<16xf32> to vector<1x16xf32>
        tpu.vector_store %arg11[%swap3A_1578, %swap3A_1579], %swap3A_1582 {strides = array<i32>} : memref<208x64xf32, #tpu.memory_space<vmem>>, vector<1x16xf32>,
        %get3A_1583 = arith.index_cast %add3A_1555 : i32 to index
        %get3A_1584 = arith.constant 48 : index
        %get3A_1585 = tpu.vector_load %arg9[%get3A_1583, %get3A_1584] {strides = array<i32>} : memref<208x128xf32, #tpu.memory_space<vmem>>, vector<1x16xf32>,
        %get3A_1586 = vector.shape_cast %get3A_1585 : vector<1x16xf32> to vector<16xf32>
        %swap3A_1587 = arith.index_cast %add3A_1555 : i32 to index
        %swap3A_1588 = arith.constant 48 : index
        %swap3A_1589 = tpu.vector_load %arg11[%swap3A_1587, %swap3A_1588] {strides = array<i32>} : memref<208x64xf32, #tpu.memory_space<vmem>>, vector<1x16xf32>,
        %swap3A_1590 = vector.shape_cast %swap3A_1589 : vector<1x16xf32> to vector<16xf32>
        %swap3A_1591 = vector.shape_cast %get3A_1586 : vector<16xf32> to vector<1x16xf32>
        tpu.vector_store %arg11[%swap3A_1587, %swap3A_1588], %swap3A_1591 {strides = array<i32>} : memref<208x64xf32, #tpu.memory_space<vmem>>, vector<1x16xf32>,
        %mul3A_1592 = arith.constant 26 : i32
        %mul3A_1593 = arith.muli %scan3A_871, %mul3A_1592 : i32
        %add3A_1594 = arith.constant 18 : i32
        %add3A_1595 = arith.addi %mul3A_1593, %add3A_1594 : i32
        %get3A_1596 = arith.index_cast %add3A_1595 : i32 to index
        %get3A_1597 = arith.constant 0 : index
        %get3A_1598 = tpu.vector_load %arg9[%get3A_1596, %get3A_1597] {strides = array<i32>} : memref<208x128xf32, #tpu.memory_space<vmem>>, vector<1x16xf32>,
        %get3A_1599 = vector.shape_cast %get3A_1598 : vector<1x16xf32> to vector<16xf32>
        %swap3A_1600 = arith.index_cast %add3A_1595 : i32 to index
        %swap3A_1601 = arith.constant 0 : index
        %swap3A_1602 = tpu.vector_load %arg11[%swap3A_1600, %swap3A_1601] {strides = array<i32>} : memref<208x64xf32, #tpu.memory_space<vmem>>, vector<1x16xf32>,
        %swap3A_1603 = vector.shape_cast %swap3A_1602 : vector<1x16xf32> to vector<16xf32>
        %swap3A_1604 = vector.shape_cast %get3A_1599 : vector<16xf32> to vector<1x16xf32>
        tpu.vector_store %arg11[%swap3A_1600, %swap3A_1601], %swap3A_1604 {strides = array<i32>} : memref<208x64xf32, #tpu.memory_space<vmem>>, vector<1x16xf32>,
        %get3A_1605 = arith.index_cast %add3A_1595 : i32 to index
        %get3A_1606 = arith.constant 16 : index
        %get3A_1607 = tpu.vector_load %arg9[%get3A_1605, %get3A_1606] {strides = array<i32>} : memref<208x128xf32, #tpu.memory_space<vmem>>, vector<1x16xf32>,
        %get3A_1608 = vector.shape_cast %get3A_1607 : vector<1x16xf32> to vector<16xf32>
        %swap3A_1609 = arith.index_cast %add3A_1595 : i32 to index
        %swap3A_1610 = arith.constant 16 : index
        %swap3A_1611 = tpu.vector_load %arg11[%swap3A_1609, %swap3A_1610] {strides = array<i32>} : memref<208x64xf32, #tpu.memory_space<vmem>>, vector<1x16xf32>,
        %swap3A_1612 = vector.shape_cast %swap3A_1611 : vector<1x16xf32> to vector<16xf32>
        %swap3A_1613 = vector.shape_cast %get3A_1608 : vector<16xf32> to vector<1x16xf32>
        tpu.vector_store %arg11[%swap3A_1609, %swap3A_1610], %swap3A_1613 {strides = array<i32>} : memref<208x64xf32, #tpu.memory_space<vmem>>, vector<1x16xf32>,
        %get3A_1614 = arith.index_cast %add3A_1595 : i32 to index
        %get3A_1615 = arith.constant 32 : index
        %get3A_1616 = tpu.vector_load %arg9[%get3A_1614, %get3A_1615] {strides = array<i32>} : memref<208x128xf32, #tpu.memory_space<vmem>>, vector<1x16xf32>,
        %get3A_1617 = vector.shape_cast %get3A_1616 : vector<1x16xf32> to vector<16xf32>
        %swap3A_1618 = arith.index_cast %add3A_1595 : i32 to index
        %swap3A_1619 = arith.constant 32 : index
        %swap3A_1620 = tpu.vector_load %arg11[%swap3A_1618, %swap3A_1619] {strides = array<i32>} : memref<208x64xf32, #tpu.memory_space<vmem>>, vector<1x16xf32>,
        %swap3A_1621 = vector.shape_cast %swap3A_1620 : vector<1x16xf32> to vector<16xf32>
        %swap3A_1622 = vector.shape_cast %get3A_1617 : vector<16xf32> to vector<1x16xf32>
        tpu.vector_store %arg11[%swap3A_1618, %swap3A_1619], %swap3A_1622 {strides = array<i32>} : memref<208x64xf32, #tpu.memory_space<vmem>>, vector<1x16xf32>,
        %get3A_1623 = arith.index_cast %add3A_1595 : i32 to index
        %get3A_1624 = arith.constant 48 : index
        %get3A_1625 = tpu.vector_load %arg9[%get3A_1623, %get3A_1624] {strides = array<i32>} : memref<208x128xf32, #tpu.memory_space<vmem>>, vector<1x16xf32>,
        %get3A_1626 = vector.shape_cast %get3A_1625 : vector<1x16xf32> to vector<16xf32>
        %swap3A_1627 = arith.index_cast %add3A_1595 : i32 to index
        %swap3A_1628 = arith.constant 48 : index
        %swap3A_1629 = tpu.vector_load %arg11[%swap3A_1627, %swap3A_1628] {strides = array<i32>} : memref<208x64xf32, #tpu.memory_space<vmem>>, vector<1x16xf32>,
        %swap3A_1630 = vector.shape_cast %swap3A_1629 : vector<1x16xf32> to vector<16xf32>
        %swap3A_1631 = vector.shape_cast %get3A_1626 : vector<16xf32> to vector<1x16xf32>
        tpu.vector_store %arg11[%swap3A_1627, %swap3A_1628], %swap3A_1631 {strides = array<i32>} : memref<208x64xf32, #tpu.memory_space<vmem>>, vector<1x16xf32>,
        %mul3A_1632 = arith.constant 26 : i32
        %mul3A_1633 = arith.muli %scan3A_871, %mul3A_1632 : i32
        %add3A_1634 = arith.constant 19 : i32
        %add3A_1635 = arith.addi %mul3A_1633, %add3A_1634 : i32
        %get3A_1636 = arith.index_cast %add3A_1635 : i32 to index
        %get3A_1637 = arith.constant 0 : index
        %get3A_1638 = tpu.vector_load %arg9[%get3A_1636, %get3A_1637] {strides = array<i32>} : memref<208x128xf32, #tpu.memory_space<vmem>>, vector<1x16xf32>,
        %get3A_1639 = vector.shape_cast %get3A_1638 : vector<1x16xf32> to vector<16xf32>
        %swap3A_1640 = arith.index_cast %add3A_1635 : i32 to index
        %swap3A_1641 = arith.constant 0 : index
        %swap3A_1642 = tpu.vector_load %arg11[%swap3A_1640, %swap3A_1641] {strides = array<i32>} : memref<208x64xf32, #tpu.memory_space<vmem>>, vector<1x16xf32>,
        %swap3A_1643 = vector.shape_cast %swap3A_1642 : vector<1x16xf32> to vector<16xf32>
        %swap3A_1644 = vector.shape_cast %get3A_1639 : vector<16xf32> to vector<1x16xf32>
        tpu.vector_store %arg11[%swap3A_1640, %swap3A_1641], %swap3A_1644 {strides = array<i32>} : memref<208x64xf32, #tpu.memory_space<vmem>>, vector<1x16xf32>,
        %get3A_1645 = arith.index_cast %add3A_1635 : i32 to index
        %get3A_1646 = arith.constant 16 : index
        %get3A_1647 = tpu.vector_load %arg9[%get3A_1645, %get3A_1646] {strides = array<i32>} : memref<208x128xf32, #tpu.memory_space<vmem>>, vector<1x16xf32>,
        %get3A_1648 = vector.shape_cast %get3A_1647 : vector<1x16xf32> to vector<16xf32>
        %swap3A_1649 = arith.index_cast %add3A_1635 : i32 to index
        %swap3A_1650 = arith.constant 16 : index
        %swap3A_1651 = tpu.vector_load %arg11[%swap3A_1649, %swap3A_1650] {strides = array<i32>} : memref<208x64xf32, #tpu.memory_space<vmem>>, vector<1x16xf32>,
        %swap3A_1652 = vector.shape_cast %swap3A_1651 : vector<1x16xf32> to vector<16xf32>
        %swap3A_1653 = vector.shape_cast %get3A_1648 : vector<16xf32> to vector<1x16xf32>
        tpu.vector_store %arg11[%swap3A_1649, %swap3A_1650], %swap3A_1653 {strides = array<i32>} : memref<208x64xf32, #tpu.memory_space<vmem>>, vector<1x16xf32>,
        %get3A_1654 = arith.index_cast %add3A_1635 : i32 to index
        %get3A_1655 = arith.constant 32 : index
        %get3A_1656 = tpu.vector_load %arg9[%get3A_1654, %get3A_1655] {strides = array<i32>} : memref<208x128xf32, #tpu.memory_space<vmem>>, vector<1x16xf32>,
        %get3A_1657 = vector.shape_cast %get3A_1656 : vector<1x16xf32> to vector<16xf32>
        %swap3A_1658 = arith.index_cast %add3A_1635 : i32 to index
        %swap3A_1659 = arith.constant 32 : index
        %swap3A_1660 = tpu.vector_load %arg11[%swap3A_1658, %swap3A_1659] {strides = array<i32>} : memref<208x64xf32, #tpu.memory_space<vmem>>, vector<1x16xf32>,
        %swap3A_1661 = vector.shape_cast %swap3A_1660 : vector<1x16xf32> to vector<16xf32>
        %swap3A_1662 = vector.shape_cast %get3A_1657 : vector<16xf32> to vector<1x16xf32>
        tpu.vector_store %arg11[%swap3A_1658, %swap3A_1659], %swap3A_1662 {strides = array<i32>} : memref<208x64xf32, #tpu.memory_space<vmem>>, vector<1x16xf32>,
        %get3A_1663 = arith.index_cast %add3A_1635 : i32 to index
        %get3A_1664 = arith.constant 48 : index
        %get3A_1665 = tpu.vector_load %arg9[%get3A_1663, %get3A_1664] {strides = array<i32>} : memref<208x128xf32, #tpu.memory_space<vmem>>, vector<1x16xf32>,
        %get3A_1666 = vector.shape_cast %get3A_1665 : vector<1x16xf32> to vector<16xf32>
        %swap3A_1667 = arith.index_cast %add3A_1635 : i32 to index
        %swap3A_1668 = arith.constant 48 : index
        %swap3A_1669 = tpu.vector_load %arg11[%swap3A_1667, %swap3A_1668] {strides = array<i32>} : memref<208x64xf32, #tpu.memory_space<vmem>>, vector<1x16xf32>,
        %swap3A_1670 = vector.shape_cast %swap3A_1669 : vector<1x16xf32> to vector<16xf32>
        %swap3A_1671 = vector.shape_cast %get3A_1666 : vector<16xf32> to vector<1x16xf32>
        tpu.vector_store %arg11[%swap3A_1667, %swap3A_1668], %swap3A_1671 {strides = array<i32>} : memref<208x64xf32, #tpu.memory_space<vmem>>, vector<1x16xf32>,
        %mul3A_1672 = arith.constant 26 : i32
        %mul3A_1673 = arith.muli %scan3A_871, %mul3A_1672 : i32
        %add3A_1674 = arith.constant 20 : i32
        %add3A_1675 = arith.addi %mul3A_1673, %add3A_1674 : i32
        %get3A_1676 = arith.index_cast %add3A_1675 : i32 to index
        %get3A_1677 = arith.constant 0 : index
        %get3A_1678 = tpu.vector_load %arg9[%get3A_1676, %get3A_1677] {strides = array<i32>} : memref<208x128xf32, #tpu.memory_space<vmem>>, vector<1x16xf32>,
        %get3A_1679 = vector.shape_cast %get3A_1678 : vector<1x16xf32> to vector<16xf32>
        %swap3A_1680 = arith.index_cast %add3A_1675 : i32 to index
        %swap3A_1681 = arith.constant 0 : index
        %swap3A_1682 = tpu.vector_load %arg11[%swap3A_1680, %swap3A_1681] {strides = array<i32>} : memref<208x64xf32, #tpu.memory_space<vmem>>, vector<1x16xf32>,
        %swap3A_1683 = vector.shape_cast %swap3A_1682 : vector<1x16xf32> to vector<16xf32>
        %swap3A_1684 = vector.shape_cast %get3A_1679 : vector<16xf32> to vector<1x16xf32>
        tpu.vector_store %arg11[%swap3A_1680, %swap3A_1681], %swap3A_1684 {strides = array<i32>} : memref<208x64xf32, #tpu.memory_space<vmem>>, vector<1x16xf32>,
        %get3A_1685 = arith.index_cast %add3A_1675 : i32 to index
        %get3A_1686 = arith.constant 16 : index
        %get3A_1687 = tpu.vector_load %arg9[%get3A_1685, %get3A_1686] {strides = array<i32>} : memref<208x128xf32, #tpu.memory_space<vmem>>, vector<1x16xf32>,
        %get3A_1688 = vector.shape_cast %get3A_1687 : vector<1x16xf32> to vector<16xf32>
        %swap3A_1689 = arith.index_cast %add3A_1675 : i32 to index
        %swap3A_1690 = arith.constant 16 : index
        %swap3A_1691 = tpu.vector_load %arg11[%swap3A_1689, %swap3A_1690] {strides = array<i32>} : memref<208x64xf32, #tpu.memory_space<vmem>>, vector<1x16xf32>,
        %swap3A_1692 = vector.shape_cast %swap3A_1691 : vector<1x16xf32> to vector<16xf32>
        %swap3A_1693 = vector.shape_cast %get3A_1688 : vector<16xf32> to vector<1x16xf32>
        tpu.vector_store %arg11[%swap3A_1689, %swap3A_1690], %swap3A_1693 {strides = array<i32>} : memref<208x64xf32, #tpu.memory_space<vmem>>, vector<1x16xf32>,
        %get3A_1694 = arith.index_cast %add3A_1675 : i32 to index
        %get3A_1695 = arith.constant 32 : index
        %get3A_1696 = tpu.vector_load %arg9[%get3A_1694, %get3A_1695] {strides = array<i32>} : memref<208x128xf32, #tpu.memory_space<vmem>>, vector<1x16xf32>,
        %get3A_1697 = vector.shape_cast %get3A_1696 : vector<1x16xf32> to vector<16xf32>
        %swap3A_1698 = arith.index_cast %add3A_1675 : i32 to index
        %swap3A_1699 = arith.constant 32 : index
        %swap3A_1700 = tpu.vector_load %arg11[%swap3A_1698, %swap3A_1699] {strides = array<i32>} : memref<208x64xf32, #tpu.memory_space<vmem>>, vector<1x16xf32>,
        %swap3A_1701 = vector.shape_cast %swap3A_1700 : vector<1x16xf32> to vector<16xf32>
        %swap3A_1702 = vector.shape_cast %get3A_1697 : vector<16xf32> to vector<1x16xf32>
        tpu.vector_store %arg11[%swap3A_1698, %swap3A_1699], %swap3A_1702 {strides = array<i32>} : memref<208x64xf32, #tpu.memory_space<vmem>>, vector<1x16xf32>,
        %get3A_1703 = arith.index_cast %add3A_1675 : i32 to index
        %get3A_1704 = arith.constant 48 : index
        %get3A_1705 = tpu.vector_load %arg9[%get3A_1703, %get3A_1704] {strides = array<i32>} : memref<208x128xf32, #tpu.memory_space<vmem>>, vector<1x16xf32>,
        %get3A_1706 = vector.shape_cast %get3A_1705 : vector<1x16xf32> to vector<16xf32>
        %swap3A_1707 = arith.index_cast %add3A_1675 : i32 to index
        %swap3A_1708 = arith.constant 48 : index
        %swap3A_1709 = tpu.vector_load %arg11[%swap3A_1707, %swap3A_1708] {strides = array<i32>} : memref<208x64xf32, #tpu.memory_space<vmem>>, vector<1x16xf32>,
        %swap3A_1710 = vector.shape_cast %swap3A_1709 : vector<1x16xf32> to vector<16xf32>
        %swap3A_1711 = vector.shape_cast %get3A_1706 : vector<16xf32> to vector<1x16xf32>
        tpu.vector_store %arg11[%swap3A_1707, %swap3A_1708], %swap3A_1711 {strides = array<i32>} : memref<208x64xf32, #tpu.memory_space<vmem>>, vector<1x16xf32>,
        %mul3A_1712 = arith.constant 26 : i32
        %mul3A_1713 = arith.muli %scan3A_871, %mul3A_1712 : i32
        %add3A_1714 = arith.constant 21 : i32
        %add3A_1715 = arith.addi %mul3A_1713, %add3A_1714 : i32
        %get3A_1716 = arith.index_cast %add3A_1715 : i32 to index
        %get3A_1717 = arith.constant 0 : index
        %get3A_1718 = tpu.vector_load %arg9[%get3A_1716, %get3A_1717] {strides = array<i32>} : memref<208x128xf32, #tpu.memory_space<vmem>>, vector<1x16xf32>,
        %get3A_1719 = vector.shape_cast %get3A_1718 : vector<1x16xf32> to vector<16xf32>
        %swap3A_1720 = arith.index_cast %add3A_1715 : i32 to index
        %swap3A_1721 = arith.constant 0 : index
        %swap3A_1722 = tpu.vector_load %arg11[%swap3A_1720, %swap3A_1721] {strides = array<i32>} : memref<208x64xf32, #tpu.memory_space<vmem>>, vector<1x16xf32>,
        %swap3A_1723 = vector.shape_cast %swap3A_1722 : vector<1x16xf32> to vector<16xf32>
        %swap3A_1724 = vector.shape_cast %get3A_1719 : vector<16xf32> to vector<1x16xf32>
        tpu.vector_store %arg11[%swap3A_1720, %swap3A_1721], %swap3A_1724 {strides = array<i32>} : memref<208x64xf32, #tpu.memory_space<vmem>>, vector<1x16xf32>,
        %get3A_1725 = arith.index_cast %add3A_1715 : i32 to index
        %get3A_1726 = arith.constant 16 : index
        %get3A_1727 = tpu.vector_load %arg9[%get3A_1725, %get3A_1726] {strides = array<i32>} : memref<208x128xf32, #tpu.memory_space<vmem>>, vector<1x16xf32>,
        %get3A_1728 = vector.shape_cast %get3A_1727 : vector<1x16xf32> to vector<16xf32>
        %swap3A_1729 = arith.index_cast %add3A_1715 : i32 to index
        %swap3A_1730 = arith.constant 16 : index
        %swap3A_1731 = tpu.vector_load %arg11[%swap3A_1729, %swap3A_1730] {strides = array<i32>} : memref<208x64xf32, #tpu.memory_space<vmem>>, vector<1x16xf32>,
        %swap3A_1732 = vector.shape_cast %swap3A_1731 : vector<1x16xf32> to vector<16xf32>
        %swap3A_1733 = vector.shape_cast %get3A_1728 : vector<16xf32> to vector<1x16xf32>
        tpu.vector_store %arg11[%swap3A_1729, %swap3A_1730], %swap3A_1733 {strides = array<i32>} : memref<208x64xf32, #tpu.memory_space<vmem>>, vector<1x16xf32>,
        %get3A_1734 = arith.index_cast %add3A_1715 : i32 to index
        %get3A_1735 = arith.constant 32 : index
        %get3A_1736 = tpu.vector_load %arg9[%get3A_1734, %get3A_1735] {strides = array<i32>} : memref<208x128xf32, #tpu.memory_space<vmem>>, vector<1x16xf32>,
        %get3A_1737 = vector.shape_cast %get3A_1736 : vector<1x16xf32> to vector<16xf32>
        %swap3A_1738 = arith.index_cast %add3A_1715 : i32 to index
        %swap3A_1739 = arith.constant 32 : index
        %swap3A_1740 = tpu.vector_load %arg11[%swap3A_1738, %swap3A_1739] {strides = array<i32>} : memref<208x64xf32, #tpu.memory_space<vmem>>, vector<1x16xf32>,
        %swap3A_1741 = vector.shape_cast %swap3A_1740 : vector<1x16xf32> to vector<16xf32>
        %swap3A_1742 = vector.shape_cast %get3A_1737 : vector<16xf32> to vector<1x16xf32>
        tpu.vector_store %arg11[%swap3A_1738, %swap3A_1739], %swap3A_1742 {strides = array<i32>} : memref<208x64xf32, #tpu.memory_space<vmem>>, vector<1x16xf32>,
        %get3A_1743 = arith.index_cast %add3A_1715 : i32 to index
        %get3A_1744 = arith.constant 48 : index
        %get3A_1745 = tpu.vector_load %arg9[%get3A_1743, %get3A_1744] {strides = array<i32>} : memref<208x128xf32, #tpu.memory_space<vmem>>, vector<1x16xf32>,
        %get3A_1746 = vector.shape_cast %get3A_1745 : vector<1x16xf32> to vector<16xf32>
        %swap3A_1747 = arith.index_cast %add3A_1715 : i32 to index
        %swap3A_1748 = arith.constant 48 : index
        %swap3A_1749 = tpu.vector_load %arg11[%swap3A_1747, %swap3A_1748] {strides = array<i32>} : memref<208x64xf32, #tpu.memory_space<vmem>>, vector<1x16xf32>,
        %swap3A_1750 = vector.shape_cast %swap3A_1749 : vector<1x16xf32> to vector<16xf32>
        %swap3A_1751 = vector.shape_cast %get3A_1746 : vector<16xf32> to vector<1x16xf32>
        tpu.vector_store %arg11[%swap3A_1747, %swap3A_1748], %swap3A_1751 {strides = array<i32>} : memref<208x64xf32, #tpu.memory_space<vmem>>, vector<1x16xf32>,
        %mul3A_1752 = arith.constant 26 : i32
        %mul3A_1753 = arith.muli %scan3A_871, %mul3A_1752 : i32
        %add3A_1754 = arith.constant 22 : i32
        %add3A_1755 = arith.addi %mul3A_1753, %add3A_1754 : i32
        %get3A_1756 = arith.index_cast %add3A_1755 : i32 to index
        %get3A_1757 = arith.constant 0 : index
        %get3A_1758 = tpu.vector_load %arg9[%get3A_1756, %get3A_1757] {strides = array<i32>} : memref<208x128xf32, #tpu.memory_space<vmem>>, vector<1x16xf32>,
        %get3A_1759 = vector.shape_cast %get3A_1758 : vector<1x16xf32> to vector<16xf32>
        %swap3A_1760 = arith.index_cast %add3A_1755 : i32 to index
        %swap3A_1761 = arith.constant 0 : index
        %swap3A_1762 = tpu.vector_load %arg11[%swap3A_1760, %swap3A_1761] {strides = array<i32>} : memref<208x64xf32, #tpu.memory_space<vmem>>, vector<1x16xf32>,
        %swap3A_1763 = vector.shape_cast %swap3A_1762 : vector<1x16xf32> to vector<16xf32>
        %swap3A_1764 = vector.shape_cast %get3A_1759 : vector<16xf32> to vector<1x16xf32>
        tpu.vector_store %arg11[%swap3A_1760, %swap3A_1761], %swap3A_1764 {strides = array<i32>} : memref<208x64xf32, #tpu.memory_space<vmem>>, vector<1x16xf32>,
        %get3A_1765 = arith.index_cast %add3A_1755 : i32 to index
        %get3A_1766 = arith.constant 16 : index
        %get3A_1767 = tpu.vector_load %arg9[%get3A_1765, %get3A_1766] {strides = array<i32>} : memref<208x128xf32, #tpu.memory_space<vmem>>, vector<1x16xf32>,
        %get3A_1768 = vector.shape_cast %get3A_1767 : vector<1x16xf32> to vector<16xf32>
        %swap3A_1769 = arith.index_cast %add3A_1755 : i32 to index
        %swap3A_1770 = arith.constant 16 : index
        %swap3A_1771 = tpu.vector_load %arg11[%swap3A_1769, %swap3A_1770] {strides = array<i32>} : memref<208x64xf32, #tpu.memory_space<vmem>>, vector<1x16xf32>,
        %swap3A_1772 = vector.shape_cast %swap3A_1771 : vector<1x16xf32> to vector<16xf32>
        %swap3A_1773 = vector.shape_cast %get3A_1768 : vector<16xf32> to vector<1x16xf32>
        tpu.vector_store %arg11[%swap3A_1769, %swap3A_1770], %swap3A_1773 {strides = array<i32>} : memref<208x64xf32, #tpu.memory_space<vmem>>, vector<1x16xf32>,
        %get3A_1774 = arith.index_cast %add3A_1755 : i32 to index
        %get3A_1775 = arith.constant 32 : index
        %get3A_1776 = tpu.vector_load %arg9[%get3A_1774, %get3A_1775] {strides = array<i32>} : memref<208x128xf32, #tpu.memory_space<vmem>>, vector<1x16xf32>,
        %get3A_1777 = vector.shape_cast %get3A_1776 : vector<1x16xf32> to vector<16xf32>
        %swap3A_1778 = arith.index_cast %add3A_1755 : i32 to index
        %swap3A_1779 = arith.constant 32 : index
        %swap3A_1780 = tpu.vector_load %arg11[%swap3A_1778, %swap3A_1779] {strides = array<i32>} : memref<208x64xf32, #tpu.memory_space<vmem>>, vector<1x16xf32>,
        %swap3A_1781 = vector.shape_cast %swap3A_1780 : vector<1x16xf32> to vector<16xf32>
        %swap3A_1782 = vector.shape_cast %get3A_1777 : vector<16xf32> to vector<1x16xf32>
        tpu.vector_store %arg11[%swap3A_1778, %swap3A_1779], %swap3A_1782 {strides = array<i32>} : memref<208x64xf32, #tpu.memory_space<vmem>>, vector<1x16xf32>,
        %get3A_1783 = arith.index_cast %add3A_1755 : i32 to index
        %get3A_1784 = arith.constant 48 : index
        %get3A_1785 = tpu.vector_load %arg9[%get3A_1783, %get3A_1784] {strides = array<i32>} : memref<208x128xf32, #tpu.memory_space<vmem>>, vector<1x16xf32>,
        %get3A_1786 = vector.shape_cast %get3A_1785 : vector<1x16xf32> to vector<16xf32>
        %swap3A_1787 = arith.index_cast %add3A_1755 : i32 to index
        %swap3A_1788 = arith.constant 48 : index
        %swap3A_1789 = tpu.vector_load %arg11[%swap3A_1787, %swap3A_1788] {strides = array<i32>} : memref<208x64xf32, #tpu.memory_space<vmem>>, vector<1x16xf32>,
        %swap3A_1790 = vector.shape_cast %swap3A_1789 : vector<1x16xf32> to vector<16xf32>
        %swap3A_1791 = vector.shape_cast %get3A_1786 : vector<16xf32> to vector<1x16xf32>
        tpu.vector_store %arg11[%swap3A_1787, %swap3A_1788], %swap3A_1791 {strides = array<i32>} : memref<208x64xf32, #tpu.memory_space<vmem>>, vector<1x16xf32>,
        %mul3A_1792 = arith.constant 26 : i32
        %mul3A_1793 = arith.muli %scan3A_871, %mul3A_1792 : i32
        %add3A_1794 = arith.constant 23 : i32
        %add3A_1795 = arith.addi %mul3A_1793, %add3A_1794 : i32
        %get3A_1796 = arith.index_cast %add3A_1795 : i32 to index
        %get3A_1797 = arith.constant 0 : index
        %get3A_1798 = tpu.vector_load %arg9[%get3A_1796, %get3A_1797] {strides = array<i32>} : memref<208x128xf32, #tpu.memory_space<vmem>>, vector<1x16xf32>,
        %get3A_1799 = vector.shape_cast %get3A_1798 : vector<1x16xf32> to vector<16xf32>
        %swap3A_1800 = arith.index_cast %add3A_1795 : i32 to index
        %swap3A_1801 = arith.constant 0 : index
        %swap3A_1802 = tpu.vector_load %arg11[%swap3A_1800, %swap3A_1801] {strides = array<i32>} : memref<208x64xf32, #tpu.memory_space<vmem>>, vector<1x16xf32>,
        %swap3A_1803 = vector.shape_cast %swap3A_1802 : vector<1x16xf32> to vector<16xf32>
        %swap3A_1804 = vector.shape_cast %get3A_1799 : vector<16xf32> to vector<1x16xf32>
        tpu.vector_store %arg11[%swap3A_1800, %swap3A_1801], %swap3A_1804 {strides = array<i32>} : memref<208x64xf32, #tpu.memory_space<vmem>>, vector<1x16xf32>,
        %get3A_1805 = arith.index_cast %add3A_1795 : i32 to index
        %get3A_1806 = arith.constant 16 : index
        %get3A_1807 = tpu.vector_load %arg9[%get3A_1805, %get3A_1806] {strides = array<i32>} : memref<208x128xf32, #tpu.memory_space<vmem>>, vector<1x16xf32>,
        %get3A_1808 = vector.shape_cast %get3A_1807 : vector<1x16xf32> to vector<16xf32>
        %swap3A_1809 = arith.index_cast %add3A_1795 : i32 to index
        %swap3A_1810 = arith.constant 16 : index
        %swap3A_1811 = tpu.vector_load %arg11[%swap3A_1809, %swap3A_1810] {strides = array<i32>} : memref<208x64xf32, #tpu.memory_space<vmem>>, vector<1x16xf32>,
        %swap3A_1812 = vector.shape_cast %swap3A_1811 : vector<1x16xf32> to vector<16xf32>
        %swap3A_1813 = vector.shape_cast %get3A_1808 : vector<16xf32> to vector<1x16xf32>
        tpu.vector_store %arg11[%swap3A_1809, %swap3A_1810], %swap3A_1813 {strides = array<i32>} : memref<208x64xf32, #tpu.memory_space<vmem>>, vector<1x16xf32>,
        %get3A_1814 = arith.index_cast %add3A_1795 : i32 to index
        %get3A_1815 = arith.constant 32 : index
        %get3A_1816 = tpu.vector_load %arg9[%get3A_1814, %get3A_1815] {strides = array<i32>} : memref<208x128xf32, #tpu.memory_space<vmem>>, vector<1x16xf32>,
        %get3A_1817 = vector.shape_cast %get3A_1816 : vector<1x16xf32> to vector<16xf32>
        %swap3A_1818 = arith.index_cast %add3A_1795 : i32 to index
        %swap3A_1819 = arith.constant 32 : index
        %swap3A_1820 = tpu.vector_load %arg11[%swap3A_1818, %swap3A_1819] {strides = array<i32>} : memref<208x64xf32, #tpu.memory_space<vmem>>, vector<1x16xf32>,
        %swap3A_1821 = vector.shape_cast %swap3A_1820 : vector<1x16xf32> to vector<16xf32>
        %swap3A_1822 = vector.shape_cast %get3A_1817 : vector<16xf32> to vector<1x16xf32>
        tpu.vector_store %arg11[%swap3A_1818, %swap3A_1819], %swap3A_1822 {strides = array<i32>} : memref<208x64xf32, #tpu.memory_space<vmem>>, vector<1x16xf32>,
        %get3A_1823 = arith.index_cast %add3A_1795 : i32 to index
        %get3A_1824 = arith.constant 48 : index
        %get3A_1825 = tpu.vector_load %arg9[%get3A_1823, %get3A_1824] {strides = array<i32>} : memref<208x128xf32, #tpu.memory_space<vmem>>, vector<1x16xf32>,
        %get3A_1826 = vector.shape_cast %get3A_1825 : vector<1x16xf32> to vector<16xf32>
        %swap3A_1827 = arith.index_cast %add3A_1795 : i32 to index
        %swap3A_1828 = arith.constant 48 : index
        %swap3A_1829 = tpu.vector_load %arg11[%swap3A_1827, %swap3A_1828] {strides = array<i32>} : memref<208x64xf32, #tpu.memory_space<vmem>>, vector<1x16xf32>,
        %swap3A_1830 = vector.shape_cast %swap3A_1829 : vector<1x16xf32> to vector<16xf32>
        %swap3A_1831 = vector.shape_cast %get3A_1826 : vector<16xf32> to vector<1x16xf32>
        tpu.vector_store %arg11[%swap3A_1827, %swap3A_1828], %swap3A_1831 {strides = array<i32>} : memref<208x64xf32, #tpu.memory_space<vmem>>, vector<1x16xf32>,
        %mul3A_1832 = arith.constant 26 : i32
        %mul3A_1833 = arith.muli %scan3A_871, %mul3A_1832 : i32
        %add3A_1834 = arith.constant 24 : i32
        %add3A_1835 = arith.addi %mul3A_1833, %add3A_1834 : i32
        %get3A_1836 = arith.index_cast %add3A_1835 : i32 to index
        %get3A_1837 = arith.constant 0 : index
        %get3A_1838 = tpu.vector_load %arg9[%get3A_1836, %get3A_1837] {strides = array<i32>} : memref<208x128xf32, #tpu.memory_space<vmem>>, vector<1x16xf32>,
        %get3A_1839 = vector.shape_cast %get3A_1838 : vector<1x16xf32> to vector<16xf32>
        %swap3A_1840 = arith.index_cast %add3A_1835 : i32 to index
        %swap3A_1841 = arith.constant 0 : index
        %swap3A_1842 = tpu.vector_load %arg11[%swap3A_1840, %swap3A_1841] {strides = array<i32>} : memref<208x64xf32, #tpu.memory_space<vmem>>, vector<1x16xf32>,
        %swap3A_1843 = vector.shape_cast %swap3A_1842 : vector<1x16xf32> to vector<16xf32>
        %swap3A_1844 = vector.shape_cast %get3A_1839 : vector<16xf32> to vector<1x16xf32>
        tpu.vector_store %arg11[%swap3A_1840, %swap3A_1841], %swap3A_1844 {strides = array<i32>} : memref<208x64xf32, #tpu.memory_space<vmem>>, vector<1x16xf32>,
        %get3A_1845 = arith.index_cast %add3A_1835 : i32 to index
        %get3A_1846 = arith.constant 16 : index
        %get3A_1847 = tpu.vector_load %arg9[%get3A_1845, %get3A_1846] {strides = array<i32>} : memref<208x128xf32, #tpu.memory_space<vmem>>, vector<1x16xf32>,
        %get3A_1848 = vector.shape_cast %get3A_1847 : vector<1x16xf32> to vector<16xf32>
        %swap3A_1849 = arith.index_cast %add3A_1835 : i32 to index
        %swap3A_1850 = arith.constant 16 : index
        %swap3A_1851 = tpu.vector_load %arg11[%swap3A_1849, %swap3A_1850] {strides = array<i32>} : memref<208x64xf32, #tpu.memory_space<vmem>>, vector<1x16xf32>,
        %swap3A_1852 = vector.shape_cast %swap3A_1851 : vector<1x16xf32> to vector<16xf32>
        %swap3A_1853 = vector.shape_cast %get3A_1848 : vector<16xf32> to vector<1x16xf32>
        tpu.vector_store %arg11[%swap3A_1849, %swap3A_1850], %swap3A_1853 {strides = array<i32>} : memref<208x64xf32, #tpu.memory_space<vmem>>, vector<1x16xf32>,
        %get3A_1854 = arith.index_cast %add3A_1835 : i32 to index
        %get3A_1855 = arith.constant 32 : index
        %get3A_1856 = tpu.vector_load %arg9[%get3A_1854, %get3A_1855] {strides = array<i32>} : memref<208x128xf32, #tpu.memory_space<vmem>>, vector<1x16xf32>,
        %get3A_1857 = vector.shape_cast %get3A_1856 : vector<1x16xf32> to vector<16xf32>
        %swap3A_1858 = arith.index_cast %add3A_1835 : i32 to index
        %swap3A_1859 = arith.constant 32 : index
        %swap3A_1860 = tpu.vector_load %arg11[%swap3A_1858, %swap3A_1859] {strides = array<i32>} : memref<208x64xf32, #tpu.memory_space<vmem>>, vector<1x16xf32>,
        %swap3A_1861 = vector.shape_cast %swap3A_1860 : vector<1x16xf32> to vector<16xf32>
        %swap3A_1862 = vector.shape_cast %get3A_1857 : vector<16xf32> to vector<1x16xf32>
        tpu.vector_store %arg11[%swap3A_1858, %swap3A_1859], %swap3A_1862 {strides = array<i32>} : memref<208x64xf32, #tpu.memory_space<vmem>>, vector<1x16xf32>,
        %get3A_1863 = arith.index_cast %add3A_1835 : i32 to index
        %get3A_1864 = arith.constant 48 : index
        %get3A_1865 = tpu.vector_load %arg9[%get3A_1863, %get3A_1864] {strides = array<i32>} : memref<208x128xf32, #tpu.memory_space<vmem>>, vector<1x16xf32>,
        %get3A_1866 = vector.shape_cast %get3A_1865 : vector<1x16xf32> to vector<16xf32>
        %swap3A_1867 = arith.index_cast %add3A_1835 : i32 to index
        %swap3A_1868 = arith.constant 48 : index
        %swap3A_1869 = tpu.vector_load %arg11[%swap3A_1867, %swap3A_1868] {strides = array<i32>} : memref<208x64xf32, #tpu.memory_space<vmem>>, vector<1x16xf32>,
        %swap3A_1870 = vector.shape_cast %swap3A_1869 : vector<1x16xf32> to vector<16xf32>
        %swap3A_1871 = vector.shape_cast %get3A_1866 : vector<16xf32> to vector<1x16xf32>
        tpu.vector_store %arg11[%swap3A_1867, %swap3A_1868], %swap3A_1871 {strides = array<i32>} : memref<208x64xf32, #tpu.memory_space<vmem>>, vector<1x16xf32>,
        %mul3A_1872 = arith.constant 26 : i32
        %mul3A_1873 = arith.muli %scan3A_871, %mul3A_1872 : i32
        %add3A_1874 = arith.constant 25 : i32
        %add3A_1875 = arith.addi %mul3A_1873, %add3A_1874 : i32
        %get3A_1876 = arith.index_cast %add3A_1875 : i32 to index
        %get3A_1877 = arith.constant 0 : index
        %get3A_1878 = tpu.vector_load %arg9[%get3A_1876, %get3A_1877] {strides = array<i32>} : memref<208x128xf32, #tpu.memory_space<vmem>>, vector<1x16xf32>,
        %get3A_1879 = vector.shape_cast %get3A_1878 : vector<1x16xf32> to vector<16xf32>
        %swap3A_1880 = arith.index_cast %add3A_1875 : i32 to index
        %swap3A_1881 = arith.constant 0 : index
        %swap3A_1882 = tpu.vector_load %arg11[%swap3A_1880, %swap3A_1881] {strides = array<i32>} : memref<208x64xf32, #tpu.memory_space<vmem>>, vector<1x16xf32>,
        %swap3A_1883 = vector.shape_cast %swap3A_1882 : vector<1x16xf32> to vector<16xf32>
        %swap3A_1884 = vector.shape_cast %get3A_1879 : vector<16xf32> to vector<1x16xf32>
        tpu.vector_store %arg11[%swap3A_1880, %swap3A_1881], %swap3A_1884 {strides = array<i32>} : memref<208x64xf32, #tpu.memory_space<vmem>>, vector<1x16xf32>,
        %get3A_1885 = arith.index_cast %add3A_1875 : i32 to index
        %get3A_1886 = arith.constant 16 : index
        %get3A_1887 = tpu.vector_load %arg9[%get3A_1885, %get3A_1886] {strides = array<i32>} : memref<208x128xf32, #tpu.memory_space<vmem>>, vector<1x16xf32>,
        %get3A_1888 = vector.shape_cast %get3A_1887 : vector<1x16xf32> to vector<16xf32>
        %swap3A_1889 = arith.index_cast %add3A_1875 : i32 to index
        %swap3A_1890 = arith.constant 16 : index
        %swap3A_1891 = tpu.vector_load %arg11[%swap3A_1889, %swap3A_1890] {strides = array<i32>} : memref<208x64xf32, #tpu.memory_space<vmem>>, vector<1x16xf32>,
        %swap3A_1892 = vector.shape_cast %swap3A_1891 : vector<1x16xf32> to vector<16xf32>
        %swap3A_1893 = vector.shape_cast %get3A_1888 : vector<16xf32> to vector<1x16xf32>
        tpu.vector_store %arg11[%swap3A_1889, %swap3A_1890], %swap3A_1893 {strides = array<i32>} : memref<208x64xf32, #tpu.memory_space<vmem>>, vector<1x16xf32>,
        %get3A_1894 = arith.index_cast %add3A_1875 : i32 to index
        %get3A_1895 = arith.constant 32 : index
        %get3A_1896 = tpu.vector_load %arg9[%get3A_1894, %get3A_1895] {strides = array<i32>} : memref<208x128xf32, #tpu.memory_space<vmem>>, vector<1x16xf32>,
        %get3A_1897 = vector.shape_cast %get3A_1896 : vector<1x16xf32> to vector<16xf32>
        %swap3A_1898 = arith.index_cast %add3A_1875 : i32 to index
        %swap3A_1899 = arith.constant 32 : index
        %swap3A_1900 = tpu.vector_load %arg11[%swap3A_1898, %swap3A_1899] {strides = array<i32>} : memref<208x64xf32, #tpu.memory_space<vmem>>, vector<1x16xf32>,
        %swap3A_1901 = vector.shape_cast %swap3A_1900 : vector<1x16xf32> to vector<16xf32>
        %swap3A_1902 = vector.shape_cast %get3A_1897 : vector<16xf32> to vector<1x16xf32>
        tpu.vector_store %arg11[%swap3A_1898, %swap3A_1899], %swap3A_1902 {strides = array<i32>} : memref<208x64xf32, #tpu.memory_space<vmem>>, vector<1x16xf32>,
        %get3A_1903 = arith.index_cast %add3A_1875 : i32 to index
        %get3A_1904 = arith.constant 48 : index
        %get3A_1905 = tpu.vector_load %arg9[%get3A_1903, %get3A_1904] {strides = array<i32>} : memref<208x128xf32, #tpu.memory_space<vmem>>, vector<1x16xf32>,
        %get3A_1906 = vector.shape_cast %get3A_1905 : vector<1x16xf32> to vector<16xf32>
        %swap3A_1907 = arith.index_cast %add3A_1875 : i32 to index
        %swap3A_1908 = arith.constant 48 : index
        %swap3A_1909 = tpu.vector_load %arg11[%swap3A_1907, %swap3A_1908] {strides = array<i32>} : memref<208x64xf32, #tpu.memory_space<vmem>>, vector<1x16xf32>,
        %swap3A_1910 = vector.shape_cast %swap3A_1909 : vector<1x16xf32> to vector<16xf32>
        %swap3A_1911 = vector.shape_cast %get3A_1906 : vector<16xf32> to vector<1x16xf32>
        tpu.vector_store %arg11[%swap3A_1907, %swap3A_1908], %swap3A_1911 {strides = array<i32>} : memref<208x64xf32, #tpu.memory_space<vmem>>, vector<1x16xf32>,
      }
      %scan3A_580 = arith.constant 8 : i32
      %add3A_581 = arith.constant 0 : i32
      %add3A_582 = arith.addi %add3A_569, %add3A_581 : i32
      %dma_start3A_583 = arith.constant 0 : i32
      %dma_start3A_584 = arith.constant 0 : i32
      %dma_start3A_585 = tpu.memref_slice %arg11[%dma_start3A_583, %dma_start3A_584] : memref<208x64xf32, #tpu.memory_space<vmem>> -> memref<26x64xf32, #tpu.memory_space<vmem>>
      %dma_start3A_586 = arith.constant 0 : i32
      %dma_start3A_587 = arith.constant 0 : i32
      %dma_start3A_588 = tpu.memref_slice %arg4[%add3A_582, %dma_start3A_586, %dma_start3A_587] : memref<16384x26x64xf32, #tpu.memory_space<hbm>> -> memref<1x26x64xf32, #tpu.memory_space<hbm>>
      %dma_start3A_589 = tpu.memref_squeeze %dma_start3A_588 : memref<1x26x64xf32, #tpu.memory_space<hbm>> -> memref<26x64xf32, #tpu.memory_space<hbm>>
      %dma_start3A_590 = arith.constant 0 : i32
      %dma_start3A_591 = arith.constant 0 : i32
      %dma_start3A_592 = tpu.memref_slice %arg4[%add3A_582, %dma_start3A_590, %dma_start3A_591] : memref<16384x26x64xf32, #tpu.memory_space<hbm>> -> memref<1x26x64xf32, #tpu.memory_space<hbm>>
      %dma_start3A_593 = tpu.memref_squeeze %dma_start3A_592 : memref<1x26x64xf32, #tpu.memory_space<hbm>> -> memref<26x64xf32, #tpu.memory_space<hbm>>
      %dma_start3A_594 = arith.constant 0 : i32
      %dma_start3A_595 = arith.constant 0 : i32
      %dma_start3A_596 = tpu.memref_slice %arg11[%dma_start3A_594, %dma_start3A_595] : memref<208x64xf32, #tpu.memory_space<vmem>> -> memref<26x64xf32, #tpu.memory_space<vmem>>
      tpu.enqueue_dma source(%dma_start3A_596 : memref<26x64xf32, #tpu.memory_space<vmem>>) target(%dma_start3A_593 : memref<26x64xf32, #tpu.memory_space<hbm>>) target_semaphore(%arg15 : memref<!tpu.dma_semaphore, #tpu.memory_space<semaphore_mem>>)
      %add3A_597 = arith.constant 1 : i32
      %add3A_598 = arith.addi %add3A_569, %add3A_597 : i32
      %dma_start3A_599 = arith.constant 26 : i32
      %dma_start3A_600 = arith.constant 0 : i32
      %dma_start3A_601 = tpu.memref_slice %arg11[%dma_start3A_599, %dma_start3A_600] : memref<208x64xf32, #tpu.memory_space<vmem>> -> memref<26x64xf32, #tpu.memory_space<vmem>>
      %dma_start3A_602 = arith.constant 0 : i32
      %dma_start3A_603 = arith.constant 0 : i32
      %dma_start3A_604 = tpu.memref_slice %arg4[%add3A_598, %dma_start3A_602, %dma_start3A_603] : memref<16384x26x64xf32, #tpu.memory_space<hbm>> -> memref<1x26x64xf32, #tpu.memory_space<hbm>>
      %dma_start3A_605 = tpu.memref_squeeze %dma_start3A_604 : memref<1x26x64xf32, #tpu.memory_space<hbm>> -> memref<26x64xf32, #tpu.memory_space<hbm>>
      %dma_start3A_606 = arith.constant 0 : i32
      %dma_start3A_607 = arith.constant 0 : i32
      %dma_start3A_608 = tpu.memref_slice %arg4[%add3A_598, %dma_start3A_606, %dma_start3A_607] : memref<16384x26x64xf32, #tpu.memory_space<hbm>> -> memref<1x26x64xf32, #tpu.memory_space<hbm>>
      %dma_start3A_609 = tpu.memref_squeeze %dma_start3A_608 : memref<1x26x64xf32, #tpu.memory_space<hbm>> -> memref<26x64xf32, #tpu.memory_space<hbm>>
      %dma_start3A_610 = arith.constant 26 : i32
      %dma_start3A_611 = arith.constant 0 : i32
      %dma_start3A_612 = tpu.memref_slice %arg11[%dma_start3A_610, %dma_start3A_611] : memref<208x64xf32, #tpu.memory_space<vmem>> -> memref<26x64xf32, #tpu.memory_space<vmem>>
      tpu.enqueue_dma source(%dma_start3A_612 : memref<26x64xf32, #tpu.memory_space<vmem>>) target(%dma_start3A_609 : memref<26x64xf32, #tpu.memory_space<hbm>>) target_semaphore(%arg15 : memref<!tpu.dma_semaphore, #tpu.memory_space<semaphore_mem>>)
      %add3A_613 = arith.constant 2 : i32
      %add3A_614 = arith.addi %add3A_569, %add3A_613 : i32
      %dma_start3A_615 = arith.constant 52 : i32
      %dma_start3A_616 = arith.constant 0 : i32
      %dma_start3A_617 = tpu.memref_slice %arg11[%dma_start3A_615, %dma_start3A_616] : memref<208x64xf32, #tpu.memory_space<vmem>> -> memref<26x64xf32, #tpu.memory_space<vmem>>
      %dma_start3A_618 = arith.constant 0 : i32
      %dma_start3A_619 = arith.constant 0 : i32
      %dma_start3A_620 = tpu.memref_slice %arg4[%add3A_614, %dma_start3A_618, %dma_start3A_619] : memref<16384x26x64xf32, #tpu.memory_space<hbm>> -> memref<1x26x64xf32, #tpu.memory_space<hbm>>
      %dma_start3A_621 = tpu.memref_squeeze %dma_start3A_620 : memref<1x26x64xf32, #tpu.memory_space<hbm>> -> memref<26x64xf32, #tpu.memory_space<hbm>>
      %dma_start3A_622 = arith.constant 0 : i32
      %dma_start3A_623 = arith.constant 0 : i32
      %dma_start3A_624 = tpu.memref_slice %arg4[%add3A_614, %dma_start3A_622, %dma_start3A_623] : memref<16384x26x64xf32, #tpu.memory_space<hbm>> -> memref<1x26x64xf32, #tpu.memory_space<hbm>>
      %dma_start3A_625 = tpu.memref_squeeze %dma_start3A_624 : memref<1x26x64xf32, #tpu.memory_space<hbm>> -> memref<26x64xf32, #tpu.memory_space<hbm>>
      %dma_start3A_626 = arith.constant 52 : i32
      %dma_start3A_627 = arith.constant 0 : i32
      %dma_start3A_628 = tpu.memref_slice %arg11[%dma_start3A_626, %dma_start3A_627] : memref<208x64xf32, #tpu.memory_space<vmem>> -> memref<26x64xf32, #tpu.memory_space<vmem>>
      tpu.enqueue_dma source(%dma_start3A_628 : memref<26x64xf32, #tpu.memory_space<vmem>>) target(%dma_start3A_625 : memref<26x64xf32, #tpu.memory_space<hbm>>) target_semaphore(%arg15 : memref<!tpu.dma_semaphore, #tpu.memory_space<semaphore_mem>>)
      %add3A_629 = arith.constant 3 : i32
      %add3A_630 = arith.addi %add3A_569, %add3A_629 : i32
      %dma_start3A_631 = arith.constant 78 : i32
      %dma_start3A_632 = arith.constant 0 : i32
      %dma_start3A_633 = tpu.memref_slice %arg11[%dma_start3A_631, %dma_start3A_632] : memref<208x64xf32, #tpu.memory_space<vmem>> -> memref<26x64xf32, #tpu.memory_space<vmem>>
      %dma_start3A_634 = arith.constant 0 : i32
      %dma_start3A_635 = arith.constant 0 : i32
      %dma_start3A_636 = tpu.memref_slice %arg4[%add3A_630, %dma_start3A_634, %dma_start3A_635] : memref<16384x26x64xf32, #tpu.memory_space<hbm>> -> memref<1x26x64xf32, #tpu.memory_space<hbm>>
      %dma_start3A_637 = tpu.memref_squeeze %dma_start3A_636 : memref<1x26x64xf32, #tpu.memory_space<hbm>> -> memref<26x64xf32, #tpu.memory_space<hbm>>
      %dma_start3A_638 = arith.constant 0 : i32
      %dma_start3A_639 = arith.constant 0 : i32
      %dma_start3A_640 = tpu.memref_slice %arg4[%add3A_630, %dma_start3A_638, %dma_start3A_639] : memref<16384x26x64xf32, #tpu.memory_space<hbm>> -> memref<1x26x64xf32, #tpu.memory_space<hbm>>
      %dma_start3A_641 = tpu.memref_squeeze %dma_start3A_640 : memref<1x26x64xf32, #tpu.memory_space<hbm>> -> memref<26x64xf32, #tpu.memory_space<hbm>>
      %dma_start3A_642 = arith.constant 78 : i32
      %dma_start3A_643 = arith.constant 0 : i32
      %dma_start3A_644 = tpu.memref_slice %arg11[%dma_start3A_642, %dma_start3A_643] : memref<208x64xf32, #tpu.memory_space<vmem>> -> memref<26x64xf32, #tpu.memory_space<vmem>>
      tpu.enqueue_dma source(%dma_start3A_644 : memref<26x64xf32, #tpu.memory_space<vmem>>) target(%dma_start3A_641 : memref<26x64xf32, #tpu.memory_space<hbm>>) target_semaphore(%arg15 : memref<!tpu.dma_semaphore, #tpu.memory_space<semaphore_mem>>)
      %add3A_645 = arith.constant 4 : i32
      %add3A_646 = arith.addi %add3A_569, %add3A_645 : i32
      %dma_start3A_647 = arith.constant 104 : i32
      %dma_start3A_648 = arith.constant 0 : i32
      %dma_start3A_649 = tpu.memref_slice %arg11[%dma_start3A_647, %dma_start3A_648] : memref<208x64xf32, #tpu.memory_space<vmem>> -> memref<26x64xf32, #tpu.memory_space<vmem>>
      %dma_start3A_650 = arith.constant 0 : i32
      %dma_start3A_651 = arith.constant 0 : i32
      %dma_start3A_652 = tpu.memref_slice %arg4[%add3A_646, %dma_start3A_650, %dma_start3A_651] : memref<16384x26x64xf32, #tpu.memory_space<hbm>> -> memref<1x26x64xf32, #tpu.memory_space<hbm>>
      %dma_start3A_653 = tpu.memref_squeeze %dma_start3A_652 : memref<1x26x64xf32, #tpu.memory_space<hbm>> -> memref<26x64xf32, #tpu.memory_space<hbm>>
      %dma_start3A_654 = arith.constant 0 : i32
      %dma_start3A_655 = arith.constant 0 : i32
      %dma_start3A_656 = tpu.memref_slice %arg4[%add3A_646, %dma_start3A_654, %dma_start3A_655] : memref<16384x26x64xf32, #tpu.memory_space<hbm>> -> memref<1x26x64xf32, #tpu.memory_space<hbm>>
      %dma_start3A_657 = tpu.memref_squeeze %dma_start3A_656 : memref<1x26x64xf32, #tpu.memory_space<hbm>> -> memref<26x64xf32, #tpu.memory_space<hbm>>
      %dma_start3A_658 = arith.constant 104 : i32
      %dma_start3A_659 = arith.constant 0 : i32
      %dma_start3A_660 = tpu.memref_slice %arg11[%dma_start3A_658, %dma_start3A_659] : memref<208x64xf32, #tpu.memory_space<vmem>> -> memref<26x64xf32, #tpu.memory_space<vmem>>
      tpu.enqueue_dma source(%dma_start3A_660 : memref<26x64xf32, #tpu.memory_space<vmem>>) target(%dma_start3A_657 : memref<26x64xf32, #tpu.memory_space<hbm>>) target_semaphore(%arg15 : memref<!tpu.dma_semaphore, #tpu.memory_space<semaphore_mem>>)
      %add3A_661 = arith.constant 5 : i32
      %add3A_662 = arith.addi %add3A_569, %add3A_661 : i32
      %dma_start3A_663 = arith.constant 130 : i32
      %dma_start3A_664 = arith.constant 0 : i32
      %dma_start3A_665 = tpu.memref_slice %arg11[%dma_start3A_663, %dma_start3A_664] : memref<208x64xf32, #tpu.memory_space<vmem>> -> memref<26x64xf32, #tpu.memory_space<vmem>>
      %dma_start3A_666 = arith.constant 0 : i32
      %dma_start3A_667 = arith.constant 0 : i32
      %dma_start3A_668 = tpu.memref_slice %arg4[%add3A_662, %dma_start3A_666, %dma_start3A_667] : memref<16384x26x64xf32, #tpu.memory_space<hbm>> -> memref<1x26x64xf32, #tpu.memory_space<hbm>>
      %dma_start3A_669 = tpu.memref_squeeze %dma_start3A_668 : memref<1x26x64xf32, #tpu.memory_space<hbm>> -> memref<26x64xf32, #tpu.memory_space<hbm>>
      %dma_start3A_670 = arith.constant 0 : i32
      %dma_start3A_671 = arith.constant 0 : i32
      %dma_start3A_672 = tpu.memref_slice %arg4[%add3A_662, %dma_start3A_670, %dma_start3A_671] : memref<16384x26x64xf32, #tpu.memory_space<hbm>> -> memref<1x26x64xf32, #tpu.memory_space<hbm>>
      %dma_start3A_673 = tpu.memref_squeeze %dma_start3A_672 : memref<1x26x64xf32, #tpu.memory_space<hbm>> -> memref<26x64xf32, #tpu.memory_space<hbm>>
      %dma_start3A_674 = arith.constant 130 : i32
      %dma_start3A_675 = arith.constant 0 : i32
      %dma_start3A_676 = tpu.memref_slice %arg11[%dma_start3A_674, %dma_start3A_675] : memref<208x64xf32, #tpu.memory_space<vmem>> -> memref<26x64xf32, #tpu.memory_space<vmem>>
      tpu.enqueue_dma source(%dma_start3A_676 : memref<26x64xf32, #tpu.memory_space<vmem>>) target(%dma_start3A_673 : memref<26x64xf32, #tpu.memory_space<hbm>>) target_semaphore(%arg15 : memref<!tpu.dma_semaphore, #tpu.memory_space<semaphore_mem>>)
      %add3A_677 = arith.constant 6 : i32
      %add3A_678 = arith.addi %add3A_569, %add3A_677 : i32
      %dma_start3A_679 = arith.constant 156 : i32
      %dma_start3A_680 = arith.constant 0 : i32
      %dma_start3A_681 = tpu.memref_slice %arg11[%dma_start3A_679, %dma_start3A_680] : memref<208x64xf32, #tpu.memory_space<vmem>> -> memref<26x64xf32, #tpu.memory_space<vmem>>
      %dma_start3A_682 = arith.constant 0 : i32
      %dma_start3A_683 = arith.constant 0 : i32
      %dma_start3A_684 = tpu.memref_slice %arg4[%add3A_678, %dma_start3A_682, %dma_start3A_683] : memref<16384x26x64xf32, #tpu.memory_space<hbm>> -> memref<1x26x64xf32, #tpu.memory_space<hbm>>
      %dma_start3A_685 = tpu.memref_squeeze %dma_start3A_684 : memref<1x26x64xf32, #tpu.memory_space<hbm>> -> memref<26x64xf32, #tpu.memory_space<hbm>>
      %dma_start3A_686 = arith.constant 0 : i32
      %dma_start3A_687 = arith.constant 0 : i32
      %dma_start3A_688 = tpu.memref_slice %arg4[%add3A_678, %dma_start3A_686, %dma_start3A_687] : memref<16384x26x64xf32, #tpu.memory_space<hbm>> -> memref<1x26x64xf32, #tpu.memory_space<hbm>>
      %dma_start3A_689 = tpu.memref_squeeze %dma_start3A_688 : memref<1x26x64xf32, #tpu.memory_space<hbm>> -> memref<26x64xf32, #tpu.memory_space<hbm>>
      %dma_start3A_690 = arith.constant 156 : i32
      %dma_start3A_691 = arith.constant 0 : i32
      %dma_start3A_692 = tpu.memref_slice %arg11[%dma_start3A_690, %dma_start3A_691] : memref<208x64xf32, #tpu.memory_space<vmem>> -> memref<26x64xf32, #tpu.memory_space<vmem>>
      tpu.enqueue_dma source(%dma_start3A_692 : memref<26x64xf32, #tpu.memory_space<vmem>>) target(%dma_start3A_689 : memref<26x64xf32, #tpu.memory_space<hbm>>) target_semaphore(%arg15 : memref<!tpu.dma_semaphore, #tpu.memory_space<semaphore_mem>>)
      %add3A_693 = arith.constant 7 : i32
      %add3A_694 = arith.addi %add3A_569, %add3A_693 : i32
      %dma_start3A_695 = arith.constant 182 : i32
      %dma_start3A_696 = arith.constant 0 : i32
      %dma_start3A_697 = tpu.memref_slice %arg11[%dma_start3A_695, %dma_start3A_696] : memref<208x64xf32, #tpu.memory_space<vmem>> -> memref<26x64xf32, #tpu.memory_space<vmem>>
      %dma_start3A_698 = arith.constant 0 : i32
      %dma_start3A_699 = arith.constant 0 : i32
      %dma_start3A_700 = tpu.memref_slice %arg4[%add3A_694, %dma_start3A_698, %dma_start3A_699] : memref<16384x26x64xf32, #tpu.memory_space<hbm>> -> memref<1x26x64xf32, #tpu.memory_space<hbm>>
      %dma_start3A_701 = tpu.memref_squeeze %dma_start3A_700 : memref<1x26x64xf32, #tpu.memory_space<hbm>> -> memref<26x64xf32, #tpu.memory_space<hbm>>
      %dma_start3A_702 = arith.constant 0 : i32
      %dma_start3A_703 = arith.constant 0 : i32
      %dma_start3A_704 = tpu.memref_slice %arg4[%add3A_694, %dma_start3A_702, %dma_start3A_703] : memref<16384x26x64xf32, #tpu.memory_space<hbm>> -> memref<1x26x64xf32, #tpu.memory_space<hbm>>
      %dma_start3A_705 = tpu.memref_squeeze %dma_start3A_704 : memref<1x26x64xf32, #tpu.memory_space<hbm>> -> memref<26x64xf32, #tpu.memory_space<hbm>>
      %dma_start3A_706 = arith.constant 182 : i32
      %dma_start3A_707 = arith.constant 0 : i32
      %dma_start3A_708 = tpu.memref_slice %arg11[%dma_start3A_706, %dma_start3A_707] : memref<208x64xf32, #tpu.memory_space<vmem>> -> memref<26x64xf32, #tpu.memory_space<vmem>>
      tpu.enqueue_dma source(%dma_start3A_708 : memref<26x64xf32, #tpu.memory_space<vmem>>) target(%dma_start3A_705 : memref<26x64xf32, #tpu.memory_space<hbm>>) target_semaphore(%arg15 : memref<!tpu.dma_semaphore, #tpu.memory_space<semaphore_mem>>)
      %add3A_709 = arith.constant 2 : i32
      %add3A_710 = arith.addi %add3A_566, %add3A_709 : i32
      %lt3A = arith.constant 64 : i32
      %lt3A_711 = arith.cmpi slt, %add3A_710, %lt3A : i32
      %convert_element_type3A_712 = arith.extui %lt3A_711 : i1 to i32
      %cond3A_713 = arith.constant 0 : i32
      %cond3A_714 = arith.cmpi ne, %convert_element_type3A_712, %cond3A_713 : i32
      scf.if %cond3A_714 {
        %add3A_871 = arith.constant 2 : i32
        %add3A_872 = arith.addi %add3A_566, %add3A_871 : i32
        %mul3A_873 = arith.constant 8 : i32
        %mul3A_874 = arith.muli %add3A_872, %mul3A_873 : i32
        %add3A_875 = arith.addi %mul3A_2, %mul3A_874 : i32
        "tpu.region"() ({
          %run_scoped3A = tpu.sem_alloc : memref<!tpu.dma_semaphore, #tpu.memory_space<semaphore_mem>>
          %dma_start3A_1023 = arith.constant 0 : i32
          %dma_start3A_1024 = tpu.memref_slice %arg2[%add3A_875, %dma_start3A_1023] : memref<16384x26xi32, #tpu.memory_space<hbm>> -> memref<8x26xi32, #tpu.memory_space<hbm>>
          %dma_start3A_1025 = arith.constant 0 : i32
          %dma_start3A_1026 = tpu.memref_slice %arg2[%add3A_875, %dma_start3A_1025] : memref<16384x26xi32, #tpu.memory_space<hbm>> -> memref<8x26xi32, #tpu.memory_space<hbm>>
          tpu.enqueue_dma source(%dma_start3A_1026 : memref<8x26xi32, #tpu.memory_space<hbm>>) target(%arg5 : memref<8x26xi32, #tpu.memory_space<vmem>>) target_semaphore(%run_scoped3A : memref<!tpu.dma_semaphore, #tpu.memory_space<semaphore_mem>>)
          %dma_wait3A_1027 = arith.constant 0 : i32
          %dma_wait3A_1028 = tpu.memref_slice %arg2[%add3A_875, %dma_wait3A_1027] : memref<16384x26xi32, #tpu.memory_space<hbm>> -> memref<8x26xi32, #tpu.memory_space<hbm>>
          %dma_wait3A_1029 = arith.constant 0 : i32
          %dma_wait3A_1030 = tpu.memref_slice %arg2[%add3A_875, %dma_wait3A_1029] : memref<16384x26xi32, #tpu.memory_space<hbm>> -> memref<8x26xi32, #tpu.memory_space<hbm>>
          tpu.wait_dma2 semaphore(%run_scoped3A : memref<!tpu.dma_semaphore, #tpu.memory_space<semaphore_mem>>) src(%dma_wait3A_1030 : memref<8x26xi32, #tpu.memory_space<hbm>>) dst(%arg5 : memref<8x26xi32, #tpu.memory_space<vmem>>)
          tpu.yield
        }) : () -> ()
        %get3A_876 = arith.constant 0 : i32
        %get3A_877 = arith.index_cast %get3A_876 : i32 to index
        %get3A_878 = arith.constant 0 : index
        %get3A_879 = tpu.vector_load %arg5[%get3A_877, %get3A_878] {strides = array<i32>} : memref<8x26xi32, #tpu.memory_space<vmem>>, vector<1x16xi32>,
        %get3A_880 = vector.shape_cast %get3A_879 : vector<1x16xi32> to vector<16xi32>
        %swap3A_881 = arith.constant 0 : index
        %swap3A_882 = tpu.vector_load %arg7[%swap3A_881] {strides = array<i32>} : memref<208xi32, #tpu.memory_space<vmem>>, vector<16xi32>,
        %swap3A_883 = vector.shape_cast %swap3A_882 : vector<16xi32> to vector<16xi32>
        %swap3A_884 = vector.shape_cast %get3A_880 : vector<16xi32> to vector<16xi32>
        tpu.vector_store %arg7[%swap3A_881], %swap3A_884 {strides = array<i32>} : memref<208xi32, #tpu.memory_space<vmem>>, vector<16xi32>,
        %get3A_885 = arith.constant 0 : i32
        %get3A_886 = arith.index_cast %get3A_885 : i32 to index
        %get3A_887 = arith.constant 10 : index
        %get3A_888 = tpu.vector_load %arg5[%get3A_886, %get3A_887] {strides = array<i32>} : memref<8x26xi32, #tpu.memory_space<vmem>>, vector<1x16xi32>,
        %get3A_889 = vector.shape_cast %get3A_888 : vector<1x16xi32> to vector<16xi32>
        %swap3A_890 = arith.constant 10 : index
        %swap3A_891 = tpu.vector_load %arg7[%swap3A_890] {strides = array<i32>} : memref<208xi32, #tpu.memory_space<vmem>>, vector<16xi32>,
        %swap3A_892 = vector.shape_cast %swap3A_891 : vector<16xi32> to vector<16xi32>
        %swap3A_893 = vector.shape_cast %get3A_889 : vector<16xi32> to vector<16xi32>
        tpu.vector_store %arg7[%swap3A_890], %swap3A_893 {strides = array<i32>} : memref<208xi32, #tpu.memory_space<vmem>>, vector<16xi32>,
        %get3A_894 = arith.constant 1 : i32
        %get3A_895 = arith.index_cast %get3A_894 : i32 to index
        %get3A_896 = arith.constant 0 : index
        %get3A_897 = tpu.vector_load %arg5[%get3A_895, %get3A_896] {strides = array<i32>} : memref<8x26xi32, #tpu.memory_space<vmem>>, vector<1x16xi32>,
        %get3A_898 = vector.shape_cast %get3A_897 : vector<1x16xi32> to vector<16xi32>
        %swap3A_899 = arith.constant 26 : index
        %swap3A_900 = tpu.vector_load %arg7[%swap3A_899] {strides = array<i32>} : memref<208xi32, #tpu.memory_space<vmem>>, vector<16xi32>,
        %swap3A_901 = vector.shape_cast %swap3A_900 : vector<16xi32> to vector<16xi32>
        %swap3A_902 = vector.shape_cast %get3A_898 : vector<16xi32> to vector<16xi32>
        tpu.vector_store %arg7[%swap3A_899], %swap3A_902 {strides = array<i32>} : memref<208xi32, #tpu.memory_space<vmem>>, vector<16xi32>,
        %get3A_903 = arith.constant 1 : i32
        %get3A_904 = arith.index_cast %get3A_903 : i32 to index
        %get3A_905 = arith.constant 10 : index
        %get3A_906 = tpu.vector_load %arg5[%get3A_904, %get3A_905] {strides = array<i32>} : memref<8x26xi32, #tpu.memory_space<vmem>>, vector<1x16xi32>,
        %get3A_907 = vector.shape_cast %get3A_906 : vector<1x16xi32> to vector<16xi32>
        %swap3A_908 = arith.constant 36 : index
        %swap3A_909 = tpu.vector_load %arg7[%swap3A_908] {strides = array<i32>} : memref<208xi32, #tpu.memory_space<vmem>>, vector<16xi32>,
        %swap3A_910 = vector.shape_cast %swap3A_909 : vector<16xi32> to vector<16xi32>
        %swap3A_911 = vector.shape_cast %get3A_907 : vector<16xi32> to vector<16xi32>
        tpu.vector_store %arg7[%swap3A_908], %swap3A_911 {strides = array<i32>} : memref<208xi32, #tpu.memory_space<vmem>>, vector<16xi32>,
        %get3A_912 = arith.constant 2 : i32
        %get3A_913 = arith.index_cast %get3A_912 : i32 to index
        %get3A_914 = arith.constant 0 : index
        %get3A_915 = tpu.vector_load %arg5[%get3A_913, %get3A_914] {strides = array<i32>} : memref<8x26xi32, #tpu.memory_space<vmem>>, vector<1x16xi32>,
        %get3A_916 = vector.shape_cast %get3A_915 : vector<1x16xi32> to vector<16xi32>
        %swap3A_917 = arith.constant 52 : index
        %swap3A_918 = tpu.vector_load %arg7[%swap3A_917] {strides = array<i32>} : memref<208xi32, #tpu.memory_space<vmem>>, vector<16xi32>,
        %swap3A_919 = vector.shape_cast %swap3A_918 : vector<16xi32> to vector<16xi32>
        %swap3A_920 = vector.shape_cast %get3A_916 : vector<16xi32> to vector<16xi32>
        tpu.vector_store %arg7[%swap3A_917], %swap3A_920 {strides = array<i32>} : memref<208xi32, #tpu.memory_space<vmem>>, vector<16xi32>,
        %get3A_921 = arith.constant 2 : i32
        %get3A_922 = arith.index_cast %get3A_921 : i32 to index
        %get3A_923 = arith.constant 10 : index
        %get3A_924 = tpu.vector_load %arg5[%get3A_922, %get3A_923] {strides = array<i32>} : memref<8x26xi32, #tpu.memory_space<vmem>>, vector<1x16xi32>,
        %get3A_925 = vector.shape_cast %get3A_924 : vector<1x16xi32> to vector<16xi32>
        %swap3A_926 = arith.constant 62 : index
        %swap3A_927 = tpu.vector_load %arg7[%swap3A_926] {strides = array<i32>} : memref<208xi32, #tpu.memory_space<vmem>>, vector<16xi32>,
        %swap3A_928 = vector.shape_cast %swap3A_927 : vector<16xi32> to vector<16xi32>
        %swap3A_929 = vector.shape_cast %get3A_925 : vector<16xi32> to vector<16xi32>
        tpu.vector_store %arg7[%swap3A_926], %swap3A_929 {strides = array<i32>} : memref<208xi32, #tpu.memory_space<vmem>>, vector<16xi32>,
        %get3A_930 = arith.constant 3 : i32
        %get3A_931 = arith.index_cast %get3A_930 : i32 to index
        %get3A_932 = arith.constant 0 : index
        %get3A_933 = tpu.vector_load %arg5[%get3A_931, %get3A_932] {strides = array<i32>} : memref<8x26xi32, #tpu.memory_space<vmem>>, vector<1x16xi32>,
        %get3A_934 = vector.shape_cast %get3A_933 : vector<1x16xi32> to vector<16xi32>
        %swap3A_935 = arith.constant 78 : index
        %swap3A_936 = tpu.vector_load %arg7[%swap3A_935] {strides = array<i32>} : memref<208xi32, #tpu.memory_space<vmem>>, vector<16xi32>,
        %swap3A_937 = vector.shape_cast %swap3A_936 : vector<16xi32> to vector<16xi32>
        %swap3A_938 = vector.shape_cast %get3A_934 : vector<16xi32> to vector<16xi32>
        tpu.vector_store %arg7[%swap3A_935], %swap3A_938 {strides = array<i32>} : memref<208xi32, #tpu.memory_space<vmem>>, vector<16xi32>,
        %get3A_939 = arith.constant 3 : i32
        %get3A_940 = arith.index_cast %get3A_939 : i32 to index
        %get3A_941 = arith.constant 10 : index
        %get3A_942 = tpu.vector_load %arg5[%get3A_940, %get3A_941] {strides = array<i32>} : memref<8x26xi32, #tpu.memory_space<vmem>>, vector<1x16xi32>,
        %get3A_943 = vector.shape_cast %get3A_942 : vector<1x16xi32> to vector<16xi32>
        %swap3A_944 = arith.constant 88 : index
        %swap3A_945 = tpu.vector_load %arg7[%swap3A_944] {strides = array<i32>} : memref<208xi32, #tpu.memory_space<vmem>>, vector<16xi32>,
        %swap3A_946 = vector.shape_cast %swap3A_945 : vector<16xi32> to vector<16xi32>
        %swap3A_947 = vector.shape_cast %get3A_943 : vector<16xi32> to vector<16xi32>
        tpu.vector_store %arg7[%swap3A_944], %swap3A_947 {strides = array<i32>} : memref<208xi32, #tpu.memory_space<vmem>>, vector<16xi32>,
        %get3A_948 = arith.constant 4 : i32
        %get3A_949 = arith.index_cast %get3A_948 : i32 to index
        %get3A_950 = arith.constant 0 : index
        %get3A_951 = tpu.vector_load %arg5[%get3A_949, %get3A_950] {strides = array<i32>} : memref<8x26xi32, #tpu.memory_space<vmem>>, vector<1x16xi32>,
        %get3A_952 = vector.shape_cast %get3A_951 : vector<1x16xi32> to vector<16xi32>
        %swap3A_953 = arith.constant 104 : index
        %swap3A_954 = tpu.vector_load %arg7[%swap3A_953] {strides = array<i32>} : memref<208xi32, #tpu.memory_space<vmem>>, vector<16xi32>,
        %swap3A_955 = vector.shape_cast %swap3A_954 : vector<16xi32> to vector<16xi32>
        %swap3A_956 = vector.shape_cast %get3A_952 : vector<16xi32> to vector<16xi32>
        tpu.vector_store %arg7[%swap3A_953], %swap3A_956 {strides = array<i32>} : memref<208xi32, #tpu.memory_space<vmem>>, vector<16xi32>,
        %get3A_957 = arith.constant 4 : i32
        %get3A_958 = arith.index_cast %get3A_957 : i32 to index
        %get3A_959 = arith.constant 10 : index
        %get3A_960 = tpu.vector_load %arg5[%get3A_958, %get3A_959] {strides = array<i32>} : memref<8x26xi32, #tpu.memory_space<vmem>>, vector<1x16xi32>,
        %get3A_961 = vector.shape_cast %get3A_960 : vector<1x16xi32> to vector<16xi32>
        %swap3A_962 = arith.constant 114 : index
        %swap3A_963 = tpu.vector_load %arg7[%swap3A_962] {strides = array<i32>} : memref<208xi32, #tpu.memory_space<vmem>>, vector<16xi32>,
        %swap3A_964 = vector.shape_cast %swap3A_963 : vector<16xi32> to vector<16xi32>
        %swap3A_965 = vector.shape_cast %get3A_961 : vector<16xi32> to vector<16xi32>
        tpu.vector_store %arg7[%swap3A_962], %swap3A_965 {strides = array<i32>} : memref<208xi32, #tpu.memory_space<vmem>>, vector<16xi32>,
        %get3A_966 = arith.constant 5 : i32
        %get3A_967 = arith.index_cast %get3A_966 : i32 to index
        %get3A_968 = arith.constant 0 : index
        %get3A_969 = tpu.vector_load %arg5[%get3A_967, %get3A_968] {strides = array<i32>} : memref<8x26xi32, #tpu.memory_space<vmem>>, vector<1x16xi32>,
        %get3A_970 = vector.shape_cast %get3A_969 : vector<1x16xi32> to vector<16xi32>
        %swap3A_971 = arith.constant 130 : index
        %swap3A_972 = tpu.vector_load %arg7[%swap3A_971] {strides = array<i32>} : memref<208xi32, #tpu.memory_space<vmem>>, vector<16xi32>,
        %swap3A_973 = vector.shape_cast %swap3A_972 : vector<16xi32> to vector<16xi32>
        %swap3A_974 = vector.shape_cast %get3A_970 : vector<16xi32> to vector<16xi32>
        tpu.vector_store %arg7[%swap3A_971], %swap3A_974 {strides = array<i32>} : memref<208xi32, #tpu.memory_space<vmem>>, vector<16xi32>,
        %get3A_975 = arith.constant 5 : i32
        %get3A_976 = arith.index_cast %get3A_975 : i32 to index
        %get3A_977 = arith.constant 10 : index
        %get3A_978 = tpu.vector_load %arg5[%get3A_976, %get3A_977] {strides = array<i32>} : memref<8x26xi32, #tpu.memory_space<vmem>>, vector<1x16xi32>,
        %get3A_979 = vector.shape_cast %get3A_978 : vector<1x16xi32> to vector<16xi32>
        %swap3A_980 = arith.constant 140 : index
        %swap3A_981 = tpu.vector_load %arg7[%swap3A_980] {strides = array<i32>} : memref<208xi32, #tpu.memory_space<vmem>>, vector<16xi32>,
        %swap3A_982 = vector.shape_cast %swap3A_981 : vector<16xi32> to vector<16xi32>
        %swap3A_983 = vector.shape_cast %get3A_979 : vector<16xi32> to vector<16xi32>
        tpu.vector_store %arg7[%swap3A_980], %swap3A_983 {strides = array<i32>} : memref<208xi32, #tpu.memory_space<vmem>>, vector<16xi32>,
        %get3A_984 = arith.constant 6 : i32
        %get3A_985 = arith.index_cast %get3A_984 : i32 to index
        %get3A_986 = arith.constant 0 : index
        %get3A_987 = tpu.vector_load %arg5[%get3A_985, %get3A_986] {strides = array<i32>} : memref<8x26xi32, #tpu.memory_space<vmem>>, vector<1x16xi32>,
        %get3A_988 = vector.shape_cast %get3A_987 : vector<1x16xi32> to vector<16xi32>
        %swap3A_989 = arith.constant 156 : index
        %swap3A_990 = tpu.vector_load %arg7[%swap3A_989] {strides = array<i32>} : memref<208xi32, #tpu.memory_space<vmem>>, vector<16xi32>,
        %swap3A_991 = vector.shape_cast %swap3A_990 : vector<16xi32> to vector<16xi32>
        %swap3A_992 = vector.shape_cast %get3A_988 : vector<16xi32> to vector<16xi32>
        tpu.vector_store %arg7[%swap3A_989], %swap3A_992 {strides = array<i32>} : memref<208xi32, #tpu.memory_space<vmem>>, vector<16xi32>,
        %get3A_993 = arith.constant 6 : i32
        %get3A_994 = arith.index_cast %get3A_993 : i32 to index
        %get3A_995 = arith.constant 10 : index
        %get3A_996 = tpu.vector_load %arg5[%get3A_994, %get3A_995] {strides = array<i32>} : memref<8x26xi32, #tpu.memory_space<vmem>>, vector<1x16xi32>,
        %get3A_997 = vector.shape_cast %get3A_996 : vector<1x16xi32> to vector<16xi32>
        %swap3A_998 = arith.constant 166 : index
        %swap3A_999 = tpu.vector_load %arg7[%swap3A_998] {strides = array<i32>} : memref<208xi32, #tpu.memory_space<vmem>>, vector<16xi32>,
        %swap3A_1000 = vector.shape_cast %swap3A_999 : vector<16xi32> to vector<16xi32>
        %swap3A_1001 = vector.shape_cast %get3A_997 : vector<16xi32> to vector<16xi32>
        tpu.vector_store %arg7[%swap3A_998], %swap3A_1001 {strides = array<i32>} : memref<208xi32, #tpu.memory_space<vmem>>, vector<16xi32>,
        %get3A_1002 = arith.constant 7 : i32
        %get3A_1003 = arith.index_cast %get3A_1002 : i32 to index
        %get3A_1004 = arith.constant 0 : index
        %get3A_1005 = tpu.vector_load %arg5[%get3A_1003, %get3A_1004] {strides = array<i32>} : memref<8x26xi32, #tpu.memory_space<vmem>>, vector<1x16xi32>,
        %get3A_1006 = vector.shape_cast %get3A_1005 : vector<1x16xi32> to vector<16xi32>
        %swap3A_1007 = arith.constant 182 : index
        %swap3A_1008 = tpu.vector_load %arg7[%swap3A_1007] {strides = array<i32>} : memref<208xi32, #tpu.memory_space<vmem>>, vector<16xi32>,
        %swap3A_1009 = vector.shape_cast %swap3A_1008 : vector<16xi32> to vector<16xi32>
        %swap3A_1010 = vector.shape_cast %get3A_1006 : vector<16xi32> to vector<16xi32>
        tpu.vector_store %arg7[%swap3A_1007], %swap3A_1010 {strides = array<i32>} : memref<208xi32, #tpu.memory_space<vmem>>, vector<16xi32>,
        %get3A_1011 = arith.constant 7 : i32
        %get3A_1012 = arith.index_cast %get3A_1011 : i32 to index
        %get3A_1013 = arith.constant 10 : index
        %get3A_1014 = tpu.vector_load %arg5[%get3A_1012, %get3A_1013] {strides = array<i32>} : memref<8x26xi32, #tpu.memory_space<vmem>>, vector<1x16xi32>,
        %get3A_1015 = vector.shape_cast %get3A_1014 : vector<1x16xi32> to vector<16xi32>
        %swap3A_1016 = arith.constant 192 : index
        %swap3A_1017 = tpu.vector_load %arg7[%swap3A_1016] {strides = array<i32>} : memref<208xi32, #tpu.memory_space<vmem>>, vector<16xi32>,
        %swap3A_1018 = vector.shape_cast %swap3A_1017 : vector<16xi32> to vector<16xi32>
        %swap3A_1019 = vector.shape_cast %get3A_1015 : vector<16xi32> to vector<16xi32>
        tpu.vector_store %arg7[%swap3A_1016], %swap3A_1019 {strides = array<i32>} : memref<208xi32, #tpu.memory_space<vmem>>, vector<16xi32>,
        %dma_start3A_1020 = arith.constant 0 : i32
        %dma_start3A_1021 = arith.constant 0 : i32
        %dma_start3A_1022 = tpu.memref_slice %arg3[%dma_start3A_1020, %dma_start3A_1021] : memref<1000000x128xf32, #tpu.memory_space<hbm>> -> memref<1000000x128xf32, #tpu.memory_space<hbm>>
        tpu.enqueue_indirect_dma source(%dma_start3A_1022 : memref<1000000x128xf32, #tpu.memory_space<hbm>>) target(%arg9 : memref<208x128xf32, #tpu.memory_space<vmem>>) offsets(%arg7 : memref<208xi32, #tpu.memory_space<vmem>>) semaphore(%arg13 : memref<!tpu.dma_semaphore, #tpu.memory_space<semaphore_mem>>)
      } else {
      }
      %mul3A_715 = arith.constant 2 : i32
      %mul3A_716 = arith.muli %scan3A_562, %mul3A_715 : i32
      %add3A_717 = arith.constant 1 : i32
      %add3A_718 = arith.addi %mul3A_716, %add3A_717 : i32
      %mul3A_719 = arith.constant 8 : i32
      %mul3A_720 = arith.muli %add3A_718, %mul3A_719 : i32
      %add3A_721 = arith.addi %mul3A_2, %mul3A_720 : i32
      %dma_wait3A_722 = arith.constant 0 : i32
      %dma_wait3A_723 = arith.constant 0 : i32
      %dma_wait3A_724 = tpu.memref_slice %arg3[%dma_wait3A_722, %dma_wait3A_723] : memref<1000000x128xf32, #tpu.memory_space<hbm>> -> memref<1000000x128xf32, #tpu.memory_space<hbm>>
      tpu.wait_indirect_dma semaphore(%arg14 : memref<!tpu.dma_semaphore, #tpu.memory_space<semaphore_mem>>) src(%dma_wait3A_724 : memref<1000000x128xf32, #tpu.memory_space<hbm>>) dst(%arg10 : memref<208x128xf32, #tpu.memory_space<vmem>>)
      %ge3A_725 = arith.constant 2 : i32
      %ge3A_726 = arith.cmpi sge, %add3A_718, %ge3A_725 : i32
      %convert_element_type3A_727 = arith.extui %ge3A_726 : i1 to i32
      %cond3A_728 = arith.constant 0 : i32
      %cond3A_729 = arith.cmpi ne, %convert_element_type3A_727, %cond3A_728 : i32
      scf.if %cond3A_729 {
        %sub3A = arith.constant 16 : i32
        %sub3A_871 = arith.subi %add3A_721, %sub3A : i32
        %add3A_872 = arith.constant 0 : i32
        %add3A_873 = arith.addi %sub3A_871, %add3A_872 : i32
        %dma_wait3A_874 = arith.constant 0 : i32
        %dma_wait3A_875 = arith.constant 0 : i32
        %dma_wait3A_876 = tpu.memref_slice %arg12[%dma_wait3A_874, %dma_wait3A_875] : memref<208x64xf32, #tpu.memory_space<vmem>> -> memref<26x64xf32, #tpu.memory_space<vmem>>
        %dma_wait3A_877 = arith.constant 0 : i32
        %dma_wait3A_878 = arith.constant 0 : i32
        %dma_wait3A_879 = tpu.memref_slice %arg4[%add3A_873, %dma_wait3A_877, %dma_wait3A_878] : memref<16384x26x64xf32, #tpu.memory_space<hbm>> -> memref<1x26x64xf32, #tpu.memory_space<hbm>>
        %dma_wait3A_880 = tpu.memref_squeeze %dma_wait3A_879 : memref<1x26x64xf32, #tpu.memory_space<hbm>> -> memref<26x64xf32, #tpu.memory_space<hbm>>
        %dma_wait3A_881 = arith.constant 0 : i32
        %dma_wait3A_882 = arith.constant 0 : i32
        %dma_wait3A_883 = tpu.memref_slice %arg4[%add3A_873, %dma_wait3A_881, %dma_wait3A_882] : memref<16384x26x64xf32, #tpu.memory_space<hbm>> -> memref<1x26x64xf32, #tpu.memory_space<hbm>>
        %dma_wait3A_884 = tpu.memref_squeeze %dma_wait3A_883 : memref<1x26x64xf32, #tpu.memory_space<hbm>> -> memref<26x64xf32, #tpu.memory_space<hbm>>
        %dma_wait3A_885 = arith.constant 0 : i32
        %dma_wait3A_886 = arith.constant 0 : i32
        %dma_wait3A_887 = tpu.memref_slice %arg12[%dma_wait3A_885, %dma_wait3A_886] : memref<208x64xf32, #tpu.memory_space<vmem>> -> memref<26x64xf32, #tpu.memory_space<vmem>>
        tpu.wait_dma2 semaphore(%arg16 : memref<!tpu.dma_semaphore, #tpu.memory_space<semaphore_mem>>) src(%dma_wait3A_887 : memref<26x64xf32, #tpu.memory_space<vmem>>) dst(%dma_wait3A_884 : memref<26x64xf32, #tpu.memory_space<hbm>>)
        %add3A_888 = arith.constant 1 : i32
        %add3A_889 = arith.addi %sub3A_871, %add3A_888 : i32
        %dma_wait3A_890 = arith.constant 26 : i32
        %dma_wait3A_891 = arith.constant 0 : i32
        %dma_wait3A_892 = tpu.memref_slice %arg12[%dma_wait3A_890, %dma_wait3A_891] : memref<208x64xf32, #tpu.memory_space<vmem>> -> memref<26x64xf32, #tpu.memory_space<vmem>>
        %dma_wait3A_893 = arith.constant 0 : i32
        %dma_wait3A_894 = arith.constant 0 : i32
        %dma_wait3A_895 = tpu.memref_slice %arg4[%add3A_889, %dma_wait3A_893, %dma_wait3A_894] : memref<16384x26x64xf32, #tpu.memory_space<hbm>> -> memref<1x26x64xf32, #tpu.memory_space<hbm>>
        %dma_wait3A_896 = tpu.memref_squeeze %dma_wait3A_895 : memref<1x26x64xf32, #tpu.memory_space<hbm>> -> memref<26x64xf32, #tpu.memory_space<hbm>>
        %dma_wait3A_897 = arith.constant 0 : i32
        %dma_wait3A_898 = arith.constant 0 : i32
        %dma_wait3A_899 = tpu.memref_slice %arg4[%add3A_889, %dma_wait3A_897, %dma_wait3A_898] : memref<16384x26x64xf32, #tpu.memory_space<hbm>> -> memref<1x26x64xf32, #tpu.memory_space<hbm>>
        %dma_wait3A_900 = tpu.memref_squeeze %dma_wait3A_899 : memref<1x26x64xf32, #tpu.memory_space<hbm>> -> memref<26x64xf32, #tpu.memory_space<hbm>>
        %dma_wait3A_901 = arith.constant 26 : i32
        %dma_wait3A_902 = arith.constant 0 : i32
        %dma_wait3A_903 = tpu.memref_slice %arg12[%dma_wait3A_901, %dma_wait3A_902] : memref<208x64xf32, #tpu.memory_space<vmem>> -> memref<26x64xf32, #tpu.memory_space<vmem>>
        tpu.wait_dma2 semaphore(%arg16 : memref<!tpu.dma_semaphore, #tpu.memory_space<semaphore_mem>>) src(%dma_wait3A_903 : memref<26x64xf32, #tpu.memory_space<vmem>>) dst(%dma_wait3A_900 : memref<26x64xf32, #tpu.memory_space<hbm>>)
        %add3A_904 = arith.constant 2 : i32
        %add3A_905 = arith.addi %sub3A_871, %add3A_904 : i32
        %dma_wait3A_906 = arith.constant 52 : i32
        %dma_wait3A_907 = arith.constant 0 : i32
        %dma_wait3A_908 = tpu.memref_slice %arg12[%dma_wait3A_906, %dma_wait3A_907] : memref<208x64xf32, #tpu.memory_space<vmem>> -> memref<26x64xf32, #tpu.memory_space<vmem>>
        %dma_wait3A_909 = arith.constant 0 : i32
        %dma_wait3A_910 = arith.constant 0 : i32
        %dma_wait3A_911 = tpu.memref_slice %arg4[%add3A_905, %dma_wait3A_909, %dma_wait3A_910] : memref<16384x26x64xf32, #tpu.memory_space<hbm>> -> memref<1x26x64xf32, #tpu.memory_space<hbm>>
        %dma_wait3A_912 = tpu.memref_squeeze %dma_wait3A_911 : memref<1x26x64xf32, #tpu.memory_space<hbm>> -> memref<26x64xf32, #tpu.memory_space<hbm>>
        %dma_wait3A_913 = arith.constant 0 : i32
        %dma_wait3A_914 = arith.constant 0 : i32
        %dma_wait3A_915 = tpu.memref_slice %arg4[%add3A_905, %dma_wait3A_913, %dma_wait3A_914] : memref<16384x26x64xf32, #tpu.memory_space<hbm>> -> memref<1x26x64xf32, #tpu.memory_space<hbm>>
        %dma_wait3A_916 = tpu.memref_squeeze %dma_wait3A_915 : memref<1x26x64xf32, #tpu.memory_space<hbm>> -> memref<26x64xf32, #tpu.memory_space<hbm>>
        %dma_wait3A_917 = arith.constant 52 : i32
        %dma_wait3A_918 = arith.constant 0 : i32
        %dma_wait3A_919 = tpu.memref_slice %arg12[%dma_wait3A_917, %dma_wait3A_918] : memref<208x64xf32, #tpu.memory_space<vmem>> -> memref<26x64xf32, #tpu.memory_space<vmem>>
        tpu.wait_dma2 semaphore(%arg16 : memref<!tpu.dma_semaphore, #tpu.memory_space<semaphore_mem>>) src(%dma_wait3A_919 : memref<26x64xf32, #tpu.memory_space<vmem>>) dst(%dma_wait3A_916 : memref<26x64xf32, #tpu.memory_space<hbm>>)
        %add3A_920 = arith.constant 3 : i32
        %add3A_921 = arith.addi %sub3A_871, %add3A_920 : i32
        %dma_wait3A_922 = arith.constant 78 : i32
        %dma_wait3A_923 = arith.constant 0 : i32
        %dma_wait3A_924 = tpu.memref_slice %arg12[%dma_wait3A_922, %dma_wait3A_923] : memref<208x64xf32, #tpu.memory_space<vmem>> -> memref<26x64xf32, #tpu.memory_space<vmem>>
        %dma_wait3A_925 = arith.constant 0 : i32
        %dma_wait3A_926 = arith.constant 0 : i32
        %dma_wait3A_927 = tpu.memref_slice %arg4[%add3A_921, %dma_wait3A_925, %dma_wait3A_926] : memref<16384x26x64xf32, #tpu.memory_space<hbm>> -> memref<1x26x64xf32, #tpu.memory_space<hbm>>
        %dma_wait3A_928 = tpu.memref_squeeze %dma_wait3A_927 : memref<1x26x64xf32, #tpu.memory_space<hbm>> -> memref<26x64xf32, #tpu.memory_space<hbm>>
        %dma_wait3A_929 = arith.constant 0 : i32
        %dma_wait3A_930 = arith.constant 0 : i32
        %dma_wait3A_931 = tpu.memref_slice %arg4[%add3A_921, %dma_wait3A_929, %dma_wait3A_930] : memref<16384x26x64xf32, #tpu.memory_space<hbm>> -> memref<1x26x64xf32, #tpu.memory_space<hbm>>
        %dma_wait3A_932 = tpu.memref_squeeze %dma_wait3A_931 : memref<1x26x64xf32, #tpu.memory_space<hbm>> -> memref<26x64xf32, #tpu.memory_space<hbm>>
        %dma_wait3A_933 = arith.constant 78 : i32
        %dma_wait3A_934 = arith.constant 0 : i32
        %dma_wait3A_935 = tpu.memref_slice %arg12[%dma_wait3A_933, %dma_wait3A_934] : memref<208x64xf32, #tpu.memory_space<vmem>> -> memref<26x64xf32, #tpu.memory_space<vmem>>
        tpu.wait_dma2 semaphore(%arg16 : memref<!tpu.dma_semaphore, #tpu.memory_space<semaphore_mem>>) src(%dma_wait3A_935 : memref<26x64xf32, #tpu.memory_space<vmem>>) dst(%dma_wait3A_932 : memref<26x64xf32, #tpu.memory_space<hbm>>)
        %add3A_936 = arith.constant 4 : i32
        %add3A_937 = arith.addi %sub3A_871, %add3A_936 : i32
        %dma_wait3A_938 = arith.constant 104 : i32
        %dma_wait3A_939 = arith.constant 0 : i32
        %dma_wait3A_940 = tpu.memref_slice %arg12[%dma_wait3A_938, %dma_wait3A_939] : memref<208x64xf32, #tpu.memory_space<vmem>> -> memref<26x64xf32, #tpu.memory_space<vmem>>
        %dma_wait3A_941 = arith.constant 0 : i32
        %dma_wait3A_942 = arith.constant 0 : i32
        %dma_wait3A_943 = tpu.memref_slice %arg4[%add3A_937, %dma_wait3A_941, %dma_wait3A_942] : memref<16384x26x64xf32, #tpu.memory_space<hbm>> -> memref<1x26x64xf32, #tpu.memory_space<hbm>>
        %dma_wait3A_944 = tpu.memref_squeeze %dma_wait3A_943 : memref<1x26x64xf32, #tpu.memory_space<hbm>> -> memref<26x64xf32, #tpu.memory_space<hbm>>
        %dma_wait3A_945 = arith.constant 0 : i32
        %dma_wait3A_946 = arith.constant 0 : i32
        %dma_wait3A_947 = tpu.memref_slice %arg4[%add3A_937, %dma_wait3A_945, %dma_wait3A_946] : memref<16384x26x64xf32, #tpu.memory_space<hbm>> -> memref<1x26x64xf32, #tpu.memory_space<hbm>>
        %dma_wait3A_948 = tpu.memref_squeeze %dma_wait3A_947 : memref<1x26x64xf32, #tpu.memory_space<hbm>> -> memref<26x64xf32, #tpu.memory_space<hbm>>
        %dma_wait3A_949 = arith.constant 104 : i32
        %dma_wait3A_950 = arith.constant 0 : i32
        %dma_wait3A_951 = tpu.memref_slice %arg12[%dma_wait3A_949, %dma_wait3A_950] : memref<208x64xf32, #tpu.memory_space<vmem>> -> memref<26x64xf32, #tpu.memory_space<vmem>>
        tpu.wait_dma2 semaphore(%arg16 : memref<!tpu.dma_semaphore, #tpu.memory_space<semaphore_mem>>) src(%dma_wait3A_951 : memref<26x64xf32, #tpu.memory_space<vmem>>) dst(%dma_wait3A_948 : memref<26x64xf32, #tpu.memory_space<hbm>>)
        %add3A_952 = arith.constant 5 : i32
        %add3A_953 = arith.addi %sub3A_871, %add3A_952 : i32
        %dma_wait3A_954 = arith.constant 130 : i32
        %dma_wait3A_955 = arith.constant 0 : i32
        %dma_wait3A_956 = tpu.memref_slice %arg12[%dma_wait3A_954, %dma_wait3A_955] : memref<208x64xf32, #tpu.memory_space<vmem>> -> memref<26x64xf32, #tpu.memory_space<vmem>>
        %dma_wait3A_957 = arith.constant 0 : i32
        %dma_wait3A_958 = arith.constant 0 : i32
        %dma_wait3A_959 = tpu.memref_slice %arg4[%add3A_953, %dma_wait3A_957, %dma_wait3A_958] : memref<16384x26x64xf32, #tpu.memory_space<hbm>> -> memref<1x26x64xf32, #tpu.memory_space<hbm>>
        %dma_wait3A_960 = tpu.memref_squeeze %dma_wait3A_959 : memref<1x26x64xf32, #tpu.memory_space<hbm>> -> memref<26x64xf32, #tpu.memory_space<hbm>>
        %dma_wait3A_961 = arith.constant 0 : i32
        %dma_wait3A_962 = arith.constant 0 : i32
        %dma_wait3A_963 = tpu.memref_slice %arg4[%add3A_953, %dma_wait3A_961, %dma_wait3A_962] : memref<16384x26x64xf32, #tpu.memory_space<hbm>> -> memref<1x26x64xf32, #tpu.memory_space<hbm>>
        %dma_wait3A_964 = tpu.memref_squeeze %dma_wait3A_963 : memref<1x26x64xf32, #tpu.memory_space<hbm>> -> memref<26x64xf32, #tpu.memory_space<hbm>>
        %dma_wait3A_965 = arith.constant 130 : i32
        %dma_wait3A_966 = arith.constant 0 : i32
        %dma_wait3A_967 = tpu.memref_slice %arg12[%dma_wait3A_965, %dma_wait3A_966] : memref<208x64xf32, #tpu.memory_space<vmem>> -> memref<26x64xf32, #tpu.memory_space<vmem>>
        tpu.wait_dma2 semaphore(%arg16 : memref<!tpu.dma_semaphore, #tpu.memory_space<semaphore_mem>>) src(%dma_wait3A_967 : memref<26x64xf32, #tpu.memory_space<vmem>>) dst(%dma_wait3A_964 : memref<26x64xf32, #tpu.memory_space<hbm>>)
        %add3A_968 = arith.constant 6 : i32
        %add3A_969 = arith.addi %sub3A_871, %add3A_968 : i32
        %dma_wait3A_970 = arith.constant 156 : i32
        %dma_wait3A_971 = arith.constant 0 : i32
        %dma_wait3A_972 = tpu.memref_slice %arg12[%dma_wait3A_970, %dma_wait3A_971] : memref<208x64xf32, #tpu.memory_space<vmem>> -> memref<26x64xf32, #tpu.memory_space<vmem>>
        %dma_wait3A_973 = arith.constant 0 : i32
        %dma_wait3A_974 = arith.constant 0 : i32
        %dma_wait3A_975 = tpu.memref_slice %arg4[%add3A_969, %dma_wait3A_973, %dma_wait3A_974] : memref<16384x26x64xf32, #tpu.memory_space<hbm>> -> memref<1x26x64xf32, #tpu.memory_space<hbm>>
        %dma_wait3A_976 = tpu.memref_squeeze %dma_wait3A_975 : memref<1x26x64xf32, #tpu.memory_space<hbm>> -> memref<26x64xf32, #tpu.memory_space<hbm>>
        %dma_wait3A_977 = arith.constant 0 : i32
        %dma_wait3A_978 = arith.constant 0 : i32
        %dma_wait3A_979 = tpu.memref_slice %arg4[%add3A_969, %dma_wait3A_977, %dma_wait3A_978] : memref<16384x26x64xf32, #tpu.memory_space<hbm>> -> memref<1x26x64xf32, #tpu.memory_space<hbm>>
        %dma_wait3A_980 = tpu.memref_squeeze %dma_wait3A_979 : memref<1x26x64xf32, #tpu.memory_space<hbm>> -> memref<26x64xf32, #tpu.memory_space<hbm>>
        %dma_wait3A_981 = arith.constant 156 : i32
        %dma_wait3A_982 = arith.constant 0 : i32
        %dma_wait3A_983 = tpu.memref_slice %arg12[%dma_wait3A_981, %dma_wait3A_982] : memref<208x64xf32, #tpu.memory_space<vmem>> -> memref<26x64xf32, #tpu.memory_space<vmem>>
        tpu.wait_dma2 semaphore(%arg16 : memref<!tpu.dma_semaphore, #tpu.memory_space<semaphore_mem>>) src(%dma_wait3A_983 : memref<26x64xf32, #tpu.memory_space<vmem>>) dst(%dma_wait3A_980 : memref<26x64xf32, #tpu.memory_space<hbm>>)
        %add3A_984 = arith.constant 7 : i32
        %add3A_985 = arith.addi %sub3A_871, %add3A_984 : i32
        %dma_wait3A_986 = arith.constant 182 : i32
        %dma_wait3A_987 = arith.constant 0 : i32
        %dma_wait3A_988 = tpu.memref_slice %arg12[%dma_wait3A_986, %dma_wait3A_987] : memref<208x64xf32, #tpu.memory_space<vmem>> -> memref<26x64xf32, #tpu.memory_space<vmem>>
        %dma_wait3A_989 = arith.constant 0 : i32
        %dma_wait3A_990 = arith.constant 0 : i32
        %dma_wait3A_991 = tpu.memref_slice %arg4[%add3A_985, %dma_wait3A_989, %dma_wait3A_990] : memref<16384x26x64xf32, #tpu.memory_space<hbm>> -> memref<1x26x64xf32, #tpu.memory_space<hbm>>
        %dma_wait3A_992 = tpu.memref_squeeze %dma_wait3A_991 : memref<1x26x64xf32, #tpu.memory_space<hbm>> -> memref<26x64xf32, #tpu.memory_space<hbm>>
        %dma_wait3A_993 = arith.constant 0 : i32
        %dma_wait3A_994 = arith.constant 0 : i32
        %dma_wait3A_995 = tpu.memref_slice %arg4[%add3A_985, %dma_wait3A_993, %dma_wait3A_994] : memref<16384x26x64xf32, #tpu.memory_space<hbm>> -> memref<1x26x64xf32, #tpu.memory_space<hbm>>
        %dma_wait3A_996 = tpu.memref_squeeze %dma_wait3A_995 : memref<1x26x64xf32, #tpu.memory_space<hbm>> -> memref<26x64xf32, #tpu.memory_space<hbm>>
        %dma_wait3A_997 = arith.constant 182 : i32
        %dma_wait3A_998 = arith.constant 0 : i32
        %dma_wait3A_999 = tpu.memref_slice %arg12[%dma_wait3A_997, %dma_wait3A_998] : memref<208x64xf32, #tpu.memory_space<vmem>> -> memref<26x64xf32, #tpu.memory_space<vmem>>
        tpu.wait_dma2 semaphore(%arg16 : memref<!tpu.dma_semaphore, #tpu.memory_space<semaphore_mem>>) src(%dma_wait3A_999 : memref<26x64xf32, #tpu.memory_space<vmem>>) dst(%dma_wait3A_996 : memref<26x64xf32, #tpu.memory_space<hbm>>)
      } else {
      }
      %scan3A_730 = arith.constant 0 : i32
      %scan3A_731 = arith.constant 0 : i32
      %scan3A_732 = arith.constant 8 : i32
      %scan3A_733 = arith.addi %scan3A_731, %scan3A_732 : i32
      %scan3A_734 = arith.constant 1 : i32
      scf.for %scan3A_871 = %scan3A_731 to %scan3A_733 step %scan3A_734  : i32 {
        %mul3A_872 = arith.constant 26 : i32
        %mul3A_873 = arith.muli %scan3A_871, %mul3A_872 : i32
        %add3A_874 = arith.constant 0 : i32
        %add3A_875 = arith.addi %mul3A_873, %add3A_874 : i32
        %get3A_876 = arith.index_cast %add3A_875 : i32 to index
        %get3A_877 = arith.constant 0 : index
        %get3A_878 = tpu.vector_load %arg10[%get3A_876, %get3A_877] {strides = array<i32>} : memref<208x128xf32, #tpu.memory_space<vmem>>, vector<1x16xf32>,
        %get3A_879 = vector.shape_cast %get3A_878 : vector<1x16xf32> to vector<16xf32>
        %swap3A_880 = arith.index_cast %add3A_875 : i32 to index
        %swap3A_881 = arith.constant 0 : index
        %swap3A_882 = tpu.vector_load %arg12[%swap3A_880, %swap3A_881] {strides = array<i32>} : memref<208x64xf32, #tpu.memory_space<vmem>>, vector<1x16xf32>,
        %swap3A_883 = vector.shape_cast %swap3A_882 : vector<1x16xf32> to vector<16xf32>
        %swap3A_884 = vector.shape_cast %get3A_879 : vector<16xf32> to vector<1x16xf32>
        tpu.vector_store %arg12[%swap3A_880, %swap3A_881], %swap3A_884 {strides = array<i32>} : memref<208x64xf32, #tpu.memory_space<vmem>>, vector<1x16xf32>,
        %get3A_885 = arith.index_cast %add3A_875 : i32 to index
        %get3A_886 = arith.constant 16 : index
        %get3A_887 = tpu.vector_load %arg10[%get3A_885, %get3A_886] {strides = array<i32>} : memref<208x128xf32, #tpu.memory_space<vmem>>, vector<1x16xf32>,
        %get3A_888 = vector.shape_cast %get3A_887 : vector<1x16xf32> to vector<16xf32>
        %swap3A_889 = arith.index_cast %add3A_875 : i32 to index
        %swap3A_890 = arith.constant 16 : index
        %swap3A_891 = tpu.vector_load %arg12[%swap3A_889, %swap3A_890] {strides = array<i32>} : memref<208x64xf32, #tpu.memory_space<vmem>>, vector<1x16xf32>,
        %swap3A_892 = vector.shape_cast %swap3A_891 : vector<1x16xf32> to vector<16xf32>
        %swap3A_893 = vector.shape_cast %get3A_888 : vector<16xf32> to vector<1x16xf32>
        tpu.vector_store %arg12[%swap3A_889, %swap3A_890], %swap3A_893 {strides = array<i32>} : memref<208x64xf32, #tpu.memory_space<vmem>>, vector<1x16xf32>,
        %get3A_894 = arith.index_cast %add3A_875 : i32 to index
        %get3A_895 = arith.constant 32 : index
        %get3A_896 = tpu.vector_load %arg10[%get3A_894, %get3A_895] {strides = array<i32>} : memref<208x128xf32, #tpu.memory_space<vmem>>, vector<1x16xf32>,
        %get3A_897 = vector.shape_cast %get3A_896 : vector<1x16xf32> to vector<16xf32>
        %swap3A_898 = arith.index_cast %add3A_875 : i32 to index
        %swap3A_899 = arith.constant 32 : index
        %swap3A_900 = tpu.vector_load %arg12[%swap3A_898, %swap3A_899] {strides = array<i32>} : memref<208x64xf32, #tpu.memory_space<vmem>>, vector<1x16xf32>,
        %swap3A_901 = vector.shape_cast %swap3A_900 : vector<1x16xf32> to vector<16xf32>
        %swap3A_902 = vector.shape_cast %get3A_897 : vector<16xf32> to vector<1x16xf32>
        tpu.vector_store %arg12[%swap3A_898, %swap3A_899], %swap3A_902 {strides = array<i32>} : memref<208x64xf32, #tpu.memory_space<vmem>>, vector<1x16xf32>,
        %get3A_903 = arith.index_cast %add3A_875 : i32 to index
        %get3A_904 = arith.constant 48 : index
        %get3A_905 = tpu.vector_load %arg10[%get3A_903, %get3A_904] {strides = array<i32>} : memref<208x128xf32, #tpu.memory_space<vmem>>, vector<1x16xf32>,
        %get3A_906 = vector.shape_cast %get3A_905 : vector<1x16xf32> to vector<16xf32>
        %swap3A_907 = arith.index_cast %add3A_875 : i32 to index
        %swap3A_908 = arith.constant 48 : index
        %swap3A_909 = tpu.vector_load %arg12[%swap3A_907, %swap3A_908] {strides = array<i32>} : memref<208x64xf32, #tpu.memory_space<vmem>>, vector<1x16xf32>,
        %swap3A_910 = vector.shape_cast %swap3A_909 : vector<1x16xf32> to vector<16xf32>
        %swap3A_911 = vector.shape_cast %get3A_906 : vector<16xf32> to vector<1x16xf32>
        tpu.vector_store %arg12[%swap3A_907, %swap3A_908], %swap3A_911 {strides = array<i32>} : memref<208x64xf32, #tpu.memory_space<vmem>>, vector<1x16xf32>,
        %mul3A_912 = arith.constant 26 : i32
        %mul3A_913 = arith.muli %scan3A_871, %mul3A_912 : i32
        %add3A_914 = arith.constant 1 : i32
        %add3A_915 = arith.addi %mul3A_913, %add3A_914 : i32
        %get3A_916 = arith.index_cast %add3A_915 : i32 to index
        %get3A_917 = arith.constant 0 : index
        %get3A_918 = tpu.vector_load %arg10[%get3A_916, %get3A_917] {strides = array<i32>} : memref<208x128xf32, #tpu.memory_space<vmem>>, vector<1x16xf32>,
        %get3A_919 = vector.shape_cast %get3A_918 : vector<1x16xf32> to vector<16xf32>
        %swap3A_920 = arith.index_cast %add3A_915 : i32 to index
        %swap3A_921 = arith.constant 0 : index
        %swap3A_922 = tpu.vector_load %arg12[%swap3A_920, %swap3A_921] {strides = array<i32>} : memref<208x64xf32, #tpu.memory_space<vmem>>, vector<1x16xf32>,
        %swap3A_923 = vector.shape_cast %swap3A_922 : vector<1x16xf32> to vector<16xf32>
        %swap3A_924 = vector.shape_cast %get3A_919 : vector<16xf32> to vector<1x16xf32>
        tpu.vector_store %arg12[%swap3A_920, %swap3A_921], %swap3A_924 {strides = array<i32>} : memref<208x64xf32, #tpu.memory_space<vmem>>, vector<1x16xf32>,
        %get3A_925 = arith.index_cast %add3A_915 : i32 to index
        %get3A_926 = arith.constant 16 : index
        %get3A_927 = tpu.vector_load %arg10[%get3A_925, %get3A_926] {strides = array<i32>} : memref<208x128xf32, #tpu.memory_space<vmem>>, vector<1x16xf32>,
        %get3A_928 = vector.shape_cast %get3A_927 : vector<1x16xf32> to vector<16xf32>
        %swap3A_929 = arith.index_cast %add3A_915 : i32 to index
        %swap3A_930 = arith.constant 16 : index
        %swap3A_931 = tpu.vector_load %arg12[%swap3A_929, %swap3A_930] {strides = array<i32>} : memref<208x64xf32, #tpu.memory_space<vmem>>, vector<1x16xf32>,
        %swap3A_932 = vector.shape_cast %swap3A_931 : vector<1x16xf32> to vector<16xf32>
        %swap3A_933 = vector.shape_cast %get3A_928 : vector<16xf32> to vector<1x16xf32>
        tpu.vector_store %arg12[%swap3A_929, %swap3A_930], %swap3A_933 {strides = array<i32>} : memref<208x64xf32, #tpu.memory_space<vmem>>, vector<1x16xf32>,
        %get3A_934 = arith.index_cast %add3A_915 : i32 to index
        %get3A_935 = arith.constant 32 : index
        %get3A_936 = tpu.vector_load %arg10[%get3A_934, %get3A_935] {strides = array<i32>} : memref<208x128xf32, #tpu.memory_space<vmem>>, vector<1x16xf32>,
        %get3A_937 = vector.shape_cast %get3A_936 : vector<1x16xf32> to vector<16xf32>
        %swap3A_938 = arith.index_cast %add3A_915 : i32 to index
        %swap3A_939 = arith.constant 32 : index
        %swap3A_940 = tpu.vector_load %arg12[%swap3A_938, %swap3A_939] {strides = array<i32>} : memref<208x64xf32, #tpu.memory_space<vmem>>, vector<1x16xf32>,
        %swap3A_941 = vector.shape_cast %swap3A_940 : vector<1x16xf32> to vector<16xf32>
        %swap3A_942 = vector.shape_cast %get3A_937 : vector<16xf32> to vector<1x16xf32>
        tpu.vector_store %arg12[%swap3A_938, %swap3A_939], %swap3A_942 {strides = array<i32>} : memref<208x64xf32, #tpu.memory_space<vmem>>, vector<1x16xf32>,
        %get3A_943 = arith.index_cast %add3A_915 : i32 to index
        %get3A_944 = arith.constant 48 : index
        %get3A_945 = tpu.vector_load %arg10[%get3A_943, %get3A_944] {strides = array<i32>} : memref<208x128xf32, #tpu.memory_space<vmem>>, vector<1x16xf32>,
        %get3A_946 = vector.shape_cast %get3A_945 : vector<1x16xf32> to vector<16xf32>
        %swap3A_947 = arith.index_cast %add3A_915 : i32 to index
        %swap3A_948 = arith.constant 48 : index
        %swap3A_949 = tpu.vector_load %arg12[%swap3A_947, %swap3A_948] {strides = array<i32>} : memref<208x64xf32, #tpu.memory_space<vmem>>, vector<1x16xf32>,
        %swap3A_950 = vector.shape_cast %swap3A_949 : vector<1x16xf32> to vector<16xf32>
        %swap3A_951 = vector.shape_cast %get3A_946 : vector<16xf32> to vector<1x16xf32>
        tpu.vector_store %arg12[%swap3A_947, %swap3A_948], %swap3A_951 {strides = array<i32>} : memref<208x64xf32, #tpu.memory_space<vmem>>, vector<1x16xf32>,
        %mul3A_952 = arith.constant 26 : i32
        %mul3A_953 = arith.muli %scan3A_871, %mul3A_952 : i32
        %add3A_954 = arith.constant 2 : i32
        %add3A_955 = arith.addi %mul3A_953, %add3A_954 : i32
        %get3A_956 = arith.index_cast %add3A_955 : i32 to index
        %get3A_957 = arith.constant 0 : index
        %get3A_958 = tpu.vector_load %arg10[%get3A_956, %get3A_957] {strides = array<i32>} : memref<208x128xf32, #tpu.memory_space<vmem>>, vector<1x16xf32>,
        %get3A_959 = vector.shape_cast %get3A_958 : vector<1x16xf32> to vector<16xf32>
        %swap3A_960 = arith.index_cast %add3A_955 : i32 to index
        %swap3A_961 = arith.constant 0 : index
        %swap3A_962 = tpu.vector_load %arg12[%swap3A_960, %swap3A_961] {strides = array<i32>} : memref<208x64xf32, #tpu.memory_space<vmem>>, vector<1x16xf32>,
        %swap3A_963 = vector.shape_cast %swap3A_962 : vector<1x16xf32> to vector<16xf32>
        %swap3A_964 = vector.shape_cast %get3A_959 : vector<16xf32> to vector<1x16xf32>
        tpu.vector_store %arg12[%swap3A_960, %swap3A_961], %swap3A_964 {strides = array<i32>} : memref<208x64xf32, #tpu.memory_space<vmem>>, vector<1x16xf32>,
        %get3A_965 = arith.index_cast %add3A_955 : i32 to index
        %get3A_966 = arith.constant 16 : index
        %get3A_967 = tpu.vector_load %arg10[%get3A_965, %get3A_966] {strides = array<i32>} : memref<208x128xf32, #tpu.memory_space<vmem>>, vector<1x16xf32>,
        %get3A_968 = vector.shape_cast %get3A_967 : vector<1x16xf32> to vector<16xf32>
        %swap3A_969 = arith.index_cast %add3A_955 : i32 to index
        %swap3A_970 = arith.constant 16 : index
        %swap3A_971 = tpu.vector_load %arg12[%swap3A_969, %swap3A_970] {strides = array<i32>} : memref<208x64xf32, #tpu.memory_space<vmem>>, vector<1x16xf32>,
        %swap3A_972 = vector.shape_cast %swap3A_971 : vector<1x16xf32> to vector<16xf32>
        %swap3A_973 = vector.shape_cast %get3A_968 : vector<16xf32> to vector<1x16xf32>
        tpu.vector_store %arg12[%swap3A_969, %swap3A_970], %swap3A_973 {strides = array<i32>} : memref<208x64xf32, #tpu.memory_space<vmem>>, vector<1x16xf32>,
        %get3A_974 = arith.index_cast %add3A_955 : i32 to index
        %get3A_975 = arith.constant 32 : index
        %get3A_976 = tpu.vector_load %arg10[%get3A_974, %get3A_975] {strides = array<i32>} : memref<208x128xf32, #tpu.memory_space<vmem>>, vector<1x16xf32>,
        %get3A_977 = vector.shape_cast %get3A_976 : vector<1x16xf32> to vector<16xf32>
        %swap3A_978 = arith.index_cast %add3A_955 : i32 to index
        %swap3A_979 = arith.constant 32 : index
        %swap3A_980 = tpu.vector_load %arg12[%swap3A_978, %swap3A_979] {strides = array<i32>} : memref<208x64xf32, #tpu.memory_space<vmem>>, vector<1x16xf32>,
        %swap3A_981 = vector.shape_cast %swap3A_980 : vector<1x16xf32> to vector<16xf32>
        %swap3A_982 = vector.shape_cast %get3A_977 : vector<16xf32> to vector<1x16xf32>
        tpu.vector_store %arg12[%swap3A_978, %swap3A_979], %swap3A_982 {strides = array<i32>} : memref<208x64xf32, #tpu.memory_space<vmem>>, vector<1x16xf32>,
        %get3A_983 = arith.index_cast %add3A_955 : i32 to index
        %get3A_984 = arith.constant 48 : index
        %get3A_985 = tpu.vector_load %arg10[%get3A_983, %get3A_984] {strides = array<i32>} : memref<208x128xf32, #tpu.memory_space<vmem>>, vector<1x16xf32>,
        %get3A_986 = vector.shape_cast %get3A_985 : vector<1x16xf32> to vector<16xf32>
        %swap3A_987 = arith.index_cast %add3A_955 : i32 to index
        %swap3A_988 = arith.constant 48 : index
        %swap3A_989 = tpu.vector_load %arg12[%swap3A_987, %swap3A_988] {strides = array<i32>} : memref<208x64xf32, #tpu.memory_space<vmem>>, vector<1x16xf32>,
        %swap3A_990 = vector.shape_cast %swap3A_989 : vector<1x16xf32> to vector<16xf32>
        %swap3A_991 = vector.shape_cast %get3A_986 : vector<16xf32> to vector<1x16xf32>
        tpu.vector_store %arg12[%swap3A_987, %swap3A_988], %swap3A_991 {strides = array<i32>} : memref<208x64xf32, #tpu.memory_space<vmem>>, vector<1x16xf32>,
        %mul3A_992 = arith.constant 26 : i32
        %mul3A_993 = arith.muli %scan3A_871, %mul3A_992 : i32
        %add3A_994 = arith.constant 3 : i32
        %add3A_995 = arith.addi %mul3A_993, %add3A_994 : i32
        %get3A_996 = arith.index_cast %add3A_995 : i32 to index
        %get3A_997 = arith.constant 0 : index
        %get3A_998 = tpu.vector_load %arg10[%get3A_996, %get3A_997] {strides = array<i32>} : memref<208x128xf32, #tpu.memory_space<vmem>>, vector<1x16xf32>,
        %get3A_999 = vector.shape_cast %get3A_998 : vector<1x16xf32> to vector<16xf32>
        %swap3A_1000 = arith.index_cast %add3A_995 : i32 to index
        %swap3A_1001 = arith.constant 0 : index
        %swap3A_1002 = tpu.vector_load %arg12[%swap3A_1000, %swap3A_1001] {strides = array<i32>} : memref<208x64xf32, #tpu.memory_space<vmem>>, vector<1x16xf32>,
        %swap3A_1003 = vector.shape_cast %swap3A_1002 : vector<1x16xf32> to vector<16xf32>
        %swap3A_1004 = vector.shape_cast %get3A_999 : vector<16xf32> to vector<1x16xf32>
        tpu.vector_store %arg12[%swap3A_1000, %swap3A_1001], %swap3A_1004 {strides = array<i32>} : memref<208x64xf32, #tpu.memory_space<vmem>>, vector<1x16xf32>,
        %get3A_1005 = arith.index_cast %add3A_995 : i32 to index
        %get3A_1006 = arith.constant 16 : index
        %get3A_1007 = tpu.vector_load %arg10[%get3A_1005, %get3A_1006] {strides = array<i32>} : memref<208x128xf32, #tpu.memory_space<vmem>>, vector<1x16xf32>,
        %get3A_1008 = vector.shape_cast %get3A_1007 : vector<1x16xf32> to vector<16xf32>
        %swap3A_1009 = arith.index_cast %add3A_995 : i32 to index
        %swap3A_1010 = arith.constant 16 : index
        %swap3A_1011 = tpu.vector_load %arg12[%swap3A_1009, %swap3A_1010] {strides = array<i32>} : memref<208x64xf32, #tpu.memory_space<vmem>>, vector<1x16xf32>,
        %swap3A_1012 = vector.shape_cast %swap3A_1011 : vector<1x16xf32> to vector<16xf32>
        %swap3A_1013 = vector.shape_cast %get3A_1008 : vector<16xf32> to vector<1x16xf32>
        tpu.vector_store %arg12[%swap3A_1009, %swap3A_1010], %swap3A_1013 {strides = array<i32>} : memref<208x64xf32, #tpu.memory_space<vmem>>, vector<1x16xf32>,
        %get3A_1014 = arith.index_cast %add3A_995 : i32 to index
        %get3A_1015 = arith.constant 32 : index
        %get3A_1016 = tpu.vector_load %arg10[%get3A_1014, %get3A_1015] {strides = array<i32>} : memref<208x128xf32, #tpu.memory_space<vmem>>, vector<1x16xf32>,
        %get3A_1017 = vector.shape_cast %get3A_1016 : vector<1x16xf32> to vector<16xf32>
        %swap3A_1018 = arith.index_cast %add3A_995 : i32 to index
        %swap3A_1019 = arith.constant 32 : index
        %swap3A_1020 = tpu.vector_load %arg12[%swap3A_1018, %swap3A_1019] {strides = array<i32>} : memref<208x64xf32, #tpu.memory_space<vmem>>, vector<1x16xf32>,
        %swap3A_1021 = vector.shape_cast %swap3A_1020 : vector<1x16xf32> to vector<16xf32>
        %swap3A_1022 = vector.shape_cast %get3A_1017 : vector<16xf32> to vector<1x16xf32>
        tpu.vector_store %arg12[%swap3A_1018, %swap3A_1019], %swap3A_1022 {strides = array<i32>} : memref<208x64xf32, #tpu.memory_space<vmem>>, vector<1x16xf32>,
        %get3A_1023 = arith.index_cast %add3A_995 : i32 to index
        %get3A_1024 = arith.constant 48 : index
        %get3A_1025 = tpu.vector_load %arg10[%get3A_1023, %get3A_1024] {strides = array<i32>} : memref<208x128xf32, #tpu.memory_space<vmem>>, vector<1x16xf32>,
        %get3A_1026 = vector.shape_cast %get3A_1025 : vector<1x16xf32> to vector<16xf32>
        %swap3A_1027 = arith.index_cast %add3A_995 : i32 to index
        %swap3A_1028 = arith.constant 48 : index
        %swap3A_1029 = tpu.vector_load %arg12[%swap3A_1027, %swap3A_1028] {strides = array<i32>} : memref<208x64xf32, #tpu.memory_space<vmem>>, vector<1x16xf32>,
        %swap3A_1030 = vector.shape_cast %swap3A_1029 : vector<1x16xf32> to vector<16xf32>
        %swap3A_1031 = vector.shape_cast %get3A_1026 : vector<16xf32> to vector<1x16xf32>
        tpu.vector_store %arg12[%swap3A_1027, %swap3A_1028], %swap3A_1031 {strides = array<i32>} : memref<208x64xf32, #tpu.memory_space<vmem>>, vector<1x16xf32>,
        %mul3A_1032 = arith.constant 26 : i32
        %mul3A_1033 = arith.muli %scan3A_871, %mul3A_1032 : i32
        %add3A_1034 = arith.constant 4 : i32
        %add3A_1035 = arith.addi %mul3A_1033, %add3A_1034 : i32
        %get3A_1036 = arith.index_cast %add3A_1035 : i32 to index
        %get3A_1037 = arith.constant 0 : index
        %get3A_1038 = tpu.vector_load %arg10[%get3A_1036, %get3A_1037] {strides = array<i32>} : memref<208x128xf32, #tpu.memory_space<vmem>>, vector<1x16xf32>,
        %get3A_1039 = vector.shape_cast %get3A_1038 : vector<1x16xf32> to vector<16xf32>
        %swap3A_1040 = arith.index_cast %add3A_1035 : i32 to index
        %swap3A_1041 = arith.constant 0 : index
        %swap3A_1042 = tpu.vector_load %arg12[%swap3A_1040, %swap3A_1041] {strides = array<i32>} : memref<208x64xf32, #tpu.memory_space<vmem>>, vector<1x16xf32>,
        %swap3A_1043 = vector.shape_cast %swap3A_1042 : vector<1x16xf32> to vector<16xf32>
        %swap3A_1044 = vector.shape_cast %get3A_1039 : vector<16xf32> to vector<1x16xf32>
        tpu.vector_store %arg12[%swap3A_1040, %swap3A_1041], %swap3A_1044 {strides = array<i32>} : memref<208x64xf32, #tpu.memory_space<vmem>>, vector<1x16xf32>,
        %get3A_1045 = arith.index_cast %add3A_1035 : i32 to index
        %get3A_1046 = arith.constant 16 : index
        %get3A_1047 = tpu.vector_load %arg10[%get3A_1045, %get3A_1046] {strides = array<i32>} : memref<208x128xf32, #tpu.memory_space<vmem>>, vector<1x16xf32>,
        %get3A_1048 = vector.shape_cast %get3A_1047 : vector<1x16xf32> to vector<16xf32>
        %swap3A_1049 = arith.index_cast %add3A_1035 : i32 to index
        %swap3A_1050 = arith.constant 16 : index
        %swap3A_1051 = tpu.vector_load %arg12[%swap3A_1049, %swap3A_1050] {strides = array<i32>} : memref<208x64xf32, #tpu.memory_space<vmem>>, vector<1x16xf32>,
        %swap3A_1052 = vector.shape_cast %swap3A_1051 : vector<1x16xf32> to vector<16xf32>
        %swap3A_1053 = vector.shape_cast %get3A_1048 : vector<16xf32> to vector<1x16xf32>
        tpu.vector_store %arg12[%swap3A_1049, %swap3A_1050], %swap3A_1053 {strides = array<i32>} : memref<208x64xf32, #tpu.memory_space<vmem>>, vector<1x16xf32>,
        %get3A_1054 = arith.index_cast %add3A_1035 : i32 to index
        %get3A_1055 = arith.constant 32 : index
        %get3A_1056 = tpu.vector_load %arg10[%get3A_1054, %get3A_1055] {strides = array<i32>} : memref<208x128xf32, #tpu.memory_space<vmem>>, vector<1x16xf32>,
        %get3A_1057 = vector.shape_cast %get3A_1056 : vector<1x16xf32> to vector<16xf32>
        %swap3A_1058 = arith.index_cast %add3A_1035 : i32 to index
        %swap3A_1059 = arith.constant 32 : index
        %swap3A_1060 = tpu.vector_load %arg12[%swap3A_1058, %swap3A_1059] {strides = array<i32>} : memref<208x64xf32, #tpu.memory_space<vmem>>, vector<1x16xf32>,
        %swap3A_1061 = vector.shape_cast %swap3A_1060 : vector<1x16xf32> to vector<16xf32>
        %swap3A_1062 = vector.shape_cast %get3A_1057 : vector<16xf32> to vector<1x16xf32>
        tpu.vector_store %arg12[%swap3A_1058, %swap3A_1059], %swap3A_1062 {strides = array<i32>} : memref<208x64xf32, #tpu.memory_space<vmem>>, vector<1x16xf32>,
        %get3A_1063 = arith.index_cast %add3A_1035 : i32 to index
        %get3A_1064 = arith.constant 48 : index
        %get3A_1065 = tpu.vector_load %arg10[%get3A_1063, %get3A_1064] {strides = array<i32>} : memref<208x128xf32, #tpu.memory_space<vmem>>, vector<1x16xf32>,
        %get3A_1066 = vector.shape_cast %get3A_1065 : vector<1x16xf32> to vector<16xf32>
        %swap3A_1067 = arith.index_cast %add3A_1035 : i32 to index
        %swap3A_1068 = arith.constant 48 : index
        %swap3A_1069 = tpu.vector_load %arg12[%swap3A_1067, %swap3A_1068] {strides = array<i32>} : memref<208x64xf32, #tpu.memory_space<vmem>>, vector<1x16xf32>,
        %swap3A_1070 = vector.shape_cast %swap3A_1069 : vector<1x16xf32> to vector<16xf32>
        %swap3A_1071 = vector.shape_cast %get3A_1066 : vector<16xf32> to vector<1x16xf32>
        tpu.vector_store %arg12[%swap3A_1067, %swap3A_1068], %swap3A_1071 {strides = array<i32>} : memref<208x64xf32, #tpu.memory_space<vmem>>, vector<1x16xf32>,
        %mul3A_1072 = arith.constant 26 : i32
        %mul3A_1073 = arith.muli %scan3A_871, %mul3A_1072 : i32
        %add3A_1074 = arith.constant 5 : i32
        %add3A_1075 = arith.addi %mul3A_1073, %add3A_1074 : i32
        %get3A_1076 = arith.index_cast %add3A_1075 : i32 to index
        %get3A_1077 = arith.constant 0 : index
        %get3A_1078 = tpu.vector_load %arg10[%get3A_1076, %get3A_1077] {strides = array<i32>} : memref<208x128xf32, #tpu.memory_space<vmem>>, vector<1x16xf32>,
        %get3A_1079 = vector.shape_cast %get3A_1078 : vector<1x16xf32> to vector<16xf32>
        %swap3A_1080 = arith.index_cast %add3A_1075 : i32 to index
        %swap3A_1081 = arith.constant 0 : index
        %swap3A_1082 = tpu.vector_load %arg12[%swap3A_1080, %swap3A_1081] {strides = array<i32>} : memref<208x64xf32, #tpu.memory_space<vmem>>, vector<1x16xf32>,
        %swap3A_1083 = vector.shape_cast %swap3A_1082 : vector<1x16xf32> to vector<16xf32>
        %swap3A_1084 = vector.shape_cast %get3A_1079 : vector<16xf32> to vector<1x16xf32>
        tpu.vector_store %arg12[%swap3A_1080, %swap3A_1081], %swap3A_1084 {strides = array<i32>} : memref<208x64xf32, #tpu.memory_space<vmem>>, vector<1x16xf32>,
        %get3A_1085 = arith.index_cast %add3A_1075 : i32 to index
        %get3A_1086 = arith.constant 16 : index
        %get3A_1087 = tpu.vector_load %arg10[%get3A_1085, %get3A_1086] {strides = array<i32>} : memref<208x128xf32, #tpu.memory_space<vmem>>, vector<1x16xf32>,
        %get3A_1088 = vector.shape_cast %get3A_1087 : vector<1x16xf32> to vector<16xf32>
        %swap3A_1089 = arith.index_cast %add3A_1075 : i32 to index
        %swap3A_1090 = arith.constant 16 : index
        %swap3A_1091 = tpu.vector_load %arg12[%swap3A_1089, %swap3A_1090] {strides = array<i32>} : memref<208x64xf32, #tpu.memory_space<vmem>>, vector<1x16xf32>,
        %swap3A_1092 = vector.shape_cast %swap3A_1091 : vector<1x16xf32> to vector<16xf32>
        %swap3A_1093 = vector.shape_cast %get3A_1088 : vector<16xf32> to vector<1x16xf32>
        tpu.vector_store %arg12[%swap3A_1089, %swap3A_1090], %swap3A_1093 {strides = array<i32>} : memref<208x64xf32, #tpu.memory_space<vmem>>, vector<1x16xf32>,
        %get3A_1094 = arith.index_cast %add3A_1075 : i32 to index
        %get3A_1095 = arith.constant 32 : index
        %get3A_1096 = tpu.vector_load %arg10[%get3A_1094, %get3A_1095] {strides = array<i32>} : memref<208x128xf32, #tpu.memory_space<vmem>>, vector<1x16xf32>,
        %get3A_1097 = vector.shape_cast %get3A_1096 : vector<1x16xf32> to vector<16xf32>
        %swap3A_1098 = arith.index_cast %add3A_1075 : i32 to index
        %swap3A_1099 = arith.constant 32 : index
        %swap3A_1100 = tpu.vector_load %arg12[%swap3A_1098, %swap3A_1099] {strides = array<i32>} : memref<208x64xf32, #tpu.memory_space<vmem>>, vector<1x16xf32>,
        %swap3A_1101 = vector.shape_cast %swap3A_1100 : vector<1x16xf32> to vector<16xf32>
        %swap3A_1102 = vector.shape_cast %get3A_1097 : vector<16xf32> to vector<1x16xf32>
        tpu.vector_store %arg12[%swap3A_1098, %swap3A_1099], %swap3A_1102 {strides = array<i32>} : memref<208x64xf32, #tpu.memory_space<vmem>>, vector<1x16xf32>,
        %get3A_1103 = arith.index_cast %add3A_1075 : i32 to index
        %get3A_1104 = arith.constant 48 : index
        %get3A_1105 = tpu.vector_load %arg10[%get3A_1103, %get3A_1104] {strides = array<i32>} : memref<208x128xf32, #tpu.memory_space<vmem>>, vector<1x16xf32>,
        %get3A_1106 = vector.shape_cast %get3A_1105 : vector<1x16xf32> to vector<16xf32>
        %swap3A_1107 = arith.index_cast %add3A_1075 : i32 to index
        %swap3A_1108 = arith.constant 48 : index
        %swap3A_1109 = tpu.vector_load %arg12[%swap3A_1107, %swap3A_1108] {strides = array<i32>} : memref<208x64xf32, #tpu.memory_space<vmem>>, vector<1x16xf32>,
        %swap3A_1110 = vector.shape_cast %swap3A_1109 : vector<1x16xf32> to vector<16xf32>
        %swap3A_1111 = vector.shape_cast %get3A_1106 : vector<16xf32> to vector<1x16xf32>
        tpu.vector_store %arg12[%swap3A_1107, %swap3A_1108], %swap3A_1111 {strides = array<i32>} : memref<208x64xf32, #tpu.memory_space<vmem>>, vector<1x16xf32>,
        %mul3A_1112 = arith.constant 26 : i32
        %mul3A_1113 = arith.muli %scan3A_871, %mul3A_1112 : i32
        %add3A_1114 = arith.constant 6 : i32
        %add3A_1115 = arith.addi %mul3A_1113, %add3A_1114 : i32
        %get3A_1116 = arith.index_cast %add3A_1115 : i32 to index
        %get3A_1117 = arith.constant 0 : index
        %get3A_1118 = tpu.vector_load %arg10[%get3A_1116, %get3A_1117] {strides = array<i32>} : memref<208x128xf32, #tpu.memory_space<vmem>>, vector<1x16xf32>,
        %get3A_1119 = vector.shape_cast %get3A_1118 : vector<1x16xf32> to vector<16xf32>
        %swap3A_1120 = arith.index_cast %add3A_1115 : i32 to index
        %swap3A_1121 = arith.constant 0 : index
        %swap3A_1122 = tpu.vector_load %arg12[%swap3A_1120, %swap3A_1121] {strides = array<i32>} : memref<208x64xf32, #tpu.memory_space<vmem>>, vector<1x16xf32>,
        %swap3A_1123 = vector.shape_cast %swap3A_1122 : vector<1x16xf32> to vector<16xf32>
        %swap3A_1124 = vector.shape_cast %get3A_1119 : vector<16xf32> to vector<1x16xf32>
        tpu.vector_store %arg12[%swap3A_1120, %swap3A_1121], %swap3A_1124 {strides = array<i32>} : memref<208x64xf32, #tpu.memory_space<vmem>>, vector<1x16xf32>,
        %get3A_1125 = arith.index_cast %add3A_1115 : i32 to index
        %get3A_1126 = arith.constant 16 : index
        %get3A_1127 = tpu.vector_load %arg10[%get3A_1125, %get3A_1126] {strides = array<i32>} : memref<208x128xf32, #tpu.memory_space<vmem>>, vector<1x16xf32>,
        %get3A_1128 = vector.shape_cast %get3A_1127 : vector<1x16xf32> to vector<16xf32>
        %swap3A_1129 = arith.index_cast %add3A_1115 : i32 to index
        %swap3A_1130 = arith.constant 16 : index
        %swap3A_1131 = tpu.vector_load %arg12[%swap3A_1129, %swap3A_1130] {strides = array<i32>} : memref<208x64xf32, #tpu.memory_space<vmem>>, vector<1x16xf32>,
        %swap3A_1132 = vector.shape_cast %swap3A_1131 : vector<1x16xf32> to vector<16xf32>
        %swap3A_1133 = vector.shape_cast %get3A_1128 : vector<16xf32> to vector<1x16xf32>
        tpu.vector_store %arg12[%swap3A_1129, %swap3A_1130], %swap3A_1133 {strides = array<i32>} : memref<208x64xf32, #tpu.memory_space<vmem>>, vector<1x16xf32>,
        %get3A_1134 = arith.index_cast %add3A_1115 : i32 to index
        %get3A_1135 = arith.constant 32 : index
        %get3A_1136 = tpu.vector_load %arg10[%get3A_1134, %get3A_1135] {strides = array<i32>} : memref<208x128xf32, #tpu.memory_space<vmem>>, vector<1x16xf32>,
        %get3A_1137 = vector.shape_cast %get3A_1136 : vector<1x16xf32> to vector<16xf32>
        %swap3A_1138 = arith.index_cast %add3A_1115 : i32 to index
        %swap3A_1139 = arith.constant 32 : index
        %swap3A_1140 = tpu.vector_load %arg12[%swap3A_1138, %swap3A_1139] {strides = array<i32>} : memref<208x64xf32, #tpu.memory_space<vmem>>, vector<1x16xf32>,
        %swap3A_1141 = vector.shape_cast %swap3A_1140 : vector<1x16xf32> to vector<16xf32>
        %swap3A_1142 = vector.shape_cast %get3A_1137 : vector<16xf32> to vector<1x16xf32>
        tpu.vector_store %arg12[%swap3A_1138, %swap3A_1139], %swap3A_1142 {strides = array<i32>} : memref<208x64xf32, #tpu.memory_space<vmem>>, vector<1x16xf32>,
        %get3A_1143 = arith.index_cast %add3A_1115 : i32 to index
        %get3A_1144 = arith.constant 48 : index
        %get3A_1145 = tpu.vector_load %arg10[%get3A_1143, %get3A_1144] {strides = array<i32>} : memref<208x128xf32, #tpu.memory_space<vmem>>, vector<1x16xf32>,
        %get3A_1146 = vector.shape_cast %get3A_1145 : vector<1x16xf32> to vector<16xf32>
        %swap3A_1147 = arith.index_cast %add3A_1115 : i32 to index
        %swap3A_1148 = arith.constant 48 : index
        %swap3A_1149 = tpu.vector_load %arg12[%swap3A_1147, %swap3A_1148] {strides = array<i32>} : memref<208x64xf32, #tpu.memory_space<vmem>>, vector<1x16xf32>,
        %swap3A_1150 = vector.shape_cast %swap3A_1149 : vector<1x16xf32> to vector<16xf32>
        %swap3A_1151 = vector.shape_cast %get3A_1146 : vector<16xf32> to vector<1x16xf32>
        tpu.vector_store %arg12[%swap3A_1147, %swap3A_1148], %swap3A_1151 {strides = array<i32>} : memref<208x64xf32, #tpu.memory_space<vmem>>, vector<1x16xf32>,
        %mul3A_1152 = arith.constant 26 : i32
        %mul3A_1153 = arith.muli %scan3A_871, %mul3A_1152 : i32
        %add3A_1154 = arith.constant 7 : i32
        %add3A_1155 = arith.addi %mul3A_1153, %add3A_1154 : i32
        %get3A_1156 = arith.index_cast %add3A_1155 : i32 to index
        %get3A_1157 = arith.constant 0 : index
        %get3A_1158 = tpu.vector_load %arg10[%get3A_1156, %get3A_1157] {strides = array<i32>} : memref<208x128xf32, #tpu.memory_space<vmem>>, vector<1x16xf32>,
        %get3A_1159 = vector.shape_cast %get3A_1158 : vector<1x16xf32> to vector<16xf32>
        %swap3A_1160 = arith.index_cast %add3A_1155 : i32 to index
        %swap3A_1161 = arith.constant 0 : index
        %swap3A_1162 = tpu.vector_load %arg12[%swap3A_1160, %swap3A_1161] {strides = array<i32>} : memref<208x64xf32, #tpu.memory_space<vmem>>, vector<1x16xf32>,
        %swap3A_1163 = vector.shape_cast %swap3A_1162 : vector<1x16xf32> to vector<16xf32>
        %swap3A_1164 = vector.shape_cast %get3A_1159 : vector<16xf32> to vector<1x16xf32>
        tpu.vector_store %arg12[%swap3A_1160, %swap3A_1161], %swap3A_1164 {strides = array<i32>} : memref<208x64xf32, #tpu.memory_space<vmem>>, vector<1x16xf32>,
        %get3A_1165 = arith.index_cast %add3A_1155 : i32 to index
        %get3A_1166 = arith.constant 16 : index
        %get3A_1167 = tpu.vector_load %arg10[%get3A_1165, %get3A_1166] {strides = array<i32>} : memref<208x128xf32, #tpu.memory_space<vmem>>, vector<1x16xf32>,
        %get3A_1168 = vector.shape_cast %get3A_1167 : vector<1x16xf32> to vector<16xf32>
        %swap3A_1169 = arith.index_cast %add3A_1155 : i32 to index
        %swap3A_1170 = arith.constant 16 : index
        %swap3A_1171 = tpu.vector_load %arg12[%swap3A_1169, %swap3A_1170] {strides = array<i32>} : memref<208x64xf32, #tpu.memory_space<vmem>>, vector<1x16xf32>,
        %swap3A_1172 = vector.shape_cast %swap3A_1171 : vector<1x16xf32> to vector<16xf32>
        %swap3A_1173 = vector.shape_cast %get3A_1168 : vector<16xf32> to vector<1x16xf32>
        tpu.vector_store %arg12[%swap3A_1169, %swap3A_1170], %swap3A_1173 {strides = array<i32>} : memref<208x64xf32, #tpu.memory_space<vmem>>, vector<1x16xf32>,
        %get3A_1174 = arith.index_cast %add3A_1155 : i32 to index
        %get3A_1175 = arith.constant 32 : index
        %get3A_1176 = tpu.vector_load %arg10[%get3A_1174, %get3A_1175] {strides = array<i32>} : memref<208x128xf32, #tpu.memory_space<vmem>>, vector<1x16xf32>,
        %get3A_1177 = vector.shape_cast %get3A_1176 : vector<1x16xf32> to vector<16xf32>
        %swap3A_1178 = arith.index_cast %add3A_1155 : i32 to index
        %swap3A_1179 = arith.constant 32 : index
        %swap3A_1180 = tpu.vector_load %arg12[%swap3A_1178, %swap3A_1179] {strides = array<i32>} : memref<208x64xf32, #tpu.memory_space<vmem>>, vector<1x16xf32>,
        %swap3A_1181 = vector.shape_cast %swap3A_1180 : vector<1x16xf32> to vector<16xf32>
        %swap3A_1182 = vector.shape_cast %get3A_1177 : vector<16xf32> to vector<1x16xf32>
        tpu.vector_store %arg12[%swap3A_1178, %swap3A_1179], %swap3A_1182 {strides = array<i32>} : memref<208x64xf32, #tpu.memory_space<vmem>>, vector<1x16xf32>,
        %get3A_1183 = arith.index_cast %add3A_1155 : i32 to index
        %get3A_1184 = arith.constant 48 : index
        %get3A_1185 = tpu.vector_load %arg10[%get3A_1183, %get3A_1184] {strides = array<i32>} : memref<208x128xf32, #tpu.memory_space<vmem>>, vector<1x16xf32>,
        %get3A_1186 = vector.shape_cast %get3A_1185 : vector<1x16xf32> to vector<16xf32>
        %swap3A_1187 = arith.index_cast %add3A_1155 : i32 to index
        %swap3A_1188 = arith.constant 48 : index
        %swap3A_1189 = tpu.vector_load %arg12[%swap3A_1187, %swap3A_1188] {strides = array<i32>} : memref<208x64xf32, #tpu.memory_space<vmem>>, vector<1x16xf32>,
        %swap3A_1190 = vector.shape_cast %swap3A_1189 : vector<1x16xf32> to vector<16xf32>
        %swap3A_1191 = vector.shape_cast %get3A_1186 : vector<16xf32> to vector<1x16xf32>
        tpu.vector_store %arg12[%swap3A_1187, %swap3A_1188], %swap3A_1191 {strides = array<i32>} : memref<208x64xf32, #tpu.memory_space<vmem>>, vector<1x16xf32>,
        %mul3A_1192 = arith.constant 26 : i32
        %mul3A_1193 = arith.muli %scan3A_871, %mul3A_1192 : i32
        %add3A_1194 = arith.constant 8 : i32
        %add3A_1195 = arith.addi %mul3A_1193, %add3A_1194 : i32
        %get3A_1196 = arith.index_cast %add3A_1195 : i32 to index
        %get3A_1197 = arith.constant 0 : index
        %get3A_1198 = tpu.vector_load %arg10[%get3A_1196, %get3A_1197] {strides = array<i32>} : memref<208x128xf32, #tpu.memory_space<vmem>>, vector<1x16xf32>,
        %get3A_1199 = vector.shape_cast %get3A_1198 : vector<1x16xf32> to vector<16xf32>
        %swap3A_1200 = arith.index_cast %add3A_1195 : i32 to index
        %swap3A_1201 = arith.constant 0 : index
        %swap3A_1202 = tpu.vector_load %arg12[%swap3A_1200, %swap3A_1201] {strides = array<i32>} : memref<208x64xf32, #tpu.memory_space<vmem>>, vector<1x16xf32>,
        %swap3A_1203 = vector.shape_cast %swap3A_1202 : vector<1x16xf32> to vector<16xf32>
        %swap3A_1204 = vector.shape_cast %get3A_1199 : vector<16xf32> to vector<1x16xf32>
        tpu.vector_store %arg12[%swap3A_1200, %swap3A_1201], %swap3A_1204 {strides = array<i32>} : memref<208x64xf32, #tpu.memory_space<vmem>>, vector<1x16xf32>,
        %get3A_1205 = arith.index_cast %add3A_1195 : i32 to index
        %get3A_1206 = arith.constant 16 : index
        %get3A_1207 = tpu.vector_load %arg10[%get3A_1205, %get3A_1206] {strides = array<i32>} : memref<208x128xf32, #tpu.memory_space<vmem>>, vector<1x16xf32>,
        %get3A_1208 = vector.shape_cast %get3A_1207 : vector<1x16xf32> to vector<16xf32>
        %swap3A_1209 = arith.index_cast %add3A_1195 : i32 to index
        %swap3A_1210 = arith.constant 16 : index
        %swap3A_1211 = tpu.vector_load %arg12[%swap3A_1209, %swap3A_1210] {strides = array<i32>} : memref<208x64xf32, #tpu.memory_space<vmem>>, vector<1x16xf32>,
        %swap3A_1212 = vector.shape_cast %swap3A_1211 : vector<1x16xf32> to vector<16xf32>
        %swap3A_1213 = vector.shape_cast %get3A_1208 : vector<16xf32> to vector<1x16xf32>
        tpu.vector_store %arg12[%swap3A_1209, %swap3A_1210], %swap3A_1213 {strides = array<i32>} : memref<208x64xf32, #tpu.memory_space<vmem>>, vector<1x16xf32>,
        %get3A_1214 = arith.index_cast %add3A_1195 : i32 to index
        %get3A_1215 = arith.constant 32 : index
        %get3A_1216 = tpu.vector_load %arg10[%get3A_1214, %get3A_1215] {strides = array<i32>} : memref<208x128xf32, #tpu.memory_space<vmem>>, vector<1x16xf32>,
        %get3A_1217 = vector.shape_cast %get3A_1216 : vector<1x16xf32> to vector<16xf32>
        %swap3A_1218 = arith.index_cast %add3A_1195 : i32 to index
        %swap3A_1219 = arith.constant 32 : index
        %swap3A_1220 = tpu.vector_load %arg12[%swap3A_1218, %swap3A_1219] {strides = array<i32>} : memref<208x64xf32, #tpu.memory_space<vmem>>, vector<1x16xf32>,
        %swap3A_1221 = vector.shape_cast %swap3A_1220 : vector<1x16xf32> to vector<16xf32>
        %swap3A_1222 = vector.shape_cast %get3A_1217 : vector<16xf32> to vector<1x16xf32>
        tpu.vector_store %arg12[%swap3A_1218, %swap3A_1219], %swap3A_1222 {strides = array<i32>} : memref<208x64xf32, #tpu.memory_space<vmem>>, vector<1x16xf32>,
        %get3A_1223 = arith.index_cast %add3A_1195 : i32 to index
        %get3A_1224 = arith.constant 48 : index
        %get3A_1225 = tpu.vector_load %arg10[%get3A_1223, %get3A_1224] {strides = array<i32>} : memref<208x128xf32, #tpu.memory_space<vmem>>, vector<1x16xf32>,
        %get3A_1226 = vector.shape_cast %get3A_1225 : vector<1x16xf32> to vector<16xf32>
        %swap3A_1227 = arith.index_cast %add3A_1195 : i32 to index
        %swap3A_1228 = arith.constant 48 : index
        %swap3A_1229 = tpu.vector_load %arg12[%swap3A_1227, %swap3A_1228] {strides = array<i32>} : memref<208x64xf32, #tpu.memory_space<vmem>>, vector<1x16xf32>,
        %swap3A_1230 = vector.shape_cast %swap3A_1229 : vector<1x16xf32> to vector<16xf32>
        %swap3A_1231 = vector.shape_cast %get3A_1226 : vector<16xf32> to vector<1x16xf32>
        tpu.vector_store %arg12[%swap3A_1227, %swap3A_1228], %swap3A_1231 {strides = array<i32>} : memref<208x64xf32, #tpu.memory_space<vmem>>, vector<1x16xf32>,
        %mul3A_1232 = arith.constant 26 : i32
        %mul3A_1233 = arith.muli %scan3A_871, %mul3A_1232 : i32
        %add3A_1234 = arith.constant 9 : i32
        %add3A_1235 = arith.addi %mul3A_1233, %add3A_1234 : i32
        %get3A_1236 = arith.index_cast %add3A_1235 : i32 to index
        %get3A_1237 = arith.constant 0 : index
        %get3A_1238 = tpu.vector_load %arg10[%get3A_1236, %get3A_1237] {strides = array<i32>} : memref<208x128xf32, #tpu.memory_space<vmem>>, vector<1x16xf32>,
        %get3A_1239 = vector.shape_cast %get3A_1238 : vector<1x16xf32> to vector<16xf32>
        %swap3A_1240 = arith.index_cast %add3A_1235 : i32 to index
        %swap3A_1241 = arith.constant 0 : index
        %swap3A_1242 = tpu.vector_load %arg12[%swap3A_1240, %swap3A_1241] {strides = array<i32>} : memref<208x64xf32, #tpu.memory_space<vmem>>, vector<1x16xf32>,
        %swap3A_1243 = vector.shape_cast %swap3A_1242 : vector<1x16xf32> to vector<16xf32>
        %swap3A_1244 = vector.shape_cast %get3A_1239 : vector<16xf32> to vector<1x16xf32>
        tpu.vector_store %arg12[%swap3A_1240, %swap3A_1241], %swap3A_1244 {strides = array<i32>} : memref<208x64xf32, #tpu.memory_space<vmem>>, vector<1x16xf32>,
        %get3A_1245 = arith.index_cast %add3A_1235 : i32 to index
        %get3A_1246 = arith.constant 16 : index
        %get3A_1247 = tpu.vector_load %arg10[%get3A_1245, %get3A_1246] {strides = array<i32>} : memref<208x128xf32, #tpu.memory_space<vmem>>, vector<1x16xf32>,
        %get3A_1248 = vector.shape_cast %get3A_1247 : vector<1x16xf32> to vector<16xf32>
        %swap3A_1249 = arith.index_cast %add3A_1235 : i32 to index
        %swap3A_1250 = arith.constant 16 : index
        %swap3A_1251 = tpu.vector_load %arg12[%swap3A_1249, %swap3A_1250] {strides = array<i32>} : memref<208x64xf32, #tpu.memory_space<vmem>>, vector<1x16xf32>,
        %swap3A_1252 = vector.shape_cast %swap3A_1251 : vector<1x16xf32> to vector<16xf32>
        %swap3A_1253 = vector.shape_cast %get3A_1248 : vector<16xf32> to vector<1x16xf32>
        tpu.vector_store %arg12[%swap3A_1249, %swap3A_1250], %swap3A_1253 {strides = array<i32>} : memref<208x64xf32, #tpu.memory_space<vmem>>, vector<1x16xf32>,
        %get3A_1254 = arith.index_cast %add3A_1235 : i32 to index
        %get3A_1255 = arith.constant 32 : index
        %get3A_1256 = tpu.vector_load %arg10[%get3A_1254, %get3A_1255] {strides = array<i32>} : memref<208x128xf32, #tpu.memory_space<vmem>>, vector<1x16xf32>,
        %get3A_1257 = vector.shape_cast %get3A_1256 : vector<1x16xf32> to vector<16xf32>
        %swap3A_1258 = arith.index_cast %add3A_1235 : i32 to index
        %swap3A_1259 = arith.constant 32 : index
        %swap3A_1260 = tpu.vector_load %arg12[%swap3A_1258, %swap3A_1259] {strides = array<i32>} : memref<208x64xf32, #tpu.memory_space<vmem>>, vector<1x16xf32>,
        %swap3A_1261 = vector.shape_cast %swap3A_1260 : vector<1x16xf32> to vector<16xf32>
        %swap3A_1262 = vector.shape_cast %get3A_1257 : vector<16xf32> to vector<1x16xf32>
        tpu.vector_store %arg12[%swap3A_1258, %swap3A_1259], %swap3A_1262 {strides = array<i32>} : memref<208x64xf32, #tpu.memory_space<vmem>>, vector<1x16xf32>,
        %get3A_1263 = arith.index_cast %add3A_1235 : i32 to index
        %get3A_1264 = arith.constant 48 : index
        %get3A_1265 = tpu.vector_load %arg10[%get3A_1263, %get3A_1264] {strides = array<i32>} : memref<208x128xf32, #tpu.memory_space<vmem>>, vector<1x16xf32>,
        %get3A_1266 = vector.shape_cast %get3A_1265 : vector<1x16xf32> to vector<16xf32>
        %swap3A_1267 = arith.index_cast %add3A_1235 : i32 to index
        %swap3A_1268 = arith.constant 48 : index
        %swap3A_1269 = tpu.vector_load %arg12[%swap3A_1267, %swap3A_1268] {strides = array<i32>} : memref<208x64xf32, #tpu.memory_space<vmem>>, vector<1x16xf32>,
        %swap3A_1270 = vector.shape_cast %swap3A_1269 : vector<1x16xf32> to vector<16xf32>
        %swap3A_1271 = vector.shape_cast %get3A_1266 : vector<16xf32> to vector<1x16xf32>
        tpu.vector_store %arg12[%swap3A_1267, %swap3A_1268], %swap3A_1271 {strides = array<i32>} : memref<208x64xf32, #tpu.memory_space<vmem>>, vector<1x16xf32>,
        %mul3A_1272 = arith.constant 26 : i32
        %mul3A_1273 = arith.muli %scan3A_871, %mul3A_1272 : i32
        %add3A_1274 = arith.constant 10 : i32
        %add3A_1275 = arith.addi %mul3A_1273, %add3A_1274 : i32
        %get3A_1276 = arith.index_cast %add3A_1275 : i32 to index
        %get3A_1277 = arith.constant 0 : index
        %get3A_1278 = tpu.vector_load %arg10[%get3A_1276, %get3A_1277] {strides = array<i32>} : memref<208x128xf32, #tpu.memory_space<vmem>>, vector<1x16xf32>,
        %get3A_1279 = vector.shape_cast %get3A_1278 : vector<1x16xf32> to vector<16xf32>
        %swap3A_1280 = arith.index_cast %add3A_1275 : i32 to index
        %swap3A_1281 = arith.constant 0 : index
        %swap3A_1282 = tpu.vector_load %arg12[%swap3A_1280, %swap3A_1281] {strides = array<i32>} : memref<208x64xf32, #tpu.memory_space<vmem>>, vector<1x16xf32>,
        %swap3A_1283 = vector.shape_cast %swap3A_1282 : vector<1x16xf32> to vector<16xf32>
        %swap3A_1284 = vector.shape_cast %get3A_1279 : vector<16xf32> to vector<1x16xf32>
        tpu.vector_store %arg12[%swap3A_1280, %swap3A_1281], %swap3A_1284 {strides = array<i32>} : memref<208x64xf32, #tpu.memory_space<vmem>>, vector<1x16xf32>,
        %get3A_1285 = arith.index_cast %add3A_1275 : i32 to index
        %get3A_1286 = arith.constant 16 : index
        %get3A_1287 = tpu.vector_load %arg10[%get3A_1285, %get3A_1286] {strides = array<i32>} : memref<208x128xf32, #tpu.memory_space<vmem>>, vector<1x16xf32>,
        %get3A_1288 = vector.shape_cast %get3A_1287 : vector<1x16xf32> to vector<16xf32>
        %swap3A_1289 = arith.index_cast %add3A_1275 : i32 to index
        %swap3A_1290 = arith.constant 16 : index
        %swap3A_1291 = tpu.vector_load %arg12[%swap3A_1289, %swap3A_1290] {strides = array<i32>} : memref<208x64xf32, #tpu.memory_space<vmem>>, vector<1x16xf32>,
        %swap3A_1292 = vector.shape_cast %swap3A_1291 : vector<1x16xf32> to vector<16xf32>
        %swap3A_1293 = vector.shape_cast %get3A_1288 : vector<16xf32> to vector<1x16xf32>
        tpu.vector_store %arg12[%swap3A_1289, %swap3A_1290], %swap3A_1293 {strides = array<i32>} : memref<208x64xf32, #tpu.memory_space<vmem>>, vector<1x16xf32>,
        %get3A_1294 = arith.index_cast %add3A_1275 : i32 to index
        %get3A_1295 = arith.constant 32 : index
        %get3A_1296 = tpu.vector_load %arg10[%get3A_1294, %get3A_1295] {strides = array<i32>} : memref<208x128xf32, #tpu.memory_space<vmem>>, vector<1x16xf32>,
        %get3A_1297 = vector.shape_cast %get3A_1296 : vector<1x16xf32> to vector<16xf32>
        %swap3A_1298 = arith.index_cast %add3A_1275 : i32 to index
        %swap3A_1299 = arith.constant 32 : index
        %swap3A_1300 = tpu.vector_load %arg12[%swap3A_1298, %swap3A_1299] {strides = array<i32>} : memref<208x64xf32, #tpu.memory_space<vmem>>, vector<1x16xf32>,
        %swap3A_1301 = vector.shape_cast %swap3A_1300 : vector<1x16xf32> to vector<16xf32>
        %swap3A_1302 = vector.shape_cast %get3A_1297 : vector<16xf32> to vector<1x16xf32>
        tpu.vector_store %arg12[%swap3A_1298, %swap3A_1299], %swap3A_1302 {strides = array<i32>} : memref<208x64xf32, #tpu.memory_space<vmem>>, vector<1x16xf32>,
        %get3A_1303 = arith.index_cast %add3A_1275 : i32 to index
        %get3A_1304 = arith.constant 48 : index
        %get3A_1305 = tpu.vector_load %arg10[%get3A_1303, %get3A_1304] {strides = array<i32>} : memref<208x128xf32, #tpu.memory_space<vmem>>, vector<1x16xf32>,
        %get3A_1306 = vector.shape_cast %get3A_1305 : vector<1x16xf32> to vector<16xf32>
        %swap3A_1307 = arith.index_cast %add3A_1275 : i32 to index
        %swap3A_1308 = arith.constant 48 : index
        %swap3A_1309 = tpu.vector_load %arg12[%swap3A_1307, %swap3A_1308] {strides = array<i32>} : memref<208x64xf32, #tpu.memory_space<vmem>>, vector<1x16xf32>,
        %swap3A_1310 = vector.shape_cast %swap3A_1309 : vector<1x16xf32> to vector<16xf32>
        %swap3A_1311 = vector.shape_cast %get3A_1306 : vector<16xf32> to vector<1x16xf32>
        tpu.vector_store %arg12[%swap3A_1307, %swap3A_1308], %swap3A_1311 {strides = array<i32>} : memref<208x64xf32, #tpu.memory_space<vmem>>, vector<1x16xf32>,
        %mul3A_1312 = arith.constant 26 : i32
        %mul3A_1313 = arith.muli %scan3A_871, %mul3A_1312 : i32
        %add3A_1314 = arith.constant 11 : i32
        %add3A_1315 = arith.addi %mul3A_1313, %add3A_1314 : i32
        %get3A_1316 = arith.index_cast %add3A_1315 : i32 to index
        %get3A_1317 = arith.constant 0 : index
        %get3A_1318 = tpu.vector_load %arg10[%get3A_1316, %get3A_1317] {strides = array<i32>} : memref<208x128xf32, #tpu.memory_space<vmem>>, vector<1x16xf32>,
        %get3A_1319 = vector.shape_cast %get3A_1318 : vector<1x16xf32> to vector<16xf32>
        %swap3A_1320 = arith.index_cast %add3A_1315 : i32 to index
        %swap3A_1321 = arith.constant 0 : index
        %swap3A_1322 = tpu.vector_load %arg12[%swap3A_1320, %swap3A_1321] {strides = array<i32>} : memref<208x64xf32, #tpu.memory_space<vmem>>, vector<1x16xf32>,
        %swap3A_1323 = vector.shape_cast %swap3A_1322 : vector<1x16xf32> to vector<16xf32>
        %swap3A_1324 = vector.shape_cast %get3A_1319 : vector<16xf32> to vector<1x16xf32>
        tpu.vector_store %arg12[%swap3A_1320, %swap3A_1321], %swap3A_1324 {strides = array<i32>} : memref<208x64xf32, #tpu.memory_space<vmem>>, vector<1x16xf32>,
        %get3A_1325 = arith.index_cast %add3A_1315 : i32 to index
        %get3A_1326 = arith.constant 16 : index
        %get3A_1327 = tpu.vector_load %arg10[%get3A_1325, %get3A_1326] {strides = array<i32>} : memref<208x128xf32, #tpu.memory_space<vmem>>, vector<1x16xf32>,
        %get3A_1328 = vector.shape_cast %get3A_1327 : vector<1x16xf32> to vector<16xf32>
        %swap3A_1329 = arith.index_cast %add3A_1315 : i32 to index
        %swap3A_1330 = arith.constant 16 : index
        %swap3A_1331 = tpu.vector_load %arg12[%swap3A_1329, %swap3A_1330] {strides = array<i32>} : memref<208x64xf32, #tpu.memory_space<vmem>>, vector<1x16xf32>,
        %swap3A_1332 = vector.shape_cast %swap3A_1331 : vector<1x16xf32> to vector<16xf32>
        %swap3A_1333 = vector.shape_cast %get3A_1328 : vector<16xf32> to vector<1x16xf32>
        tpu.vector_store %arg12[%swap3A_1329, %swap3A_1330], %swap3A_1333 {strides = array<i32>} : memref<208x64xf32, #tpu.memory_space<vmem>>, vector<1x16xf32>,
        %get3A_1334 = arith.index_cast %add3A_1315 : i32 to index
        %get3A_1335 = arith.constant 32 : index
        %get3A_1336 = tpu.vector_load %arg10[%get3A_1334, %get3A_1335] {strides = array<i32>} : memref<208x128xf32, #tpu.memory_space<vmem>>, vector<1x16xf32>,
        %get3A_1337 = vector.shape_cast %get3A_1336 : vector<1x16xf32> to vector<16xf32>
        %swap3A_1338 = arith.index_cast %add3A_1315 : i32 to index
        %swap3A_1339 = arith.constant 32 : index
        %swap3A_1340 = tpu.vector_load %arg12[%swap3A_1338, %swap3A_1339] {strides = array<i32>} : memref<208x64xf32, #tpu.memory_space<vmem>>, vector<1x16xf32>,
        %swap3A_1341 = vector.shape_cast %swap3A_1340 : vector<1x16xf32> to vector<16xf32>
        %swap3A_1342 = vector.shape_cast %get3A_1337 : vector<16xf32> to vector<1x16xf32>
        tpu.vector_store %arg12[%swap3A_1338, %swap3A_1339], %swap3A_1342 {strides = array<i32>} : memref<208x64xf32, #tpu.memory_space<vmem>>, vector<1x16xf32>,
        %get3A_1343 = arith.index_cast %add3A_1315 : i32 to index
        %get3A_1344 = arith.constant 48 : index
        %get3A_1345 = tpu.vector_load %arg10[%get3A_1343, %get3A_1344] {strides = array<i32>} : memref<208x128xf32, #tpu.memory_space<vmem>>, vector<1x16xf32>,
        %get3A_1346 = vector.shape_cast %get3A_1345 : vector<1x16xf32> to vector<16xf32>
        %swap3A_1347 = arith.index_cast %add3A_1315 : i32 to index
        %swap3A_1348 = arith.constant 48 : index
        %swap3A_1349 = tpu.vector_load %arg12[%swap3A_1347, %swap3A_1348] {strides = array<i32>} : memref<208x64xf32, #tpu.memory_space<vmem>>, vector<1x16xf32>,
        %swap3A_1350 = vector.shape_cast %swap3A_1349 : vector<1x16xf32> to vector<16xf32>
        %swap3A_1351 = vector.shape_cast %get3A_1346 : vector<16xf32> to vector<1x16xf32>
        tpu.vector_store %arg12[%swap3A_1347, %swap3A_1348], %swap3A_1351 {strides = array<i32>} : memref<208x64xf32, #tpu.memory_space<vmem>>, vector<1x16xf32>,
        %mul3A_1352 = arith.constant 26 : i32
        %mul3A_1353 = arith.muli %scan3A_871, %mul3A_1352 : i32
        %add3A_1354 = arith.constant 12 : i32
        %add3A_1355 = arith.addi %mul3A_1353, %add3A_1354 : i32
        %get3A_1356 = arith.index_cast %add3A_1355 : i32 to index
        %get3A_1357 = arith.constant 0 : index
        %get3A_1358 = tpu.vector_load %arg10[%get3A_1356, %get3A_1357] {strides = array<i32>} : memref<208x128xf32, #tpu.memory_space<vmem>>, vector<1x16xf32>,
        %get3A_1359 = vector.shape_cast %get3A_1358 : vector<1x16xf32> to vector<16xf32>
        %swap3A_1360 = arith.index_cast %add3A_1355 : i32 to index
        %swap3A_1361 = arith.constant 0 : index
        %swap3A_1362 = tpu.vector_load %arg12[%swap3A_1360, %swap3A_1361] {strides = array<i32>} : memref<208x64xf32, #tpu.memory_space<vmem>>, vector<1x16xf32>,
        %swap3A_1363 = vector.shape_cast %swap3A_1362 : vector<1x16xf32> to vector<16xf32>
        %swap3A_1364 = vector.shape_cast %get3A_1359 : vector<16xf32> to vector<1x16xf32>
        tpu.vector_store %arg12[%swap3A_1360, %swap3A_1361], %swap3A_1364 {strides = array<i32>} : memref<208x64xf32, #tpu.memory_space<vmem>>, vector<1x16xf32>,
        %get3A_1365 = arith.index_cast %add3A_1355 : i32 to index
        %get3A_1366 = arith.constant 16 : index
        %get3A_1367 = tpu.vector_load %arg10[%get3A_1365, %get3A_1366] {strides = array<i32>} : memref<208x128xf32, #tpu.memory_space<vmem>>, vector<1x16xf32>,
        %get3A_1368 = vector.shape_cast %get3A_1367 : vector<1x16xf32> to vector<16xf32>
        %swap3A_1369 = arith.index_cast %add3A_1355 : i32 to index
        %swap3A_1370 = arith.constant 16 : index
        %swap3A_1371 = tpu.vector_load %arg12[%swap3A_1369, %swap3A_1370] {strides = array<i32>} : memref<208x64xf32, #tpu.memory_space<vmem>>, vector<1x16xf32>,
        %swap3A_1372 = vector.shape_cast %swap3A_1371 : vector<1x16xf32> to vector<16xf32>
        %swap3A_1373 = vector.shape_cast %get3A_1368 : vector<16xf32> to vector<1x16xf32>
        tpu.vector_store %arg12[%swap3A_1369, %swap3A_1370], %swap3A_1373 {strides = array<i32>} : memref<208x64xf32, #tpu.memory_space<vmem>>, vector<1x16xf32>,
        %get3A_1374 = arith.index_cast %add3A_1355 : i32 to index
        %get3A_1375 = arith.constant 32 : index
        %get3A_1376 = tpu.vector_load %arg10[%get3A_1374, %get3A_1375] {strides = array<i32>} : memref<208x128xf32, #tpu.memory_space<vmem>>, vector<1x16xf32>,
        %get3A_1377 = vector.shape_cast %get3A_1376 : vector<1x16xf32> to vector<16xf32>
        %swap3A_1378 = arith.index_cast %add3A_1355 : i32 to index
        %swap3A_1379 = arith.constant 32 : index
        %swap3A_1380 = tpu.vector_load %arg12[%swap3A_1378, %swap3A_1379] {strides = array<i32>} : memref<208x64xf32, #tpu.memory_space<vmem>>, vector<1x16xf32>,
        %swap3A_1381 = vector.shape_cast %swap3A_1380 : vector<1x16xf32> to vector<16xf32>
        %swap3A_1382 = vector.shape_cast %get3A_1377 : vector<16xf32> to vector<1x16xf32>
        tpu.vector_store %arg12[%swap3A_1378, %swap3A_1379], %swap3A_1382 {strides = array<i32>} : memref<208x64xf32, #tpu.memory_space<vmem>>, vector<1x16xf32>,
        %get3A_1383 = arith.index_cast %add3A_1355 : i32 to index
        %get3A_1384 = arith.constant 48 : index
        %get3A_1385 = tpu.vector_load %arg10[%get3A_1383, %get3A_1384] {strides = array<i32>} : memref<208x128xf32, #tpu.memory_space<vmem>>, vector<1x16xf32>,
        %get3A_1386 = vector.shape_cast %get3A_1385 : vector<1x16xf32> to vector<16xf32>
        %swap3A_1387 = arith.index_cast %add3A_1355 : i32 to index
        %swap3A_1388 = arith.constant 48 : index
        %swap3A_1389 = tpu.vector_load %arg12[%swap3A_1387, %swap3A_1388] {strides = array<i32>} : memref<208x64xf32, #tpu.memory_space<vmem>>, vector<1x16xf32>,
        %swap3A_1390 = vector.shape_cast %swap3A_1389 : vector<1x16xf32> to vector<16xf32>
        %swap3A_1391 = vector.shape_cast %get3A_1386 : vector<16xf32> to vector<1x16xf32>
        tpu.vector_store %arg12[%swap3A_1387, %swap3A_1388], %swap3A_1391 {strides = array<i32>} : memref<208x64xf32, #tpu.memory_space<vmem>>, vector<1x16xf32>,
        %mul3A_1392 = arith.constant 26 : i32
        %mul3A_1393 = arith.muli %scan3A_871, %mul3A_1392 : i32
        %add3A_1394 = arith.constant 13 : i32
        %add3A_1395 = arith.addi %mul3A_1393, %add3A_1394 : i32
        %get3A_1396 = arith.index_cast %add3A_1395 : i32 to index
        %get3A_1397 = arith.constant 0 : index
        %get3A_1398 = tpu.vector_load %arg10[%get3A_1396, %get3A_1397] {strides = array<i32>} : memref<208x128xf32, #tpu.memory_space<vmem>>, vector<1x16xf32>,
        %get3A_1399 = vector.shape_cast %get3A_1398 : vector<1x16xf32> to vector<16xf32>
        %swap3A_1400 = arith.index_cast %add3A_1395 : i32 to index
        %swap3A_1401 = arith.constant 0 : index
        %swap3A_1402 = tpu.vector_load %arg12[%swap3A_1400, %swap3A_1401] {strides = array<i32>} : memref<208x64xf32, #tpu.memory_space<vmem>>, vector<1x16xf32>,
        %swap3A_1403 = vector.shape_cast %swap3A_1402 : vector<1x16xf32> to vector<16xf32>
        %swap3A_1404 = vector.shape_cast %get3A_1399 : vector<16xf32> to vector<1x16xf32>
        tpu.vector_store %arg12[%swap3A_1400, %swap3A_1401], %swap3A_1404 {strides = array<i32>} : memref<208x64xf32, #tpu.memory_space<vmem>>, vector<1x16xf32>,
        %get3A_1405 = arith.index_cast %add3A_1395 : i32 to index
        %get3A_1406 = arith.constant 16 : index
        %get3A_1407 = tpu.vector_load %arg10[%get3A_1405, %get3A_1406] {strides = array<i32>} : memref<208x128xf32, #tpu.memory_space<vmem>>, vector<1x16xf32>,
        %get3A_1408 = vector.shape_cast %get3A_1407 : vector<1x16xf32> to vector<16xf32>
        %swap3A_1409 = arith.index_cast %add3A_1395 : i32 to index
        %swap3A_1410 = arith.constant 16 : index
        %swap3A_1411 = tpu.vector_load %arg12[%swap3A_1409, %swap3A_1410] {strides = array<i32>} : memref<208x64xf32, #tpu.memory_space<vmem>>, vector<1x16xf32>,
        %swap3A_1412 = vector.shape_cast %swap3A_1411 : vector<1x16xf32> to vector<16xf32>
        %swap3A_1413 = vector.shape_cast %get3A_1408 : vector<16xf32> to vector<1x16xf32>
        tpu.vector_store %arg12[%swap3A_1409, %swap3A_1410], %swap3A_1413 {strides = array<i32>} : memref<208x64xf32, #tpu.memory_space<vmem>>, vector<1x16xf32>,
        %get3A_1414 = arith.index_cast %add3A_1395 : i32 to index
        %get3A_1415 = arith.constant 32 : index
        %get3A_1416 = tpu.vector_load %arg10[%get3A_1414, %get3A_1415] {strides = array<i32>} : memref<208x128xf32, #tpu.memory_space<vmem>>, vector<1x16xf32>,
        %get3A_1417 = vector.shape_cast %get3A_1416 : vector<1x16xf32> to vector<16xf32>
        %swap3A_1418 = arith.index_cast %add3A_1395 : i32 to index
        %swap3A_1419 = arith.constant 32 : index
        %swap3A_1420 = tpu.vector_load %arg12[%swap3A_1418, %swap3A_1419] {strides = array<i32>} : memref<208x64xf32, #tpu.memory_space<vmem>>, vector<1x16xf32>,
        %swap3A_1421 = vector.shape_cast %swap3A_1420 : vector<1x16xf32> to vector<16xf32>
        %swap3A_1422 = vector.shape_cast %get3A_1417 : vector<16xf32> to vector<1x16xf32>
        tpu.vector_store %arg12[%swap3A_1418, %swap3A_1419], %swap3A_1422 {strides = array<i32>} : memref<208x64xf32, #tpu.memory_space<vmem>>, vector<1x16xf32>,
        %get3A_1423 = arith.index_cast %add3A_1395 : i32 to index
        %get3A_1424 = arith.constant 48 : index
        %get3A_1425 = tpu.vector_load %arg10[%get3A_1423, %get3A_1424] {strides = array<i32>} : memref<208x128xf32, #tpu.memory_space<vmem>>, vector<1x16xf32>,
        %get3A_1426 = vector.shape_cast %get3A_1425 : vector<1x16xf32> to vector<16xf32>
        %swap3A_1427 = arith.index_cast %add3A_1395 : i32 to index
        %swap3A_1428 = arith.constant 48 : index
        %swap3A_1429 = tpu.vector_load %arg12[%swap3A_1427, %swap3A_1428] {strides = array<i32>} : memref<208x64xf32, #tpu.memory_space<vmem>>, vector<1x16xf32>,
        %swap3A_1430 = vector.shape_cast %swap3A_1429 : vector<1x16xf32> to vector<16xf32>
        %swap3A_1431 = vector.shape_cast %get3A_1426 : vector<16xf32> to vector<1x16xf32>
        tpu.vector_store %arg12[%swap3A_1427, %swap3A_1428], %swap3A_1431 {strides = array<i32>} : memref<208x64xf32, #tpu.memory_space<vmem>>, vector<1x16xf32>,
        %mul3A_1432 = arith.constant 26 : i32
        %mul3A_1433 = arith.muli %scan3A_871, %mul3A_1432 : i32
        %add3A_1434 = arith.constant 14 : i32
        %add3A_1435 = arith.addi %mul3A_1433, %add3A_1434 : i32
        %get3A_1436 = arith.index_cast %add3A_1435 : i32 to index
        %get3A_1437 = arith.constant 0 : index
        %get3A_1438 = tpu.vector_load %arg10[%get3A_1436, %get3A_1437] {strides = array<i32>} : memref<208x128xf32, #tpu.memory_space<vmem>>, vector<1x16xf32>,
        %get3A_1439 = vector.shape_cast %get3A_1438 : vector<1x16xf32> to vector<16xf32>
        %swap3A_1440 = arith.index_cast %add3A_1435 : i32 to index
        %swap3A_1441 = arith.constant 0 : index
        %swap3A_1442 = tpu.vector_load %arg12[%swap3A_1440, %swap3A_1441] {strides = array<i32>} : memref<208x64xf32, #tpu.memory_space<vmem>>, vector<1x16xf32>,
        %swap3A_1443 = vector.shape_cast %swap3A_1442 : vector<1x16xf32> to vector<16xf32>
        %swap3A_1444 = vector.shape_cast %get3A_1439 : vector<16xf32> to vector<1x16xf32>
        tpu.vector_store %arg12[%swap3A_1440, %swap3A_1441], %swap3A_1444 {strides = array<i32>} : memref<208x64xf32, #tpu.memory_space<vmem>>, vector<1x16xf32>,
        %get3A_1445 = arith.index_cast %add3A_1435 : i32 to index
        %get3A_1446 = arith.constant 16 : index
        %get3A_1447 = tpu.vector_load %arg10[%get3A_1445, %get3A_1446] {strides = array<i32>} : memref<208x128xf32, #tpu.memory_space<vmem>>, vector<1x16xf32>,
        %get3A_1448 = vector.shape_cast %get3A_1447 : vector<1x16xf32> to vector<16xf32>
        %swap3A_1449 = arith.index_cast %add3A_1435 : i32 to index
        %swap3A_1450 = arith.constant 16 : index
        %swap3A_1451 = tpu.vector_load %arg12[%swap3A_1449, %swap3A_1450] {strides = array<i32>} : memref<208x64xf32, #tpu.memory_space<vmem>>, vector<1x16xf32>,
        %swap3A_1452 = vector.shape_cast %swap3A_1451 : vector<1x16xf32> to vector<16xf32>
        %swap3A_1453 = vector.shape_cast %get3A_1448 : vector<16xf32> to vector<1x16xf32>
        tpu.vector_store %arg12[%swap3A_1449, %swap3A_1450], %swap3A_1453 {strides = array<i32>} : memref<208x64xf32, #tpu.memory_space<vmem>>, vector<1x16xf32>,
        %get3A_1454 = arith.index_cast %add3A_1435 : i32 to index
        %get3A_1455 = arith.constant 32 : index
        %get3A_1456 = tpu.vector_load %arg10[%get3A_1454, %get3A_1455] {strides = array<i32>} : memref<208x128xf32, #tpu.memory_space<vmem>>, vector<1x16xf32>,
        %get3A_1457 = vector.shape_cast %get3A_1456 : vector<1x16xf32> to vector<16xf32>
        %swap3A_1458 = arith.index_cast %add3A_1435 : i32 to index
        %swap3A_1459 = arith.constant 32 : index
        %swap3A_1460 = tpu.vector_load %arg12[%swap3A_1458, %swap3A_1459] {strides = array<i32>} : memref<208x64xf32, #tpu.memory_space<vmem>>, vector<1x16xf32>,
        %swap3A_1461 = vector.shape_cast %swap3A_1460 : vector<1x16xf32> to vector<16xf32>
        %swap3A_1462 = vector.shape_cast %get3A_1457 : vector<16xf32> to vector<1x16xf32>
        tpu.vector_store %arg12[%swap3A_1458, %swap3A_1459], %swap3A_1462 {strides = array<i32>} : memref<208x64xf32, #tpu.memory_space<vmem>>, vector<1x16xf32>,
        %get3A_1463 = arith.index_cast %add3A_1435 : i32 to index
        %get3A_1464 = arith.constant 48 : index
        %get3A_1465 = tpu.vector_load %arg10[%get3A_1463, %get3A_1464] {strides = array<i32>} : memref<208x128xf32, #tpu.memory_space<vmem>>, vector<1x16xf32>,
        %get3A_1466 = vector.shape_cast %get3A_1465 : vector<1x16xf32> to vector<16xf32>
        %swap3A_1467 = arith.index_cast %add3A_1435 : i32 to index
        %swap3A_1468 = arith.constant 48 : index
        %swap3A_1469 = tpu.vector_load %arg12[%swap3A_1467, %swap3A_1468] {strides = array<i32>} : memref<208x64xf32, #tpu.memory_space<vmem>>, vector<1x16xf32>,
        %swap3A_1470 = vector.shape_cast %swap3A_1469 : vector<1x16xf32> to vector<16xf32>
        %swap3A_1471 = vector.shape_cast %get3A_1466 : vector<16xf32> to vector<1x16xf32>
        tpu.vector_store %arg12[%swap3A_1467, %swap3A_1468], %swap3A_1471 {strides = array<i32>} : memref<208x64xf32, #tpu.memory_space<vmem>>, vector<1x16xf32>,
        %mul3A_1472 = arith.constant 26 : i32
        %mul3A_1473 = arith.muli %scan3A_871, %mul3A_1472 : i32
        %add3A_1474 = arith.constant 15 : i32
        %add3A_1475 = arith.addi %mul3A_1473, %add3A_1474 : i32
        %get3A_1476 = arith.index_cast %add3A_1475 : i32 to index
        %get3A_1477 = arith.constant 0 : index
        %get3A_1478 = tpu.vector_load %arg10[%get3A_1476, %get3A_1477] {strides = array<i32>} : memref<208x128xf32, #tpu.memory_space<vmem>>, vector<1x16xf32>,
        %get3A_1479 = vector.shape_cast %get3A_1478 : vector<1x16xf32> to vector<16xf32>
        %swap3A_1480 = arith.index_cast %add3A_1475 : i32 to index
        %swap3A_1481 = arith.constant 0 : index
        %swap3A_1482 = tpu.vector_load %arg12[%swap3A_1480, %swap3A_1481] {strides = array<i32>} : memref<208x64xf32, #tpu.memory_space<vmem>>, vector<1x16xf32>,
        %swap3A_1483 = vector.shape_cast %swap3A_1482 : vector<1x16xf32> to vector<16xf32>
        %swap3A_1484 = vector.shape_cast %get3A_1479 : vector<16xf32> to vector<1x16xf32>
        tpu.vector_store %arg12[%swap3A_1480, %swap3A_1481], %swap3A_1484 {strides = array<i32>} : memref<208x64xf32, #tpu.memory_space<vmem>>, vector<1x16xf32>,
        %get3A_1485 = arith.index_cast %add3A_1475 : i32 to index
        %get3A_1486 = arith.constant 16 : index
        %get3A_1487 = tpu.vector_load %arg10[%get3A_1485, %get3A_1486] {strides = array<i32>} : memref<208x128xf32, #tpu.memory_space<vmem>>, vector<1x16xf32>,
        %get3A_1488 = vector.shape_cast %get3A_1487 : vector<1x16xf32> to vector<16xf32>
        %swap3A_1489 = arith.index_cast %add3A_1475 : i32 to index
        %swap3A_1490 = arith.constant 16 : index
        %swap3A_1491 = tpu.vector_load %arg12[%swap3A_1489, %swap3A_1490] {strides = array<i32>} : memref<208x64xf32, #tpu.memory_space<vmem>>, vector<1x16xf32>,
        %swap3A_1492 = vector.shape_cast %swap3A_1491 : vector<1x16xf32> to vector<16xf32>
        %swap3A_1493 = vector.shape_cast %get3A_1488 : vector<16xf32> to vector<1x16xf32>
        tpu.vector_store %arg12[%swap3A_1489, %swap3A_1490], %swap3A_1493 {strides = array<i32>} : memref<208x64xf32, #tpu.memory_space<vmem>>, vector<1x16xf32>,
        %get3A_1494 = arith.index_cast %add3A_1475 : i32 to index
        %get3A_1495 = arith.constant 32 : index
        %get3A_1496 = tpu.vector_load %arg10[%get3A_1494, %get3A_1495] {strides = array<i32>} : memref<208x128xf32, #tpu.memory_space<vmem>>, vector<1x16xf32>,
        %get3A_1497 = vector.shape_cast %get3A_1496 : vector<1x16xf32> to vector<16xf32>
        %swap3A_1498 = arith.index_cast %add3A_1475 : i32 to index
        %swap3A_1499 = arith.constant 32 : index
        %swap3A_1500 = tpu.vector_load %arg12[%swap3A_1498, %swap3A_1499] {strides = array<i32>} : memref<208x64xf32, #tpu.memory_space<vmem>>, vector<1x16xf32>,
        %swap3A_1501 = vector.shape_cast %swap3A_1500 : vector<1x16xf32> to vector<16xf32>
        %swap3A_1502 = vector.shape_cast %get3A_1497 : vector<16xf32> to vector<1x16xf32>
        tpu.vector_store %arg12[%swap3A_1498, %swap3A_1499], %swap3A_1502 {strides = array<i32>} : memref<208x64xf32, #tpu.memory_space<vmem>>, vector<1x16xf32>,
        %get3A_1503 = arith.index_cast %add3A_1475 : i32 to index
        %get3A_1504 = arith.constant 48 : index
        %get3A_1505 = tpu.vector_load %arg10[%get3A_1503, %get3A_1504] {strides = array<i32>} : memref<208x128xf32, #tpu.memory_space<vmem>>, vector<1x16xf32>,
        %get3A_1506 = vector.shape_cast %get3A_1505 : vector<1x16xf32> to vector<16xf32>
        %swap3A_1507 = arith.index_cast %add3A_1475 : i32 to index
        %swap3A_1508 = arith.constant 48 : index
        %swap3A_1509 = tpu.vector_load %arg12[%swap3A_1507, %swap3A_1508] {strides = array<i32>} : memref<208x64xf32, #tpu.memory_space<vmem>>, vector<1x16xf32>,
        %swap3A_1510 = vector.shape_cast %swap3A_1509 : vector<1x16xf32> to vector<16xf32>
        %swap3A_1511 = vector.shape_cast %get3A_1506 : vector<16xf32> to vector<1x16xf32>
        tpu.vector_store %arg12[%swap3A_1507, %swap3A_1508], %swap3A_1511 {strides = array<i32>} : memref<208x64xf32, #tpu.memory_space<vmem>>, vector<1x16xf32>,
        %mul3A_1512 = arith.constant 26 : i32
        %mul3A_1513 = arith.muli %scan3A_871, %mul3A_1512 : i32
        %add3A_1514 = arith.constant 16 : i32
        %add3A_1515 = arith.addi %mul3A_1513, %add3A_1514 : i32
        %get3A_1516 = arith.index_cast %add3A_1515 : i32 to index
        %get3A_1517 = arith.constant 0 : index
        %get3A_1518 = tpu.vector_load %arg10[%get3A_1516, %get3A_1517] {strides = array<i32>} : memref<208x128xf32, #tpu.memory_space<vmem>>, vector<1x16xf32>,
        %get3A_1519 = vector.shape_cast %get3A_1518 : vector<1x16xf32> to vector<16xf32>
        %swap3A_1520 = arith.index_cast %add3A_1515 : i32 to index
        %swap3A_1521 = arith.constant 0 : index
        %swap3A_1522 = tpu.vector_load %arg12[%swap3A_1520, %swap3A_1521] {strides = array<i32>} : memref<208x64xf32, #tpu.memory_space<vmem>>, vector<1x16xf32>,
        %swap3A_1523 = vector.shape_cast %swap3A_1522 : vector<1x16xf32> to vector<16xf32>
        %swap3A_1524 = vector.shape_cast %get3A_1519 : vector<16xf32> to vector<1x16xf32>
        tpu.vector_store %arg12[%swap3A_1520, %swap3A_1521], %swap3A_1524 {strides = array<i32>} : memref<208x64xf32, #tpu.memory_space<vmem>>, vector<1x16xf32>,
        %get3A_1525 = arith.index_cast %add3A_1515 : i32 to index
        %get3A_1526 = arith.constant 16 : index
        %get3A_1527 = tpu.vector_load %arg10[%get3A_1525, %get3A_1526] {strides = array<i32>} : memref<208x128xf32, #tpu.memory_space<vmem>>, vector<1x16xf32>,
        %get3A_1528 = vector.shape_cast %get3A_1527 : vector<1x16xf32> to vector<16xf32>
        %swap3A_1529 = arith.index_cast %add3A_1515 : i32 to index
        %swap3A_1530 = arith.constant 16 : index
        %swap3A_1531 = tpu.vector_load %arg12[%swap3A_1529, %swap3A_1530] {strides = array<i32>} : memref<208x64xf32, #tpu.memory_space<vmem>>, vector<1x16xf32>,
        %swap3A_1532 = vector.shape_cast %swap3A_1531 : vector<1x16xf32> to vector<16xf32>
        %swap3A_1533 = vector.shape_cast %get3A_1528 : vector<16xf32> to vector<1x16xf32>
        tpu.vector_store %arg12[%swap3A_1529, %swap3A_1530], %swap3A_1533 {strides = array<i32>} : memref<208x64xf32, #tpu.memory_space<vmem>>, vector<1x16xf32>,
        %get3A_1534 = arith.index_cast %add3A_1515 : i32 to index
        %get3A_1535 = arith.constant 32 : index
        %get3A_1536 = tpu.vector_load %arg10[%get3A_1534, %get3A_1535] {strides = array<i32>} : memref<208x128xf32, #tpu.memory_space<vmem>>, vector<1x16xf32>,
        %get3A_1537 = vector.shape_cast %get3A_1536 : vector<1x16xf32> to vector<16xf32>
        %swap3A_1538 = arith.index_cast %add3A_1515 : i32 to index
        %swap3A_1539 = arith.constant 32 : index
        %swap3A_1540 = tpu.vector_load %arg12[%swap3A_1538, %swap3A_1539] {strides = array<i32>} : memref<208x64xf32, #tpu.memory_space<vmem>>, vector<1x16xf32>,
        %swap3A_1541 = vector.shape_cast %swap3A_1540 : vector<1x16xf32> to vector<16xf32>
        %swap3A_1542 = vector.shape_cast %get3A_1537 : vector<16xf32> to vector<1x16xf32>
        tpu.vector_store %arg12[%swap3A_1538, %swap3A_1539], %swap3A_1542 {strides = array<i32>} : memref<208x64xf32, #tpu.memory_space<vmem>>, vector<1x16xf32>,
        %get3A_1543 = arith.index_cast %add3A_1515 : i32 to index
        %get3A_1544 = arith.constant 48 : index
        %get3A_1545 = tpu.vector_load %arg10[%get3A_1543, %get3A_1544] {strides = array<i32>} : memref<208x128xf32, #tpu.memory_space<vmem>>, vector<1x16xf32>,
        %get3A_1546 = vector.shape_cast %get3A_1545 : vector<1x16xf32> to vector<16xf32>
        %swap3A_1547 = arith.index_cast %add3A_1515 : i32 to index
        %swap3A_1548 = arith.constant 48 : index
        %swap3A_1549 = tpu.vector_load %arg12[%swap3A_1547, %swap3A_1548] {strides = array<i32>} : memref<208x64xf32, #tpu.memory_space<vmem>>, vector<1x16xf32>,
        %swap3A_1550 = vector.shape_cast %swap3A_1549 : vector<1x16xf32> to vector<16xf32>
        %swap3A_1551 = vector.shape_cast %get3A_1546 : vector<16xf32> to vector<1x16xf32>
        tpu.vector_store %arg12[%swap3A_1547, %swap3A_1548], %swap3A_1551 {strides = array<i32>} : memref<208x64xf32, #tpu.memory_space<vmem>>, vector<1x16xf32>,
        %mul3A_1552 = arith.constant 26 : i32
        %mul3A_1553 = arith.muli %scan3A_871, %mul3A_1552 : i32
        %add3A_1554 = arith.constant 17 : i32
        %add3A_1555 = arith.addi %mul3A_1553, %add3A_1554 : i32
        %get3A_1556 = arith.index_cast %add3A_1555 : i32 to index
        %get3A_1557 = arith.constant 0 : index
        %get3A_1558 = tpu.vector_load %arg10[%get3A_1556, %get3A_1557] {strides = array<i32>} : memref<208x128xf32, #tpu.memory_space<vmem>>, vector<1x16xf32>,
        %get3A_1559 = vector.shape_cast %get3A_1558 : vector<1x16xf32> to vector<16xf32>
        %swap3A_1560 = arith.index_cast %add3A_1555 : i32 to index
        %swap3A_1561 = arith.constant 0 : index
        %swap3A_1562 = tpu.vector_load %arg12[%swap3A_1560, %swap3A_1561] {strides = array<i32>} : memref<208x64xf32, #tpu.memory_space<vmem>>, vector<1x16xf32>,
        %swap3A_1563 = vector.shape_cast %swap3A_1562 : vector<1x16xf32> to vector<16xf32>
        %swap3A_1564 = vector.shape_cast %get3A_1559 : vector<16xf32> to vector<1x16xf32>
        tpu.vector_store %arg12[%swap3A_1560, %swap3A_1561], %swap3A_1564 {strides = array<i32>} : memref<208x64xf32, #tpu.memory_space<vmem>>, vector<1x16xf32>,
        %get3A_1565 = arith.index_cast %add3A_1555 : i32 to index
        %get3A_1566 = arith.constant 16 : index
        %get3A_1567 = tpu.vector_load %arg10[%get3A_1565, %get3A_1566] {strides = array<i32>} : memref<208x128xf32, #tpu.memory_space<vmem>>, vector<1x16xf32>,
        %get3A_1568 = vector.shape_cast %get3A_1567 : vector<1x16xf32> to vector<16xf32>
        %swap3A_1569 = arith.index_cast %add3A_1555 : i32 to index
        %swap3A_1570 = arith.constant 16 : index
        %swap3A_1571 = tpu.vector_load %arg12[%swap3A_1569, %swap3A_1570] {strides = array<i32>} : memref<208x64xf32, #tpu.memory_space<vmem>>, vector<1x16xf32>,
        %swap3A_1572 = vector.shape_cast %swap3A_1571 : vector<1x16xf32> to vector<16xf32>
        %swap3A_1573 = vector.shape_cast %get3A_1568 : vector<16xf32> to vector<1x16xf32>
        tpu.vector_store %arg12[%swap3A_1569, %swap3A_1570], %swap3A_1573 {strides = array<i32>} : memref<208x64xf32, #tpu.memory_space<vmem>>, vector<1x16xf32>,
        %get3A_1574 = arith.index_cast %add3A_1555 : i32 to index
        %get3A_1575 = arith.constant 32 : index
        %get3A_1576 = tpu.vector_load %arg10[%get3A_1574, %get3A_1575] {strides = array<i32>} : memref<208x128xf32, #tpu.memory_space<vmem>>, vector<1x16xf32>,
        %get3A_1577 = vector.shape_cast %get3A_1576 : vector<1x16xf32> to vector<16xf32>
        %swap3A_1578 = arith.index_cast %add3A_1555 : i32 to index
        %swap3A_1579 = arith.constant 32 : index
        %swap3A_1580 = tpu.vector_load %arg12[%swap3A_1578, %swap3A_1579] {strides = array<i32>} : memref<208x64xf32, #tpu.memory_space<vmem>>, vector<1x16xf32>,
        %swap3A_1581 = vector.shape_cast %swap3A_1580 : vector<1x16xf32> to vector<16xf32>
        %swap3A_1582 = vector.shape_cast %get3A_1577 : vector<16xf32> to vector<1x16xf32>
        tpu.vector_store %arg12[%swap3A_1578, %swap3A_1579], %swap3A_1582 {strides = array<i32>} : memref<208x64xf32, #tpu.memory_space<vmem>>, vector<1x16xf32>,
        %get3A_1583 = arith.index_cast %add3A_1555 : i32 to index
        %get3A_1584 = arith.constant 48 : index
        %get3A_1585 = tpu.vector_load %arg10[%get3A_1583, %get3A_1584] {strides = array<i32>} : memref<208x128xf32, #tpu.memory_space<vmem>>, vector<1x16xf32>,
        %get3A_1586 = vector.shape_cast %get3A_1585 : vector<1x16xf32> to vector<16xf32>
        %swap3A_1587 = arith.index_cast %add3A_1555 : i32 to index
        %swap3A_1588 = arith.constant 48 : index
        %swap3A_1589 = tpu.vector_load %arg12[%swap3A_1587, %swap3A_1588] {strides = array<i32>} : memref<208x64xf32, #tpu.memory_space<vmem>>, vector<1x16xf32>,
        %swap3A_1590 = vector.shape_cast %swap3A_1589 : vector<1x16xf32> to vector<16xf32>
        %swap3A_1591 = vector.shape_cast %get3A_1586 : vector<16xf32> to vector<1x16xf32>
        tpu.vector_store %arg12[%swap3A_1587, %swap3A_1588], %swap3A_1591 {strides = array<i32>} : memref<208x64xf32, #tpu.memory_space<vmem>>, vector<1x16xf32>,
        %mul3A_1592 = arith.constant 26 : i32
        %mul3A_1593 = arith.muli %scan3A_871, %mul3A_1592 : i32
        %add3A_1594 = arith.constant 18 : i32
        %add3A_1595 = arith.addi %mul3A_1593, %add3A_1594 : i32
        %get3A_1596 = arith.index_cast %add3A_1595 : i32 to index
        %get3A_1597 = arith.constant 0 : index
        %get3A_1598 = tpu.vector_load %arg10[%get3A_1596, %get3A_1597] {strides = array<i32>} : memref<208x128xf32, #tpu.memory_space<vmem>>, vector<1x16xf32>,
        %get3A_1599 = vector.shape_cast %get3A_1598 : vector<1x16xf32> to vector<16xf32>
        %swap3A_1600 = arith.index_cast %add3A_1595 : i32 to index
        %swap3A_1601 = arith.constant 0 : index
        %swap3A_1602 = tpu.vector_load %arg12[%swap3A_1600, %swap3A_1601] {strides = array<i32>} : memref<208x64xf32, #tpu.memory_space<vmem>>, vector<1x16xf32>,
        %swap3A_1603 = vector.shape_cast %swap3A_1602 : vector<1x16xf32> to vector<16xf32>
        %swap3A_1604 = vector.shape_cast %get3A_1599 : vector<16xf32> to vector<1x16xf32>
        tpu.vector_store %arg12[%swap3A_1600, %swap3A_1601], %swap3A_1604 {strides = array<i32>} : memref<208x64xf32, #tpu.memory_space<vmem>>, vector<1x16xf32>,
        %get3A_1605 = arith.index_cast %add3A_1595 : i32 to index
        %get3A_1606 = arith.constant 16 : index
        %get3A_1607 = tpu.vector_load %arg10[%get3A_1605, %get3A_1606] {strides = array<i32>} : memref<208x128xf32, #tpu.memory_space<vmem>>, vector<1x16xf32>,
        %get3A_1608 = vector.shape_cast %get3A_1607 : vector<1x16xf32> to vector<16xf32>
        %swap3A_1609 = arith.index_cast %add3A_1595 : i32 to index
        %swap3A_1610 = arith.constant 16 : index
        %swap3A_1611 = tpu.vector_load %arg12[%swap3A_1609, %swap3A_1610] {strides = array<i32>} : memref<208x64xf32, #tpu.memory_space<vmem>>, vector<1x16xf32>,
        %swap3A_1612 = vector.shape_cast %swap3A_1611 : vector<1x16xf32> to vector<16xf32>
        %swap3A_1613 = vector.shape_cast %get3A_1608 : vector<16xf32> to vector<1x16xf32>
        tpu.vector_store %arg12[%swap3A_1609, %swap3A_1610], %swap3A_1613 {strides = array<i32>} : memref<208x64xf32, #tpu.memory_space<vmem>>, vector<1x16xf32>,
        %get3A_1614 = arith.index_cast %add3A_1595 : i32 to index
        %get3A_1615 = arith.constant 32 : index
        %get3A_1616 = tpu.vector_load %arg10[%get3A_1614, %get3A_1615] {strides = array<i32>} : memref<208x128xf32, #tpu.memory_space<vmem>>, vector<1x16xf32>,
        %get3A_1617 = vector.shape_cast %get3A_1616 : vector<1x16xf32> to vector<16xf32>
        %swap3A_1618 = arith.index_cast %add3A_1595 : i32 to index
        %swap3A_1619 = arith.constant 32 : index
        %swap3A_1620 = tpu.vector_load %arg12[%swap3A_1618, %swap3A_1619] {strides = array<i32>} : memref<208x64xf32, #tpu.memory_space<vmem>>, vector<1x16xf32>,
        %swap3A_1621 = vector.shape_cast %swap3A_1620 : vector<1x16xf32> to vector<16xf32>
        %swap3A_1622 = vector.shape_cast %get3A_1617 : vector<16xf32> to vector<1x16xf32>
        tpu.vector_store %arg12[%swap3A_1618, %swap3A_1619], %swap3A_1622 {strides = array<i32>} : memref<208x64xf32, #tpu.memory_space<vmem>>, vector<1x16xf32>,
        %get3A_1623 = arith.index_cast %add3A_1595 : i32 to index
        %get3A_1624 = arith.constant 48 : index
        %get3A_1625 = tpu.vector_load %arg10[%get3A_1623, %get3A_1624] {strides = array<i32>} : memref<208x128xf32, #tpu.memory_space<vmem>>, vector<1x16xf32>,
        %get3A_1626 = vector.shape_cast %get3A_1625 : vector<1x16xf32> to vector<16xf32>
        %swap3A_1627 = arith.index_cast %add3A_1595 : i32 to index
        %swap3A_1628 = arith.constant 48 : index
        %swap3A_1629 = tpu.vector_load %arg12[%swap3A_1627, %swap3A_1628] {strides = array<i32>} : memref<208x64xf32, #tpu.memory_space<vmem>>, vector<1x16xf32>,
        %swap3A_1630 = vector.shape_cast %swap3A_1629 : vector<1x16xf32> to vector<16xf32>
        %swap3A_1631 = vector.shape_cast %get3A_1626 : vector<16xf32> to vector<1x16xf32>
        tpu.vector_store %arg12[%swap3A_1627, %swap3A_1628], %swap3A_1631 {strides = array<i32>} : memref<208x64xf32, #tpu.memory_space<vmem>>, vector<1x16xf32>,
        %mul3A_1632 = arith.constant 26 : i32
        %mul3A_1633 = arith.muli %scan3A_871, %mul3A_1632 : i32
        %add3A_1634 = arith.constant 19 : i32
        %add3A_1635 = arith.addi %mul3A_1633, %add3A_1634 : i32
        %get3A_1636 = arith.index_cast %add3A_1635 : i32 to index
        %get3A_1637 = arith.constant 0 : index
        %get3A_1638 = tpu.vector_load %arg10[%get3A_1636, %get3A_1637] {strides = array<i32>} : memref<208x128xf32, #tpu.memory_space<vmem>>, vector<1x16xf32>,
        %get3A_1639 = vector.shape_cast %get3A_1638 : vector<1x16xf32> to vector<16xf32>
        %swap3A_1640 = arith.index_cast %add3A_1635 : i32 to index
        %swap3A_1641 = arith.constant 0 : index
        %swap3A_1642 = tpu.vector_load %arg12[%swap3A_1640, %swap3A_1641] {strides = array<i32>} : memref<208x64xf32, #tpu.memory_space<vmem>>, vector<1x16xf32>,
        %swap3A_1643 = vector.shape_cast %swap3A_1642 : vector<1x16xf32> to vector<16xf32>
        %swap3A_1644 = vector.shape_cast %get3A_1639 : vector<16xf32> to vector<1x16xf32>
        tpu.vector_store %arg12[%swap3A_1640, %swap3A_1641], %swap3A_1644 {strides = array<i32>} : memref<208x64xf32, #tpu.memory_space<vmem>>, vector<1x16xf32>,
        %get3A_1645 = arith.index_cast %add3A_1635 : i32 to index
        %get3A_1646 = arith.constant 16 : index
        %get3A_1647 = tpu.vector_load %arg10[%get3A_1645, %get3A_1646] {strides = array<i32>} : memref<208x128xf32, #tpu.memory_space<vmem>>, vector<1x16xf32>,
        %get3A_1648 = vector.shape_cast %get3A_1647 : vector<1x16xf32> to vector<16xf32>
        %swap3A_1649 = arith.index_cast %add3A_1635 : i32 to index
        %swap3A_1650 = arith.constant 16 : index
        %swap3A_1651 = tpu.vector_load %arg12[%swap3A_1649, %swap3A_1650] {strides = array<i32>} : memref<208x64xf32, #tpu.memory_space<vmem>>, vector<1x16xf32>,
        %swap3A_1652 = vector.shape_cast %swap3A_1651 : vector<1x16xf32> to vector<16xf32>
        %swap3A_1653 = vector.shape_cast %get3A_1648 : vector<16xf32> to vector<1x16xf32>
        tpu.vector_store %arg12[%swap3A_1649, %swap3A_1650], %swap3A_1653 {strides = array<i32>} : memref<208x64xf32, #tpu.memory_space<vmem>>, vector<1x16xf32>,
        %get3A_1654 = arith.index_cast %add3A_1635 : i32 to index
        %get3A_1655 = arith.constant 32 : index
        %get3A_1656 = tpu.vector_load %arg10[%get3A_1654, %get3A_1655] {strides = array<i32>} : memref<208x128xf32, #tpu.memory_space<vmem>>, vector<1x16xf32>,
        %get3A_1657 = vector.shape_cast %get3A_1656 : vector<1x16xf32> to vector<16xf32>
        %swap3A_1658 = arith.index_cast %add3A_1635 : i32 to index
        %swap3A_1659 = arith.constant 32 : index
        %swap3A_1660 = tpu.vector_load %arg12[%swap3A_1658, %swap3A_1659] {strides = array<i32>} : memref<208x64xf32, #tpu.memory_space<vmem>>, vector<1x16xf32>,
        %swap3A_1661 = vector.shape_cast %swap3A_1660 : vector<1x16xf32> to vector<16xf32>
        %swap3A_1662 = vector.shape_cast %get3A_1657 : vector<16xf32> to vector<1x16xf32>
        tpu.vector_store %arg12[%swap3A_1658, %swap3A_1659], %swap3A_1662 {strides = array<i32>} : memref<208x64xf32, #tpu.memory_space<vmem>>, vector<1x16xf32>,
        %get3A_1663 = arith.index_cast %add3A_1635 : i32 to index
        %get3A_1664 = arith.constant 48 : index
        %get3A_1665 = tpu.vector_load %arg10[%get3A_1663, %get3A_1664] {strides = array<i32>} : memref<208x128xf32, #tpu.memory_space<vmem>>, vector<1x16xf32>,
        %get3A_1666 = vector.shape_cast %get3A_1665 : vector<1x16xf32> to vector<16xf32>
        %swap3A_1667 = arith.index_cast %add3A_1635 : i32 to index
        %swap3A_1668 = arith.constant 48 : index
        %swap3A_1669 = tpu.vector_load %arg12[%swap3A_1667, %swap3A_1668] {strides = array<i32>} : memref<208x64xf32, #tpu.memory_space<vmem>>, vector<1x16xf32>,
        %swap3A_1670 = vector.shape_cast %swap3A_1669 : vector<1x16xf32> to vector<16xf32>
        %swap3A_1671 = vector.shape_cast %get3A_1666 : vector<16xf32> to vector<1x16xf32>
        tpu.vector_store %arg12[%swap3A_1667, %swap3A_1668], %swap3A_1671 {strides = array<i32>} : memref<208x64xf32, #tpu.memory_space<vmem>>, vector<1x16xf32>,
        %mul3A_1672 = arith.constant 26 : i32
        %mul3A_1673 = arith.muli %scan3A_871, %mul3A_1672 : i32
        %add3A_1674 = arith.constant 20 : i32
        %add3A_1675 = arith.addi %mul3A_1673, %add3A_1674 : i32
        %get3A_1676 = arith.index_cast %add3A_1675 : i32 to index
        %get3A_1677 = arith.constant 0 : index
        %get3A_1678 = tpu.vector_load %arg10[%get3A_1676, %get3A_1677] {strides = array<i32>} : memref<208x128xf32, #tpu.memory_space<vmem>>, vector<1x16xf32>,
        %get3A_1679 = vector.shape_cast %get3A_1678 : vector<1x16xf32> to vector<16xf32>
        %swap3A_1680 = arith.index_cast %add3A_1675 : i32 to index
        %swap3A_1681 = arith.constant 0 : index
        %swap3A_1682 = tpu.vector_load %arg12[%swap3A_1680, %swap3A_1681] {strides = array<i32>} : memref<208x64xf32, #tpu.memory_space<vmem>>, vector<1x16xf32>,
        %swap3A_1683 = vector.shape_cast %swap3A_1682 : vector<1x16xf32> to vector<16xf32>
        %swap3A_1684 = vector.shape_cast %get3A_1679 : vector<16xf32> to vector<1x16xf32>
        tpu.vector_store %arg12[%swap3A_1680, %swap3A_1681], %swap3A_1684 {strides = array<i32>} : memref<208x64xf32, #tpu.memory_space<vmem>>, vector<1x16xf32>,
        %get3A_1685 = arith.index_cast %add3A_1675 : i32 to index
        %get3A_1686 = arith.constant 16 : index
        %get3A_1687 = tpu.vector_load %arg10[%get3A_1685, %get3A_1686] {strides = array<i32>} : memref<208x128xf32, #tpu.memory_space<vmem>>, vector<1x16xf32>,
        %get3A_1688 = vector.shape_cast %get3A_1687 : vector<1x16xf32> to vector<16xf32>
        %swap3A_1689 = arith.index_cast %add3A_1675 : i32 to index
        %swap3A_1690 = arith.constant 16 : index
        %swap3A_1691 = tpu.vector_load %arg12[%swap3A_1689, %swap3A_1690] {strides = array<i32>} : memref<208x64xf32, #tpu.memory_space<vmem>>, vector<1x16xf32>,
        %swap3A_1692 = vector.shape_cast %swap3A_1691 : vector<1x16xf32> to vector<16xf32>
        %swap3A_1693 = vector.shape_cast %get3A_1688 : vector<16xf32> to vector<1x16xf32>
        tpu.vector_store %arg12[%swap3A_1689, %swap3A_1690], %swap3A_1693 {strides = array<i32>} : memref<208x64xf32, #tpu.memory_space<vmem>>, vector<1x16xf32>,
        %get3A_1694 = arith.index_cast %add3A_1675 : i32 to index
        %get3A_1695 = arith.constant 32 : index
        %get3A_1696 = tpu.vector_load %arg10[%get3A_1694, %get3A_1695] {strides = array<i32>} : memref<208x128xf32, #tpu.memory_space<vmem>>, vector<1x16xf32>,
        %get3A_1697 = vector.shape_cast %get3A_1696 : vector<1x16xf32> to vector<16xf32>
        %swap3A_1698 = arith.index_cast %add3A_1675 : i32 to index
        %swap3A_1699 = arith.constant 32 : index
        %swap3A_1700 = tpu.vector_load %arg12[%swap3A_1698, %swap3A_1699] {strides = array<i32>} : memref<208x64xf32, #tpu.memory_space<vmem>>, vector<1x16xf32>,
        %swap3A_1701 = vector.shape_cast %swap3A_1700 : vector<1x16xf32> to vector<16xf32>
        %swap3A_1702 = vector.shape_cast %get3A_1697 : vector<16xf32> to vector<1x16xf32>
        tpu.vector_store %arg12[%swap3A_1698, %swap3A_1699], %swap3A_1702 {strides = array<i32>} : memref<208x64xf32, #tpu.memory_space<vmem>>, vector<1x16xf32>,
        %get3A_1703 = arith.index_cast %add3A_1675 : i32 to index
        %get3A_1704 = arith.constant 48 : index
        %get3A_1705 = tpu.vector_load %arg10[%get3A_1703, %get3A_1704] {strides = array<i32>} : memref<208x128xf32, #tpu.memory_space<vmem>>, vector<1x16xf32>,
        %get3A_1706 = vector.shape_cast %get3A_1705 : vector<1x16xf32> to vector<16xf32>
        %swap3A_1707 = arith.index_cast %add3A_1675 : i32 to index
        %swap3A_1708 = arith.constant 48 : index
        %swap3A_1709 = tpu.vector_load %arg12[%swap3A_1707, %swap3A_1708] {strides = array<i32>} : memref<208x64xf32, #tpu.memory_space<vmem>>, vector<1x16xf32>,
        %swap3A_1710 = vector.shape_cast %swap3A_1709 : vector<1x16xf32> to vector<16xf32>
        %swap3A_1711 = vector.shape_cast %get3A_1706 : vector<16xf32> to vector<1x16xf32>
        tpu.vector_store %arg12[%swap3A_1707, %swap3A_1708], %swap3A_1711 {strides = array<i32>} : memref<208x64xf32, #tpu.memory_space<vmem>>, vector<1x16xf32>,
        %mul3A_1712 = arith.constant 26 : i32
        %mul3A_1713 = arith.muli %scan3A_871, %mul3A_1712 : i32
        %add3A_1714 = arith.constant 21 : i32
        %add3A_1715 = arith.addi %mul3A_1713, %add3A_1714 : i32
        %get3A_1716 = arith.index_cast %add3A_1715 : i32 to index
        %get3A_1717 = arith.constant 0 : index
        %get3A_1718 = tpu.vector_load %arg10[%get3A_1716, %get3A_1717] {strides = array<i32>} : memref<208x128xf32, #tpu.memory_space<vmem>>, vector<1x16xf32>,
        %get3A_1719 = vector.shape_cast %get3A_1718 : vector<1x16xf32> to vector<16xf32>
        %swap3A_1720 = arith.index_cast %add3A_1715 : i32 to index
        %swap3A_1721 = arith.constant 0 : index
        %swap3A_1722 = tpu.vector_load %arg12[%swap3A_1720, %swap3A_1721] {strides = array<i32>} : memref<208x64xf32, #tpu.memory_space<vmem>>, vector<1x16xf32>,
        %swap3A_1723 = vector.shape_cast %swap3A_1722 : vector<1x16xf32> to vector<16xf32>
        %swap3A_1724 = vector.shape_cast %get3A_1719 : vector<16xf32> to vector<1x16xf32>
        tpu.vector_store %arg12[%swap3A_1720, %swap3A_1721], %swap3A_1724 {strides = array<i32>} : memref<208x64xf32, #tpu.memory_space<vmem>>, vector<1x16xf32>,
        %get3A_1725 = arith.index_cast %add3A_1715 : i32 to index
        %get3A_1726 = arith.constant 16 : index
        %get3A_1727 = tpu.vector_load %arg10[%get3A_1725, %get3A_1726] {strides = array<i32>} : memref<208x128xf32, #tpu.memory_space<vmem>>, vector<1x16xf32>,
        %get3A_1728 = vector.shape_cast %get3A_1727 : vector<1x16xf32> to vector<16xf32>
        %swap3A_1729 = arith.index_cast %add3A_1715 : i32 to index
        %swap3A_1730 = arith.constant 16 : index
        %swap3A_1731 = tpu.vector_load %arg12[%swap3A_1729, %swap3A_1730] {strides = array<i32>} : memref<208x64xf32, #tpu.memory_space<vmem>>, vector<1x16xf32>,
        %swap3A_1732 = vector.shape_cast %swap3A_1731 : vector<1x16xf32> to vector<16xf32>
        %swap3A_1733 = vector.shape_cast %get3A_1728 : vector<16xf32> to vector<1x16xf32>
        tpu.vector_store %arg12[%swap3A_1729, %swap3A_1730], %swap3A_1733 {strides = array<i32>} : memref<208x64xf32, #tpu.memory_space<vmem>>, vector<1x16xf32>,
        %get3A_1734 = arith.index_cast %add3A_1715 : i32 to index
        %get3A_1735 = arith.constant 32 : index
        %get3A_1736 = tpu.vector_load %arg10[%get3A_1734, %get3A_1735] {strides = array<i32>} : memref<208x128xf32, #tpu.memory_space<vmem>>, vector<1x16xf32>,
        %get3A_1737 = vector.shape_cast %get3A_1736 : vector<1x16xf32> to vector<16xf32>
        %swap3A_1738 = arith.index_cast %add3A_1715 : i32 to index
        %swap3A_1739 = arith.constant 32 : index
        %swap3A_1740 = tpu.vector_load %arg12[%swap3A_1738, %swap3A_1739] {strides = array<i32>} : memref<208x64xf32, #tpu.memory_space<vmem>>, vector<1x16xf32>,
        %swap3A_1741 = vector.shape_cast %swap3A_1740 : vector<1x16xf32> to vector<16xf32>
        %swap3A_1742 = vector.shape_cast %get3A_1737 : vector<16xf32> to vector<1x16xf32>
        tpu.vector_store %arg12[%swap3A_1738, %swap3A_1739], %swap3A_1742 {strides = array<i32>} : memref<208x64xf32, #tpu.memory_space<vmem>>, vector<1x16xf32>,
        %get3A_1743 = arith.index_cast %add3A_1715 : i32 to index
        %get3A_1744 = arith.constant 48 : index
        %get3A_1745 = tpu.vector_load %arg10[%get3A_1743, %get3A_1744] {strides = array<i32>} : memref<208x128xf32, #tpu.memory_space<vmem>>, vector<1x16xf32>,
        %get3A_1746 = vector.shape_cast %get3A_1745 : vector<1x16xf32> to vector<16xf32>
        %swap3A_1747 = arith.index_cast %add3A_1715 : i32 to index
        %swap3A_1748 = arith.constant 48 : index
        %swap3A_1749 = tpu.vector_load %arg12[%swap3A_1747, %swap3A_1748] {strides = array<i32>} : memref<208x64xf32, #tpu.memory_space<vmem>>, vector<1x16xf32>,
        %swap3A_1750 = vector.shape_cast %swap3A_1749 : vector<1x16xf32> to vector<16xf32>
        %swap3A_1751 = vector.shape_cast %get3A_1746 : vector<16xf32> to vector<1x16xf32>
        tpu.vector_store %arg12[%swap3A_1747, %swap3A_1748], %swap3A_1751 {strides = array<i32>} : memref<208x64xf32, #tpu.memory_space<vmem>>, vector<1x16xf32>,
        %mul3A_1752 = arith.constant 26 : i32
        %mul3A_1753 = arith.muli %scan3A_871, %mul3A_1752 : i32
        %add3A_1754 = arith.constant 22 : i32
        %add3A_1755 = arith.addi %mul3A_1753, %add3A_1754 : i32
        %get3A_1756 = arith.index_cast %add3A_1755 : i32 to index
        %get3A_1757 = arith.constant 0 : index
        %get3A_1758 = tpu.vector_load %arg10[%get3A_1756, %get3A_1757] {strides = array<i32>} : memref<208x128xf32, #tpu.memory_space<vmem>>, vector<1x16xf32>,
        %get3A_1759 = vector.shape_cast %get3A_1758 : vector<1x16xf32> to vector<16xf32>
        %swap3A_1760 = arith.index_cast %add3A_1755 : i32 to index
        %swap3A_1761 = arith.constant 0 : index
        %swap3A_1762 = tpu.vector_load %arg12[%swap3A_1760, %swap3A_1761] {strides = array<i32>} : memref<208x64xf32, #tpu.memory_space<vmem>>, vector<1x16xf32>,
        %swap3A_1763 = vector.shape_cast %swap3A_1762 : vector<1x16xf32> to vector<16xf32>
        %swap3A_1764 = vector.shape_cast %get3A_1759 : vector<16xf32> to vector<1x16xf32>
        tpu.vector_store %arg12[%swap3A_1760, %swap3A_1761], %swap3A_1764 {strides = array<i32>} : memref<208x64xf32, #tpu.memory_space<vmem>>, vector<1x16xf32>,
        %get3A_1765 = arith.index_cast %add3A_1755 : i32 to index
        %get3A_1766 = arith.constant 16 : index
        %get3A_1767 = tpu.vector_load %arg10[%get3A_1765, %get3A_1766] {strides = array<i32>} : memref<208x128xf32, #tpu.memory_space<vmem>>, vector<1x16xf32>,
        %get3A_1768 = vector.shape_cast %get3A_1767 : vector<1x16xf32> to vector<16xf32>
        %swap3A_1769 = arith.index_cast %add3A_1755 : i32 to index
        %swap3A_1770 = arith.constant 16 : index
        %swap3A_1771 = tpu.vector_load %arg12[%swap3A_1769, %swap3A_1770] {strides = array<i32>} : memref<208x64xf32, #tpu.memory_space<vmem>>, vector<1x16xf32>,
        %swap3A_1772 = vector.shape_cast %swap3A_1771 : vector<1x16xf32> to vector<16xf32>
        %swap3A_1773 = vector.shape_cast %get3A_1768 : vector<16xf32> to vector<1x16xf32>
        tpu.vector_store %arg12[%swap3A_1769, %swap3A_1770], %swap3A_1773 {strides = array<i32>} : memref<208x64xf32, #tpu.memory_space<vmem>>, vector<1x16xf32>,
        %get3A_1774 = arith.index_cast %add3A_1755 : i32 to index
        %get3A_1775 = arith.constant 32 : index
        %get3A_1776 = tpu.vector_load %arg10[%get3A_1774, %get3A_1775] {strides = array<i32>} : memref<208x128xf32, #tpu.memory_space<vmem>>, vector<1x16xf32>,
        %get3A_1777 = vector.shape_cast %get3A_1776 : vector<1x16xf32> to vector<16xf32>
        %swap3A_1778 = arith.index_cast %add3A_1755 : i32 to index
        %swap3A_1779 = arith.constant 32 : index
        %swap3A_1780 = tpu.vector_load %arg12[%swap3A_1778, %swap3A_1779] {strides = array<i32>} : memref<208x64xf32, #tpu.memory_space<vmem>>, vector<1x16xf32>,
        %swap3A_1781 = vector.shape_cast %swap3A_1780 : vector<1x16xf32> to vector<16xf32>
        %swap3A_1782 = vector.shape_cast %get3A_1777 : vector<16xf32> to vector<1x16xf32>
        tpu.vector_store %arg12[%swap3A_1778, %swap3A_1779], %swap3A_1782 {strides = array<i32>} : memref<208x64xf32, #tpu.memory_space<vmem>>, vector<1x16xf32>,
        %get3A_1783 = arith.index_cast %add3A_1755 : i32 to index
        %get3A_1784 = arith.constant 48 : index
        %get3A_1785 = tpu.vector_load %arg10[%get3A_1783, %get3A_1784] {strides = array<i32>} : memref<208x128xf32, #tpu.memory_space<vmem>>, vector<1x16xf32>,
        %get3A_1786 = vector.shape_cast %get3A_1785 : vector<1x16xf32> to vector<16xf32>
        %swap3A_1787 = arith.index_cast %add3A_1755 : i32 to index
        %swap3A_1788 = arith.constant 48 : index
        %swap3A_1789 = tpu.vector_load %arg12[%swap3A_1787, %swap3A_1788] {strides = array<i32>} : memref<208x64xf32, #tpu.memory_space<vmem>>, vector<1x16xf32>,
        %swap3A_1790 = vector.shape_cast %swap3A_1789 : vector<1x16xf32> to vector<16xf32>
        %swap3A_1791 = vector.shape_cast %get3A_1786 : vector<16xf32> to vector<1x16xf32>
        tpu.vector_store %arg12[%swap3A_1787, %swap3A_1788], %swap3A_1791 {strides = array<i32>} : memref<208x64xf32, #tpu.memory_space<vmem>>, vector<1x16xf32>,
        %mul3A_1792 = arith.constant 26 : i32
        %mul3A_1793 = arith.muli %scan3A_871, %mul3A_1792 : i32
        %add3A_1794 = arith.constant 23 : i32
        %add3A_1795 = arith.addi %mul3A_1793, %add3A_1794 : i32
        %get3A_1796 = arith.index_cast %add3A_1795 : i32 to index
        %get3A_1797 = arith.constant 0 : index
        %get3A_1798 = tpu.vector_load %arg10[%get3A_1796, %get3A_1797] {strides = array<i32>} : memref<208x128xf32, #tpu.memory_space<vmem>>, vector<1x16xf32>,
        %get3A_1799 = vector.shape_cast %get3A_1798 : vector<1x16xf32> to vector<16xf32>
        %swap3A_1800 = arith.index_cast %add3A_1795 : i32 to index
        %swap3A_1801 = arith.constant 0 : index
        %swap3A_1802 = tpu.vector_load %arg12[%swap3A_1800, %swap3A_1801] {strides = array<i32>} : memref<208x64xf32, #tpu.memory_space<vmem>>, vector<1x16xf32>,
        %swap3A_1803 = vector.shape_cast %swap3A_1802 : vector<1x16xf32> to vector<16xf32>
        %swap3A_1804 = vector.shape_cast %get3A_1799 : vector<16xf32> to vector<1x16xf32>
        tpu.vector_store %arg12[%swap3A_1800, %swap3A_1801], %swap3A_1804 {strides = array<i32>} : memref<208x64xf32, #tpu.memory_space<vmem>>, vector<1x16xf32>,
        %get3A_1805 = arith.index_cast %add3A_1795 : i32 to index
        %get3A_1806 = arith.constant 16 : index
        %get3A_1807 = tpu.vector_load %arg10[%get3A_1805, %get3A_1806] {strides = array<i32>} : memref<208x128xf32, #tpu.memory_space<vmem>>, vector<1x16xf32>,
        %get3A_1808 = vector.shape_cast %get3A_1807 : vector<1x16xf32> to vector<16xf32>
        %swap3A_1809 = arith.index_cast %add3A_1795 : i32 to index
        %swap3A_1810 = arith.constant 16 : index
        %swap3A_1811 = tpu.vector_load %arg12[%swap3A_1809, %swap3A_1810] {strides = array<i32>} : memref<208x64xf32, #tpu.memory_space<vmem>>, vector<1x16xf32>,
        %swap3A_1812 = vector.shape_cast %swap3A_1811 : vector<1x16xf32> to vector<16xf32>
        %swap3A_1813 = vector.shape_cast %get3A_1808 : vector<16xf32> to vector<1x16xf32>
        tpu.vector_store %arg12[%swap3A_1809, %swap3A_1810], %swap3A_1813 {strides = array<i32>} : memref<208x64xf32, #tpu.memory_space<vmem>>, vector<1x16xf32>,
        %get3A_1814 = arith.index_cast %add3A_1795 : i32 to index
        %get3A_1815 = arith.constant 32 : index
        %get3A_1816 = tpu.vector_load %arg10[%get3A_1814, %get3A_1815] {strides = array<i32>} : memref<208x128xf32, #tpu.memory_space<vmem>>, vector<1x16xf32>,
        %get3A_1817 = vector.shape_cast %get3A_1816 : vector<1x16xf32> to vector<16xf32>
        %swap3A_1818 = arith.index_cast %add3A_1795 : i32 to index
        %swap3A_1819 = arith.constant 32 : index
        %swap3A_1820 = tpu.vector_load %arg12[%swap3A_1818, %swap3A_1819] {strides = array<i32>} : memref<208x64xf32, #tpu.memory_space<vmem>>, vector<1x16xf32>,
        %swap3A_1821 = vector.shape_cast %swap3A_1820 : vector<1x16xf32> to vector<16xf32>
        %swap3A_1822 = vector.shape_cast %get3A_1817 : vector<16xf32> to vector<1x16xf32>
        tpu.vector_store %arg12[%swap3A_1818, %swap3A_1819], %swap3A_1822 {strides = array<i32>} : memref<208x64xf32, #tpu.memory_space<vmem>>, vector<1x16xf32>,
        %get3A_1823 = arith.index_cast %add3A_1795 : i32 to index
        %get3A_1824 = arith.constant 48 : index
        %get3A_1825 = tpu.vector_load %arg10[%get3A_1823, %get3A_1824] {strides = array<i32>} : memref<208x128xf32, #tpu.memory_space<vmem>>, vector<1x16xf32>,
        %get3A_1826 = vector.shape_cast %get3A_1825 : vector<1x16xf32> to vector<16xf32>
        %swap3A_1827 = arith.index_cast %add3A_1795 : i32 to index
        %swap3A_1828 = arith.constant 48 : index
        %swap3A_1829 = tpu.vector_load %arg12[%swap3A_1827, %swap3A_1828] {strides = array<i32>} : memref<208x64xf32, #tpu.memory_space<vmem>>, vector<1x16xf32>,
        %swap3A_1830 = vector.shape_cast %swap3A_1829 : vector<1x16xf32> to vector<16xf32>
        %swap3A_1831 = vector.shape_cast %get3A_1826 : vector<16xf32> to vector<1x16xf32>
        tpu.vector_store %arg12[%swap3A_1827, %swap3A_1828], %swap3A_1831 {strides = array<i32>} : memref<208x64xf32, #tpu.memory_space<vmem>>, vector<1x16xf32>,
        %mul3A_1832 = arith.constant 26 : i32
        %mul3A_1833 = arith.muli %scan3A_871, %mul3A_1832 : i32
        %add3A_1834 = arith.constant 24 : i32
        %add3A_1835 = arith.addi %mul3A_1833, %add3A_1834 : i32
        %get3A_1836 = arith.index_cast %add3A_1835 : i32 to index
        %get3A_1837 = arith.constant 0 : index
        %get3A_1838 = tpu.vector_load %arg10[%get3A_1836, %get3A_1837] {strides = array<i32>} : memref<208x128xf32, #tpu.memory_space<vmem>>, vector<1x16xf32>,
        %get3A_1839 = vector.shape_cast %get3A_1838 : vector<1x16xf32> to vector<16xf32>
        %swap3A_1840 = arith.index_cast %add3A_1835 : i32 to index
        %swap3A_1841 = arith.constant 0 : index
        %swap3A_1842 = tpu.vector_load %arg12[%swap3A_1840, %swap3A_1841] {strides = array<i32>} : memref<208x64xf32, #tpu.memory_space<vmem>>, vector<1x16xf32>,
        %swap3A_1843 = vector.shape_cast %swap3A_1842 : vector<1x16xf32> to vector<16xf32>
        %swap3A_1844 = vector.shape_cast %get3A_1839 : vector<16xf32> to vector<1x16xf32>
        tpu.vector_store %arg12[%swap3A_1840, %swap3A_1841], %swap3A_1844 {strides = array<i32>} : memref<208x64xf32, #tpu.memory_space<vmem>>, vector<1x16xf32>,
        %get3A_1845 = arith.index_cast %add3A_1835 : i32 to index
        %get3A_1846 = arith.constant 16 : index
        %get3A_1847 = tpu.vector_load %arg10[%get3A_1845, %get3A_1846] {strides = array<i32>} : memref<208x128xf32, #tpu.memory_space<vmem>>, vector<1x16xf32>,
        %get3A_1848 = vector.shape_cast %get3A_1847 : vector<1x16xf32> to vector<16xf32>
        %swap3A_1849 = arith.index_cast %add3A_1835 : i32 to index
        %swap3A_1850 = arith.constant 16 : index
        %swap3A_1851 = tpu.vector_load %arg12[%swap3A_1849, %swap3A_1850] {strides = array<i32>} : memref<208x64xf32, #tpu.memory_space<vmem>>, vector<1x16xf32>,
        %swap3A_1852 = vector.shape_cast %swap3A_1851 : vector<1x16xf32> to vector<16xf32>
        %swap3A_1853 = vector.shape_cast %get3A_1848 : vector<16xf32> to vector<1x16xf32>
        tpu.vector_store %arg12[%swap3A_1849, %swap3A_1850], %swap3A_1853 {strides = array<i32>} : memref<208x64xf32, #tpu.memory_space<vmem>>, vector<1x16xf32>,
        %get3A_1854 = arith.index_cast %add3A_1835 : i32 to index
        %get3A_1855 = arith.constant 32 : index
        %get3A_1856 = tpu.vector_load %arg10[%get3A_1854, %get3A_1855] {strides = array<i32>} : memref<208x128xf32, #tpu.memory_space<vmem>>, vector<1x16xf32>,
        %get3A_1857 = vector.shape_cast %get3A_1856 : vector<1x16xf32> to vector<16xf32>
        %swap3A_1858 = arith.index_cast %add3A_1835 : i32 to index
        %swap3A_1859 = arith.constant 32 : index
        %swap3A_1860 = tpu.vector_load %arg12[%swap3A_1858, %swap3A_1859] {strides = array<i32>} : memref<208x64xf32, #tpu.memory_space<vmem>>, vector<1x16xf32>,
        %swap3A_1861 = vector.shape_cast %swap3A_1860 : vector<1x16xf32> to vector<16xf32>
        %swap3A_1862 = vector.shape_cast %get3A_1857 : vector<16xf32> to vector<1x16xf32>
        tpu.vector_store %arg12[%swap3A_1858, %swap3A_1859], %swap3A_1862 {strides = array<i32>} : memref<208x64xf32, #tpu.memory_space<vmem>>, vector<1x16xf32>,
        %get3A_1863 = arith.index_cast %add3A_1835 : i32 to index
        %get3A_1864 = arith.constant 48 : index
        %get3A_1865 = tpu.vector_load %arg10[%get3A_1863, %get3A_1864] {strides = array<i32>} : memref<208x128xf32, #tpu.memory_space<vmem>>, vector<1x16xf32>,
        %get3A_1866 = vector.shape_cast %get3A_1865 : vector<1x16xf32> to vector<16xf32>
        %swap3A_1867 = arith.index_cast %add3A_1835 : i32 to index
        %swap3A_1868 = arith.constant 48 : index
        %swap3A_1869 = tpu.vector_load %arg12[%swap3A_1867, %swap3A_1868] {strides = array<i32>} : memref<208x64xf32, #tpu.memory_space<vmem>>, vector<1x16xf32>,
        %swap3A_1870 = vector.shape_cast %swap3A_1869 : vector<1x16xf32> to vector<16xf32>
        %swap3A_1871 = vector.shape_cast %get3A_1866 : vector<16xf32> to vector<1x16xf32>
        tpu.vector_store %arg12[%swap3A_1867, %swap3A_1868], %swap3A_1871 {strides = array<i32>} : memref<208x64xf32, #tpu.memory_space<vmem>>, vector<1x16xf32>,
        %mul3A_1872 = arith.constant 26 : i32
        %mul3A_1873 = arith.muli %scan3A_871, %mul3A_1872 : i32
        %add3A_1874 = arith.constant 25 : i32
        %add3A_1875 = arith.addi %mul3A_1873, %add3A_1874 : i32
        %get3A_1876 = arith.index_cast %add3A_1875 : i32 to index
        %get3A_1877 = arith.constant 0 : index
        %get3A_1878 = tpu.vector_load %arg10[%get3A_1876, %get3A_1877] {strides = array<i32>} : memref<208x128xf32, #tpu.memory_space<vmem>>, vector<1x16xf32>,
        %get3A_1879 = vector.shape_cast %get3A_1878 : vector<1x16xf32> to vector<16xf32>
        %swap3A_1880 = arith.index_cast %add3A_1875 : i32 to index
        %swap3A_1881 = arith.constant 0 : index
        %swap3A_1882 = tpu.vector_load %arg12[%swap3A_1880, %swap3A_1881] {strides = array<i32>} : memref<208x64xf32, #tpu.memory_space<vmem>>, vector<1x16xf32>,
        %swap3A_1883 = vector.shape_cast %swap3A_1882 : vector<1x16xf32> to vector<16xf32>
        %swap3A_1884 = vector.shape_cast %get3A_1879 : vector<16xf32> to vector<1x16xf32>
        tpu.vector_store %arg12[%swap3A_1880, %swap3A_1881], %swap3A_1884 {strides = array<i32>} : memref<208x64xf32, #tpu.memory_space<vmem>>, vector<1x16xf32>,
        %get3A_1885 = arith.index_cast %add3A_1875 : i32 to index
        %get3A_1886 = arith.constant 16 : index
        %get3A_1887 = tpu.vector_load %arg10[%get3A_1885, %get3A_1886] {strides = array<i32>} : memref<208x128xf32, #tpu.memory_space<vmem>>, vector<1x16xf32>,
        %get3A_1888 = vector.shape_cast %get3A_1887 : vector<1x16xf32> to vector<16xf32>
        %swap3A_1889 = arith.index_cast %add3A_1875 : i32 to index
        %swap3A_1890 = arith.constant 16 : index
        %swap3A_1891 = tpu.vector_load %arg12[%swap3A_1889, %swap3A_1890] {strides = array<i32>} : memref<208x64xf32, #tpu.memory_space<vmem>>, vector<1x16xf32>,
        %swap3A_1892 = vector.shape_cast %swap3A_1891 : vector<1x16xf32> to vector<16xf32>
        %swap3A_1893 = vector.shape_cast %get3A_1888 : vector<16xf32> to vector<1x16xf32>
        tpu.vector_store %arg12[%swap3A_1889, %swap3A_1890], %swap3A_1893 {strides = array<i32>} : memref<208x64xf32, #tpu.memory_space<vmem>>, vector<1x16xf32>,
        %get3A_1894 = arith.index_cast %add3A_1875 : i32 to index
        %get3A_1895 = arith.constant 32 : index
        %get3A_1896 = tpu.vector_load %arg10[%get3A_1894, %get3A_1895] {strides = array<i32>} : memref<208x128xf32, #tpu.memory_space<vmem>>, vector<1x16xf32>,
        %get3A_1897 = vector.shape_cast %get3A_1896 : vector<1x16xf32> to vector<16xf32>
        %swap3A_1898 = arith.index_cast %add3A_1875 : i32 to index
        %swap3A_1899 = arith.constant 32 : index
        %swap3A_1900 = tpu.vector_load %arg12[%swap3A_1898, %swap3A_1899] {strides = array<i32>} : memref<208x64xf32, #tpu.memory_space<vmem>>, vector<1x16xf32>,
        %swap3A_1901 = vector.shape_cast %swap3A_1900 : vector<1x16xf32> to vector<16xf32>
        %swap3A_1902 = vector.shape_cast %get3A_1897 : vector<16xf32> to vector<1x16xf32>
        tpu.vector_store %arg12[%swap3A_1898, %swap3A_1899], %swap3A_1902 {strides = array<i32>} : memref<208x64xf32, #tpu.memory_space<vmem>>, vector<1x16xf32>,
        %get3A_1903 = arith.index_cast %add3A_1875 : i32 to index
        %get3A_1904 = arith.constant 48 : index
        %get3A_1905 = tpu.vector_load %arg10[%get3A_1903, %get3A_1904] {strides = array<i32>} : memref<208x128xf32, #tpu.memory_space<vmem>>, vector<1x16xf32>,
        %get3A_1906 = vector.shape_cast %get3A_1905 : vector<1x16xf32> to vector<16xf32>
        %swap3A_1907 = arith.index_cast %add3A_1875 : i32 to index
        %swap3A_1908 = arith.constant 48 : index
        %swap3A_1909 = tpu.vector_load %arg12[%swap3A_1907, %swap3A_1908] {strides = array<i32>} : memref<208x64xf32, #tpu.memory_space<vmem>>, vector<1x16xf32>,
        %swap3A_1910 = vector.shape_cast %swap3A_1909 : vector<1x16xf32> to vector<16xf32>
        %swap3A_1911 = vector.shape_cast %get3A_1906 : vector<16xf32> to vector<1x16xf32>
        tpu.vector_store %arg12[%swap3A_1907, %swap3A_1908], %swap3A_1911 {strides = array<i32>} : memref<208x64xf32, #tpu.memory_space<vmem>>, vector<1x16xf32>,
      }
      %scan3A_735 = arith.constant 8 : i32
      %add3A_736 = arith.constant 0 : i32
      %add3A_737 = arith.addi %add3A_721, %add3A_736 : i32
      %dma_start3A_738 = arith.constant 0 : i32
      %dma_start3A_739 = arith.constant 0 : i32
      %dma_start3A_740 = tpu.memref_slice %arg12[%dma_start3A_738, %dma_start3A_739] : memref<208x64xf32, #tpu.memory_space<vmem>> -> memref<26x64xf32, #tpu.memory_space<vmem>>
      %dma_start3A_741 = arith.constant 0 : i32
      %dma_start3A_742 = arith.constant 0 : i32
      %dma_start3A_743 = tpu.memref_slice %arg4[%add3A_737, %dma_start3A_741, %dma_start3A_742] : memref<16384x26x64xf32, #tpu.memory_space<hbm>> -> memref<1x26x64xf32, #tpu.memory_space<hbm>>
      %dma_start3A_744 = tpu.memref_squeeze %dma_start3A_743 : memref<1x26x64xf32, #tpu.memory_space<hbm>> -> memref<26x64xf32, #tpu.memory_space<hbm>>
      %dma_start3A_745 = arith.constant 0 : i32
      %dma_start3A_746 = arith.constant 0 : i32
      %dma_start3A_747 = tpu.memref_slice %arg4[%add3A_737, %dma_start3A_745, %dma_start3A_746] : memref<16384x26x64xf32, #tpu.memory_space<hbm>> -> memref<1x26x64xf32, #tpu.memory_space<hbm>>
      %dma_start3A_748 = tpu.memref_squeeze %dma_start3A_747 : memref<1x26x64xf32, #tpu.memory_space<hbm>> -> memref<26x64xf32, #tpu.memory_space<hbm>>
      %dma_start3A_749 = arith.constant 0 : i32
      %dma_start3A_750 = arith.constant 0 : i32
      %dma_start3A_751 = tpu.memref_slice %arg12[%dma_start3A_749, %dma_start3A_750] : memref<208x64xf32, #tpu.memory_space<vmem>> -> memref<26x64xf32, #tpu.memory_space<vmem>>
      tpu.enqueue_dma source(%dma_start3A_751 : memref<26x64xf32, #tpu.memory_space<vmem>>) target(%dma_start3A_748 : memref<26x64xf32, #tpu.memory_space<hbm>>) target_semaphore(%arg16 : memref<!tpu.dma_semaphore, #tpu.memory_space<semaphore_mem>>)
      %add3A_752 = arith.constant 1 : i32
      %add3A_753 = arith.addi %add3A_721, %add3A_752 : i32
      %dma_start3A_754 = arith.constant 26 : i32
      %dma_start3A_755 = arith.constant 0 : i32
      %dma_start3A_756 = tpu.memref_slice %arg12[%dma_start3A_754, %dma_start3A_755] : memref<208x64xf32, #tpu.memory_space<vmem>> -> memref<26x64xf32, #tpu.memory_space<vmem>>
      %dma_start3A_757 = arith.constant 0 : i32
      %dma_start3A_758 = arith.constant 0 : i32
      %dma_start3A_759 = tpu.memref_slice %arg4[%add3A_753, %dma_start3A_757, %dma_start3A_758] : memref<16384x26x64xf32, #tpu.memory_space<hbm>> -> memref<1x26x64xf32, #tpu.memory_space<hbm>>
      %dma_start3A_760 = tpu.memref_squeeze %dma_start3A_759 : memref<1x26x64xf32, #tpu.memory_space<hbm>> -> memref<26x64xf32, #tpu.memory_space<hbm>>
      %dma_start3A_761 = arith.constant 0 : i32
      %dma_start3A_762 = arith.constant 0 : i32
      %dma_start3A_763 = tpu.memref_slice %arg4[%add3A_753, %dma_start3A_761, %dma_start3A_762] : memref<16384x26x64xf32, #tpu.memory_space<hbm>> -> memref<1x26x64xf32, #tpu.memory_space<hbm>>
      %dma_start3A_764 = tpu.memref_squeeze %dma_start3A_763 : memref<1x26x64xf32, #tpu.memory_space<hbm>> -> memref<26x64xf32, #tpu.memory_space<hbm>>
      %dma_start3A_765 = arith.constant 26 : i32
      %dma_start3A_766 = arith.constant 0 : i32
      %dma_start3A_767 = tpu.memref_slice %arg12[%dma_start3A_765, %dma_start3A_766] : memref<208x64xf32, #tpu.memory_space<vmem>> -> memref<26x64xf32, #tpu.memory_space<vmem>>
      tpu.enqueue_dma source(%dma_start3A_767 : memref<26x64xf32, #tpu.memory_space<vmem>>) target(%dma_start3A_764 : memref<26x64xf32, #tpu.memory_space<hbm>>) target_semaphore(%arg16 : memref<!tpu.dma_semaphore, #tpu.memory_space<semaphore_mem>>)
      %add3A_768 = arith.constant 2 : i32
      %add3A_769 = arith.addi %add3A_721, %add3A_768 : i32
      %dma_start3A_770 = arith.constant 52 : i32
      %dma_start3A_771 = arith.constant 0 : i32
      %dma_start3A_772 = tpu.memref_slice %arg12[%dma_start3A_770, %dma_start3A_771] : memref<208x64xf32, #tpu.memory_space<vmem>> -> memref<26x64xf32, #tpu.memory_space<vmem>>
      %dma_start3A_773 = arith.constant 0 : i32
      %dma_start3A_774 = arith.constant 0 : i32
      %dma_start3A_775 = tpu.memref_slice %arg4[%add3A_769, %dma_start3A_773, %dma_start3A_774] : memref<16384x26x64xf32, #tpu.memory_space<hbm>> -> memref<1x26x64xf32, #tpu.memory_space<hbm>>
      %dma_start3A_776 = tpu.memref_squeeze %dma_start3A_775 : memref<1x26x64xf32, #tpu.memory_space<hbm>> -> memref<26x64xf32, #tpu.memory_space<hbm>>
      %dma_start3A_777 = arith.constant 0 : i32
      %dma_start3A_778 = arith.constant 0 : i32
      %dma_start3A_779 = tpu.memref_slice %arg4[%add3A_769, %dma_start3A_777, %dma_start3A_778] : memref<16384x26x64xf32, #tpu.memory_space<hbm>> -> memref<1x26x64xf32, #tpu.memory_space<hbm>>
      %dma_start3A_780 = tpu.memref_squeeze %dma_start3A_779 : memref<1x26x64xf32, #tpu.memory_space<hbm>> -> memref<26x64xf32, #tpu.memory_space<hbm>>
      %dma_start3A_781 = arith.constant 52 : i32
      %dma_start3A_782 = arith.constant 0 : i32
      %dma_start3A_783 = tpu.memref_slice %arg12[%dma_start3A_781, %dma_start3A_782] : memref<208x64xf32, #tpu.memory_space<vmem>> -> memref<26x64xf32, #tpu.memory_space<vmem>>
      tpu.enqueue_dma source(%dma_start3A_783 : memref<26x64xf32, #tpu.memory_space<vmem>>) target(%dma_start3A_780 : memref<26x64xf32, #tpu.memory_space<hbm>>) target_semaphore(%arg16 : memref<!tpu.dma_semaphore, #tpu.memory_space<semaphore_mem>>)
      %add3A_784 = arith.constant 3 : i32
      %add3A_785 = arith.addi %add3A_721, %add3A_784 : i32
      %dma_start3A_786 = arith.constant 78 : i32
      %dma_start3A_787 = arith.constant 0 : i32
      %dma_start3A_788 = tpu.memref_slice %arg12[%dma_start3A_786, %dma_start3A_787] : memref<208x64xf32, #tpu.memory_space<vmem>> -> memref<26x64xf32, #tpu.memory_space<vmem>>
      %dma_start3A_789 = arith.constant 0 : i32
      %dma_start3A_790 = arith.constant 0 : i32
      %dma_start3A_791 = tpu.memref_slice %arg4[%add3A_785, %dma_start3A_789, %dma_start3A_790] : memref<16384x26x64xf32, #tpu.memory_space<hbm>> -> memref<1x26x64xf32, #tpu.memory_space<hbm>>
      %dma_start3A_792 = tpu.memref_squeeze %dma_start3A_791 : memref<1x26x64xf32, #tpu.memory_space<hbm>> -> memref<26x64xf32, #tpu.memory_space<hbm>>
      %dma_start3A_793 = arith.constant 0 : i32
      %dma_start3A_794 = arith.constant 0 : i32
      %dma_start3A_795 = tpu.memref_slice %arg4[%add3A_785, %dma_start3A_793, %dma_start3A_794] : memref<16384x26x64xf32, #tpu.memory_space<hbm>> -> memref<1x26x64xf32, #tpu.memory_space<hbm>>
      %dma_start3A_796 = tpu.memref_squeeze %dma_start3A_795 : memref<1x26x64xf32, #tpu.memory_space<hbm>> -> memref<26x64xf32, #tpu.memory_space<hbm>>
      %dma_start3A_797 = arith.constant 78 : i32
      %dma_start3A_798 = arith.constant 0 : i32
      %dma_start3A_799 = tpu.memref_slice %arg12[%dma_start3A_797, %dma_start3A_798] : memref<208x64xf32, #tpu.memory_space<vmem>> -> memref<26x64xf32, #tpu.memory_space<vmem>>
      tpu.enqueue_dma source(%dma_start3A_799 : memref<26x64xf32, #tpu.memory_space<vmem>>) target(%dma_start3A_796 : memref<26x64xf32, #tpu.memory_space<hbm>>) target_semaphore(%arg16 : memref<!tpu.dma_semaphore, #tpu.memory_space<semaphore_mem>>)
      %add3A_800 = arith.constant 4 : i32
      %add3A_801 = arith.addi %add3A_721, %add3A_800 : i32
      %dma_start3A_802 = arith.constant 104 : i32
      %dma_start3A_803 = arith.constant 0 : i32
      %dma_start3A_804 = tpu.memref_slice %arg12[%dma_start3A_802, %dma_start3A_803] : memref<208x64xf32, #tpu.memory_space<vmem>> -> memref<26x64xf32, #tpu.memory_space<vmem>>
      %dma_start3A_805 = arith.constant 0 : i32
      %dma_start3A_806 = arith.constant 0 : i32
      %dma_start3A_807 = tpu.memref_slice %arg4[%add3A_801, %dma_start3A_805, %dma_start3A_806] : memref<16384x26x64xf32, #tpu.memory_space<hbm>> -> memref<1x26x64xf32, #tpu.memory_space<hbm>>
      %dma_start3A_808 = tpu.memref_squeeze %dma_start3A_807 : memref<1x26x64xf32, #tpu.memory_space<hbm>> -> memref<26x64xf32, #tpu.memory_space<hbm>>
      %dma_start3A_809 = arith.constant 0 : i32
      %dma_start3A_810 = arith.constant 0 : i32
      %dma_start3A_811 = tpu.memref_slice %arg4[%add3A_801, %dma_start3A_809, %dma_start3A_810] : memref<16384x26x64xf32, #tpu.memory_space<hbm>> -> memref<1x26x64xf32, #tpu.memory_space<hbm>>
      %dma_start3A_812 = tpu.memref_squeeze %dma_start3A_811 : memref<1x26x64xf32, #tpu.memory_space<hbm>> -> memref<26x64xf32, #tpu.memory_space<hbm>>
      %dma_start3A_813 = arith.constant 104 : i32
      %dma_start3A_814 = arith.constant 0 : i32
      %dma_start3A_815 = tpu.memref_slice %arg12[%dma_start3A_813, %dma_start3A_814] : memref<208x64xf32, #tpu.memory_space<vmem>> -> memref<26x64xf32, #tpu.memory_space<vmem>>
      tpu.enqueue_dma source(%dma_start3A_815 : memref<26x64xf32, #tpu.memory_space<vmem>>) target(%dma_start3A_812 : memref<26x64xf32, #tpu.memory_space<hbm>>) target_semaphore(%arg16 : memref<!tpu.dma_semaphore, #tpu.memory_space<semaphore_mem>>)
      %add3A_816 = arith.constant 5 : i32
      %add3A_817 = arith.addi %add3A_721, %add3A_816 : i32
      %dma_start3A_818 = arith.constant 130 : i32
      %dma_start3A_819 = arith.constant 0 : i32
      %dma_start3A_820 = tpu.memref_slice %arg12[%dma_start3A_818, %dma_start3A_819] : memref<208x64xf32, #tpu.memory_space<vmem>> -> memref<26x64xf32, #tpu.memory_space<vmem>>
      %dma_start3A_821 = arith.constant 0 : i32
      %dma_start3A_822 = arith.constant 0 : i32
      %dma_start3A_823 = tpu.memref_slice %arg4[%add3A_817, %dma_start3A_821, %dma_start3A_822] : memref<16384x26x64xf32, #tpu.memory_space<hbm>> -> memref<1x26x64xf32, #tpu.memory_space<hbm>>
      %dma_start3A_824 = tpu.memref_squeeze %dma_start3A_823 : memref<1x26x64xf32, #tpu.memory_space<hbm>> -> memref<26x64xf32, #tpu.memory_space<hbm>>
      %dma_start3A_825 = arith.constant 0 : i32
      %dma_start3A_826 = arith.constant 0 : i32
      %dma_start3A_827 = tpu.memref_slice %arg4[%add3A_817, %dma_start3A_825, %dma_start3A_826] : memref<16384x26x64xf32, #tpu.memory_space<hbm>> -> memref<1x26x64xf32, #tpu.memory_space<hbm>>
      %dma_start3A_828 = tpu.memref_squeeze %dma_start3A_827 : memref<1x26x64xf32, #tpu.memory_space<hbm>> -> memref<26x64xf32, #tpu.memory_space<hbm>>
      %dma_start3A_829 = arith.constant 130 : i32
      %dma_start3A_830 = arith.constant 0 : i32
      %dma_start3A_831 = tpu.memref_slice %arg12[%dma_start3A_829, %dma_start3A_830] : memref<208x64xf32, #tpu.memory_space<vmem>> -> memref<26x64xf32, #tpu.memory_space<vmem>>
      tpu.enqueue_dma source(%dma_start3A_831 : memref<26x64xf32, #tpu.memory_space<vmem>>) target(%dma_start3A_828 : memref<26x64xf32, #tpu.memory_space<hbm>>) target_semaphore(%arg16 : memref<!tpu.dma_semaphore, #tpu.memory_space<semaphore_mem>>)
      %add3A_832 = arith.constant 6 : i32
      %add3A_833 = arith.addi %add3A_721, %add3A_832 : i32
      %dma_start3A_834 = arith.constant 156 : i32
      %dma_start3A_835 = arith.constant 0 : i32
      %dma_start3A_836 = tpu.memref_slice %arg12[%dma_start3A_834, %dma_start3A_835] : memref<208x64xf32, #tpu.memory_space<vmem>> -> memref<26x64xf32, #tpu.memory_space<vmem>>
      %dma_start3A_837 = arith.constant 0 : i32
      %dma_start3A_838 = arith.constant 0 : i32
      %dma_start3A_839 = tpu.memref_slice %arg4[%add3A_833, %dma_start3A_837, %dma_start3A_838] : memref<16384x26x64xf32, #tpu.memory_space<hbm>> -> memref<1x26x64xf32, #tpu.memory_space<hbm>>
      %dma_start3A_840 = tpu.memref_squeeze %dma_start3A_839 : memref<1x26x64xf32, #tpu.memory_space<hbm>> -> memref<26x64xf32, #tpu.memory_space<hbm>>
      %dma_start3A_841 = arith.constant 0 : i32
      %dma_start3A_842 = arith.constant 0 : i32
      %dma_start3A_843 = tpu.memref_slice %arg4[%add3A_833, %dma_start3A_841, %dma_start3A_842] : memref<16384x26x64xf32, #tpu.memory_space<hbm>> -> memref<1x26x64xf32, #tpu.memory_space<hbm>>
      %dma_start3A_844 = tpu.memref_squeeze %dma_start3A_843 : memref<1x26x64xf32, #tpu.memory_space<hbm>> -> memref<26x64xf32, #tpu.memory_space<hbm>>
      %dma_start3A_845 = arith.constant 156 : i32
      %dma_start3A_846 = arith.constant 0 : i32
      %dma_start3A_847 = tpu.memref_slice %arg12[%dma_start3A_845, %dma_start3A_846] : memref<208x64xf32, #tpu.memory_space<vmem>> -> memref<26x64xf32, #tpu.memory_space<vmem>>
      tpu.enqueue_dma source(%dma_start3A_847 : memref<26x64xf32, #tpu.memory_space<vmem>>) target(%dma_start3A_844 : memref<26x64xf32, #tpu.memory_space<hbm>>) target_semaphore(%arg16 : memref<!tpu.dma_semaphore, #tpu.memory_space<semaphore_mem>>)
      %add3A_848 = arith.constant 7 : i32
      %add3A_849 = arith.addi %add3A_721, %add3A_848 : i32
      %dma_start3A_850 = arith.constant 182 : i32
      %dma_start3A_851 = arith.constant 0 : i32
      %dma_start3A_852 = tpu.memref_slice %arg12[%dma_start3A_850, %dma_start3A_851] : memref<208x64xf32, #tpu.memory_space<vmem>> -> memref<26x64xf32, #tpu.memory_space<vmem>>
      %dma_start3A_853 = arith.constant 0 : i32
      %dma_start3A_854 = arith.constant 0 : i32
      %dma_start3A_855 = tpu.memref_slice %arg4[%add3A_849, %dma_start3A_853, %dma_start3A_854] : memref<16384x26x64xf32, #tpu.memory_space<hbm>> -> memref<1x26x64xf32, #tpu.memory_space<hbm>>
      %dma_start3A_856 = tpu.memref_squeeze %dma_start3A_855 : memref<1x26x64xf32, #tpu.memory_space<hbm>> -> memref<26x64xf32, #tpu.memory_space<hbm>>
      %dma_start3A_857 = arith.constant 0 : i32
      %dma_start3A_858 = arith.constant 0 : i32
      %dma_start3A_859 = tpu.memref_slice %arg4[%add3A_849, %dma_start3A_857, %dma_start3A_858] : memref<16384x26x64xf32, #tpu.memory_space<hbm>> -> memref<1x26x64xf32, #tpu.memory_space<hbm>>
      %dma_start3A_860 = tpu.memref_squeeze %dma_start3A_859 : memref<1x26x64xf32, #tpu.memory_space<hbm>> -> memref<26x64xf32, #tpu.memory_space<hbm>>
      %dma_start3A_861 = arith.constant 182 : i32
      %dma_start3A_862 = arith.constant 0 : i32
      %dma_start3A_863 = tpu.memref_slice %arg12[%dma_start3A_861, %dma_start3A_862] : memref<208x64xf32, #tpu.memory_space<vmem>> -> memref<26x64xf32, #tpu.memory_space<vmem>>
      tpu.enqueue_dma source(%dma_start3A_863 : memref<26x64xf32, #tpu.memory_space<vmem>>) target(%dma_start3A_860 : memref<26x64xf32, #tpu.memory_space<hbm>>) target_semaphore(%arg16 : memref<!tpu.dma_semaphore, #tpu.memory_space<semaphore_mem>>)
      %add3A_864 = arith.constant 2 : i32
      %add3A_865 = arith.addi %add3A_718, %add3A_864 : i32
      %lt3A_866 = arith.constant 64 : i32
      %lt3A_867 = arith.cmpi slt, %add3A_865, %lt3A_866 : i32
      %convert_element_type3A_868 = arith.extui %lt3A_867 : i1 to i32
      %cond3A_869 = arith.constant 0 : i32
      %cond3A_870 = arith.cmpi ne, %convert_element_type3A_868, %cond3A_869 : i32
      scf.if %cond3A_870 {
        %add3A_871 = arith.constant 2 : i32
        %add3A_872 = arith.addi %add3A_718, %add3A_871 : i32
        %mul3A_873 = arith.constant 8 : i32
        %mul3A_874 = arith.muli %add3A_872, %mul3A_873 : i32
        %add3A_875 = arith.addi %mul3A_2, %mul3A_874 : i32
        "tpu.region"() ({
          %run_scoped3A = tpu.sem_alloc : memref<!tpu.dma_semaphore, #tpu.memory_space<semaphore_mem>>
          %dma_start3A_1023 = arith.constant 0 : i32
          %dma_start3A_1024 = tpu.memref_slice %arg2[%add3A_875, %dma_start3A_1023] : memref<16384x26xi32, #tpu.memory_space<hbm>> -> memref<8x26xi32, #tpu.memory_space<hbm>>
          %dma_start3A_1025 = arith.constant 0 : i32
          %dma_start3A_1026 = tpu.memref_slice %arg2[%add3A_875, %dma_start3A_1025] : memref<16384x26xi32, #tpu.memory_space<hbm>> -> memref<8x26xi32, #tpu.memory_space<hbm>>
          tpu.enqueue_dma source(%dma_start3A_1026 : memref<8x26xi32, #tpu.memory_space<hbm>>) target(%arg6 : memref<8x26xi32, #tpu.memory_space<vmem>>) target_semaphore(%run_scoped3A : memref<!tpu.dma_semaphore, #tpu.memory_space<semaphore_mem>>)
          %dma_wait3A_1027 = arith.constant 0 : i32
          %dma_wait3A_1028 = tpu.memref_slice %arg2[%add3A_875, %dma_wait3A_1027] : memref<16384x26xi32, #tpu.memory_space<hbm>> -> memref<8x26xi32, #tpu.memory_space<hbm>>
          %dma_wait3A_1029 = arith.constant 0 : i32
          %dma_wait3A_1030 = tpu.memref_slice %arg2[%add3A_875, %dma_wait3A_1029] : memref<16384x26xi32, #tpu.memory_space<hbm>> -> memref<8x26xi32, #tpu.memory_space<hbm>>
          tpu.wait_dma2 semaphore(%run_scoped3A : memref<!tpu.dma_semaphore, #tpu.memory_space<semaphore_mem>>) src(%dma_wait3A_1030 : memref<8x26xi32, #tpu.memory_space<hbm>>) dst(%arg6 : memref<8x26xi32, #tpu.memory_space<vmem>>)
          tpu.yield
        }) : () -> ()
        %get3A_876 = arith.constant 0 : i32
        %get3A_877 = arith.index_cast %get3A_876 : i32 to index
        %get3A_878 = arith.constant 0 : index
        %get3A_879 = tpu.vector_load %arg6[%get3A_877, %get3A_878] {strides = array<i32>} : memref<8x26xi32, #tpu.memory_space<vmem>>, vector<1x16xi32>,
        %get3A_880 = vector.shape_cast %get3A_879 : vector<1x16xi32> to vector<16xi32>
        %swap3A_881 = arith.constant 0 : index
        %swap3A_882 = tpu.vector_load %arg8[%swap3A_881] {strides = array<i32>} : memref<208xi32, #tpu.memory_space<vmem>>, vector<16xi32>,
        %swap3A_883 = vector.shape_cast %swap3A_882 : vector<16xi32> to vector<16xi32>
        %swap3A_884 = vector.shape_cast %get3A_880 : vector<16xi32> to vector<16xi32>
        tpu.vector_store %arg8[%swap3A_881], %swap3A_884 {strides = array<i32>} : memref<208xi32, #tpu.memory_space<vmem>>, vector<16xi32>,
        %get3A_885 = arith.constant 0 : i32
        %get3A_886 = arith.index_cast %get3A_885 : i32 to index
        %get3A_887 = arith.constant 10 : index
        %get3A_888 = tpu.vector_load %arg6[%get3A_886, %get3A_887] {strides = array<i32>} : memref<8x26xi32, #tpu.memory_space<vmem>>, vector<1x16xi32>,
        %get3A_889 = vector.shape_cast %get3A_888 : vector<1x16xi32> to vector<16xi32>
        %swap3A_890 = arith.constant 10 : index
        %swap3A_891 = tpu.vector_load %arg8[%swap3A_890] {strides = array<i32>} : memref<208xi32, #tpu.memory_space<vmem>>, vector<16xi32>,
        %swap3A_892 = vector.shape_cast %swap3A_891 : vector<16xi32> to vector<16xi32>
        %swap3A_893 = vector.shape_cast %get3A_889 : vector<16xi32> to vector<16xi32>
        tpu.vector_store %arg8[%swap3A_890], %swap3A_893 {strides = array<i32>} : memref<208xi32, #tpu.memory_space<vmem>>, vector<16xi32>,
        %get3A_894 = arith.constant 1 : i32
        %get3A_895 = arith.index_cast %get3A_894 : i32 to index
        %get3A_896 = arith.constant 0 : index
        %get3A_897 = tpu.vector_load %arg6[%get3A_895, %get3A_896] {strides = array<i32>} : memref<8x26xi32, #tpu.memory_space<vmem>>, vector<1x16xi32>,
        %get3A_898 = vector.shape_cast %get3A_897 : vector<1x16xi32> to vector<16xi32>
        %swap3A_899 = arith.constant 26 : index
        %swap3A_900 = tpu.vector_load %arg8[%swap3A_899] {strides = array<i32>} : memref<208xi32, #tpu.memory_space<vmem>>, vector<16xi32>,
        %swap3A_901 = vector.shape_cast %swap3A_900 : vector<16xi32> to vector<16xi32>
        %swap3A_902 = vector.shape_cast %get3A_898 : vector<16xi32> to vector<16xi32>
        tpu.vector_store %arg8[%swap3A_899], %swap3A_902 {strides = array<i32>} : memref<208xi32, #tpu.memory_space<vmem>>, vector<16xi32>,
        %get3A_903 = arith.constant 1 : i32
        %get3A_904 = arith.index_cast %get3A_903 : i32 to index
        %get3A_905 = arith.constant 10 : index
        %get3A_906 = tpu.vector_load %arg6[%get3A_904, %get3A_905] {strides = array<i32>} : memref<8x26xi32, #tpu.memory_space<vmem>>, vector<1x16xi32>,
        %get3A_907 = vector.shape_cast %get3A_906 : vector<1x16xi32> to vector<16xi32>
        %swap3A_908 = arith.constant 36 : index
        %swap3A_909 = tpu.vector_load %arg8[%swap3A_908] {strides = array<i32>} : memref<208xi32, #tpu.memory_space<vmem>>, vector<16xi32>,
        %swap3A_910 = vector.shape_cast %swap3A_909 : vector<16xi32> to vector<16xi32>
        %swap3A_911 = vector.shape_cast %get3A_907 : vector<16xi32> to vector<16xi32>
        tpu.vector_store %arg8[%swap3A_908], %swap3A_911 {strides = array<i32>} : memref<208xi32, #tpu.memory_space<vmem>>, vector<16xi32>,
        %get3A_912 = arith.constant 2 : i32
        %get3A_913 = arith.index_cast %get3A_912 : i32 to index
        %get3A_914 = arith.constant 0 : index
        %get3A_915 = tpu.vector_load %arg6[%get3A_913, %get3A_914] {strides = array<i32>} : memref<8x26xi32, #tpu.memory_space<vmem>>, vector<1x16xi32>,
        %get3A_916 = vector.shape_cast %get3A_915 : vector<1x16xi32> to vector<16xi32>
        %swap3A_917 = arith.constant 52 : index
        %swap3A_918 = tpu.vector_load %arg8[%swap3A_917] {strides = array<i32>} : memref<208xi32, #tpu.memory_space<vmem>>, vector<16xi32>,
        %swap3A_919 = vector.shape_cast %swap3A_918 : vector<16xi32> to vector<16xi32>
        %swap3A_920 = vector.shape_cast %get3A_916 : vector<16xi32> to vector<16xi32>
        tpu.vector_store %arg8[%swap3A_917], %swap3A_920 {strides = array<i32>} : memref<208xi32, #tpu.memory_space<vmem>>, vector<16xi32>,
        %get3A_921 = arith.constant 2 : i32
        %get3A_922 = arith.index_cast %get3A_921 : i32 to index
        %get3A_923 = arith.constant 10 : index
        %get3A_924 = tpu.vector_load %arg6[%get3A_922, %get3A_923] {strides = array<i32>} : memref<8x26xi32, #tpu.memory_space<vmem>>, vector<1x16xi32>,
        %get3A_925 = vector.shape_cast %get3A_924 : vector<1x16xi32> to vector<16xi32>
        %swap3A_926 = arith.constant 62 : index
        %swap3A_927 = tpu.vector_load %arg8[%swap3A_926] {strides = array<i32>} : memref<208xi32, #tpu.memory_space<vmem>>, vector<16xi32>,
        %swap3A_928 = vector.shape_cast %swap3A_927 : vector<16xi32> to vector<16xi32>
        %swap3A_929 = vector.shape_cast %get3A_925 : vector<16xi32> to vector<16xi32>
        tpu.vector_store %arg8[%swap3A_926], %swap3A_929 {strides = array<i32>} : memref<208xi32, #tpu.memory_space<vmem>>, vector<16xi32>,
        %get3A_930 = arith.constant 3 : i32
        %get3A_931 = arith.index_cast %get3A_930 : i32 to index
        %get3A_932 = arith.constant 0 : index
        %get3A_933 = tpu.vector_load %arg6[%get3A_931, %get3A_932] {strides = array<i32>} : memref<8x26xi32, #tpu.memory_space<vmem>>, vector<1x16xi32>,
        %get3A_934 = vector.shape_cast %get3A_933 : vector<1x16xi32> to vector<16xi32>
        %swap3A_935 = arith.constant 78 : index
        %swap3A_936 = tpu.vector_load %arg8[%swap3A_935] {strides = array<i32>} : memref<208xi32, #tpu.memory_space<vmem>>, vector<16xi32>,
        %swap3A_937 = vector.shape_cast %swap3A_936 : vector<16xi32> to vector<16xi32>
        %swap3A_938 = vector.shape_cast %get3A_934 : vector<16xi32> to vector<16xi32>
        tpu.vector_store %arg8[%swap3A_935], %swap3A_938 {strides = array<i32>} : memref<208xi32, #tpu.memory_space<vmem>>, vector<16xi32>,
        %get3A_939 = arith.constant 3 : i32
        %get3A_940 = arith.index_cast %get3A_939 : i32 to index
        %get3A_941 = arith.constant 10 : index
        %get3A_942 = tpu.vector_load %arg6[%get3A_940, %get3A_941] {strides = array<i32>} : memref<8x26xi32, #tpu.memory_space<vmem>>, vector<1x16xi32>,
        %get3A_943 = vector.shape_cast %get3A_942 : vector<1x16xi32> to vector<16xi32>
        %swap3A_944 = arith.constant 88 : index
        %swap3A_945 = tpu.vector_load %arg8[%swap3A_944] {strides = array<i32>} : memref<208xi32, #tpu.memory_space<vmem>>, vector<16xi32>,
        %swap3A_946 = vector.shape_cast %swap3A_945 : vector<16xi32> to vector<16xi32>
        %swap3A_947 = vector.shape_cast %get3A_943 : vector<16xi32> to vector<16xi32>
        tpu.vector_store %arg8[%swap3A_944], %swap3A_947 {strides = array<i32>} : memref<208xi32, #tpu.memory_space<vmem>>, vector<16xi32>,
        %get3A_948 = arith.constant 4 : i32
        %get3A_949 = arith.index_cast %get3A_948 : i32 to index
        %get3A_950 = arith.constant 0 : index
        %get3A_951 = tpu.vector_load %arg6[%get3A_949, %get3A_950] {strides = array<i32>} : memref<8x26xi32, #tpu.memory_space<vmem>>, vector<1x16xi32>,
        %get3A_952 = vector.shape_cast %get3A_951 : vector<1x16xi32> to vector<16xi32>
        %swap3A_953 = arith.constant 104 : index
        %swap3A_954 = tpu.vector_load %arg8[%swap3A_953] {strides = array<i32>} : memref<208xi32, #tpu.memory_space<vmem>>, vector<16xi32>,
        %swap3A_955 = vector.shape_cast %swap3A_954 : vector<16xi32> to vector<16xi32>
        %swap3A_956 = vector.shape_cast %get3A_952 : vector<16xi32> to vector<16xi32>
        tpu.vector_store %arg8[%swap3A_953], %swap3A_956 {strides = array<i32>} : memref<208xi32, #tpu.memory_space<vmem>>, vector<16xi32>,
        %get3A_957 = arith.constant 4 : i32
        %get3A_958 = arith.index_cast %get3A_957 : i32 to index
        %get3A_959 = arith.constant 10 : index
        %get3A_960 = tpu.vector_load %arg6[%get3A_958, %get3A_959] {strides = array<i32>} : memref<8x26xi32, #tpu.memory_space<vmem>>, vector<1x16xi32>,
        %get3A_961 = vector.shape_cast %get3A_960 : vector<1x16xi32> to vector<16xi32>
        %swap3A_962 = arith.constant 114 : index
        %swap3A_963 = tpu.vector_load %arg8[%swap3A_962] {strides = array<i32>} : memref<208xi32, #tpu.memory_space<vmem>>, vector<16xi32>,
        %swap3A_964 = vector.shape_cast %swap3A_963 : vector<16xi32> to vector<16xi32>
        %swap3A_965 = vector.shape_cast %get3A_961 : vector<16xi32> to vector<16xi32>
        tpu.vector_store %arg8[%swap3A_962], %swap3A_965 {strides = array<i32>} : memref<208xi32, #tpu.memory_space<vmem>>, vector<16xi32>,
        %get3A_966 = arith.constant 5 : i32
        %get3A_967 = arith.index_cast %get3A_966 : i32 to index
        %get3A_968 = arith.constant 0 : index
        %get3A_969 = tpu.vector_load %arg6[%get3A_967, %get3A_968] {strides = array<i32>} : memref<8x26xi32, #tpu.memory_space<vmem>>, vector<1x16xi32>,
        %get3A_970 = vector.shape_cast %get3A_969 : vector<1x16xi32> to vector<16xi32>
        %swap3A_971 = arith.constant 130 : index
        %swap3A_972 = tpu.vector_load %arg8[%swap3A_971] {strides = array<i32>} : memref<208xi32, #tpu.memory_space<vmem>>, vector<16xi32>,
        %swap3A_973 = vector.shape_cast %swap3A_972 : vector<16xi32> to vector<16xi32>
        %swap3A_974 = vector.shape_cast %get3A_970 : vector<16xi32> to vector<16xi32>
        tpu.vector_store %arg8[%swap3A_971], %swap3A_974 {strides = array<i32>} : memref<208xi32, #tpu.memory_space<vmem>>, vector<16xi32>,
        %get3A_975 = arith.constant 5 : i32
        %get3A_976 = arith.index_cast %get3A_975 : i32 to index
        %get3A_977 = arith.constant 10 : index
        %get3A_978 = tpu.vector_load %arg6[%get3A_976, %get3A_977] {strides = array<i32>} : memref<8x26xi32, #tpu.memory_space<vmem>>, vector<1x16xi32>,
        %get3A_979 = vector.shape_cast %get3A_978 : vector<1x16xi32> to vector<16xi32>
        %swap3A_980 = arith.constant 140 : index
        %swap3A_981 = tpu.vector_load %arg8[%swap3A_980] {strides = array<i32>} : memref<208xi32, #tpu.memory_space<vmem>>, vector<16xi32>,
        %swap3A_982 = vector.shape_cast %swap3A_981 : vector<16xi32> to vector<16xi32>
        %swap3A_983 = vector.shape_cast %get3A_979 : vector<16xi32> to vector<16xi32>
        tpu.vector_store %arg8[%swap3A_980], %swap3A_983 {strides = array<i32>} : memref<208xi32, #tpu.memory_space<vmem>>, vector<16xi32>,
        %get3A_984 = arith.constant 6 : i32
        %get3A_985 = arith.index_cast %get3A_984 : i32 to index
        %get3A_986 = arith.constant 0 : index
        %get3A_987 = tpu.vector_load %arg6[%get3A_985, %get3A_986] {strides = array<i32>} : memref<8x26xi32, #tpu.memory_space<vmem>>, vector<1x16xi32>,
        %get3A_988 = vector.shape_cast %get3A_987 : vector<1x16xi32> to vector<16xi32>
        %swap3A_989 = arith.constant 156 : index
        %swap3A_990 = tpu.vector_load %arg8[%swap3A_989] {strides = array<i32>} : memref<208xi32, #tpu.memory_space<vmem>>, vector<16xi32>,
        %swap3A_991 = vector.shape_cast %swap3A_990 : vector<16xi32> to vector<16xi32>
        %swap3A_992 = vector.shape_cast %get3A_988 : vector<16xi32> to vector<16xi32>
        tpu.vector_store %arg8[%swap3A_989], %swap3A_992 {strides = array<i32>} : memref<208xi32, #tpu.memory_space<vmem>>, vector<16xi32>,
        %get3A_993 = arith.constant 6 : i32
        %get3A_994 = arith.index_cast %get3A_993 : i32 to index
        %get3A_995 = arith.constant 10 : index
        %get3A_996 = tpu.vector_load %arg6[%get3A_994, %get3A_995] {strides = array<i32>} : memref<8x26xi32, #tpu.memory_space<vmem>>, vector<1x16xi32>,
        %get3A_997 = vector.shape_cast %get3A_996 : vector<1x16xi32> to vector<16xi32>
        %swap3A_998 = arith.constant 166 : index
        %swap3A_999 = tpu.vector_load %arg8[%swap3A_998] {strides = array<i32>} : memref<208xi32, #tpu.memory_space<vmem>>, vector<16xi32>,
        %swap3A_1000 = vector.shape_cast %swap3A_999 : vector<16xi32> to vector<16xi32>
        %swap3A_1001 = vector.shape_cast %get3A_997 : vector<16xi32> to vector<16xi32>
        tpu.vector_store %arg8[%swap3A_998], %swap3A_1001 {strides = array<i32>} : memref<208xi32, #tpu.memory_space<vmem>>, vector<16xi32>,
        %get3A_1002 = arith.constant 7 : i32
        %get3A_1003 = arith.index_cast %get3A_1002 : i32 to index
        %get3A_1004 = arith.constant 0 : index
        %get3A_1005 = tpu.vector_load %arg6[%get3A_1003, %get3A_1004] {strides = array<i32>} : memref<8x26xi32, #tpu.memory_space<vmem>>, vector<1x16xi32>,
        %get3A_1006 = vector.shape_cast %get3A_1005 : vector<1x16xi32> to vector<16xi32>
        %swap3A_1007 = arith.constant 182 : index
        %swap3A_1008 = tpu.vector_load %arg8[%swap3A_1007] {strides = array<i32>} : memref<208xi32, #tpu.memory_space<vmem>>, vector<16xi32>,
        %swap3A_1009 = vector.shape_cast %swap3A_1008 : vector<16xi32> to vector<16xi32>
        %swap3A_1010 = vector.shape_cast %get3A_1006 : vector<16xi32> to vector<16xi32>
        tpu.vector_store %arg8[%swap3A_1007], %swap3A_1010 {strides = array<i32>} : memref<208xi32, #tpu.memory_space<vmem>>, vector<16xi32>,
        %get3A_1011 = arith.constant 7 : i32
        %get3A_1012 = arith.index_cast %get3A_1011 : i32 to index
        %get3A_1013 = arith.constant 10 : index
        %get3A_1014 = tpu.vector_load %arg6[%get3A_1012, %get3A_1013] {strides = array<i32>} : memref<8x26xi32, #tpu.memory_space<vmem>>, vector<1x16xi32>,
        %get3A_1015 = vector.shape_cast %get3A_1014 : vector<1x16xi32> to vector<16xi32>
        %swap3A_1016 = arith.constant 192 : index
        %swap3A_1017 = tpu.vector_load %arg8[%swap3A_1016] {strides = array<i32>} : memref<208xi32, #tpu.memory_space<vmem>>, vector<16xi32>,
        %swap3A_1018 = vector.shape_cast %swap3A_1017 : vector<16xi32> to vector<16xi32>
        %swap3A_1019 = vector.shape_cast %get3A_1015 : vector<16xi32> to vector<16xi32>
        tpu.vector_store %arg8[%swap3A_1016], %swap3A_1019 {strides = array<i32>} : memref<208xi32, #tpu.memory_space<vmem>>, vector<16xi32>,
        %dma_start3A_1020 = arith.constant 0 : i32
        %dma_start3A_1021 = arith.constant 0 : i32
        %dma_start3A_1022 = tpu.memref_slice %arg3[%dma_start3A_1020, %dma_start3A_1021] : memref<1000000x128xf32, #tpu.memory_space<hbm>> -> memref<1000000x128xf32, #tpu.memory_space<hbm>>
        tpu.enqueue_indirect_dma source(%dma_start3A_1022 : memref<1000000x128xf32, #tpu.memory_space<hbm>>) target(%arg10 : memref<208x128xf32, #tpu.memory_space<vmem>>) offsets(%arg8 : memref<208xi32, #tpu.memory_space<vmem>>) semaphore(%arg14 : memref<!tpu.dma_semaphore, #tpu.memory_space<semaphore_mem>>)
      } else {
      }
    }
    %scan3A_302 = arith.constant 32 : i32
    %add3A_303 = arith.constant 496 : i32
    %add3A_304 = arith.addi %mul3A_2, %add3A_303 : i32
    %add3A_305 = arith.constant 0 : i32
    %add3A_306 = arith.addi %add3A_304, %add3A_305 : i32
    %dma_wait3A = arith.constant 0 : i32
    %dma_wait3A_307 = arith.constant 0 : i32
    %dma_wait3A_308 = tpu.memref_slice %arg11[%dma_wait3A, %dma_wait3A_307] : memref<208x64xf32, #tpu.memory_space<vmem>> -> memref<26x64xf32, #tpu.memory_space<vmem>>
    %dma_wait3A_309 = arith.constant 0 : i32
    %dma_wait3A_310 = arith.constant 0 : i32
    %dma_wait3A_311 = tpu.memref_slice %arg4[%add3A_306, %dma_wait3A_309, %dma_wait3A_310] : memref<16384x26x64xf32, #tpu.memory_space<hbm>> -> memref<1x26x64xf32, #tpu.memory_space<hbm>>
    %dma_wait3A_312 = tpu.memref_squeeze %dma_wait3A_311 : memref<1x26x64xf32, #tpu.memory_space<hbm>> -> memref<26x64xf32, #tpu.memory_space<hbm>>
    %dma_wait3A_313 = arith.constant 0 : i32
    %dma_wait3A_314 = arith.constant 0 : i32
    %dma_wait3A_315 = tpu.memref_slice %arg4[%add3A_306, %dma_wait3A_313, %dma_wait3A_314] : memref<16384x26x64xf32, #tpu.memory_space<hbm>> -> memref<1x26x64xf32, #tpu.memory_space<hbm>>
    %dma_wait3A_316 = tpu.memref_squeeze %dma_wait3A_315 : memref<1x26x64xf32, #tpu.memory_space<hbm>> -> memref<26x64xf32, #tpu.memory_space<hbm>>
    %dma_wait3A_317 = arith.constant 0 : i32
    %dma_wait3A_318 = arith.constant 0 : i32
    %dma_wait3A_319 = tpu.memref_slice %arg11[%dma_wait3A_317, %dma_wait3A_318] : memref<208x64xf32, #tpu.memory_space<vmem>> -> memref<26x64xf32, #tpu.memory_space<vmem>>
    tpu.wait_dma2 semaphore(%arg15 : memref<!tpu.dma_semaphore, #tpu.memory_space<semaphore_mem>>) src(%dma_wait3A_319 : memref<26x64xf32, #tpu.memory_space<vmem>>) dst(%dma_wait3A_316 : memref<26x64xf32, #tpu.memory_space<hbm>>)
    %add3A_320 = arith.constant 1 : i32
    %add3A_321 = arith.addi %add3A_304, %add3A_320 : i32
    %dma_wait3A_322 = arith.constant 26 : i32
    %dma_wait3A_323 = arith.constant 0 : i32
    %dma_wait3A_324 = tpu.memref_slice %arg11[%dma_wait3A_322, %dma_wait3A_323] : memref<208x64xf32, #tpu.memory_space<vmem>> -> memref<26x64xf32, #tpu.memory_space<vmem>>
    %dma_wait3A_325 = arith.constant 0 : i32
    %dma_wait3A_326 = arith.constant 0 : i32
    %dma_wait3A_327 = tpu.memref_slice %arg4[%add3A_321, %dma_wait3A_325, %dma_wait3A_326] : memref<16384x26x64xf32, #tpu.memory_space<hbm>> -> memref<1x26x64xf32, #tpu.memory_space<hbm>>
    %dma_wait3A_328 = tpu.memref_squeeze %dma_wait3A_327 : memref<1x26x64xf32, #tpu.memory_space<hbm>> -> memref<26x64xf32, #tpu.memory_space<hbm>>
    %dma_wait3A_329 = arith.constant 0 : i32
    %dma_wait3A_330 = arith.constant 0 : i32
    %dma_wait3A_331 = tpu.memref_slice %arg4[%add3A_321, %dma_wait3A_329, %dma_wait3A_330] : memref<16384x26x64xf32, #tpu.memory_space<hbm>> -> memref<1x26x64xf32, #tpu.memory_space<hbm>>
    %dma_wait3A_332 = tpu.memref_squeeze %dma_wait3A_331 : memref<1x26x64xf32, #tpu.memory_space<hbm>> -> memref<26x64xf32, #tpu.memory_space<hbm>>
    %dma_wait3A_333 = arith.constant 26 : i32
    %dma_wait3A_334 = arith.constant 0 : i32
    %dma_wait3A_335 = tpu.memref_slice %arg11[%dma_wait3A_333, %dma_wait3A_334] : memref<208x64xf32, #tpu.memory_space<vmem>> -> memref<26x64xf32, #tpu.memory_space<vmem>>
    tpu.wait_dma2 semaphore(%arg15 : memref<!tpu.dma_semaphore, #tpu.memory_space<semaphore_mem>>) src(%dma_wait3A_335 : memref<26x64xf32, #tpu.memory_space<vmem>>) dst(%dma_wait3A_332 : memref<26x64xf32, #tpu.memory_space<hbm>>)
    %add3A_336 = arith.constant 2 : i32
    %add3A_337 = arith.addi %add3A_304, %add3A_336 : i32
    %dma_wait3A_338 = arith.constant 52 : i32
    %dma_wait3A_339 = arith.constant 0 : i32
    %dma_wait3A_340 = tpu.memref_slice %arg11[%dma_wait3A_338, %dma_wait3A_339] : memref<208x64xf32, #tpu.memory_space<vmem>> -> memref<26x64xf32, #tpu.memory_space<vmem>>
    %dma_wait3A_341 = arith.constant 0 : i32
    %dma_wait3A_342 = arith.constant 0 : i32
    %dma_wait3A_343 = tpu.memref_slice %arg4[%add3A_337, %dma_wait3A_341, %dma_wait3A_342] : memref<16384x26x64xf32, #tpu.memory_space<hbm>> -> memref<1x26x64xf32, #tpu.memory_space<hbm>>
    %dma_wait3A_344 = tpu.memref_squeeze %dma_wait3A_343 : memref<1x26x64xf32, #tpu.memory_space<hbm>> -> memref<26x64xf32, #tpu.memory_space<hbm>>
    %dma_wait3A_345 = arith.constant 0 : i32
    %dma_wait3A_346 = arith.constant 0 : i32
    %dma_wait3A_347 = tpu.memref_slice %arg4[%add3A_337, %dma_wait3A_345, %dma_wait3A_346] : memref<16384x26x64xf32, #tpu.memory_space<hbm>> -> memref<1x26x64xf32, #tpu.memory_space<hbm>>
    %dma_wait3A_348 = tpu.memref_squeeze %dma_wait3A_347 : memref<1x26x64xf32, #tpu.memory_space<hbm>> -> memref<26x64xf32, #tpu.memory_space<hbm>>
    %dma_wait3A_349 = arith.constant 52 : i32
    %dma_wait3A_350 = arith.constant 0 : i32
    %dma_wait3A_351 = tpu.memref_slice %arg11[%dma_wait3A_349, %dma_wait3A_350] : memref<208x64xf32, #tpu.memory_space<vmem>> -> memref<26x64xf32, #tpu.memory_space<vmem>>
    tpu.wait_dma2 semaphore(%arg15 : memref<!tpu.dma_semaphore, #tpu.memory_space<semaphore_mem>>) src(%dma_wait3A_351 : memref<26x64xf32, #tpu.memory_space<vmem>>) dst(%dma_wait3A_348 : memref<26x64xf32, #tpu.memory_space<hbm>>)
    %add3A_352 = arith.constant 3 : i32
    %add3A_353 = arith.addi %add3A_304, %add3A_352 : i32
    %dma_wait3A_354 = arith.constant 78 : i32
    %dma_wait3A_355 = arith.constant 0 : i32
    %dma_wait3A_356 = tpu.memref_slice %arg11[%dma_wait3A_354, %dma_wait3A_355] : memref<208x64xf32, #tpu.memory_space<vmem>> -> memref<26x64xf32, #tpu.memory_space<vmem>>
    %dma_wait3A_357 = arith.constant 0 : i32
    %dma_wait3A_358 = arith.constant 0 : i32
    %dma_wait3A_359 = tpu.memref_slice %arg4[%add3A_353, %dma_wait3A_357, %dma_wait3A_358] : memref<16384x26x64xf32, #tpu.memory_space<hbm>> -> memref<1x26x64xf32, #tpu.memory_space<hbm>>
    %dma_wait3A_360 = tpu.memref_squeeze %dma_wait3A_359 : memref<1x26x64xf32, #tpu.memory_space<hbm>> -> memref<26x64xf32, #tpu.memory_space<hbm>>
    %dma_wait3A_361 = arith.constant 0 : i32
    %dma_wait3A_362 = arith.constant 0 : i32
    %dma_wait3A_363 = tpu.memref_slice %arg4[%add3A_353, %dma_wait3A_361, %dma_wait3A_362] : memref<16384x26x64xf32, #tpu.memory_space<hbm>> -> memref<1x26x64xf32, #tpu.memory_space<hbm>>
    %dma_wait3A_364 = tpu.memref_squeeze %dma_wait3A_363 : memref<1x26x64xf32, #tpu.memory_space<hbm>> -> memref<26x64xf32, #tpu.memory_space<hbm>>
    %dma_wait3A_365 = arith.constant 78 : i32
    %dma_wait3A_366 = arith.constant 0 : i32
    %dma_wait3A_367 = tpu.memref_slice %arg11[%dma_wait3A_365, %dma_wait3A_366] : memref<208x64xf32, #tpu.memory_space<vmem>> -> memref<26x64xf32, #tpu.memory_space<vmem>>
    tpu.wait_dma2 semaphore(%arg15 : memref<!tpu.dma_semaphore, #tpu.memory_space<semaphore_mem>>) src(%dma_wait3A_367 : memref<26x64xf32, #tpu.memory_space<vmem>>) dst(%dma_wait3A_364 : memref<26x64xf32, #tpu.memory_space<hbm>>)
    %add3A_368 = arith.constant 4 : i32
    %add3A_369 = arith.addi %add3A_304, %add3A_368 : i32
    %dma_wait3A_370 = arith.constant 104 : i32
    %dma_wait3A_371 = arith.constant 0 : i32
    %dma_wait3A_372 = tpu.memref_slice %arg11[%dma_wait3A_370, %dma_wait3A_371] : memref<208x64xf32, #tpu.memory_space<vmem>> -> memref<26x64xf32, #tpu.memory_space<vmem>>
    %dma_wait3A_373 = arith.constant 0 : i32
    %dma_wait3A_374 = arith.constant 0 : i32
    %dma_wait3A_375 = tpu.memref_slice %arg4[%add3A_369, %dma_wait3A_373, %dma_wait3A_374] : memref<16384x26x64xf32, #tpu.memory_space<hbm>> -> memref<1x26x64xf32, #tpu.memory_space<hbm>>
    %dma_wait3A_376 = tpu.memref_squeeze %dma_wait3A_375 : memref<1x26x64xf32, #tpu.memory_space<hbm>> -> memref<26x64xf32, #tpu.memory_space<hbm>>
    %dma_wait3A_377 = arith.constant 0 : i32
    %dma_wait3A_378 = arith.constant 0 : i32
    %dma_wait3A_379 = tpu.memref_slice %arg4[%add3A_369, %dma_wait3A_377, %dma_wait3A_378] : memref<16384x26x64xf32, #tpu.memory_space<hbm>> -> memref<1x26x64xf32, #tpu.memory_space<hbm>>
    %dma_wait3A_380 = tpu.memref_squeeze %dma_wait3A_379 : memref<1x26x64xf32, #tpu.memory_space<hbm>> -> memref<26x64xf32, #tpu.memory_space<hbm>>
    %dma_wait3A_381 = arith.constant 104 : i32
    %dma_wait3A_382 = arith.constant 0 : i32
    %dma_wait3A_383 = tpu.memref_slice %arg11[%dma_wait3A_381, %dma_wait3A_382] : memref<208x64xf32, #tpu.memory_space<vmem>> -> memref<26x64xf32, #tpu.memory_space<vmem>>
    tpu.wait_dma2 semaphore(%arg15 : memref<!tpu.dma_semaphore, #tpu.memory_space<semaphore_mem>>) src(%dma_wait3A_383 : memref<26x64xf32, #tpu.memory_space<vmem>>) dst(%dma_wait3A_380 : memref<26x64xf32, #tpu.memory_space<hbm>>)
    %add3A_384 = arith.constant 5 : i32
    %add3A_385 = arith.addi %add3A_304, %add3A_384 : i32
    %dma_wait3A_386 = arith.constant 130 : i32
    %dma_wait3A_387 = arith.constant 0 : i32
    %dma_wait3A_388 = tpu.memref_slice %arg11[%dma_wait3A_386, %dma_wait3A_387] : memref<208x64xf32, #tpu.memory_space<vmem>> -> memref<26x64xf32, #tpu.memory_space<vmem>>
    %dma_wait3A_389 = arith.constant 0 : i32
    %dma_wait3A_390 = arith.constant 0 : i32
    %dma_wait3A_391 = tpu.memref_slice %arg4[%add3A_385, %dma_wait3A_389, %dma_wait3A_390] : memref<16384x26x64xf32, #tpu.memory_space<hbm>> -> memref<1x26x64xf32, #tpu.memory_space<hbm>>
    %dma_wait3A_392 = tpu.memref_squeeze %dma_wait3A_391 : memref<1x26x64xf32, #tpu.memory_space<hbm>> -> memref<26x64xf32, #tpu.memory_space<hbm>>
    %dma_wait3A_393 = arith.constant 0 : i32
    %dma_wait3A_394 = arith.constant 0 : i32
    %dma_wait3A_395 = tpu.memref_slice %arg4[%add3A_385, %dma_wait3A_393, %dma_wait3A_394] : memref<16384x26x64xf32, #tpu.memory_space<hbm>> -> memref<1x26x64xf32, #tpu.memory_space<hbm>>
    %dma_wait3A_396 = tpu.memref_squeeze %dma_wait3A_395 : memref<1x26x64xf32, #tpu.memory_space<hbm>> -> memref<26x64xf32, #tpu.memory_space<hbm>>
    %dma_wait3A_397 = arith.constant 130 : i32
    %dma_wait3A_398 = arith.constant 0 : i32
    %dma_wait3A_399 = tpu.memref_slice %arg11[%dma_wait3A_397, %dma_wait3A_398] : memref<208x64xf32, #tpu.memory_space<vmem>> -> memref<26x64xf32, #tpu.memory_space<vmem>>
    tpu.wait_dma2 semaphore(%arg15 : memref<!tpu.dma_semaphore, #tpu.memory_space<semaphore_mem>>) src(%dma_wait3A_399 : memref<26x64xf32, #tpu.memory_space<vmem>>) dst(%dma_wait3A_396 : memref<26x64xf32, #tpu.memory_space<hbm>>)
    %add3A_400 = arith.constant 6 : i32
    %add3A_401 = arith.addi %add3A_304, %add3A_400 : i32
    %dma_wait3A_402 = arith.constant 156 : i32
    %dma_wait3A_403 = arith.constant 0 : i32
    %dma_wait3A_404 = tpu.memref_slice %arg11[%dma_wait3A_402, %dma_wait3A_403] : memref<208x64xf32, #tpu.memory_space<vmem>> -> memref<26x64xf32, #tpu.memory_space<vmem>>
    %dma_wait3A_405 = arith.constant 0 : i32
    %dma_wait3A_406 = arith.constant 0 : i32
    %dma_wait3A_407 = tpu.memref_slice %arg4[%add3A_401, %dma_wait3A_405, %dma_wait3A_406] : memref<16384x26x64xf32, #tpu.memory_space<hbm>> -> memref<1x26x64xf32, #tpu.memory_space<hbm>>
    %dma_wait3A_408 = tpu.memref_squeeze %dma_wait3A_407 : memref<1x26x64xf32, #tpu.memory_space<hbm>> -> memref<26x64xf32, #tpu.memory_space<hbm>>
    %dma_wait3A_409 = arith.constant 0 : i32
    %dma_wait3A_410 = arith.constant 0 : i32
    %dma_wait3A_411 = tpu.memref_slice %arg4[%add3A_401, %dma_wait3A_409, %dma_wait3A_410] : memref<16384x26x64xf32, #tpu.memory_space<hbm>> -> memref<1x26x64xf32, #tpu.memory_space<hbm>>
    %dma_wait3A_412 = tpu.memref_squeeze %dma_wait3A_411 : memref<1x26x64xf32, #tpu.memory_space<hbm>> -> memref<26x64xf32, #tpu.memory_space<hbm>>
    %dma_wait3A_413 = arith.constant 156 : i32
    %dma_wait3A_414 = arith.constant 0 : i32
    %dma_wait3A_415 = tpu.memref_slice %arg11[%dma_wait3A_413, %dma_wait3A_414] : memref<208x64xf32, #tpu.memory_space<vmem>> -> memref<26x64xf32, #tpu.memory_space<vmem>>
    tpu.wait_dma2 semaphore(%arg15 : memref<!tpu.dma_semaphore, #tpu.memory_space<semaphore_mem>>) src(%dma_wait3A_415 : memref<26x64xf32, #tpu.memory_space<vmem>>) dst(%dma_wait3A_412 : memref<26x64xf32, #tpu.memory_space<hbm>>)
    %add3A_416 = arith.constant 7 : i32
    %add3A_417 = arith.addi %add3A_304, %add3A_416 : i32
    %dma_wait3A_418 = arith.constant 182 : i32
    %dma_wait3A_419 = arith.constant 0 : i32
    %dma_wait3A_420 = tpu.memref_slice %arg11[%dma_wait3A_418, %dma_wait3A_419] : memref<208x64xf32, #tpu.memory_space<vmem>> -> memref<26x64xf32, #tpu.memory_space<vmem>>
    %dma_wait3A_421 = arith.constant 0 : i32
    %dma_wait3A_422 = arith.constant 0 : i32
    %dma_wait3A_423 = tpu.memref_slice %arg4[%add3A_417, %dma_wait3A_421, %dma_wait3A_422] : memref<16384x26x64xf32, #tpu.memory_space<hbm>> -> memref<1x26x64xf32, #tpu.memory_space<hbm>>
    %dma_wait3A_424 = tpu.memref_squeeze %dma_wait3A_423 : memref<1x26x64xf32, #tpu.memory_space<hbm>> -> memref<26x64xf32, #tpu.memory_space<hbm>>
    %dma_wait3A_425 = arith.constant 0 : i32
    %dma_wait3A_426 = arith.constant 0 : i32
    %dma_wait3A_427 = tpu.memref_slice %arg4[%add3A_417, %dma_wait3A_425, %dma_wait3A_426] : memref<16384x26x64xf32, #tpu.memory_space<hbm>> -> memref<1x26x64xf32, #tpu.memory_space<hbm>>
    %dma_wait3A_428 = tpu.memref_squeeze %dma_wait3A_427 : memref<1x26x64xf32, #tpu.memory_space<hbm>> -> memref<26x64xf32, #tpu.memory_space<hbm>>
    %dma_wait3A_429 = arith.constant 182 : i32
    %dma_wait3A_430 = arith.constant 0 : i32
    %dma_wait3A_431 = tpu.memref_slice %arg11[%dma_wait3A_429, %dma_wait3A_430] : memref<208x64xf32, #tpu.memory_space<vmem>> -> memref<26x64xf32, #tpu.memory_space<vmem>>
    tpu.wait_dma2 semaphore(%arg15 : memref<!tpu.dma_semaphore, #tpu.memory_space<semaphore_mem>>) src(%dma_wait3A_431 : memref<26x64xf32, #tpu.memory_space<vmem>>) dst(%dma_wait3A_428 : memref<26x64xf32, #tpu.memory_space<hbm>>)
    %add3A_432 = arith.constant 504 : i32
    %add3A_433 = arith.addi %mul3A_2, %add3A_432 : i32
    %add3A_434 = arith.constant 0 : i32
    %add3A_435 = arith.addi %add3A_433, %add3A_434 : i32
    %dma_wait3A_436 = arith.constant 0 : i32
    %dma_wait3A_437 = arith.constant 0 : i32
    %dma_wait3A_438 = tpu.memref_slice %arg12[%dma_wait3A_436, %dma_wait3A_437] : memref<208x64xf32, #tpu.memory_space<vmem>> -> memref<26x64xf32, #tpu.memory_space<vmem>>
    %dma_wait3A_439 = arith.constant 0 : i32
    %dma_wait3A_440 = arith.constant 0 : i32
    %dma_wait3A_441 = tpu.memref_slice %arg4[%add3A_435, %dma_wait3A_439, %dma_wait3A_440] : memref<16384x26x64xf32, #tpu.memory_space<hbm>> -> memref<1x26x64xf32, #tpu.memory_space<hbm>>
    %dma_wait3A_442 = tpu.memref_squeeze %dma_wait3A_441 : memref<1x26x64xf32, #tpu.memory_space<hbm>> -> memref<26x64xf32, #tpu.memory_space<hbm>>
    %dma_wait3A_443 = arith.constant 0 : i32
    %dma_wait3A_444 = arith.constant 0 : i32
    %dma_wait3A_445 = tpu.memref_slice %arg4[%add3A_435, %dma_wait3A_443, %dma_wait3A_444] : memref<16384x26x64xf32, #tpu.memory_space<hbm>> -> memref<1x26x64xf32, #tpu.memory_space<hbm>>
    %dma_wait3A_446 = tpu.memref_squeeze %dma_wait3A_445 : memref<1x26x64xf32, #tpu.memory_space<hbm>> -> memref<26x64xf32, #tpu.memory_space<hbm>>
    %dma_wait3A_447 = arith.constant 0 : i32
    %dma_wait3A_448 = arith.constant 0 : i32
    %dma_wait3A_449 = tpu.memref_slice %arg12[%dma_wait3A_447, %dma_wait3A_448] : memref<208x64xf32, #tpu.memory_space<vmem>> -> memref<26x64xf32, #tpu.memory_space<vmem>>
    tpu.wait_dma2 semaphore(%arg16 : memref<!tpu.dma_semaphore, #tpu.memory_space<semaphore_mem>>) src(%dma_wait3A_449 : memref<26x64xf32, #tpu.memory_space<vmem>>) dst(%dma_wait3A_446 : memref<26x64xf32, #tpu.memory_space<hbm>>)
    %add3A_450 = arith.constant 1 : i32
    %add3A_451 = arith.addi %add3A_433, %add3A_450 : i32
    %dma_wait3A_452 = arith.constant 26 : i32
    %dma_wait3A_453 = arith.constant 0 : i32
    %dma_wait3A_454 = tpu.memref_slice %arg12[%dma_wait3A_452, %dma_wait3A_453] : memref<208x64xf32, #tpu.memory_space<vmem>> -> memref<26x64xf32, #tpu.memory_space<vmem>>
    %dma_wait3A_455 = arith.constant 0 : i32
    %dma_wait3A_456 = arith.constant 0 : i32
    %dma_wait3A_457 = tpu.memref_slice %arg4[%add3A_451, %dma_wait3A_455, %dma_wait3A_456] : memref<16384x26x64xf32, #tpu.memory_space<hbm>> -> memref<1x26x64xf32, #tpu.memory_space<hbm>>
    %dma_wait3A_458 = tpu.memref_squeeze %dma_wait3A_457 : memref<1x26x64xf32, #tpu.memory_space<hbm>> -> memref<26x64xf32, #tpu.memory_space<hbm>>
    %dma_wait3A_459 = arith.constant 0 : i32
    %dma_wait3A_460 = arith.constant 0 : i32
    %dma_wait3A_461 = tpu.memref_slice %arg4[%add3A_451, %dma_wait3A_459, %dma_wait3A_460] : memref<16384x26x64xf32, #tpu.memory_space<hbm>> -> memref<1x26x64xf32, #tpu.memory_space<hbm>>
    %dma_wait3A_462 = tpu.memref_squeeze %dma_wait3A_461 : memref<1x26x64xf32, #tpu.memory_space<hbm>> -> memref<26x64xf32, #tpu.memory_space<hbm>>
    %dma_wait3A_463 = arith.constant 26 : i32
    %dma_wait3A_464 = arith.constant 0 : i32
    %dma_wait3A_465 = tpu.memref_slice %arg12[%dma_wait3A_463, %dma_wait3A_464] : memref<208x64xf32, #tpu.memory_space<vmem>> -> memref<26x64xf32, #tpu.memory_space<vmem>>
    tpu.wait_dma2 semaphore(%arg16 : memref<!tpu.dma_semaphore, #tpu.memory_space<semaphore_mem>>) src(%dma_wait3A_465 : memref<26x64xf32, #tpu.memory_space<vmem>>) dst(%dma_wait3A_462 : memref<26x64xf32, #tpu.memory_space<hbm>>)
    %add3A_466 = arith.constant 2 : i32
    %add3A_467 = arith.addi %add3A_433, %add3A_466 : i32
    %dma_wait3A_468 = arith.constant 52 : i32
    %dma_wait3A_469 = arith.constant 0 : i32
    %dma_wait3A_470 = tpu.memref_slice %arg12[%dma_wait3A_468, %dma_wait3A_469] : memref<208x64xf32, #tpu.memory_space<vmem>> -> memref<26x64xf32, #tpu.memory_space<vmem>>
    %dma_wait3A_471 = arith.constant 0 : i32
    %dma_wait3A_472 = arith.constant 0 : i32
    %dma_wait3A_473 = tpu.memref_slice %arg4[%add3A_467, %dma_wait3A_471, %dma_wait3A_472] : memref<16384x26x64xf32, #tpu.memory_space<hbm>> -> memref<1x26x64xf32, #tpu.memory_space<hbm>>
    %dma_wait3A_474 = tpu.memref_squeeze %dma_wait3A_473 : memref<1x26x64xf32, #tpu.memory_space<hbm>> -> memref<26x64xf32, #tpu.memory_space<hbm>>
    %dma_wait3A_475 = arith.constant 0 : i32
    %dma_wait3A_476 = arith.constant 0 : i32
    %dma_wait3A_477 = tpu.memref_slice %arg4[%add3A_467, %dma_wait3A_475, %dma_wait3A_476] : memref<16384x26x64xf32, #tpu.memory_space<hbm>> -> memref<1x26x64xf32, #tpu.memory_space<hbm>>
    %dma_wait3A_478 = tpu.memref_squeeze %dma_wait3A_477 : memref<1x26x64xf32, #tpu.memory_space<hbm>> -> memref<26x64xf32, #tpu.memory_space<hbm>>
    %dma_wait3A_479 = arith.constant 52 : i32
    %dma_wait3A_480 = arith.constant 0 : i32
    %dma_wait3A_481 = tpu.memref_slice %arg12[%dma_wait3A_479, %dma_wait3A_480] : memref<208x64xf32, #tpu.memory_space<vmem>> -> memref<26x64xf32, #tpu.memory_space<vmem>>
    tpu.wait_dma2 semaphore(%arg16 : memref<!tpu.dma_semaphore, #tpu.memory_space<semaphore_mem>>) src(%dma_wait3A_481 : memref<26x64xf32, #tpu.memory_space<vmem>>) dst(%dma_wait3A_478 : memref<26x64xf32, #tpu.memory_space<hbm>>)
    %add3A_482 = arith.constant 3 : i32
    %add3A_483 = arith.addi %add3A_433, %add3A_482 : i32
    %dma_wait3A_484 = arith.constant 78 : i32
    %dma_wait3A_485 = arith.constant 0 : i32
    %dma_wait3A_486 = tpu.memref_slice %arg12[%dma_wait3A_484, %dma_wait3A_485] : memref<208x64xf32, #tpu.memory_space<vmem>> -> memref<26x64xf32, #tpu.memory_space<vmem>>
    %dma_wait3A_487 = arith.constant 0 : i32
    %dma_wait3A_488 = arith.constant 0 : i32
    %dma_wait3A_489 = tpu.memref_slice %arg4[%add3A_483, %dma_wait3A_487, %dma_wait3A_488] : memref<16384x26x64xf32, #tpu.memory_space<hbm>> -> memref<1x26x64xf32, #tpu.memory_space<hbm>>
    %dma_wait3A_490 = tpu.memref_squeeze %dma_wait3A_489 : memref<1x26x64xf32, #tpu.memory_space<hbm>> -> memref<26x64xf32, #tpu.memory_space<hbm>>
    %dma_wait3A_491 = arith.constant 0 : i32
    %dma_wait3A_492 = arith.constant 0 : i32
    %dma_wait3A_493 = tpu.memref_slice %arg4[%add3A_483, %dma_wait3A_491, %dma_wait3A_492] : memref<16384x26x64xf32, #tpu.memory_space<hbm>> -> memref<1x26x64xf32, #tpu.memory_space<hbm>>
    %dma_wait3A_494 = tpu.memref_squeeze %dma_wait3A_493 : memref<1x26x64xf32, #tpu.memory_space<hbm>> -> memref<26x64xf32, #tpu.memory_space<hbm>>
    %dma_wait3A_495 = arith.constant 78 : i32
    %dma_wait3A_496 = arith.constant 0 : i32
    %dma_wait3A_497 = tpu.memref_slice %arg12[%dma_wait3A_495, %dma_wait3A_496] : memref<208x64xf32, #tpu.memory_space<vmem>> -> memref<26x64xf32, #tpu.memory_space<vmem>>
    tpu.wait_dma2 semaphore(%arg16 : memref<!tpu.dma_semaphore, #tpu.memory_space<semaphore_mem>>) src(%dma_wait3A_497 : memref<26x64xf32, #tpu.memory_space<vmem>>) dst(%dma_wait3A_494 : memref<26x64xf32, #tpu.memory_space<hbm>>)
    %add3A_498 = arith.constant 4 : i32
    %add3A_499 = arith.addi %add3A_433, %add3A_498 : i32
    %dma_wait3A_500 = arith.constant 104 : i32
    %dma_wait3A_501 = arith.constant 0 : i32
    %dma_wait3A_502 = tpu.memref_slice %arg12[%dma_wait3A_500, %dma_wait3A_501] : memref<208x64xf32, #tpu.memory_space<vmem>> -> memref<26x64xf32, #tpu.memory_space<vmem>>
    %dma_wait3A_503 = arith.constant 0 : i32
    %dma_wait3A_504 = arith.constant 0 : i32
    %dma_wait3A_505 = tpu.memref_slice %arg4[%add3A_499, %dma_wait3A_503, %dma_wait3A_504] : memref<16384x26x64xf32, #tpu.memory_space<hbm>> -> memref<1x26x64xf32, #tpu.memory_space<hbm>>
    %dma_wait3A_506 = tpu.memref_squeeze %dma_wait3A_505 : memref<1x26x64xf32, #tpu.memory_space<hbm>> -> memref<26x64xf32, #tpu.memory_space<hbm>>
    %dma_wait3A_507 = arith.constant 0 : i32
    %dma_wait3A_508 = arith.constant 0 : i32
    %dma_wait3A_509 = tpu.memref_slice %arg4[%add3A_499, %dma_wait3A_507, %dma_wait3A_508] : memref<16384x26x64xf32, #tpu.memory_space<hbm>> -> memref<1x26x64xf32, #tpu.memory_space<hbm>>
    %dma_wait3A_510 = tpu.memref_squeeze %dma_wait3A_509 : memref<1x26x64xf32, #tpu.memory_space<hbm>> -> memref<26x64xf32, #tpu.memory_space<hbm>>
    %dma_wait3A_511 = arith.constant 104 : i32
    %dma_wait3A_512 = arith.constant 0 : i32
    %dma_wait3A_513 = tpu.memref_slice %arg12[%dma_wait3A_511, %dma_wait3A_512] : memref<208x64xf32, #tpu.memory_space<vmem>> -> memref<26x64xf32, #tpu.memory_space<vmem>>
    tpu.wait_dma2 semaphore(%arg16 : memref<!tpu.dma_semaphore, #tpu.memory_space<semaphore_mem>>) src(%dma_wait3A_513 : memref<26x64xf32, #tpu.memory_space<vmem>>) dst(%dma_wait3A_510 : memref<26x64xf32, #tpu.memory_space<hbm>>)
    %add3A_514 = arith.constant 5 : i32
    %add3A_515 = arith.addi %add3A_433, %add3A_514 : i32
    %dma_wait3A_516 = arith.constant 130 : i32
    %dma_wait3A_517 = arith.constant 0 : i32
    %dma_wait3A_518 = tpu.memref_slice %arg12[%dma_wait3A_516, %dma_wait3A_517] : memref<208x64xf32, #tpu.memory_space<vmem>> -> memref<26x64xf32, #tpu.memory_space<vmem>>
    %dma_wait3A_519 = arith.constant 0 : i32
    %dma_wait3A_520 = arith.constant 0 : i32
    %dma_wait3A_521 = tpu.memref_slice %arg4[%add3A_515, %dma_wait3A_519, %dma_wait3A_520] : memref<16384x26x64xf32, #tpu.memory_space<hbm>> -> memref<1x26x64xf32, #tpu.memory_space<hbm>>
    %dma_wait3A_522 = tpu.memref_squeeze %dma_wait3A_521 : memref<1x26x64xf32, #tpu.memory_space<hbm>> -> memref<26x64xf32, #tpu.memory_space<hbm>>
    %dma_wait3A_523 = arith.constant 0 : i32
    %dma_wait3A_524 = arith.constant 0 : i32
    %dma_wait3A_525 = tpu.memref_slice %arg4[%add3A_515, %dma_wait3A_523, %dma_wait3A_524] : memref<16384x26x64xf32, #tpu.memory_space<hbm>> -> memref<1x26x64xf32, #tpu.memory_space<hbm>>
    %dma_wait3A_526 = tpu.memref_squeeze %dma_wait3A_525 : memref<1x26x64xf32, #tpu.memory_space<hbm>> -> memref<26x64xf32, #tpu.memory_space<hbm>>
    %dma_wait3A_527 = arith.constant 130 : i32
    %dma_wait3A_528 = arith.constant 0 : i32
    %dma_wait3A_529 = tpu.memref_slice %arg12[%dma_wait3A_527, %dma_wait3A_528] : memref<208x64xf32, #tpu.memory_space<vmem>> -> memref<26x64xf32, #tpu.memory_space<vmem>>
    tpu.wait_dma2 semaphore(%arg16 : memref<!tpu.dma_semaphore, #tpu.memory_space<semaphore_mem>>) src(%dma_wait3A_529 : memref<26x64xf32, #tpu.memory_space<vmem>>) dst(%dma_wait3A_526 : memref<26x64xf32, #tpu.memory_space<hbm>>)
    %add3A_530 = arith.constant 6 : i32
    %add3A_531 = arith.addi %add3A_433, %add3A_530 : i32
    %dma_wait3A_532 = arith.constant 156 : i32
    %dma_wait3A_533 = arith.constant 0 : i32
    %dma_wait3A_534 = tpu.memref_slice %arg12[%dma_wait3A_532, %dma_wait3A_533] : memref<208x64xf32, #tpu.memory_space<vmem>> -> memref<26x64xf32, #tpu.memory_space<vmem>>
    %dma_wait3A_535 = arith.constant 0 : i32
    %dma_wait3A_536 = arith.constant 0 : i32
    %dma_wait3A_537 = tpu.memref_slice %arg4[%add3A_531, %dma_wait3A_535, %dma_wait3A_536] : memref<16384x26x64xf32, #tpu.memory_space<hbm>> -> memref<1x26x64xf32, #tpu.memory_space<hbm>>
    %dma_wait3A_538 = tpu.memref_squeeze %dma_wait3A_537 : memref<1x26x64xf32, #tpu.memory_space<hbm>> -> memref<26x64xf32, #tpu.memory_space<hbm>>
    %dma_wait3A_539 = arith.constant 0 : i32
    %dma_wait3A_540 = arith.constant 0 : i32
    %dma_wait3A_541 = tpu.memref_slice %arg4[%add3A_531, %dma_wait3A_539, %dma_wait3A_540] : memref<16384x26x64xf32, #tpu.memory_space<hbm>> -> memref<1x26x64xf32, #tpu.memory_space<hbm>>
    %dma_wait3A_542 = tpu.memref_squeeze %dma_wait3A_541 : memref<1x26x64xf32, #tpu.memory_space<hbm>> -> memref<26x64xf32, #tpu.memory_space<hbm>>
    %dma_wait3A_543 = arith.constant 156 : i32
    %dma_wait3A_544 = arith.constant 0 : i32
    %dma_wait3A_545 = tpu.memref_slice %arg12[%dma_wait3A_543, %dma_wait3A_544] : memref<208x64xf32, #tpu.memory_space<vmem>> -> memref<26x64xf32, #tpu.memory_space<vmem>>
    tpu.wait_dma2 semaphore(%arg16 : memref<!tpu.dma_semaphore, #tpu.memory_space<semaphore_mem>>) src(%dma_wait3A_545 : memref<26x64xf32, #tpu.memory_space<vmem>>) dst(%dma_wait3A_542 : memref<26x64xf32, #tpu.memory_space<hbm>>)
    %add3A_546 = arith.constant 7 : i32
    %add3A_547 = arith.addi %add3A_433, %add3A_546 : i32
    %dma_wait3A_548 = arith.constant 182 : i32
    %dma_wait3A_549 = arith.constant 0 : i32
    %dma_wait3A_550 = tpu.memref_slice %arg12[%dma_wait3A_548, %dma_wait3A_549] : memref<208x64xf32, #tpu.memory_space<vmem>> -> memref<26x64xf32, #tpu.memory_space<vmem>>
    %dma_wait3A_551 = arith.constant 0 : i32
    %dma_wait3A_552 = arith.constant 0 : i32
    %dma_wait3A_553 = tpu.memref_slice %arg4[%add3A_547, %dma_wait3A_551, %dma_wait3A_552] : memref<16384x26x64xf32, #tpu.memory_space<hbm>> -> memref<1x26x64xf32, #tpu.memory_space<hbm>>
    %dma_wait3A_554 = tpu.memref_squeeze %dma_wait3A_553 : memref<1x26x64xf32, #tpu.memory_space<hbm>> -> memref<26x64xf32, #tpu.memory_space<hbm>>
    %dma_wait3A_555 = arith.constant 0 : i32
    %dma_wait3A_556 = arith.constant 0 : i32
    %dma_wait3A_557 = tpu.memref_slice %arg4[%add3A_547, %dma_wait3A_555, %dma_wait3A_556] : memref<16384x26x64xf32, #tpu.memory_space<hbm>> -> memref<1x26x64xf32, #tpu.memory_space<hbm>>
    %dma_wait3A_558 = tpu.memref_squeeze %dma_wait3A_557 : memref<1x26x64xf32, #tpu.memory_space<hbm>> -> memref<26x64xf32, #tpu.memory_space<hbm>>
    %dma_wait3A_559 = arith.constant 182 : i32
    %dma_wait3A_560 = arith.constant 0 : i32
    %dma_wait3A_561 = tpu.memref_slice %arg12[%dma_wait3A_559, %dma_wait3A_560] : memref<208x64xf32, #tpu.memory_space<vmem>> -> memref<26x64xf32, #tpu.memory_space<vmem>>
    tpu.wait_dma2 semaphore(%arg16 : memref<!tpu.dma_semaphore, #tpu.memory_space<semaphore_mem>>) src(%dma_wait3A_561 : memref<26x64xf32, #tpu.memory_space<vmem>>) dst(%dma_wait3A_558 : memref<26x64xf32, #tpu.memory_space<hbm>>)
    return
  }
}

</mosaic_0001>

<sc_bundles>
// kernel: kernel.3.cloned.1.call-start
scs
__scs_entry_jumppad:
0x0: {  	(pc) =	sbr.rel $0x88, $3  }
0x1: {  	(tag) =	ssettag $0x0;
	lr =	simm.s32 $0x1  }
0x2: {  	[smem:$0x3F9F] =	sst lr;
	_ =	strace $0xD0000000  }
0x3: {  	_ = 	snop  }
0x4: {  	_ = 	snop  }
0x5: {  	_ = 	snop  }
0x6: {  	_ = 	snop  }
0x7: {  	_ = 	snop  }
__scs_overlays_trampoline_lowered:
0x8: {  	[smem:$0x3FAE] =	sst s0  }
0x9: {  	[smem:$0x3FAF] =	sst s1  }
0xa: {  	[smem:$0x3FB0] =	sst s2  }
0xb: {  	[smem:$0x3FB1] =	sst s3  }
0xc: {  	[smem:$0x3FB2] =	sst s4  }
0xd: {  	[smem:$0x3FB3] =	sst s5  }
0xe: {  	[smem:$0x3FB4] =	sst s6  }
0xf: {  	[smem:$0x3FB5] =	sst s7  }
0x10: {  	[smem:$0x3FB6] =	sst s8  }
0x11: {  	[smem:$0x3FB7] =	sst s9;
	s0 =	simm.s32 @!p0 $0x0  }
0x12: {  	s1 =	sld [smem:$0x3F9D];
	s0 =	simm.s32 @p0 $0x1  }
0x13: {  	[smem:$0x3FB8] =	sst s0;
	s0 =	simm.s32 @!p1 $0x0  }
0x14: {  	s2 =	sld [smem:$0x3F9C];
	s0 =	simm.s32 @p1 $0x1  }
0x15: {  	[smem:$0x3FB9] =	sst s0;
	s0 =	simm.s32 @!p2 $0x0  }
0x16: {  	s3 =	sld [smem:$0x3FDB];
	s0 =	simm.s32 @p2 $0x1  }
0x17: {  	s4 =	simm.s32 $0x1BF5;
	[smem:$0x3FBB] =	sst s0  }
0x18: {  	s0 =	sld [smem:$0x3F9E];
	_ =	swait.ge [sflag:s4], $0x0  }
0x19: {  	s7 =	sld [smem:$0x3F9F]  }
0x1a: {  	s8 =	sadd.s32 $0xFFFFE003, lr  }
0x1b: {  	s9 =	sadd.s32 $0xFFFFFEF7, lr;
	s5 =	simm.s32 $0xFFFFFFFF;
	p2 =	slt.u32 s8, $0xFFFFF086  }
0x1c: {  	p1 =	slt.u32 s9, $0xF7A;
	s5 =	simm.s32 @!p2 $0x0  }
0x1d: {  	s5 =	simm.s32 @p1 $0x1;
	p0 =	seq.s32 s7, s2  }
0x1e: {  	s7 =	smul.u32 @!p0 $0xF7A, s2;
	p2 =	seq.s32 @!p0 s5, $0x0  }
0x1f: {  	s9 =	smul.u32 $0xF7A, s1;
	s8 =	simm.s32 @!p0 $0x1BF5;
	p2 =	por !p2, p0  }
0x20: {  	[sflag:s8] =	ssyncset.s32 @!p0 $0xFFFFF086;
	s6 =	sadd.s32 @!p0 s3, s7;
	s7 =	simm.s32 @!p0 $0x108  }
0x21: {  	s3 =	sadd.s32 s3, s9;
	s6 =	sadd.s32 @!p0 $0x88, s6;
	s7 =	simm.s32 @p2 $0x1082  }
0x22: {  	[simem:s7], [sflag:s8] =	dma.local @!p0 [hbm:s6], $0xF7A  }
0x23: {  	s9 =	sor.u32 $0xD0000000, s2;
	s6 =	simm.s32 $0x108;
	_ =	swait.ge @!p0 [sflag:s8], $0x0  }
0x24: {  	s3 =	sadd.s32 $0x88, s3;
	s6 =	simm.s32 @!p1 $0x1082;
	[sflag:s4] =	ssyncset.s32 $0xFFFFF086  }
0x25: {  	[simem:s6], [sflag:s4] =	dma.local [hbm:s3], $0xF7A  }
0x26: {  	[smem:$0x3F9F] =	sst s1;
	(tag) =	ssettag s2;
	_ =	strace s9  }
0x27: {  	s1 =	sld [smem:$0x3FAF]  }
0x28: {  	s2 =	sld [smem:$0x3FB0]  }
0x29: {  	s4 =	sld [smem:$0x3FB2]  }
0x2a: {  	p0 =	seq.s32 s5, $0x0;
	s5 =	sld [smem:$0x3FB3]  }
0x2b: {  	s6 =	sld [smem:$0x3FB4]  }
0x2c: {  	s7 =	sld [smem:$0x3FB5]  }
0x2d: {  	s3 =	simm.s32 $0x108;
	s8 =	sld [smem:$0x3FB6]  }
0x2e: {  	s3 =	simm.s32 @!p0 $0x1082;
	s9 =	sld [smem:$0x3FB7]  }
0x2f: {  	lr =	sadd.s32 s0, s3;
	s0 =	sld [smem:$0x3FAE]  }
0x30: {  	s3 =	sld [smem:$0x3FB1]  }
0x31: {  	[smem:$0x3FBA] =	sst s10  }
0x32: {  	s10 =	sld [smem:$0x3FB8];
	_ =	sdelay $0x3  }
0x33: {  	p0 =	seq.s32 s10, $0x1;
	s10 =	sld [smem:$0x3FBA];
	_ =	sdelay $0x3  }
0x34: {  	[smem:$0x3FBA] =	sst s10  }
0x35: {  	s10 =	sld [smem:$0x3FB9];
	_ =	sdelay $0x3  }
0x36: {  	p1 =	seq.s32 s10, $0x1;
	s10 =	sld [smem:$0x3FBA];
	_ =	sdelay $0x3  }
0x37: {  	[smem:$0x3FBA] =	sst s10  }
0x38: {  	s10 =	sld [smem:$0x3FBB]  }
0x39: {  	_ = 	snop;
	(pc) =	sbr.ind lr, $3  }
0x3a: {  	_ = 	snop  }
0x3b: {  	_ = 	snop  }
0x3c: {  	p2 =	seq.s32 s10, $0x1;
	s10 =	sld [smem:$0x3FBA]  }
0x3d: {  	_ =	shalt  }
0x3e: {  	_ =	shalt  }
0x3f: {  	_ =	shalt  }
0x40: {  	_ =	shalt  }
0x41: {  	_ =	shalt  }
0x42: {  	_ =	shalt  }
0x43: {  	_ =	shalt  }
0x44: {  	_ =	shalt  }
0x45: {  	_ =	shalt  }
0x46: {  	_ =	shalt  }
0x47: {  	_ =	shalt  }
0x48: {  	_ =	shalt  }
0x49: {  	_ =	shalt  }
0x4a: {  	_ =	shalt  }
0x4b: {  	_ =	shalt  }
0x4c: {  	_ =	shalt  }
0x4d: {  	_ =	shalt  }
0x4e: {  	_ =	shalt  }
0x4f: {  	_ =	shalt  }
0x50: {  	_ =	shalt  }
0x51: {  	_ =	shalt  }
0x52: {  	_ =	shalt  }
0x53: {  	_ =	shalt  }
0x54: {  	_ =	shalt  }
0x55: {  	_ =	shalt  }
0x56: {  	_ =	shalt  }
0x57: {  	_ =	shalt  }
0x58: {  	_ =	shalt  }
0x59: {  	_ =	shalt  }
0x5a: {  	_ =	shalt  }
0x5b: {  	_ =	shalt  }
0x5c: {  	_ =	shalt  }
0x5d: {  	_ =	shalt  }
0x5e: {  	_ =	shalt  }
0x5f: {  	_ =	shalt  }
0x60: {  	_ =	shalt  }
0x61: {  	_ =	shalt  }
0x62: {  	_ =	shalt  }
0x63: {  	_ =	shalt  }
0x64: {  	_ =	shalt  }
0x65: {  	_ =	shalt  }
0x66: {  	_ =	shalt  }
0x67: {  	_ =	shalt  }
0x68: {  	_ =	shalt  }
0x69: {  	_ =	shalt  }
0x6a: {  	_ =	shalt  }
0x6b: {  	_ =	shalt  }
0x6c: {  	_ =	shalt  }
0x6d: {  	_ =	shalt  }
0x6e: {  	_ =	shalt  }
0x6f: {  	_ =	shalt  }
0x70: {  	_ =	shalt  }
0x71: {  	_ =	shalt  }
0x72: {  	_ =	shalt  }
0x73: {  	_ =	shalt  }
0x74: {  	_ =	shalt  }
0x75: {  	_ =	shalt  }
0x76: {  	_ =	shalt  }
0x77: {  	_ =	shalt  }
0x78: {  	_ =	shalt  }
0x79: {  	_ =	shalt  }
0x7a: {  	_ =	shalt  }
0x7b: {  	_ =	shalt  }
0x7c: {  	_ =	shalt  }
0x7d: {  	_ =	shalt  }
0x7e: {  	_ =	shalt  }
0x7f: {  	_ =	shalt  }
0x80: {  	_ =	shalt  }
0x81: {  	_ =	shalt  }
0x82: {  	_ =	shalt  }
0x83: {  	_ =	shalt  }
0x84: {  	_ =	shalt  }
0x85: {  	_ =	shalt  }
0x86: {  	_ =	shalt  }
0x87: {  	_ =	shalt  }
.Lfunc_end0:
.L_simem_size_0:
called_computation.2_lowered:
.L_overlay_start_0:
0x88: {  	s2 =	sld [smem:$0x3FD9]  }
0x89: {  	s3 =	sld [smem:$0x3FFE];
	_ =	sdelay $0x1  }
0x8a: {  	s1 =	srdreg.scid  }
0x8b: {  	s0 =	sand.u32 $0x1, s1  }
0x8c: {  	s17 =	sshll.u32 s0, $0xA;
	s2 =	sadd.s32 s3, s2  }
0x8d: {  	s2 =	sadd.s32 s2, s17  }
0x8e: {  	[smem:$0x3FC6] =	sst s2  }
0x8f: {  	_ = 	snop  }
0x90: {  	s2 =	sld [smem:$0x3FD0];
	(tm) =	ssettm $0x1  }
0x91: {  	s18 =	sld [smem:$0x3FFB];
	_ =	sdelay $0x3  }
0x92: {  	_ =	strace s18  }
0x93: {  	s3 =	sld [smem:$0x3FFC];
	_ =	sdelay $0x3  }
0x94: {  	_ =	strace s3  }
0x95: {  	s3 =	sld [smem:$0x3FFD];
	_ =	sdelay $0x3  }
0x96: {  	_ =	strace s3  }
0x97: {  	_ =	strace $0x8FFFFFFF  }
0x98: {  	s19 =	sld [smem:$0x3FDB];
	_ =	sdelay $0x1  }
0x99: {  	s4 =	simm.s32 $_scs_section_size  }
0x9a: {  	s5 =	simm.s32 $_size__tile_overlayer_lowered;
	s6 =	simm.s32 $_tile_overlayer_lowered  }
0x9b: {  	s22 =	simm.s32 $0x1BFF;
	s21 =	sshll.u32 s6, $0x1;
	s3 =	sadd.s32 s4, s19  }
0x9c: {  	s7 =	simm.s32 $0x0;
	s20 =	sshll.u32 s5, $0x1;
	s5 =	sadd.s32 s21, s3  }
0x9d: {  	[timem:s7], [sflag:s22] =	dma.local [hbm:s5], s20  }
0x9e: {  	_ =	swait.ge [sflag:s22], s20  }
0x9f: {  	s4 =	ssub.s32 $0x0, s20;
	[sflag:s22] =	ssyncset.done $0x0  }
0xa0: {  	[sflag:s22] =	ssyncadd.s32 s4;
	_ =	sdelay $0x1  }
0xa1: {  	s23 =	simm.s32 $0x1B8B  }
0xa2: {  	_ =	swait.ge [sflag:s23], $0x1  }
0xa3: {  	[sflag:s23] =	ssyncset.done $0x0  }
0xa4: {  	s25 =	simm.s32 $0x1B8E;
	s24 =	sld [smem:$0x3FFE];
	[sflag:s23] =	ssyncadd.s32 $0xFFFFFFFF  }
0xa5: {  	s26 =	simm.s32 $execute0_lowered;
	[smem:$0x3FD2] =	sst s25  }
0xa6: {  	s5 =	sshll.u32 s26, $0x1;
	_ =	strace $0x80000049;
	[dreg:$0x1] =	wrdreg $0xFFFFFFFF  }
0xa7: {  	s28 =	simm.s32 $_size_execute0_lowered;
	s3 =	sadd.s32 s3, s5;
	[dreg:$0x0] =	wrdreg $0x0  }
0xa8: {  	s5 =	sshll.u32 s28, $0x1;
	[dreg:$0x2] =	wrdreg s3  }
0xa9: {  	[dreg:$0x3] =	wrdreg s5  }
0xaa: {  	[dreg:$0x4] =	wrdreg $0xC0  }
0xab: {  	_ =	task [dreg:s7], $0x5FFFF  }
0xac: {  	[dreg:$0x1] =	wrdreg $0xFFFFFFFF  }
0xad: {  	[dreg:$0x0] =	wrdreg $0x60  }
0xae: {  	[dreg:$0x2] =	wrdreg s2  }
0xaf: {  	[dreg:$0x3] =	wrdreg s24  }
0xb0: {  	[dreg:$0x4] =	wrdreg $0x9  }
0xb1: {  	_ =	task.clear_ibuf [dreg:s7], $0x5FFFF;
	_ =	strace $0x90000049  }
0xb2: {  	s29 =	simm.s32 $0x9;
	_ =	strace $0x8000004B  }
0xb3: {  	_ =	swait.ge [sflag:s29], $0x1  }
0xb4: {  	[sflag:s29] =	ssyncadd.s32 $0xFFFFFFFF  }
0xb5: {  	_ =	strace $0x9000004B  }
0xb6: {  	_ =	sfence  }
0xb7: {  	s30 =	sld [smem:$0x0];
	_ =	sdelay $0x2  }
0xb8: {  	s31 =	sshll.u32 s1, $0xD;
	s1 =	sshrl.u32 s1, $0x2  }
0xb9: {  	s3 =	sand.u32 $0x4000, s31;
	s1 =	sadd.s32 s1, s30  }
0xba: {  	s0 =	sor.u32 s3, s0;
	s1 =	sshll.u32 s1, $0x11  }
0xbb: {  	s0 =	sor.u32 s1, s0  }
0xbc: {  	s0 =	sadd.s32 $0x8F2B, s0  }
0xbd: {  	[sflag:s0] =	ssyncadd.remote.s32 $0x1  }
0xbe: {  	_ =	sfence.sel $0xFFFF  }
0xbf: {  	[dreg:$0x0] =	wrdreg $0xFFFFFFFF;
	(pc) =	sbr.abs _section_cstart, $3  }
0xc0: {  	[dreg:$0x1] =	wrdreg $0xFFFFFFFF  }
0xc1: {  	_ =	task.clear_ibuf [dreg:s7], $0x2FFFF;
	_ =	strace $0x9FFFFFFF  }
0xc2: {  	(tm) =	ssettm $0x7FFFFFFF  }
0xc3: {  	_ =	shalt  }
tec
execute0_lowered:
.L_overlay_start_1:
0x0: {  	(tag) =	ssettag $0x1  }
0x1: {  	s1 =	rddreg [dreg:$0x0]  }
0x2: {  	s0 =	rddreg [dreg:$0x1];
	s2 =	srdreg.scid;
	s3 =	simm.s32 $0x0  }
0x3: {  	s4 =	stileid.u32;
	s19 =	simm.s32 $0x5;
	s20 =	simm.s32 $0xD0  }
0x4: {  	s21 =	simm.s32 $0x4;
	s15 =	simm.s32 $0x14F00;
	s23 =	simm.s32 $0x15C00  }
0x5: {  	s24 =	simm.s32 $0x16900;
	s28 =	simm.s32 $0x18300;
	s29 =	simm.s32 $0x19000  }
0x6: {  	s30 =	simm.s32 $0x19D00;
	s2 =	sand.u32 $0x1, s2;
	[smem:$0x7FF] =	sst s3  }
0x7: {  	s4 =	sshll.u32 s4, $0xA;
	s9 =	sadd.s32 $0x1200, s0;
	s10 =	sadd.s32 $0x1400, s0  }
0x8: {  	s11 =	sadd.s32 $0x1600, s0;
	s12 =	sadd.s32 $0x1800, s0;
	s13 =	sadd.s32 $0x1A00, s0  }
0x9: {  	s14 =	sadd.s32 $0x1C00, s0;
	s5 =	sshll.u32 s2, $0x9;
	_ =	strace $0x8000004A  }
0xa: {  	s2 =	ssub.s32 $0x2, s2;
	s6 =	sor.u32 s5, s4;
	s4 =	sadd.s32 $0xF43200, s0  }
0xb: {  	s5 =	sadd.s32 $0xE00, s0;
	s8 =	sshrl.u32 s2, $0x1;
	s7 =	sshll.u32 s6, $0x4  }
0xc: {  	s2 =	ssub.s32 s2, s8;
	s8 =	sadd.s32 $0x1000, s0;
	s25 =	sshrl.u32 s6, $0x3  }
.Ltmp0:
0xd: {  	s18 =	sshll.u32 s6, $0x9;
	s7 =	sadd.s32 s1, s7;
	(pc) =	sbr.rel .LBB2_1-.Ltmp0, $4  }
0xe: {  	s6 =	simm.s32 $0x2;
	s26 =	sor.u32 $0x2, s25;
	[dreg:$0x3] =	wrdreg s7  }
0xf: {  	s16 =	sor.u32 $0x3, s25;
	s31 =	smax.u32 s2, $0x1;
	[dreg:$0x5] =	wrdreg s26  }
0x10: {  	s25 =	simm.s32 $0x17600;
	s7 =	sadd.s32 $0x80, s7;
	[dreg:$0x6] =	wrdreg s31  }
0x11: {  	s2 =	simm.s32 $0x0;
	s26 =	simm.s32 $0x1;
	[dreg:$0x4] =	wrdreg s7  }
.LBB2_12:
0x12: {  	s0 =	simm.s32 $0x3  }
0x13: {  	_ =	swait.ge [sflag:s0], $0xD00  }
0x14: {  	[sflag:s0] =	ssyncset.done $0x0  }
0x15: {  	[sflag:s0] =	ssyncadd.s32 $0xFFFFF300  }
0x16: {  	_ =	swait.ge [sflag:s0], $0xD00  }
0x17: {  	[sflag:s0] =	ssyncset.done $0x0  }
0x18: {  	[sflag:s0] =	ssyncadd.s32 $0xFFFFF300  }
0x19: {  	_ =	swait.ge [sflag:s0], $0xD00  }
0x1a: {  	[sflag:s0] =	ssyncset.done $0x0  }
0x1b: {  	[sflag:s0] =	ssyncadd.s32 $0xFFFFF300  }
0x1c: {  	_ =	swait.ge [sflag:s0], $0xD00  }
0x1d: {  	[sflag:s0] =	ssyncset.done $0x0  }
0x1e: {  	[sflag:s0] =	ssyncadd.s32 $0xFFFFF300  }
0x1f: {  	_ =	swait.ge [sflag:s0], $0xD00  }
0x20: {  	[sflag:s0] =	ssyncset.done $0x0  }
0x21: {  	[sflag:s0] =	ssyncadd.s32 $0xFFFFF300  }
0x22: {  	_ =	swait.ge [sflag:s0], $0xD00  }
0x23: {  	[sflag:s0] =	ssyncset.done $0x0  }
0x24: {  	[sflag:s0] =	ssyncadd.s32 $0xFFFFF300  }
0x25: {  	_ =	swait.ge [sflag:s0], $0xD00  }
0x26: {  	[sflag:s0] =	ssyncset.done $0x0  }
0x27: {  	[sflag:s0] =	ssyncadd.s32 $0xFFFFF300  }
0x28: {  	_ =	swait.ge [sflag:s0], $0xD00  }
0x29: {  	[sflag:s0] =	ssyncset.done $0x0  }
0x2a: {  	[sflag:s0] =	ssyncadd.s32 $0xFFFFF300  }
0x2b: {  	_ =	swait.ge [sflag:s21], $0xD00  }
0x2c: {  	[sflag:s21] =	ssyncset.done $0x0  }
0x2d: {  	[sflag:s21] =	ssyncadd.s32 $0xFFFFF300  }
0x2e: {  	_ =	swait.ge [sflag:s21], $0xD00  }
0x2f: {  	[sflag:s21] =	ssyncset.done $0x0  }
0x30: {  	[sflag:s21] =	ssyncadd.s32 $0xFFFFF300  }
0x31: {  	_ =	swait.ge [sflag:s21], $0xD00  }
0x32: {  	[sflag:s21] =	ssyncset.done $0x0  }
0x33: {  	[sflag:s21] =	ssyncadd.s32 $0xFFFFF300  }
0x34: {  	_ =	swait.ge [sflag:s21], $0xD00  }
0x35: {  	[sflag:s21] =	ssyncset.done $0x0  }
0x36: {  	[sflag:s21] =	ssyncadd.s32 $0xFFFFF300  }
0x37: {  	_ =	swait.ge [sflag:s21], $0xD00  }
0x38: {  	[sflag:s21] =	ssyncset.done $0x0  }
0x39: {  	[sflag:s21] =	ssyncadd.s32 $0xFFFFF300  }
0x3a: {  	_ =	swait.ge [sflag:s21], $0xD00  }
0x3b: {  	[sflag:s21] =	ssyncset.done $0x0  }
0x3c: {  	[sflag:s21] =	ssyncadd.s32 $0xFFFFF300  }
0x3d: {  	_ =	swait.ge [sflag:s21], $0xD00  }
0x3e: {  	[sflag:s21] =	ssyncset.done $0x0  }
0x3f: {  	[sflag:s21] =	ssyncadd.s32 $0xFFFFF300  }
0x40: {  	_ =	swait.ge [sflag:s21], $0xD00  }
0x41: {  	s2 =	rddreg [dreg:$0x7]  }
0x42: {  	s31 =	rddreg [dreg:$0x6];
	s2 =	sadd.s32 $0x1, s2  }
0x43: {  	p0 =	sne.s32 s2, s31  }
.Ltmp1:
0x44: {  	_ = 	snop;
	(pc) =	sbr.rel @!p0 .LBB2_13-.Ltmp1, $3  }
0x45: {  	_ =	sdelay $0x1  }
0x46: {  	[sflag:s21] =	ssyncset.done $0x0  }
0x47: {  	[sflag:s21] =	ssyncadd.s32 $0xFFFFF300  }
.LBB2_1:
0x48: {  	[dreg:$0x7] =	wrdreg s2  }
0x49: {  	s0 =	rddreg [dreg:$0x3]  }
0x4a: {  	[tilespmem:s3], [sflag:$0x5] =	stream.linear.gather [hbm4b:s0+s3], $0x400, $0x38;
	[tilespmem:$0x1AA00] =	vst v63  }
0x4b: {  	_ =	swait.ge [sflag:s19], $0x400  }
0x4c: {  	[sflag:s19] =	ssyncset.done $0x0  }
0x4d: {  	[sflag:s19] =	ssyncadd.s32 $0xFFFFFC00  }
0x4e: {  	v0 =	vld [tilespmem:$0x0]  }
0x4f: {  	v2 =	vld [tilespmem:$0x80]  }
0x50: {  	v4 =	vld [tilespmem:$0x100]  }
0x51: {  	v38 =	vld [tilespmem:$0x180]  }
0x52: {  	v40 =	vld [tilespmem:$0x200]  }
0x53: {  	v42 =	vld [tilespmem:$0x280];
	[tilespmem:$0x800] =	vst v0  }
0x54: {  	v44 =	vld [tilespmem:$0x300];
	[tilespmem:$0x81A] =	vst v2  }
0x55: {  	v46 =	vld [tilespmem:$0x380];
	[tilespmem:$0x834] =	vst v4  }
0x56: {  	v1 =	vld [tilespmem:$0xA];
	[tilespmem:$0x84E] =	vst v38  }
0x57: {  	v3 =	vld [tilespmem:$0x8A];
	[tilespmem:$0x868] =	vst v40  }
0x58: {  	v37 =	vld [tilespmem:$0x10A];
	[tilespmem:$0x882] =	vst v42  }
0x59: {  	v39 =	vld [tilespmem:$0x18A];
	[tilespmem:$0x89C] =	vst v44  }
0x5a: {  	v41 =	vld [tilespmem:$0x20A];
	[tilespmem:$0x8B6] =	vst v46  }
0x5b: {  	v43 =	vld [tilespmem:$0x28A];
	[tilespmem:$0x80A] =	vst v1  }
0x5c: {  	v45 =	vld [tilespmem:$0x30A];
	[tilespmem:$0x824] =	vst v3  }
0x5d: {  	v47 =	vld [tilespmem:$0x38A];
	[tilespmem:$0x83E] =	vst v37  }
0x5e: {  	[tilespmem:$0x858] =	vst v39  }
0x5f: {  	[tilespmem:$0x872] =	vst v41  }
0x60: {  	[tilespmem:$0x88C] =	vst v43  }
0x61: {  	[tilespmem:$0x8A6] =	vst v45  }
0x62: {  	s17 =	simm.s32 $0x800;
	s22 =	simm.s32 $0xA00;
	[tilespmem:$0x8C0] =	vst v47  }
0x63: {  	[tilespmem:s22], [sflag:$0x1] =	stream.indirect.gather [hbm4b:s4+s20], $0x80, s17, s20, $0xb8;
	[tilespmem:$0x1AA00] =	vst v63  }
0x64: {  	s7 =	simm.s32 $0x400;
	s2 =	rddreg [dreg:$0x4]  }
0x65: {  	[tilespmem:s7], [sflag:$0x5] =	stream.linear.gather [hbm4b:s2+s3], $0x400, $0x38;
	[tilespmem:$0x1AA00] =	vst v63  }
0x66: {  	_ =	swait.ge [sflag:s19], $0x400  }
0x67: {  	[sflag:s19] =	ssyncset.done $0x0  }
0x68: {  	[sflag:s19] =	ssyncadd.s32 $0xFFFFFC00  }
0x69: {  	v48 =	vld [tilespmem:$0x400]  }
0x6a: {  	v50 =	vld [tilespmem:$0x480]  }
0x6b: {  	v52 =	vld [tilespmem:$0x500]  }
0x6c: {  	v54 =	vld [tilespmem:$0x580]  }
0x6d: {  	v56 =	vld [tilespmem:$0x600]  }
0x6e: {  	v58 =	vld [tilespmem:$0x680];
	[tilespmem:$0x900] =	vst v48  }
0x6f: {  	v60 =	vld [tilespmem:$0x700];
	[tilespmem:$0x91A] =	vst v50  }
0x70: {  	v62 =	vld [tilespmem:$0x780];
	[tilespmem:$0x934] =	vst v52  }
0x71: {  	v49 =	vld [tilespmem:$0x40A];
	[tilespmem:$0x94E] =	vst v54  }
0x72: {  	v51 =	vld [tilespmem:$0x48A];
	[tilespmem:$0x968] =	vst v56  }
0x73: {  	v53 =	vld [tilespmem:$0x50A];
	[tilespmem:$0x982] =	vst v58  }
0x74: {  	v55 =	vld [tilespmem:$0x58A];
	[tilespmem:$0x99C] =	vst v60  }
0x75: {  	v57 =	vld [tilespmem:$0x60A];
	[tilespmem:$0x9B6] =	vst v62  }
0x76: {  	v59 =	vld [tilespmem:$0x68A];
	[tilespmem:$0x90A] =	vst v49  }
0x77: {  	v61 =	vld [tilespmem:$0x70A];
	[tilespmem:$0x924] =	vst v51  }
0x78: {  	v63 =	vld [tilespmem:$0x78A];
	[tilespmem:$0x93E] =	vst v53  }
0x79: {  	[tilespmem:$0x958] =	vst v55  }
0x7a: {  	[tilespmem:$0x972] =	vst v57  }
0x7b: {  	[tilespmem:$0x98C] =	vst v59  }
0x7c: {  	[tilespmem:$0x9A6] =	vst v61  }
0x7d: {  	s31 =	simm.s32 $0x0;
	s17 =	simm.s32 $0x900;
	s22 =	simm.s32 $0x7200;
	[tilespmem:$0x9C0] =	vst v63  }
0x7e: {  	[tilespmem:s22], [sflag:$0x2] =	stream.indirect.gather [hbm4b:s4+s20], $0x80, s17, s20, $0xb8;
	[tilespmem:$0x1AA00] =	vst v63  }
.LBB2_2:
0x7f: {  	_ =	swait.ge [sflag:s26], $0x6800  }
0x80: {  	p0 =	seq.s32 s31, $0x0;
	[sflag:s26] =	ssyncset.done $0x0  }
0x81: {  	s0 =	simm.s32 @!p0 $0x3;
	[sflag:s26] =	ssyncadd.s32 $0xFFFF9800  }
0x82: {  	_ =	swait.ge @!p0 [sflag:s0], $0xD00  }
0x83: {  	[sflag:s0] =	ssyncset.done @!p0 $0x0  }
0x84: {  	[sflag:s0] =	ssyncadd.s32 @!p0 $0xFFFFF300  }
0x85: {  	_ =	swait.ge @!p0 [sflag:s0], $0xD00  }
0x86: {  	[sflag:s0] =	ssyncset.done @!p0 $0x0  }
0x87: {  	[sflag:s0] =	ssyncadd.s32 @!p0 $0xFFFFF300  }
0x88: {  	_ =	swait.ge @!p0 [sflag:s0], $0xD00  }
0x89: {  	[sflag:s0] =	ssyncset.done @!p0 $0x0  }
0x8a: {  	[sflag:s0] =	ssyncadd.s32 @!p0 $0xFFFFF300  }
0x8b: {  	_ =	swait.ge @!p0 [sflag:s0], $0xD00  }
0x8c: {  	[sflag:s0] =	ssyncset.done @!p0 $0x0  }
0x8d: {  	[sflag:s0] =	ssyncadd.s32 @!p0 $0xFFFFF300  }
0x8e: {  	_ =	swait.ge @!p0 [sflag:s0], $0xD00  }
0x8f: {  	[sflag:s0] =	ssyncset.done @!p0 $0x0  }
0x90: {  	[sflag:s0] =	ssyncadd.s32 @!p0 $0xFFFFF300  }
0x91: {  	_ =	swait.ge @!p0 [sflag:s0], $0xD00  }
0x92: {  	[sflag:s0] =	ssyncset.done @!p0 $0x0  }
0x93: {  	[sflag:s0] =	ssyncadd.s32 @!p0 $0xFFFFF300  }
0x94: {  	_ =	swait.ge @!p0 [sflag:s0], $0xD00  }
0x95: {  	[sflag:s0] =	ssyncset.done @!p0 $0x0  }
0x96: {  	[sflag:s0] =	ssyncadd.s32 @!p0 $0xFFFFF300  }
0x97: {  	s2 =	simm.s32 $0x0;
	_ =	swait.ge @!p0 [sflag:s0], $0xD00  }
0x98: {  	s2 =	smul.u32 $0xD00, s2;
	[sflag:s0] =	ssyncset.done @!p0 $0x0  }
0x99: {  	[sflag:s0] =	ssyncadd.s32 @!p0 $0xFFFFF300  }
0x9a: {  	v0 =	vld [tilespmem:s2+$0x16B0]  }
0x9b: {  	v1 =	vld [tilespmem:s2+$0xA00]  }
0x9c: {  	v2 =	vld [tilespmem:s2+$0xA10]  }
0x9d: {  	v3 =	vld [tilespmem:s2+$0xA20]  }
0x9e: {  	v4 =	vld [tilespmem:s2+$0xA30]  }
0x9f: {  	v5 =	vld [tilespmem:s2+$0xA80];
	[tilespmem:s2+$0xE6B0] =	vst v0  }
0xa0: {  	v6 =	vld [tilespmem:s2+$0x15B0];
	[tilespmem:s2+$0xDA00] =	vst v1  }
0xa1: {  	v7 =	vld [tilespmem:s2+$0x1600];
	[tilespmem:s2+$0xDA10] =	vst v2  }
0xa2: {  	v0 =	vld [tilespmem:s2+$0xA90];
	[tilespmem:s2+$0xDA20] =	vst v3  }
0xa3: {  	v1 =	vld [tilespmem:s2+$0xAA0];
	[tilespmem:s2+$0xDA30] =	vst v4  }
0xa4: {  	v2 =	vld [tilespmem:s2+$0xAB0];
	[tilespmem:s2+$0xDA80] =	vst v5  }
0xa5: {  	v3 =	vld [tilespmem:s2+$0xB00];
	[tilespmem:s2+$0xE5B0] =	vst v6  }
0xa6: {  	v4 =	vld [tilespmem:s2+$0xB10];
	[tilespmem:s2+$0xE600] =	vst v7  }
0xa7: {  	v5 =	vld [tilespmem:s2+$0x1590];
	[tilespmem:s2+$0xDA90] =	vst v0  }
0xa8: {  	v0 =	vld [tilespmem:s2+$0xB20];
	[tilespmem:s2+$0xDAA0] =	vst v1  }
0xa9: {  	v1 =	vld [tilespmem:s2+$0xB30];
	[tilespmem:s2+$0xDAB0] =	vst v2  }
0xaa: {  	v2 =	vld [tilespmem:s2+$0xB80];
	[tilespmem:s2+$0xDB00] =	vst v3  }
0xab: {  	[tilespmem:s2+$0xDB10] =	vst v4;
	v4 =	vld [tilespmem:s2+$0xBA0]  }
0xac: {  	v3 =	vld [tilespmem:s2+$0xB90];
	[tilespmem:s2+$0xE590] =	vst v5  }
0xad: {  	[tilespmem:s2+$0xDB20] =	vst v0;
	v0 =	vld [tilespmem:s2+$0xBB0]  }
0xae: {  	[tilespmem:s2+$0xDB30] =	vst v1;
	v1 =	vld [tilespmem:s2+$0xC00]  }
0xaf: {  	[tilespmem:s2+$0xDB80] =	vst v2;
	v2 =	vld [tilespmem:s2+$0xC10]  }
0xb0: {  	[tilespmem:s2+$0xDBA0] =	vst v4;
	v4 =	vld [tilespmem:s2+$0xC30]  }
0xb1: {  	[tilespmem:s2+$0xDB90] =	vst v3;
	v3 =	vld [tilespmem:s2+$0xC20]  }
0xb2: {  	[tilespmem:s2+$0xDBB0] =	vst v0;
	v0 =	vld [tilespmem:s2+$0xC80]  }
0xb3: {  	[tilespmem:s2+$0xDC00] =	vst v1;
	v1 =	vld [tilespmem:s2+$0xC90]  }
0xb4: {  	[tilespmem:s2+$0xDC10] =	vst v2;
	v2 =	vld [tilespmem:s2+$0xCA0]  }
0xb5: {  	[tilespmem:s2+$0xDC30] =	vst v4;
	v4 =	vld [tilespmem:s2+$0xD00]  }
0xb6: {  	[tilespmem:s2+$0xDC20] =	vst v3;
	v3 =	vld [tilespmem:s2+$0xCB0]  }
0xb7: {  	[tilespmem:s2+$0xDC80] =	vst v0;
	v0 =	vld [tilespmem:s2+$0xD10]  }
0xb8: {  	[tilespmem:s2+$0xDC90] =	vst v1;
	v1 =	vld [tilespmem:s2+$0xD20]  }
0xb9: {  	[tilespmem:s2+$0xDCA0] =	vst v2;
	v2 =	vld [tilespmem:s2+$0xD30]  }
0xba: {  	[tilespmem:s2+$0xDD00] =	vst v4;
	v4 =	vld [tilespmem:s2+$0xD90]  }
0xbb: {  	[tilespmem:s2+$0xDCB0] =	vst v3;
	v3 =	vld [tilespmem:s2+$0xD80]  }
0xbc: {  	[tilespmem:s2+$0xDD10] =	vst v0;
	v0 =	vld [tilespmem:s2+$0xDA0]  }
0xbd: {  	[tilespmem:s2+$0xDD20] =	vst v1;
	v1 =	vld [tilespmem:s2+$0xDB0]  }
0xbe: {  	[tilespmem:s2+$0xDD30] =	vst v2;
	v2 =	vld [tilespmem:s2+$0xE00]  }
0xbf: {  	[tilespmem:s2+$0xDD90] =	vst v4;
	v4 =	vld [tilespmem:s2+$0xE20]  }
0xc0: {  	[tilespmem:s2+$0xDD80] =	vst v3;
	v3 =	vld [tilespmem:s2+$0xE10]  }
0xc1: {  	[tilespmem:s2+$0xDDA0] =	vst v0;
	v0 =	vld [tilespmem:s2+$0xE30]  }
0xc2: {  	[tilespmem:s2+$0xDDB0] =	vst v1;
	v1 =	vld [tilespmem:s2+$0xE80]  }
0xc3: {  	[tilespmem:s2+$0xDE00] =	vst v2;
	v2 =	vld [tilespmem:s2+$0xE90]  }
0xc4: {  	[tilespmem:s2+$0xDE20] =	vst v4;
	v4 =	vld [tilespmem:s2+$0xEB0]  }
0xc5: {  	[tilespmem:s2+$0xDE10] =	vst v3;
	v3 =	vld [tilespmem:s2+$0xEA0]  }
0xc6: {  	[tilespmem:s2+$0xDE30] =	vst v0;
	v0 =	vld [tilespmem:s2+$0xF00]  }
0xc7: {  	[tilespmem:s2+$0xDE80] =	vst v1;
	v1 =	vld [tilespmem:s2+$0xF10]  }
0xc8: {  	[tilespmem:s2+$0xDE90] =	vst v2;
	v2 =	vld [tilespmem:s2+$0xF20]  }
0xc9: {  	[tilespmem:s2+$0xDEB0] =	vst v4;
	v4 =	vld [tilespmem:s2+$0xF80]  }
0xca: {  	[tilespmem:s2+$0xDEA0] =	vst v3;
	v3 =	vld [tilespmem:s2+$0xF30]  }
0xcb: {  	[tilespmem:s2+$0xDF00] =	vst v0;
	v0 =	vld [tilespmem:s2+$0xF90]  }
0xcc: {  	[tilespmem:s2+$0xDF10] =	vst v1;
	v1 =	vld [tilespmem:s2+$0xFA0]  }
0xcd: {  	[tilespmem:s2+$0xDF20] =	vst v2;
	v2 =	vld [tilespmem:s2+$0xFB0]  }
0xce: {  	[tilespmem:s2+$0xDF80] =	vst v4;
	v4 =	vld [tilespmem:s2+$0x1010]  }
0xcf: {  	[tilespmem:s2+$0xDF30] =	vst v3;
	v3 =	vld [tilespmem:s2+$0x1000]  }
0xd0: {  	[tilespmem:s2+$0xDF90] =	vst v0;
	v0 =	vld [tilespmem:s2+$0x1020]  }
0xd1: {  	[tilespmem:s2+$0xDFA0] =	vst v1;
	v1 =	vld [tilespmem:s2+$0x1030]  }
0xd2: {  	[tilespmem:s2+$0xDFB0] =	vst v2;
	v2 =	vld [tilespmem:s2+$0x1080]  }
0xd3: {  	[tilespmem:s2+$0xE010] =	vst v4;
	v4 =	vld [tilespmem:s2+$0x10A0]  }
0xd4: {  	[tilespmem:s2+$0xE000] =	vst v3;
	v3 =	vld [tilespmem:s2+$0x1090]  }
0xd5: {  	[tilespmem:s2+$0xE020] =	vst v0;
	v0 =	vld [tilespmem:s2+$0x10B0]  }
0xd6: {  	[tilespmem:s2+$0xE030] =	vst v1;
	v1 =	vld [tilespmem:s2+$0x1100]  }
0xd7: {  	[tilespmem:s2+$0xE080] =	vst v2;
	v2 =	vld [tilespmem:s2+$0x1110]  }
0xd8: {  	[tilespmem:s2+$0xE0A0] =	vst v4;
	v4 =	vld [tilespmem:s2+$0x1130]  }
0xd9: {  	[tilespmem:s2+$0xE090] =	vst v3;
	v3 =	vld [tilespmem:s2+$0x1120]  }
0xda: {  	[tilespmem:s2+$0xE0B0] =	vst v0;
	v0 =	vld [tilespmem:s2+$0x1180]  }
0xdb: {  	[tilespmem:s2+$0xE100] =	vst v1;
	v1 =	vld [tilespmem:s2+$0x1190]  }
0xdc: {  	[tilespmem:s2+$0xE110] =	vst v2;
	v2 =	vld [tilespmem:s2+$0x11A0]  }
0xdd: {  	[tilespmem:s2+$0xE130] =	vst v4;
	v4 =	vld [tilespmem:s2+$0x1200]  }
0xde: {  	[tilespmem:s2+$0xE120] =	vst v3;
	v3 =	vld [tilespmem:s2+$0x11B0]  }
0xdf: {  	[tilespmem:s2+$0xE180] =	vst v0;
	v0 =	vld [tilespmem:s2+$0x1210]  }
0xe0: {  	[tilespmem:s2+$0xE190] =	vst v1;
	v1 =	vld [tilespmem:s2+$0x1220]  }
0xe1: {  	[tilespmem:s2+$0xE1A0] =	vst v2;
	v2 =	vld [tilespmem:s2+$0x1230]  }
0xe2: {  	[tilespmem:s2+$0xE200] =	vst v4;
	v4 =	vld [tilespmem:s2+$0x1290]  }
0xe3: {  	[tilespmem:s2+$0xE1B0] =	vst v3;
	v3 =	vld [tilespmem:s2+$0x1280]  }
0xe4: {  	[tilespmem:s2+$0xE210] =	vst v0;
	v0 =	vld [tilespmem:s2+$0x12A0]  }
0xe5: {  	[tilespmem:s2+$0xE220] =	vst v1;
	v1 =	vld [tilespmem:s2+$0x12B0]  }
0xe6: {  	[tilespmem:s2+$0xE230] =	vst v2;
	v2 =	vld [tilespmem:s2+$0x1300]  }
0xe7: {  	[tilespmem:s2+$0xE290] =	vst v4;
	v4 =	vld [tilespmem:s2+$0x1320]  }
0xe8: {  	[tilespmem:s2+$0xE280] =	vst v3;
	v3 =	vld [tilespmem:s2+$0x1310]  }
0xe9: {  	[tilespmem:s2+$0xE2A0] =	vst v0;
	v0 =	vld [tilespmem:s2+$0x1330]  }
0xea: {  	[tilespmem:s2+$0xE2B0] =	vst v1;
	v1 =	vld [tilespmem:s2+$0x1380]  }
0xeb: {  	[tilespmem:s2+$0xE300] =	vst v2;
	v2 =	vld [tilespmem:s2+$0x1390]  }
0xec: {  	[tilespmem:s2+$0xE320] =	vst v4;
	v4 =	vld [tilespmem:s2+$0x13B0]  }
0xed: {  	[tilespmem:s2+$0xE310] =	vst v3;
	v3 =	vld [tilespmem:s2+$0x13A0]  }
0xee: {  	[tilespmem:s2+$0xE330] =	vst v0;
	v0 =	vld [tilespmem:s2+$0x1400]  }
0xef: {  	[tilespmem:s2+$0xE380] =	vst v1;
	v1 =	vld [tilespmem:s2+$0x1410]  }
0xf0: {  	[tilespmem:s2+$0xE390] =	vst v2;
	v2 =	vld [tilespmem:s2+$0x1420]  }
0xf1: {  	[tilespmem:s2+$0xE3B0] =	vst v4;
	v4 =	vld [tilespmem:s2+$0x1480]  }
0xf2: {  	[tilespmem:s2+$0xE3A0] =	vst v3;
	v3 =	vld [tilespmem:s2+$0x1430]  }
0xf3: {  	[tilespmem:s2+$0xE400] =	vst v0;
	v0 =	vld [tilespmem:s2+$0x1490]  }
0xf4: {  	[tilespmem:s2+$0xE410] =	vst v1;
	v1 =	vld [tilespmem:s2+$0x14A0]  }
0xf5: {  	[tilespmem:s2+$0xE420] =	vst v2;
	v2 =	vld [tilespmem:s2+$0x14B0]  }
0xf6: {  	[tilespmem:s2+$0xE480] =	vst v4;
	v4 =	vld [tilespmem:s2+$0x1510]  }
0xf7: {  	[tilespmem:s2+$0xE430] =	vst v3;
	v3 =	vld [tilespmem:s2+$0x1500]  }
0xf8: {  	[tilespmem:s2+$0xE490] =	vst v0;
	v0 =	vld [tilespmem:s2+$0x1520]  }
0xf9: {  	[tilespmem:s2+$0xE4A0] =	vst v1;
	v1 =	vld [tilespmem:s2+$0x1530]  }
0xfa: {  	[tilespmem:s2+$0xE4B0] =	vst v2;
	v2 =	vld [tilespmem:s2+$0x1580]  }
0xfb: {  	[tilespmem:s2+$0xE510] =	vst v4;
	v4 =	vld [tilespmem:s2+$0x15A0]  }
0xfc: {  	[tilespmem:s2+$0xE500] =	vst v3;
	v3 =	vld [tilespmem:s2+$0x1610]  }
0xfd: {  	[tilespmem:s2+$0xE520] =	vst v0;
	v0 =	vld [tilespmem:s2+$0x1620]  }
0xfe: {  	[tilespmem:s2+$0xE530] =	vst v1;
	v1 =	vld [tilespmem:s2+$0x1630]  }
0xff: {  	s7 =	simm.s32 $0x1;
	[tilespmem:s2+$0xE580] =	vst v2;
	v2 =	vld [tilespmem:s2+$0x1680]  }
0x100: {  	s17 =	smul.u32 $0xD00, s7;
	s7 =	simm.s32 $0x2;
	s0 =	sshll.u32 s31, $0x1;
	[tilespmem:s2+$0xE5A0] =	vst v4;
	v4 =	vld [tilespmem:s2+$0x1690]  }
.LBB2_3:
0x101: {  	p1 =	sne.s32 s7, $0x7;
	[tilespmem:s2+$0xE610] =	vst v3;
	v3 =	vld [tilespmem:s2+$0x16A0]  }
0x102: {  	v5 =	vld [tilespmem:s17+$0x16B0];
	[tilespmem:s2+$0xE620] =	vst v0  }
0x103: {  	v0 =	vld [tilespmem:s17+$0xA00];
	[tilespmem:s2+$0xE630] =	vst v1  }
0x104: {  	v1 =	vld [tilespmem:s17+$0xA10];
	[tilespmem:s2+$0xE680] =	vst v2  }
0x105: {  	v2 =	vld [tilespmem:s17+$0xA20];
	[tilespmem:s2+$0xE690] =	vst v4  }
0x106: {  	v4 =	vld [tilespmem:s17+$0xA30];
	[tilespmem:s2+$0xE6A0] =	vst v3;
	s2 =	smov.u32 s17  }
0x107: {  	v3 =	vld [tilespmem:s2+$0xA80];
	[tilespmem:s2+$0xE6B0] =	vst v5  }
0x108: {  	[tilespmem:s2+$0xDA00] =	vst v0;
	v0 =	vld [tilespmem:s2+$0xA90]  }
0x109: {  	[tilespmem:s2+$0xDA10] =	vst v1;
	v1 =	vld [tilespmem:s2+$0xAA0]  }
0x10a: {  	[tilespmem:s2+$0xDA20] =	vst v2;
	v2 =	vld [tilespmem:s2+$0xAB0]  }
0x10b: {  	[tilespmem:s2+$0xDA30] =	vst v4;
	v4 =	vld [tilespmem:s2+$0xB00]  }
0x10c: {  	[tilespmem:s2+$0xDA80] =	vst v3;
	v3 =	vld [tilespmem:s2+$0xB10]  }
0x10d: {  	[tilespmem:s2+$0xDA90] =	vst v0;
	v0 =	vld [tilespmem:s2+$0xB20]  }
0x10e: {  	[tilespmem:s2+$0xDAA0] =	vst v1;
	v1 =	vld [tilespmem:s2+$0xB30]  }
0x10f: {  	[tilespmem:s2+$0xDAB0] =	vst v2;
	v2 =	vld [tilespmem:s2+$0xB80]  }
0x110: {  	[tilespmem:s2+$0xDB00] =	vst v4;
	v4 =	vld [tilespmem:s2+$0xB90]  }
0x111: {  	[tilespmem:s2+$0xDB10] =	vst v3;
	v3 =	vld [tilespmem:s2+$0xBA0]  }
0x112: {  	[tilespmem:s2+$0xDB20] =	vst v0;
	v0 =	vld [tilespmem:s2+$0xBB0]  }
0x113: {  	[tilespmem:s2+$0xDB30] =	vst v1;
	v1 =	vld [tilespmem:s2+$0xC00]  }
0x114: {  	[tilespmem:s2+$0xDB80] =	vst v2;
	v2 =	vld [tilespmem:s2+$0xC10]  }
0x115: {  	[tilespmem:s2+$0xDB90] =	vst v4;
	v4 =	vld [tilespmem:s2+$0xC20]  }
0x116: {  	[tilespmem:s2+$0xDBA0] =	vst v3;
	v3 =	vld [tilespmem:s2+$0xC30]  }
0x117: {  	[tilespmem:s2+$0xDBB0] =	vst v0;
	v0 =	vld [tilespmem:s2+$0xC80]  }
0x118: {  	[tilespmem:s2+$0xDC00] =	vst v1;
	v1 =	vld [tilespmem:s2+$0xC90]  }
0x119: {  	[tilespmem:s2+$0xDC10] =	vst v2;
	v2 =	vld [tilespmem:s2+$0xCA0]  }
0x11a: {  	[tilespmem:s2+$0xDC20] =	vst v4;
	v4 =	vld [tilespmem:s2+$0xCB0]  }
0x11b: {  	[tilespmem:s2+$0xDC30] =	vst v3;
	v3 =	vld [tilespmem:s2+$0xD00]  }
0x11c: {  	[tilespmem:s2+$0xDC80] =	vst v0;
	v0 =	vld [tilespmem:s2+$0xD10]  }
0x11d: {  	[tilespmem:s2+$0xDC90] =	vst v1;
	v1 =	vld [tilespmem:s2+$0xD20]  }
0x11e: {  	[tilespmem:s2+$0xDCA0] =	vst v2;
	v2 =	vld [tilespmem:s2+$0xD30]  }
0x11f: {  	[tilespmem:s2+$0xDCB0] =	vst v4;
	v4 =	vld [tilespmem:s2+$0xD80]  }
0x120: {  	[tilespmem:s2+$0xDD00] =	vst v3;
	v3 =	vld [tilespmem:s2+$0xD90]  }
0x121: {  	[tilespmem:s2+$0xDD10] =	vst v0;
	v0 =	vld [tilespmem:s2+$0xDA0]  }
0x122: {  	[tilespmem:s2+$0xDD20] =	vst v1;
	v1 =	vld [tilespmem:s2+$0xDB0]  }
0x123: {  	[tilespmem:s2+$0xDD30] =	vst v2;
	v2 =	vld [tilespmem:s2+$0xE00]  }
0x124: {  	[tilespmem:s2+$0xDD80] =	vst v4;
	v4 =	vld [tilespmem:s2+$0xE10]  }
0x125: {  	[tilespmem:s2+$0xDD90] =	vst v3;
	v3 =	vld [tilespmem:s2+$0xE20]  }
0x126: {  	[tilespmem:s2+$0xDDA0] =	vst v0;
	v0 =	vld [tilespmem:s2+$0xE30]  }
0x127: {  	[tilespmem:s2+$0xDDB0] =	vst v1;
	v1 =	vld [tilespmem:s2+$0xE80]  }
0x128: {  	[tilespmem:s2+$0xDE00] =	vst v2;
	v2 =	vld [tilespmem:s2+$0xE90]  }
0x129: {  	[tilespmem:s2+$0xDE10] =	vst v4;
	v4 =	vld [tilespmem:s2+$0xEA0]  }
0x12a: {  	[tilespmem:s2+$0xDE20] =	vst v3;
	v3 =	vld [tilespmem:s2+$0xEB0]  }
0x12b: {  	[tilespmem:s2+$0xDE30] =	vst v0;
	v0 =	vld [tilespmem:s2+$0xF00]  }
0x12c: {  	[tilespmem:s2+$0xDE80] =	vst v1;
	v1 =	vld [tilespmem:s2+$0xF10]  }
0x12d: {  	[tilespmem:s2+$0xDE90] =	vst v2;
	v2 =	vld [tilespmem:s2+$0xF20]  }
0x12e: {  	[tilespmem:s2+$0xDEA0] =	vst v4;
	v4 =	vld [tilespmem:s2+$0xF30]  }
0x12f: {  	[tilespmem:s2+$0xDEB0] =	vst v3;
	v3 =	vld [tilespmem:s2+$0xF80]  }
0x130: {  	[tilespmem:s2+$0xDF00] =	vst v0;
	v0 =	vld [tilespmem:s2+$0xF90]  }
0x131: {  	[tilespmem:s2+$0xDF10] =	vst v1;
	v1 =	vld [tilespmem:s2+$0xFA0]  }
0x132: {  	[tilespmem:s2+$0xDF20] =	vst v2;
	v2 =	vld [tilespmem:s2+$0xFB0]  }
0x133: {  	[tilespmem:s2+$0xDF30] =	vst v4;
	v4 =	vld [tilespmem:s2+$0x1000]  }
0x134: {  	[tilespmem:s2+$0xDF80] =	vst v3;
	v3 =	vld [tilespmem:s2+$0x1010]  }
0x135: {  	[tilespmem:s2+$0xDF90] =	vst v0;
	v0 =	vld [tilespmem:s2+$0x1020]  }
0x136: {  	[tilespmem:s2+$0xDFA0] =	vst v1;
	v1 =	vld [tilespmem:s2+$0x1030]  }
0x137: {  	[tilespmem:s2+$0xDFB0] =	vst v2;
	v2 =	vld [tilespmem:s2+$0x1080]  }
0x138: {  	[tilespmem:s2+$0xE000] =	vst v4;
	v4 =	vld [tilespmem:s2+$0x1090]  }
0x139: {  	[tilespmem:s2+$0xE010] =	vst v3;
	v3 =	vld [tilespmem:s2+$0x10A0]  }
0x13a: {  	[tilespmem:s2+$0xE020] =	vst v0;
	v0 =	vld [tilespmem:s2+$0x10B0]  }
0x13b: {  	[tilespmem:s2+$0xE030] =	vst v1;
	v1 =	vld [tilespmem:s2+$0x1100]  }
0x13c: {  	[tilespmem:s2+$0xE080] =	vst v2;
	v2 =	vld [tilespmem:s2+$0x1110]  }
0x13d: {  	[tilespmem:s2+$0xE090] =	vst v4;
	v4 =	vld [tilespmem:s2+$0x1120]  }
0x13e: {  	[tilespmem:s2+$0xE0A0] =	vst v3;
	v3 =	vld [tilespmem:s2+$0x1130]  }
0x13f: {  	[tilespmem:s2+$0xE0B0] =	vst v0;
	v0 =	vld [tilespmem:s2+$0x1180]  }
0x140: {  	[tilespmem:s2+$0xE100] =	vst v1;
	v1 =	vld [tilespmem:s2+$0x1190]  }
0x141: {  	[tilespmem:s2+$0xE110] =	vst v2;
	v2 =	vld [tilespmem:s2+$0x11A0]  }
0x142: {  	[tilespmem:s2+$0xE120] =	vst v4;
	v4 =	vld [tilespmem:s2+$0x11B0]  }
0x143: {  	[tilespmem:s2+$0xE130] =	vst v3;
	v3 =	vld [tilespmem:s2+$0x1200]  }
0x144: {  	[tilespmem:s2+$0xE180] =	vst v0;
	v0 =	vld [tilespmem:s2+$0x1210]  }
0x145: {  	[tilespmem:s2+$0xE190] =	vst v1;
	v1 =	vld [tilespmem:s2+$0x1220]  }
0x146: {  	[tilespmem:s2+$0xE1A0] =	vst v2;
	v2 =	vld [tilespmem:s2+$0x1230]  }
0x147: {  	[tilespmem:s2+$0xE1B0] =	vst v4;
	v4 =	vld [tilespmem:s2+$0x1280]  }
0x148: {  	[tilespmem:s2+$0xE200] =	vst v3;
	v3 =	vld [tilespmem:s2+$0x1290]  }
0x149: {  	[tilespmem:s2+$0xE210] =	vst v0;
	v0 =	vld [tilespmem:s2+$0x12A0]  }
0x14a: {  	[tilespmem:s2+$0xE220] =	vst v1;
	v1 =	vld [tilespmem:s2+$0x12B0]  }
0x14b: {  	[tilespmem:s2+$0xE230] =	vst v2;
	v2 =	vld [tilespmem:s2+$0x1300]  }
0x14c: {  	[tilespmem:s2+$0xE280] =	vst v4;
	v4 =	vld [tilespmem:s2+$0x1310]  }
0x14d: {  	[tilespmem:s2+$0xE290] =	vst v3;
	v3 =	vld [tilespmem:s2+$0x1320]  }
0x14e: {  	[tilespmem:s2+$0xE2A0] =	vst v0;
	v0 =	vld [tilespmem:s2+$0x1330]  }
0x14f: {  	[tilespmem:s2+$0xE2B0] =	vst v1;
	v1 =	vld [tilespmem:s2+$0x1380]  }
0x150: {  	[tilespmem:s2+$0xE300] =	vst v2;
	v2 =	vld [tilespmem:s2+$0x1390]  }
0x151: {  	[tilespmem:s2+$0xE310] =	vst v4;
	v4 =	vld [tilespmem:s2+$0x13A0]  }
0x152: {  	[tilespmem:s2+$0xE320] =	vst v3;
	v3 =	vld [tilespmem:s2+$0x13B0]  }
0x153: {  	[tilespmem:s2+$0xE330] =	vst v0;
	v0 =	vld [tilespmem:s2+$0x1400]  }
0x154: {  	[tilespmem:s2+$0xE380] =	vst v1;
	v1 =	vld [tilespmem:s2+$0x1410]  }
0x155: {  	[tilespmem:s2+$0xE390] =	vst v2;
	v2 =	vld [tilespmem:s2+$0x1420]  }
0x156: {  	[tilespmem:s2+$0xE3A0] =	vst v4;
	v4 =	vld [tilespmem:s2+$0x1430]  }
0x157: {  	[tilespmem:s2+$0xE3B0] =	vst v3;
	v3 =	vld [tilespmem:s2+$0x1480]  }
0x158: {  	[tilespmem:s2+$0xE400] =	vst v0;
	v0 =	vld [tilespmem:s2+$0x1490]  }
0x159: {  	[tilespmem:s2+$0xE410] =	vst v1;
	v1 =	vld [tilespmem:s2+$0x14A0]  }
0x15a: {  	[tilespmem:s2+$0xE420] =	vst v2;
	v2 =	vld [tilespmem:s2+$0x14B0]  }
0x15b: {  	[tilespmem:s2+$0xE430] =	vst v4;
	v4 =	vld [tilespmem:s2+$0x1500]  }
0x15c: {  	[tilespmem:s2+$0xE480] =	vst v3;
	v3 =	vld [tilespmem:s2+$0x1510]  }
0x15d: {  	[tilespmem:s2+$0xE490] =	vst v0;
	v0 =	vld [tilespmem:s2+$0x1520]  }
0x15e: {  	[tilespmem:s2+$0xE4A0] =	vst v1;
	v1 =	vld [tilespmem:s2+$0x1530]  }
0x15f: {  	[tilespmem:s2+$0xE4B0] =	vst v2;
	v2 =	vld [tilespmem:s2+$0x1580]  }
0x160: {  	[tilespmem:s2+$0xE500] =	vst v4;
	v4 =	vld [tilespmem:s2+$0x1590]  }
0x161: {  	[tilespmem:s2+$0xE510] =	vst v3;
	v5 =	vld [tilespmem:s2+$0x15A0]  }
0x162: {  	[tilespmem:s2+$0xE520] =	vst v0;
	v6 =	vld [tilespmem:s2+$0x15B0]  }
0x163: {  	[tilespmem:s2+$0xE530] =	vst v1;
	v7 =	vld [tilespmem:s2+$0x1600]  }
.Ltmp2:
0x164: {  	[tilespmem:s2+$0xE580] =	vst v2;
	v3 =	vld [tilespmem:s2+$0x1610];
	(pc) =	sbr.rel @p1 .LBB2_3-.Ltmp2, $4  }
0x165: {  	[tilespmem:s2+$0xE590] =	vst v4;
	v0 =	vld [tilespmem:s2+$0x1620]  }
0x166: {  	[tilespmem:s2+$0xE5A0] =	vst v5;
	v1 =	vld [tilespmem:s2+$0x1630]  }
0x167: {  	[tilespmem:s2+$0xE5B0] =	vst v6;
	v2 =	vld [tilespmem:s2+$0x1680]  }
0x168: {  	s17 =	smul.u32 $0xD00, s7;
	s7 =	sadd.s32 $0x1, s7;
	[tilespmem:s2+$0xE600] =	vst v7;
	v4 =	vld [tilespmem:s2+$0x1690]  }
0x169: {  	[tilespmem:s2+$0xE610] =	vst v3;
	v21 =	vld [tilespmem:s2+$0x16A0]  }
0x16a: {  	v5 =	vld [tilespmem:s17+$0x16B0];
	[tilespmem:s2+$0xE620] =	vst v0  }
0x16b: {  	v0 =	vld [tilespmem:s17+$0xA00];
	[tilespmem:s2+$0xE630] =	vst v1  }
0x16c: {  	v1 =	vld [tilespmem:s17+$0xA10];
	[tilespmem:s2+$0xE680] =	vst v2  }
0x16d: {  	v2 =	vld [tilespmem:s17+$0xA20];
	[tilespmem:s2+$0xE690] =	vst v4  }
0x16e: {  	v4 =	vld [tilespmem:s17+$0xA30];
	[tilespmem:s2+$0xE6A0] =	vst v21  }
0x16f: {  	v3 =	vld [tilespmem:s17+$0xA80];
	[tilespmem:s17+$0xE6B0] =	vst v5  }
0x170: {  	v22 =	vld [tilespmem:s17+$0xA90];
	[tilespmem:s17+$0xDA00] =	vst v0  }
0x171: {  	v23 =	vld [tilespmem:s17+$0xAA0];
	[tilespmem:s17+$0xDA10] =	vst v1  }
0x172: {  	v24 =	vld [tilespmem:s17+$0xAB0];
	[tilespmem:s17+$0xDA20] =	vst v2  }
0x173: {  	v25 =	vld [tilespmem:s17+$0xB00];
	[tilespmem:s17+$0xDA30] =	vst v4  }
0x174: {  	v26 =	vld [tilespmem:s17+$0xB10];
	[tilespmem:s17+$0xDA80] =	vst v3  }
0x175: {  	v27 =	vld [tilespmem:s17+$0xB20];
	[tilespmem:s17+$0xDA90] =	vst v22  }
0x176: {  	v28 =	vld [tilespmem:s17+$0xB30];
	[tilespmem:s17+$0xDAA0] =	vst v23  }
0x177: {  	v29 =	vld [tilespmem:s17+$0xB80];
	[tilespmem:s17+$0xDAB0] =	vst v24  }
0x178: {  	v30 =	vld [tilespmem:s17+$0xB90];
	[tilespmem:s17+$0xDB00] =	vst v25  }
0x179: {  	v31 =	vld [tilespmem:s17+$0xBA0];
	[tilespmem:s17+$0xDB10] =	vst v26  }
0x17a: {  	v32 =	vld [tilespmem:s17+$0xBB0];
	[tilespmem:s17+$0xDB20] =	vst v27  }
0x17b: {  	v33 =	vld [tilespmem:s17+$0xC00];
	[tilespmem:s17+$0xDB30] =	vst v28  }
0x17c: {  	v34 =	vld [tilespmem:s17+$0xC10];
	[tilespmem:s17+$0xDB80] =	vst v29  }
0x17d: {  	v35 =	vld [tilespmem:s17+$0xC20];
	[tilespmem:s17+$0xDB90] =	vst v30  }
0x17e: {  	v36 =	vld [tilespmem:s17+$0xC30];
	[tilespmem:s17+$0xDBA0] =	vst v31  }
0x17f: {  	v37 =	vld [tilespmem:s17+$0xC80];
	[tilespmem:s17+$0xDBB0] =	vst v32  }
0x180: {  	v38 =	vld [tilespmem:s17+$0xC90];
	[tilespmem:s17+$0xDC00] =	vst v33  }
0x181: {  	v39 =	vld [tilespmem:s17+$0xCA0];
	[tilespmem:s17+$0xDC10] =	vst v34  }
0x182: {  	v40 =	vld [tilespmem:s17+$0xCB0];
	[tilespmem:s17+$0xDC20] =	vst v35  }
0x183: {  	v41 =	vld [tilespmem:s17+$0xD00];
	[tilespmem:s17+$0xDC30] =	vst v36  }
0x184: {  	v42 =	vld [tilespmem:s17+$0xD10];
	[tilespmem:s17+$0xDC80] =	vst v37  }
0x185: {  	v43 =	vld [tilespmem:s17+$0xD20];
	[tilespmem:s17+$0xDC90] =	vst v38  }
0x186: {  	v44 =	vld [tilespmem:s17+$0xD30];
	[tilespmem:s17+$0xDCA0] =	vst v39  }
0x187: {  	v45 =	vld [tilespmem:s17+$0xD80];
	[tilespmem:s17+$0xDCB0] =	vst v40  }
0x188: {  	v46 =	vld [tilespmem:s17+$0xD90];
	[tilespmem:s17+$0xDD00] =	vst v41  }
0x189: {  	v47 =	vld [tilespmem:s17+$0xDA0];
	[tilespmem:s17+$0xDD10] =	vst v42  }
0x18a: {  	v48 =	vld [tilespmem:s17+$0xDB0];
	[tilespmem:s17+$0xDD20] =	vst v43  }
0x18b: {  	v49 =	vld [tilespmem:s17+$0xE00];
	[tilespmem:s17+$0xDD30] =	vst v44  }
0x18c: {  	v50 =	vld [tilespmem:s17+$0xE10];
	[tilespmem:s17+$0xDD80] =	vst v45  }
0x18d: {  	v51 =	vld [tilespmem:s17+$0xE20];
	[tilespmem:s17+$0xDD90] =	vst v46  }
0x18e: {  	v52 =	vld [tilespmem:s17+$0xE30];
	[tilespmem:s17+$0xDDA0] =	vst v47  }
0x18f: {  	v53 =	vld [tilespmem:s17+$0xE80];
	[tilespmem:s17+$0xDDB0] =	vst v48  }
0x190: {  	v54 =	vld [tilespmem:s17+$0xE90];
	[tilespmem:s17+$0xDE00] =	vst v49  }
0x191: {  	v55 =	vld [tilespmem:s17+$0xEA0];
	[tilespmem:s17+$0xDE10] =	vst v50  }
0x192: {  	v56 =	vld [tilespmem:s17+$0xEB0];
	[tilespmem:s17+$0xDE20] =	vst v51  }
0x193: {  	v57 =	vld [tilespmem:s17+$0xF00];
	[tilespmem:s17+$0xDE30] =	vst v52  }
0x194: {  	v58 =	vld [tilespmem:s17+$0xF10];
	[tilespmem:s17+$0xDE80] =	vst v53  }
0x195: {  	v59 =	vld [tilespmem:s17+$0xF20];
	[tilespmem:s17+$0xDE90] =	vst v54  }
0x196: {  	v60 =	vld [tilespmem:s17+$0xF30];
	[tilespmem:s17+$0xDEA0] =	vst v55  }
0x197: {  	v61 =	vld [tilespmem:s17+$0xF80];
	[tilespmem:s17+$0xDEB0] =	vst v56  }
0x198: {  	v62 =	vld [tilespmem:s17+$0xF90];
	[tilespmem:s17+$0xDF00] =	vst v57  }
0x199: {  	v63 =	vld [tilespmem:s17+$0xFA0];
	[tilespmem:s17+$0xDF10] =	vst v58  }
0x19a: {  	v8 =	vld [tilespmem:s17+$0xFB0];
	[tilespmem:s17+$0xDF20] =	vst v59  }
0x19b: {  	v9 =	vld [tilespmem:s17+$0x1000];
	[tilespmem:s17+$0xDF30] =	vst v60  }
0x19c: {  	v10 =	vld [tilespmem:s17+$0x1010];
	[tilespmem:s17+$0xDF80] =	vst v61  }
0x19d: {  	v11 =	vld [tilespmem:s17+$0x1020];
	[tilespmem:s17+$0xDF90] =	vst v62  }
0x19e: {  	v12 =	vld [tilespmem:s17+$0x1030];
	[tilespmem:s17+$0xDFA0] =	vst v63  }
0x19f: {  	v13 =	vld [tilespmem:s17+$0x1080];
	[tilespmem:s17+$0xDFB0] =	vst v8  }
0x1a0: {  	v14 =	vld [tilespmem:s17+$0x1090];
	[tilespmem:s17+$0xE000] =	vst v9  }
0x1a1: {  	v15 =	vld [tilespmem:s17+$0x10A0];
	[tilespmem:s17+$0xE010] =	vst v10  }
0x1a2: {  	v16 =	vld [tilespmem:s17+$0x10B0];
	[tilespmem:s17+$0xE020] =	vst v11  }
0x1a3: {  	v17 =	vld [tilespmem:s17+$0x1100];
	[tilespmem:s17+$0xE030] =	vst v12  }
0x1a4: {  	v18 =	vld [tilespmem:s17+$0x1110];
	[tilespmem:s17+$0xE080] =	vst v13  }
0x1a5: {  	v19 =	vld [tilespmem:s17+$0x1120];
	[tilespmem:s17+$0xE090] =	vst v14  }
0x1a6: {  	v20 =	vld [tilespmem:s17+$0x1130];
	[tilespmem:s17+$0xE0A0] =	vst v15  }
0x1a7: {  	v21 =	vld [tilespmem:s17+$0x1180];
	[tilespmem:s17+$0xE0B0] =	vst v16  }
0x1a8: {  	[tilespmem:s17+$0xE100] =	vst v17;
	v22 =	vld [tilespmem:s17+$0x1190]  }
0x1a9: {  	[tilespmem:s17+$0xE110] =	vst v18;
	v23 =	vld [tilespmem:s17+$0x11A0]  }
0x1aa: {  	[tilespmem:s17+$0xE120] =	vst v19;
	v24 =	vld [tilespmem:s17+$0x11B0]  }
0x1ab: {  	[tilespmem:s17+$0xE130] =	vst v20;
	v25 =	vld [tilespmem:s17+$0x1200]  }
0x1ac: {  	[tilespmem:s17+$0xE180] =	vst v21;
	v26 =	vld [tilespmem:s17+$0x1210]  }
0x1ad: {  	v27 =	vld [tilespmem:s17+$0x1220];
	[tilespmem:s17+$0xE190] =	vst v22  }
0x1ae: {  	v28 =	vld [tilespmem:s17+$0x1230];
	[tilespmem:s17+$0xE1A0] =	vst v23  }
0x1af: {  	v29 =	vld [tilespmem:s17+$0x1280];
	[tilespmem:s17+$0xE1B0] =	vst v24  }
0x1b0: {  	v30 =	vld [tilespmem:s17+$0x1290];
	[tilespmem:s17+$0xE200] =	vst v25  }
0x1b1: {  	v31 =	vld [tilespmem:s17+$0x12A0];
	[tilespmem:s17+$0xE210] =	vst v26  }
0x1b2: {  	v32 =	vld [tilespmem:s17+$0x12B0];
	[tilespmem:s17+$0xE220] =	vst v27  }
0x1b3: {  	v33 =	vld [tilespmem:s17+$0x1300];
	[tilespmem:s17+$0xE230] =	vst v28  }
0x1b4: {  	v34 =	vld [tilespmem:s17+$0x1310];
	[tilespmem:s17+$0xE280] =	vst v29  }
0x1b5: {  	v35 =	vld [tilespmem:s17+$0x1320];
	[tilespmem:s17+$0xE290] =	vst v30  }
0x1b6: {  	v36 =	vld [tilespmem:s17+$0x1330];
	[tilespmem:s17+$0xE2A0] =	vst v31  }
0x1b7: {  	v37 =	vld [tilespmem:s17+$0x1380];
	[tilespmem:s17+$0xE2B0] =	vst v32  }
0x1b8: {  	v38 =	vld [tilespmem:s17+$0x1390];
	[tilespmem:s17+$0xE300] =	vst v33  }
0x1b9: {  	v39 =	vld [tilespmem:s17+$0x13A0];
	[tilespmem:s17+$0xE310] =	vst v34  }
0x1ba: {  	v40 =	vld [tilespmem:s17+$0x13B0];
	[tilespmem:s17+$0xE320] =	vst v35  }
0x1bb: {  	v41 =	vld [tilespmem:s17+$0x1400];
	[tilespmem:s17+$0xE330] =	vst v36  }
0x1bc: {  	v42 =	vld [tilespmem:s17+$0x1410];
	[tilespmem:s17+$0xE380] =	vst v37  }
0x1bd: {  	v43 =	vld [tilespmem:s17+$0x1420];
	[tilespmem:s17+$0xE390] =	vst v38  }
0x1be: {  	v44 =	vld [tilespmem:s17+$0x1430];
	[tilespmem:s17+$0xE3A0] =	vst v39  }
0x1bf: {  	v45 =	vld [tilespmem:s17+$0x1480];
	[tilespmem:s17+$0xE3B0] =	vst v40  }
0x1c0: {  	v46 =	vld [tilespmem:s17+$0x1490];
	[tilespmem:s17+$0xE400] =	vst v41  }
0x1c1: {  	v47 =	vld [tilespmem:s17+$0x14A0];
	[tilespmem:s17+$0xE410] =	vst v42  }
0x1c2: {  	v48 =	vld [tilespmem:s17+$0x14B0];
	[tilespmem:s17+$0xE420] =	vst v43  }
0x1c3: {  	v49 =	vld [tilespmem:s17+$0x1500];
	[tilespmem:s17+$0xE430] =	vst v44  }
0x1c4: {  	v50 =	vld [tilespmem:s17+$0x1510];
	[tilespmem:s17+$0xE480] =	vst v45  }
0x1c5: {  	v51 =	vld [tilespmem:s17+$0x1520];
	[tilespmem:s17+$0xE490] =	vst v46  }
0x1c6: {  	v52 =	vld [tilespmem:s17+$0x1530];
	[tilespmem:s17+$0xE4A0] =	vst v47  }
0x1c7: {  	v53 =	vld [tilespmem:s17+$0x1580];
	[tilespmem:s17+$0xE4B0] =	vst v48  }
0x1c8: {  	v54 =	vld [tilespmem:s17+$0x1590];
	[tilespmem:s17+$0xE500] =	vst v49  }
0x1c9: {  	v55 =	vld [tilespmem:s17+$0x15A0];
	[tilespmem:s17+$0xE510] =	vst v50  }
0x1ca: {  	v56 =	vld [tilespmem:s17+$0x15B0];
	[tilespmem:s17+$0xE520] =	vst v51  }
0x1cb: {  	v57 =	vld [tilespmem:s17+$0x1600];
	[tilespmem:s17+$0xE530] =	vst v52  }
0x1cc: {  	v58 =	vld [tilespmem:s17+$0x1610];
	[tilespmem:s17+$0xE580] =	vst v53  }
0x1cd: {  	v59 =	vld [tilespmem:s17+$0x1620];
	[tilespmem:s17+$0xE590] =	vst v54  }
0x1ce: {  	v60 =	vld [tilespmem:s17+$0x1630];
	[tilespmem:s17+$0xE5A0] =	vst v55  }
0x1cf: {  	v61 =	vld [tilespmem:s17+$0x1680];
	[tilespmem:s17+$0xE5B0] =	vst v56  }
0x1d0: {  	v62 =	vld [tilespmem:s17+$0x1690];
	[tilespmem:s17+$0xE600] =	vst v57  }
0x1d1: {  	v63 =	vld [tilespmem:s17+$0x16A0];
	[tilespmem:s17+$0xE610] =	vst v58  }
0x1d2: {  	[tilespmem:s17+$0xE620] =	vst v59  }
0x1d3: {  	[tilespmem:s17+$0xE630] =	vst v60  }
0x1d4: {  	s7 =	sshll.u32 s31, $0xD;
	[tilespmem:s17+$0xE680] =	vst v61  }
0x1d5: {  	s2 =	sor.u32 s18, s7;
	[tilespmem:s17+$0xE690] =	vst v62  }
0x1d6: {  	s22 =	simm.s32 $0xDA00;
	s7 =	sadd.s32 s5, s2;
	[tilespmem:s17+$0xE6A0] =	vst v63  }
0x1d7: {  	[hbm4b:s7+s3] =	stream.linear.scatter [tilespmem:s22], [sflag:$0x3], $0xD00, $0x38;
	[tilespmem:$0x1AA00] =	vst v63  }
0x1d8: {  	s17 =	sadd.s32 s2, s8;
	s22 =	simm.s32 $0xE700  }
0x1d9: {  	[hbm4b:s17+s3] =	stream.linear.scatter [tilespmem:s22], [sflag:$0x3], $0xD00, $0x38;
	[tilespmem:$0x1AA00] =	vst v63  }
0x1da: {  	s17 =	sadd.s32 s2, s9;
	s22 =	simm.s32 $0xF400  }
0x1db: {  	[hbm4b:s17+s3] =	stream.linear.scatter [tilespmem:s22], [sflag:$0x3], $0xD00, $0x38;
	[tilespmem:$0x1AA00] =	vst v63  }
0x1dc: {  	s17 =	sadd.s32 s2, s10;
	s22 =	simm.s32 $0x10100  }
0x1dd: {  	[hbm4b:s17+s3] =	stream.linear.scatter [tilespmem:s22], [sflag:$0x3], $0xD00, $0x38;
	[tilespmem:$0x1AA00] =	vst v63  }
0x1de: {  	s17 =	sadd.s32 s2, s11;
	s22 =	simm.s32 $0x10E00  }
0x1df: {  	[hbm4b:s17+s3] =	stream.linear.scatter [tilespmem:s22], [sflag:$0x3], $0xD00, $0x38;
	[tilespmem:$0x1AA00] =	vst v63  }
0x1e0: {  	p1 =	sne.s32 s31, $0x1F;
	s17 =	sadd.s32 s2, s12;
	s22 =	simm.s32 $0x11B00  }
0x1e1: {  	[hbm4b:s17+s3] =	stream.linear.scatter [tilespmem:s22], [sflag:$0x3], $0xD00, $0x38;
	[tilespmem:$0x1AA00] =	vst v63  }
.Ltmp3:
0x1e2: {  	_ = 	snop;
	(pc) =	sbr.rel @p1 .LBB2_6-.Ltmp3, $4  }
0x1e3: {  	s17 =	sadd.s32 s2, s13;
	s22 =	simm.s32 $0x12800  }
0x1e4: {  	[hbm4b:s17+s3] =	stream.linear.scatter [tilespmem:s22], [sflag:$0x3], $0xD00, $0x38;
	[tilespmem:$0x1AA00] =	vst v63  }
0x1e5: {  	s17 =	sadd.s32 s2, s14;
	s22 =	simm.s32 $0x13500  }
0x1e6: {  	[hbm4b:s17+s3] =	stream.linear.scatter [tilespmem:s22], [sflag:$0x3], $0xD00, $0x38;
	[tilespmem:$0x1AA00] =	vst v63  }
.Ltmp4:
0x1e7: {  	(pc) =	sbr.rel .LBB2_7-.Ltmp4, $4  }
0x1e8: {  	_ = 	snop  }
0x1e9: {  	_ =	swait.ge [sflag:s6], $0x6800  }
0x1ea: {  	[sflag:s6] =	ssyncset.done $0x0  }
0x1eb: {  	[sflag:s6] =	ssyncadd.s32 $0xFFFF9800  }
.LBB2_6:
0x1ec: {  	s7 =	rddreg [dreg:$0x5]  }
0x1ed: {  	s7 =	sadd.s32 s0, s7  }
0x1ee: {  	s7 =	sshll.u32 s7, $0x7  }
0x1ef: {  	s7 =	sadd.s32 s1, s7  }
0x1f0: {  	[tilespmem:s3], [sflag:$0x5] =	stream.linear.gather [hbm4b:s7+s3], $0x400, $0x38;
	[tilespmem:$0x1AA00] =	vst v63  }
0x1f1: {  	_ =	swait.ge [sflag:s19], $0x400  }
0x1f2: {  	[sflag:s19] =	ssyncset.done $0x0  }
0x1f3: {  	[sflag:s19] =	ssyncadd.s32 $0xFFFFFC00  }
0x1f4: {  	v0 =	vld [tilespmem:$0x0]  }
0x1f5: {  	v2 =	vld [tilespmem:$0x80]  }
0x1f6: {  	v4 =	vld [tilespmem:$0x100]  }
0x1f7: {  	v54 =	vld [tilespmem:$0x180]  }
0x1f8: {  	v56 =	vld [tilespmem:$0x200]  }
0x1f9: {  	v58 =	vld [tilespmem:$0x280];
	[tilespmem:$0x800] =	vst v0  }
0x1fa: {  	v60 =	vld [tilespmem:$0x300];
	[tilespmem:$0x81A] =	vst v2  }
0x1fb: {  	v62 =	vld [tilespmem:$0x380];
	[tilespmem:$0x834] =	vst v4  }
0x1fc: {  	v1 =	vld [tilespmem:$0xA];
	[tilespmem:$0x84E] =	vst v54  }
0x1fd: {  	v3 =	vld [tilespmem:$0x8A];
	[tilespmem:$0x868] =	vst v56  }
0x1fe: {  	v53 =	vld [tilespmem:$0x10A];
	[tilespmem:$0x882] =	vst v58  }
0x1ff: {  	v55 =	vld [tilespmem:$0x18A];
	[tilespmem:$0x89C] =	vst v60  }
0x200: {  	v57 =	vld [tilespmem:$0x20A];
	[tilespmem:$0x8B6] =	vst v62  }
0x201: {  	v59 =	vld [tilespmem:$0x28A];
	[tilespmem:$0x80A] =	vst v1  }
0x202: {  	v61 =	vld [tilespmem:$0x30A];
	[tilespmem:$0x824] =	vst v3  }
0x203: {  	v63 =	vld [tilespmem:$0x38A];
	[tilespmem:$0x83E] =	vst v53  }
0x204: {  	[tilespmem:$0x858] =	vst v55  }
0x205: {  	[tilespmem:$0x872] =	vst v57  }
0x206: {  	[tilespmem:$0x88C] =	vst v59  }
0x207: {  	[tilespmem:$0x8A6] =	vst v61  }
.Ltmp5:
0x208: {  	s22 =	simm.s32 $0x800;
	s17 =	simm.s32 $0xA00;
	[tilespmem:$0x8C0] =	vst v63;
	(pc) =	sbr.rel @p0 .LBB2_8-.Ltmp5, $4  }
0x209: {  	[tilespmem:s17], [sflag:$0x1] =	stream.indirect.gather [hbm4b:s4+s20], $0x80, s22, s20, $0xb8;
	[tilespmem:$0x1AA00] =	vst v63  }
0x20a: {  	_ =	swait.ge [sflag:s6], $0x6800  }
0x20b: {  	[sflag:s6] =	ssyncset.done $0x0  }
0x20c: {  	[sflag:s6] =	ssyncadd.s32 $0xFFFF9800  }
.LBB2_7:
0x20d: {  	_ =	swait.ge [sflag:s21], $0xD00  }
0x20e: {  	[sflag:s21] =	ssyncset.done $0x0  }
0x20f: {  	[sflag:s21] =	ssyncadd.s32 $0xFFFFF300  }
0x210: {  	_ =	swait.ge [sflag:s21], $0xD00  }
0x211: {  	[sflag:s21] =	ssyncset.done $0x0  }
0x212: {  	[sflag:s21] =	ssyncadd.s32 $0xFFFFF300  }
0x213: {  	_ =	swait.ge [sflag:s21], $0xD00  }
0x214: {  	[sflag:s21] =	ssyncset.done $0x0  }
0x215: {  	[sflag:s21] =	ssyncadd.s32 $0xFFFFF300  }
0x216: {  	_ =	swait.ge [sflag:s21], $0xD00  }
0x217: {  	[sflag:s21] =	ssyncset.done $0x0  }
0x218: {  	[sflag:s21] =	ssyncadd.s32 $0xFFFFF300  }
0x219: {  	_ =	swait.ge [sflag:s21], $0xD00  }
0x21a: {  	[sflag:s21] =	ssyncset.done $0x0  }
0x21b: {  	[sflag:s21] =	ssyncadd.s32 $0xFFFFF300  }
0x21c: {  	_ =	swait.ge [sflag:s21], $0xD00  }
0x21d: {  	[sflag:s21] =	ssyncset.done $0x0  }
0x21e: {  	[sflag:s21] =	ssyncadd.s32 $0xFFFFF300  }
0x21f: {  	_ =	swait.ge [sflag:s21], $0xD00  }
0x220: {  	[sflag:s21] =	ssyncset.done $0x0  }
0x221: {  	[sflag:s21] =	ssyncadd.s32 $0xFFFFF300  }
0x222: {  	_ =	swait.ge [sflag:s21], $0xD00  }
0x223: {  	[sflag:s21] =	ssyncset.done $0x0  }
0x224: {  	[sflag:s21] =	ssyncadd.s32 $0xFFFFF300  }
.LBB2_8:
0x225: {  	s7 =	simm.s32 $0x0  }
0x226: {  	s7 =	smul.u32 $0xD00, s7;
	_ =	sdelay $0x1  }
0x227: {  	v0 =	vld [tilespmem:s7+$0x7EB0]  }
0x228: {  	v1 =	vld [tilespmem:s7+$0x7200]  }
0x229: {  	v2 =	vld [tilespmem:s7+$0x7210]  }
0x22a: {  	v3 =	vld [tilespmem:s7+$0x7220]  }
0x22b: {  	v4 =	vld [tilespmem:s7+$0x7230]  }
0x22c: {  	v5 =	vld [tilespmem:s7+$0x7280];
	[tilespmem:s7+$0x14EB0] =	vst v0  }
0x22d: {  	v6 =	vld [tilespmem:s7+$0x7DB0];
	[tilespmem:s7+$0x14200] =	vst v1  }
0x22e: {  	v7 =	vld [tilespmem:s7+$0x7E00];
	[tilespmem:s7+$0x14210] =	vst v2  }
0x22f: {  	v0 =	vld [tilespmem:s7+$0x7290];
	[tilespmem:s7+$0x14220] =	vst v3  }
0x230: {  	v1 =	vld [tilespmem:s7+$0x72A0];
	[tilespmem:s7+$0x14230] =	vst v4  }
0x231: {  	v2 =	vld [tilespmem:s7+$0x72B0];
	[tilespmem:s7+$0x14280] =	vst v5  }
0x232: {  	v3 =	vld [tilespmem:s7+$0x7300];
	[tilespmem:s7+$0x14DB0] =	vst v6  }
0x233: {  	v4 =	vld [tilespmem:s7+$0x7310];
	[tilespmem:s7+$0x14E00] =	vst v7  }
0x234: {  	v5 =	vld [tilespmem:s7+$0x7D90];
	[tilespmem:s7+$0x14290] =	vst v0  }
0x235: {  	v0 =	vld [tilespmem:s7+$0x7320];
	[tilespmem:s7+$0x142A0] =	vst v1  }
0x236: {  	v1 =	vld [tilespmem:s7+$0x7330];
	[tilespmem:s7+$0x142B0] =	vst v2  }
0x237: {  	v2 =	vld [tilespmem:s7+$0x7380];
	[tilespmem:s7+$0x14300] =	vst v3  }
0x238: {  	[tilespmem:s7+$0x14310] =	vst v4;
	v4 =	vld [tilespmem:s7+$0x73A0]  }
0x239: {  	v3 =	vld [tilespmem:s7+$0x7390];
	[tilespmem:s7+$0x14D90] =	vst v5  }
0x23a: {  	[tilespmem:s7+$0x14320] =	vst v0;
	v0 =	vld [tilespmem:s7+$0x73B0]  }
0x23b: {  	[tilespmem:s7+$0x14330] =	vst v1;
	v1 =	vld [tilespmem:s7+$0x7400]  }
0x23c: {  	[tilespmem:s7+$0x14380] =	vst v2;
	v2 =	vld [tilespmem:s7+$0x7410]  }
0x23d: {  	[tilespmem:s7+$0x143A0] =	vst v4;
	v4 =	vld [tilespmem:s7+$0x7430]  }
0x23e: {  	[tilespmem:s7+$0x14390] =	vst v3;
	v3 =	vld [tilespmem:s7+$0x7420]  }
0x23f: {  	[tilespmem:s7+$0x143B0] =	vst v0;
	v0 =	vld [tilespmem:s7+$0x7480]  }
0x240: {  	[tilespmem:s7+$0x14400] =	vst v1;
	v1 =	vld [tilespmem:s7+$0x7490]  }
0x241: {  	[tilespmem:s7+$0x14410] =	vst v2;
	v2 =	vld [tilespmem:s7+$0x74A0]  }
0x242: {  	[tilespmem:s7+$0x14430] =	vst v4;
	v4 =	vld [tilespmem:s7+$0x7500]  }
0x243: {  	[tilespmem:s7+$0x14420] =	vst v3;
	v3 =	vld [tilespmem:s7+$0x74B0]  }
0x244: {  	[tilespmem:s7+$0x14480] =	vst v0;
	v0 =	vld [tilespmem:s7+$0x7510]  }
0x245: {  	[tilespmem:s7+$0x14490] =	vst v1;
	v1 =	vld [tilespmem:s7+$0x7520]  }
0x246: {  	[tilespmem:s7+$0x144A0] =	vst v2;
	v2 =	vld [tilespmem:s7+$0x7530]  }
0x247: {  	[tilespmem:s7+$0x14500] =	vst v4;
	v4 =	vld [tilespmem:s7+$0x7590]  }
0x248: {  	[tilespmem:s7+$0x144B0] =	vst v3;
	v3 =	vld [tilespmem:s7+$0x7580]  }
0x249: {  	[tilespmem:s7+$0x14510] =	vst v0;
	v0 =	vld [tilespmem:s7+$0x75A0]  }
0x24a: {  	[tilespmem:s7+$0x14520] =	vst v1;
	v1 =	vld [tilespmem:s7+$0x75B0]  }
0x24b: {  	[tilespmem:s7+$0x14530] =	vst v2;
	v2 =	vld [tilespmem:s7+$0x7600]  }
0x24c: {  	[tilespmem:s7+$0x14590] =	vst v4;
	v4 =	vld [tilespmem:s7+$0x7620]  }
0x24d: {  	[tilespmem:s7+$0x14580] =	vst v3;
	v3 =	vld [tilespmem:s7+$0x7610]  }
0x24e: {  	[tilespmem:s7+$0x145A0] =	vst v0;
	v0 =	vld [tilespmem:s7+$0x7630]  }
0x24f: {  	[tilespmem:s7+$0x145B0] =	vst v1;
	v1 =	vld [tilespmem:s7+$0x7680]  }
0x250: {  	[tilespmem:s7+$0x14600] =	vst v2;
	v2 =	vld [tilespmem:s7+$0x7690]  }
0x251: {  	[tilespmem:s7+$0x14620] =	vst v4;
	v4 =	vld [tilespmem:s7+$0x76B0]  }
0x252: {  	[tilespmem:s7+$0x14610] =	vst v3;
	v3 =	vld [tilespmem:s7+$0x76A0]  }
0x253: {  	[tilespmem:s7+$0x14630] =	vst v0;
	v0 =	vld [tilespmem:s7+$0x7700]  }
0x254: {  	[tilespmem:s7+$0x14680] =	vst v1;
	v1 =	vld [tilespmem:s7+$0x7710]  }
0x255: {  	[tilespmem:s7+$0x14690] =	vst v2;
	v2 =	vld [tilespmem:s7+$0x7720]  }
0x256: {  	[tilespmem:s7+$0x146B0] =	vst v4;
	v4 =	vld [tilespmem:s7+$0x7780]  }
0x257: {  	[tilespmem:s7+$0x146A0] =	vst v3;
	v3 =	vld [tilespmem:s7+$0x7730]  }
0x258: {  	[tilespmem:s7+$0x14700] =	vst v0;
	v0 =	vld [tilespmem:s7+$0x7790]  }
0x259: {  	[tilespmem:s7+$0x14710] =	vst v1;
	v1 =	vld [tilespmem:s7+$0x77A0]  }
0x25a: {  	[tilespmem:s7+$0x14720] =	vst v2;
	v2 =	vld [tilespmem:s7+$0x77B0]  }
0x25b: {  	[tilespmem:s7+$0x14780] =	vst v4;
	v4 =	vld [tilespmem:s7+$0x7810]  }
0x25c: {  	[tilespmem:s7+$0x14730] =	vst v3;
	v3 =	vld [tilespmem:s7+$0x7800]  }
0x25d: {  	[tilespmem:s7+$0x14790] =	vst v0;
	v0 =	vld [tilespmem:s7+$0x7820]  }
0x25e: {  	[tilespmem:s7+$0x147A0] =	vst v1;
	v1 =	vld [tilespmem:s7+$0x7830]  }
0x25f: {  	[tilespmem:s7+$0x147B0] =	vst v2;
	v2 =	vld [tilespmem:s7+$0x7880]  }
0x260: {  	[tilespmem:s7+$0x14810] =	vst v4;
	v4 =	vld [tilespmem:s7+$0x78A0]  }
0x261: {  	[tilespmem:s7+$0x14800] =	vst v3;
	v3 =	vld [tilespmem:s7+$0x7890]  }
0x262: {  	[tilespmem:s7+$0x14820] =	vst v0;
	v0 =	vld [tilespmem:s7+$0x78B0]  }
0x263: {  	[tilespmem:s7+$0x14830] =	vst v1;
	v1 =	vld [tilespmem:s7+$0x7900]  }
0x264: {  	[tilespmem:s7+$0x14880] =	vst v2;
	v2 =	vld [tilespmem:s7+$0x7910]  }
0x265: {  	[tilespmem:s7+$0x148A0] =	vst v4;
	v4 =	vld [tilespmem:s7+$0x7930]  }
0x266: {  	[tilespmem:s7+$0x14890] =	vst v3;
	v3 =	vld [tilespmem:s7+$0x7920]  }
0x267: {  	[tilespmem:s7+$0x148B0] =	vst v0;
	v0 =	vld [tilespmem:s7+$0x7980]  }
0x268: {  	[tilespmem:s7+$0x14900] =	vst v1;
	v1 =	vld [tilespmem:s7+$0x7990]  }
0x269: {  	[tilespmem:s7+$0x14910] =	vst v2;
	v2 =	vld [tilespmem:s7+$0x79A0]  }
0x26a: {  	[tilespmem:s7+$0x14930] =	vst v4;
	v4 =	vld [tilespmem:s7+$0x7A00]  }
0x26b: {  	[tilespmem:s7+$0x14920] =	vst v3;
	v3 =	vld [tilespmem:s7+$0x79B0]  }
0x26c: {  	[tilespmem:s7+$0x14980] =	vst v0;
	v0 =	vld [tilespmem:s7+$0x7A10]  }
0x26d: {  	[tilespmem:s7+$0x14990] =	vst v1;
	v1 =	vld [tilespmem:s7+$0x7A20]  }
0x26e: {  	[tilespmem:s7+$0x149A0] =	vst v2;
	v2 =	vld [tilespmem:s7+$0x7A30]  }
0x26f: {  	[tilespmem:s7+$0x14A00] =	vst v4;
	v4 =	vld [tilespmem:s7+$0x7A90]  }
0x270: {  	[tilespmem:s7+$0x149B0] =	vst v3;
	v3 =	vld [tilespmem:s7+$0x7A80]  }
0x271: {  	[tilespmem:s7+$0x14A10] =	vst v0;
	v0 =	vld [tilespmem:s7+$0x7AA0]  }
0x272: {  	[tilespmem:s7+$0x14A20] =	vst v1;
	v1 =	vld [tilespmem:s7+$0x7AB0]  }
0x273: {  	[tilespmem:s7+$0x14A30] =	vst v2;
	v2 =	vld [tilespmem:s7+$0x7B00]  }
0x274: {  	[tilespmem:s7+$0x14A90] =	vst v4;
	v4 =	vld [tilespmem:s7+$0x7B20]  }
0x275: {  	[tilespmem:s7+$0x14A80] =	vst v3;
	v3 =	vld [tilespmem:s7+$0x7B10]  }
0x276: {  	[tilespmem:s7+$0x14AA0] =	vst v0;
	v0 =	vld [tilespmem:s7+$0x7B30]  }
0x277: {  	[tilespmem:s7+$0x14AB0] =	vst v1;
	v1 =	vld [tilespmem:s7+$0x7B80]  }
0x278: {  	[tilespmem:s7+$0x14B00] =	vst v2;
	v2 =	vld [tilespmem:s7+$0x7B90]  }
0x279: {  	[tilespmem:s7+$0x14B20] =	vst v4;
	v4 =	vld [tilespmem:s7+$0x7BB0]  }
0x27a: {  	[tilespmem:s7+$0x14B10] =	vst v3;
	v3 =	vld [tilespmem:s7+$0x7BA0]  }
0x27b: {  	[tilespmem:s7+$0x14B30] =	vst v0;
	v0 =	vld [tilespmem:s7+$0x7C00]  }
0x27c: {  	[tilespmem:s7+$0x14B80] =	vst v1;
	v1 =	vld [tilespmem:s7+$0x7C10]  }
0x27d: {  	[tilespmem:s7+$0x14B90] =	vst v2;
	v2 =	vld [tilespmem:s7+$0x7C20]  }
0x27e: {  	[tilespmem:s7+$0x14BB0] =	vst v4;
	v4 =	vld [tilespmem:s7+$0x7C80]  }
0x27f: {  	[tilespmem:s7+$0x14BA0] =	vst v3;
	v3 =	vld [tilespmem:s7+$0x7C30]  }
0x280: {  	[tilespmem:s7+$0x14C00] =	vst v0;
	v0 =	vld [tilespmem:s7+$0x7C90]  }
0x281: {  	[tilespmem:s7+$0x14C10] =	vst v1;
	v1 =	vld [tilespmem:s7+$0x7CA0]  }
0x282: {  	[tilespmem:s7+$0x14C20] =	vst v2;
	v2 =	vld [tilespmem:s7+$0x7CB0]  }
0x283: {  	[tilespmem:s7+$0x14C80] =	vst v4;
	v4 =	vld [tilespmem:s7+$0x7D10]  }
0x284: {  	[tilespmem:s7+$0x14C30] =	vst v3;
	v3 =	vld [tilespmem:s7+$0x7D00]  }
0x285: {  	[tilespmem:s7+$0x14C90] =	vst v0;
	v0 =	vld [tilespmem:s7+$0x7D20]  }
0x286: {  	[tilespmem:s7+$0x14CA0] =	vst v1;
	v1 =	vld [tilespmem:s7+$0x7D30]  }
0x287: {  	[tilespmem:s7+$0x14CB0] =	vst v2;
	v2 =	vld [tilespmem:s7+$0x7D80]  }
0x288: {  	[tilespmem:s7+$0x14D10] =	vst v4;
	v4 =	vld [tilespmem:s7+$0x7DA0]  }
0x289: {  	[tilespmem:s7+$0x14D00] =	vst v3;
	v3 =	vld [tilespmem:s7+$0x7E10]  }
0x28a: {  	[tilespmem:s7+$0x14D20] =	vst v0;
	v0 =	vld [tilespmem:s7+$0x7E20]  }
0x28b: {  	[tilespmem:s7+$0x14D30] =	vst v1;
	v1 =	vld [tilespmem:s7+$0x7E30]  }
0x28c: {  	s17 =	simm.s32 $0x1;
	[tilespmem:s7+$0x14D80] =	vst v2;
	v2 =	vld [tilespmem:s7+$0x7E80]  }
0x28d: {  	s22 =	smul.u32 $0xD00, s17;
	s17 =	simm.s32 $0x2;
	[tilespmem:s7+$0x14DA0] =	vst v4;
	v4 =	vld [tilespmem:s7+$0x7E90]  }
.LBB2_9:
0x28e: {  	p0 =	sne.s32 s17, $0x7;
	[tilespmem:s7+$0x14E10] =	vst v3;
	v3 =	vld [tilespmem:s7+$0x7EA0]  }
0x28f: {  	v5 =	vld [tilespmem:s22+$0x7EB0];
	[tilespmem:s7+$0x14E20] =	vst v0  }
0x290: {  	v0 =	vld [tilespmem:s22+$0x7200];
	[tilespmem:s7+$0x14E30] =	vst v1  }
0x291: {  	v1 =	vld [tilespmem:s22+$0x7210];
	[tilespmem:s7+$0x14E80] =	vst v2  }
0x292: {  	v2 =	vld [tilespmem:s22+$0x7220];
	[tilespmem:s7+$0x14E90] =	vst v4  }
0x293: {  	v4 =	vld [tilespmem:s22+$0x7230];
	[tilespmem:s7+$0x14EA0] =	vst v3;
	s7 =	smov.u32 s22  }
0x294: {  	v3 =	vld [tilespmem:s7+$0x7280];
	[tilespmem:s7+$0x14EB0] =	vst v5  }
0x295: {  	[tilespmem:s7+$0x14200] =	vst v0;
	v0 =	vld [tilespmem:s7+$0x7290]  }
0x296: {  	[tilespmem:s7+$0x14210] =	vst v1;
	v1 =	vld [tilespmem:s7+$0x72A0]  }
0x297: {  	[tilespmem:s7+$0x14220] =	vst v2;
	v2 =	vld [tilespmem:s7+$0x72B0]  }
0x298: {  	[tilespmem:s7+$0x14230] =	vst v4;
	v4 =	vld [tilespmem:s7+$0x7300]  }
0x299: {  	[tilespmem:s7+$0x14280] =	vst v3;
	v3 =	vld [tilespmem:s7+$0x7310]  }
0x29a: {  	[tilespmem:s7+$0x14290] =	vst v0;
	v0 =	vld [tilespmem:s7+$0x7320]  }
0x29b: {  	[tilespmem:s7+$0x142A0] =	vst v1;
	v1 =	vld [tilespmem:s7+$0x7330]  }
0x29c: {  	[tilespmem:s7+$0x142B0] =	vst v2;
	v2 =	vld [tilespmem:s7+$0x7380]  }
0x29d: {  	[tilespmem:s7+$0x14300] =	vst v4;
	v4 =	vld [tilespmem:s7+$0x7390]  }
0x29e: {  	[tilespmem:s7+$0x14310] =	vst v3;
	v3 =	vld [tilespmem:s7+$0x73A0]  }
0x29f: {  	[tilespmem:s7+$0x14320] =	vst v0;
	v0 =	vld [tilespmem:s7+$0x73B0]  }
0x2a0: {  	[tilespmem:s7+$0x14330] =	vst v1;
	v1 =	vld [tilespmem:s7+$0x7400]  }
0x2a1: {  	[tilespmem:s7+$0x14380] =	vst v2;
	v2 =	vld [tilespmem:s7+$0x7410]  }
0x2a2: {  	[tilespmem:s7+$0x14390] =	vst v4;
	v4 =	vld [tilespmem:s7+$0x7420]  }
0x2a3: {  	[tilespmem:s7+$0x143A0] =	vst v3;
	v3 =	vld [tilespmem:s7+$0x7430]  }
0x2a4: {  	[tilespmem:s7+$0x143B0] =	vst v0;
	v0 =	vld [tilespmem:s7+$0x7480]  }
0x2a5: {  	[tilespmem:s7+$0x14400] =	vst v1;
	v1 =	vld [tilespmem:s7+$0x7490]  }
0x2a6: {  	[tilespmem:s7+$0x14410] =	vst v2;
	v2 =	vld [tilespmem:s7+$0x74A0]  }
0x2a7: {  	[tilespmem:s7+$0x14420] =	vst v4;
	v4 =	vld [tilespmem:s7+$0x74B0]  }
0x2a8: {  	[tilespmem:s7+$0x14430] =	vst v3;
	v3 =	vld [tilespmem:s7+$0x7500]  }
0x2a9: {  	[tilespmem:s7+$0x14480] =	vst v0;
	v0 =	vld [tilespmem:s7+$0x7510]  }
0x2aa: {  	[tilespmem:s7+$0x14490] =	vst v1;
	v1 =	vld [tilespmem:s7+$0x7520]  }
0x2ab: {  	[tilespmem:s7+$0x144A0] =	vst v2;
	v2 =	vld [tilespmem:s7+$0x7530]  }
0x2ac: {  	[tilespmem:s7+$0x144B0] =	vst v4;
	v4 =	vld [tilespmem:s7+$0x7580]  }
0x2ad: {  	[tilespmem:s7+$0x14500] =	vst v3;
	v3 =	vld [tilespmem:s7+$0x7590]  }
0x2ae: {  	[tilespmem:s7+$0x14510] =	vst v0;
	v0 =	vld [tilespmem:s7+$0x75A0]  }
0x2af: {  	[tilespmem:s7+$0x14520] =	vst v1;
	v1 =	vld [tilespmem:s7+$0x75B0]  }
0x2b0: {  	[tilespmem:s7+$0x14530] =	vst v2;
	v2 =	vld [tilespmem:s7+$0x7600]  }
0x2b1: {  	[tilespmem:s7+$0x14580] =	vst v4;
	v4 =	vld [tilespmem:s7+$0x7610]  }
0x2b2: {  	[tilespmem:s7+$0x14590] =	vst v3;
	v3 =	vld [tilespmem:s7+$0x7620]  }
0x2b3: {  	[tilespmem:s7+$0x145A0] =	vst v0;
	v0 =	vld [tilespmem:s7+$0x7630]  }
0x2b4: {  	[tilespmem:s7+$0x145B0] =	vst v1;
	v1 =	vld [tilespmem:s7+$0x7680]  }
0x2b5: {  	[tilespmem:s7+$0x14600] =	vst v2;
	v2 =	vld [tilespmem:s7+$0x7690]  }
0x2b6: {  	[tilespmem:s7+$0x14610] =	vst v4;
	v4 =	vld [tilespmem:s7+$0x76A0]  }
0x2b7: {  	[tilespmem:s7+$0x14620] =	vst v3;
	v3 =	vld [tilespmem:s7+$0x76B0]  }
0x2b8: {  	[tilespmem:s7+$0x14630] =	vst v0;
	v0 =	vld [tilespmem:s7+$0x7700]  }
0x2b9: {  	[tilespmem:s7+$0x14680] =	vst v1;
	v1 =	vld [tilespmem:s7+$0x7710]  }
0x2ba: {  	[tilespmem:s7+$0x14690] =	vst v2;
	v2 =	vld [tilespmem:s7+$0x7720]  }
0x2bb: {  	[tilespmem:s7+$0x146A0] =	vst v4;
	v4 =	vld [tilespmem:s7+$0x7730]  }
0x2bc: {  	[tilespmem:s7+$0x146B0] =	vst v3;
	v3 =	vld [tilespmem:s7+$0x7780]  }
0x2bd: {  	[tilespmem:s7+$0x14700] =	vst v0;
	v0 =	vld [tilespmem:s7+$0x7790]  }
0x2be: {  	[tilespmem:s7+$0x14710] =	vst v1;
	v1 =	vld [tilespmem:s7+$0x77A0]  }
0x2bf: {  	[tilespmem:s7+$0x14720] =	vst v2;
	v2 =	vld [tilespmem:s7+$0x77B0]  }
0x2c0: {  	[tilespmem:s7+$0x14730] =	vst v4;
	v4 =	vld [tilespmem:s7+$0x7800]  }
0x2c1: {  	[tilespmem:s7+$0x14780] =	vst v3;
	v3 =	vld [tilespmem:s7+$0x7810]  }
0x2c2: {  	[tilespmem:s7+$0x14790] =	vst v0;
	v0 =	vld [tilespmem:s7+$0x7820]  }
0x2c3: {  	[tilespmem:s7+$0x147A0] =	vst v1;
	v1 =	vld [tilespmem:s7+$0x7830]  }
0x2c4: {  	[tilespmem:s7+$0x147B0] =	vst v2;
	v2 =	vld [tilespmem:s7+$0x7880]  }
0x2c5: {  	[tilespmem:s7+$0x14800] =	vst v4;
	v4 =	vld [tilespmem:s7+$0x7890]  }
0x2c6: {  	[tilespmem:s7+$0x14810] =	vst v3;
	v3 =	vld [tilespmem:s7+$0x78A0]  }
0x2c7: {  	[tilespmem:s7+$0x14820] =	vst v0;
	v0 =	vld [tilespmem:s7+$0x78B0]  }
0x2c8: {  	[tilespmem:s7+$0x14830] =	vst v1;
	v1 =	vld [tilespmem:s7+$0x7900]  }
0x2c9: {  	[tilespmem:s7+$0x14880] =	vst v2;
	v2 =	vld [tilespmem:s7+$0x7910]  }
0x2ca: {  	[tilespmem:s7+$0x14890] =	vst v4;
	v4 =	vld [tilespmem:s7+$0x7920]  }
0x2cb: {  	[tilespmem:s7+$0x148A0] =	vst v3;
	v3 =	vld [tilespmem:s7+$0x7930]  }
0x2cc: {  	[tilespmem:s7+$0x148B0] =	vst v0;
	v0 =	vld [tilespmem:s7+$0x7980]  }
0x2cd: {  	[tilespmem:s7+$0x14900] =	vst v1;
	v1 =	vld [tilespmem:s7+$0x7990]  }
0x2ce: {  	[tilespmem:s7+$0x14910] =	vst v2;
	v2 =	vld [tilespmem:s7+$0x79A0]  }
0x2cf: {  	[tilespmem:s7+$0x14920] =	vst v4;
	v4 =	vld [tilespmem:s7+$0x79B0]  }
0x2d0: {  	[tilespmem:s7+$0x14930] =	vst v3;
	v3 =	vld [tilespmem:s7+$0x7A00]  }
0x2d1: {  	[tilespmem:s7+$0x14980] =	vst v0;
	v0 =	vld [tilespmem:s7+$0x7A10]  }
0x2d2: {  	[tilespmem:s7+$0x14990] =	vst v1;
	v1 =	vld [tilespmem:s7+$0x7A20]  }
0x2d3: {  	[tilespmem:s7+$0x149A0] =	vst v2;
	v2 =	vld [tilespmem:s7+$0x7A30]  }
0x2d4: {  	[tilespmem:s7+$0x149B0] =	vst v4;
	v4 =	vld [tilespmem:s7+$0x7A80]  }
0x2d5: {  	[tilespmem:s7+$0x14A00] =	vst v3;
	v3 =	vld [tilespmem:s7+$0x7A90]  }
0x2d6: {  	[tilespmem:s7+$0x14A10] =	vst v0;
	v0 =	vld [tilespmem:s7+$0x7AA0]  }
0x2d7: {  	[tilespmem:s7+$0x14A20] =	vst v1;
	v1 =	vld [tilespmem:s7+$0x7AB0]  }
0x2d8: {  	[tilespmem:s7+$0x14A30] =	vst v2;
	v2 =	vld [tilespmem:s7+$0x7B00]  }
0x2d9: {  	[tilespmem:s7+$0x14A80] =	vst v4;
	v4 =	vld [tilespmem:s7+$0x7B10]  }
0x2da: {  	[tilespmem:s7+$0x14A90] =	vst v3;
	v3 =	vld [tilespmem:s7+$0x7B20]  }
0x2db: {  	[tilespmem:s7+$0x14AA0] =	vst v0;
	v0 =	vld [tilespmem:s7+$0x7B30]  }
0x2dc: {  	[tilespmem:s7+$0x14AB0] =	vst v1;
	v1 =	vld [tilespmem:s7+$0x7B80]  }
0x2dd: {  	[tilespmem:s7+$0x14B00] =	vst v2;
	v2 =	vld [tilespmem:s7+$0x7B90]  }
0x2de: {  	[tilespmem:s7+$0x14B10] =	vst v4;
	v4 =	vld [tilespmem:s7+$0x7BA0]  }
0x2df: {  	[tilespmem:s7+$0x14B20] =	vst v3;
	v3 =	vld [tilespmem:s7+$0x7BB0]  }
0x2e0: {  	[tilespmem:s7+$0x14B30] =	vst v0;
	v0 =	vld [tilespmem:s7+$0x7C00]  }
0x2e1: {  	[tilespmem:s7+$0x14B80] =	vst v1;
	v1 =	vld [tilespmem:s7+$0x7C10]  }
0x2e2: {  	[tilespmem:s7+$0x14B90] =	vst v2;
	v2 =	vld [tilespmem:s7+$0x7C20]  }
0x2e3: {  	[tilespmem:s7+$0x14BA0] =	vst v4;
	v4 =	vld [tilespmem:s7+$0x7C30]  }
0x2e4: {  	[tilespmem:s7+$0x14BB0] =	vst v3;
	v3 =	vld [tilespmem:s7+$0x7C80]  }
0x2e5: {  	[tilespmem:s7+$0x14C00] =	vst v0;
	v0 =	vld [tilespmem:s7+$0x7C90]  }
0x2e6: {  	[tilespmem:s7+$0x14C10] =	vst v1;
	v1 =	vld [tilespmem:s7+$0x7CA0]  }
0x2e7: {  	[tilespmem:s7+$0x14C20] =	vst v2;
	v2 =	vld [tilespmem:s7+$0x7CB0]  }
0x2e8: {  	[tilespmem:s7+$0x14C30] =	vst v4;
	v4 =	vld [tilespmem:s7+$0x7D00]  }
0x2e9: {  	[tilespmem:s7+$0x14C80] =	vst v3;
	v3 =	vld [tilespmem:s7+$0x7D10]  }
0x2ea: {  	[tilespmem:s7+$0x14C90] =	vst v0;
	v0 =	vld [tilespmem:s7+$0x7D20]  }
0x2eb: {  	[tilespmem:s7+$0x14CA0] =	vst v1;
	v1 =	vld [tilespmem:s7+$0x7D30]  }
0x2ec: {  	[tilespmem:s7+$0x14CB0] =	vst v2;
	v2 =	vld [tilespmem:s7+$0x7D80]  }
0x2ed: {  	[tilespmem:s7+$0x14D00] =	vst v4;
	v4 =	vld [tilespmem:s7+$0x7D90]  }
0x2ee: {  	[tilespmem:s7+$0x14D10] =	vst v3;
	v5 =	vld [tilespmem:s7+$0x7DA0]  }
0x2ef: {  	[tilespmem:s7+$0x14D20] =	vst v0;
	v6 =	vld [tilespmem:s7+$0x7DB0]  }
0x2f0: {  	[tilespmem:s7+$0x14D30] =	vst v1;
	v7 =	vld [tilespmem:s7+$0x7E00]  }
.Ltmp6:
0x2f1: {  	[tilespmem:s7+$0x14D80] =	vst v2;
	v3 =	vld [tilespmem:s7+$0x7E10];
	(pc) =	sbr.rel @p0 .LBB2_9-.Ltmp6, $4  }
0x2f2: {  	[tilespmem:s7+$0x14D90] =	vst v4;
	v0 =	vld [tilespmem:s7+$0x7E20]  }
0x2f3: {  	[tilespmem:s7+$0x14DA0] =	vst v5;
	v1 =	vld [tilespmem:s7+$0x7E30]  }
0x2f4: {  	[tilespmem:s7+$0x14DB0] =	vst v6;
	v2 =	vld [tilespmem:s7+$0x7E80]  }
0x2f5: {  	s22 =	smul.u32 $0xD00, s17;
	s17 =	sadd.s32 $0x1, s17;
	[tilespmem:s7+$0x14E00] =	vst v7;
	v4 =	vld [tilespmem:s7+$0x7E90]  }
0x2f6: {  	[tilespmem:s7+$0x14E10] =	vst v3;
	v21 =	vld [tilespmem:s7+$0x7EA0]  }
0x2f7: {  	v5 =	vld [tilespmem:s22+$0x7EB0];
	[tilespmem:s7+$0x14E20] =	vst v0  }
0x2f8: {  	v0 =	vld [tilespmem:s22+$0x7200];
	[tilespmem:s7+$0x14E30] =	vst v1  }
0x2f9: {  	v1 =	vld [tilespmem:s22+$0x7210];
	[tilespmem:s7+$0x14E80] =	vst v2  }
0x2fa: {  	v2 =	vld [tilespmem:s22+$0x7220];
	[tilespmem:s7+$0x14E90] =	vst v4  }
0x2fb: {  	v4 =	vld [tilespmem:s22+$0x7230];
	[tilespmem:s7+$0x14EA0] =	vst v21  }
0x2fc: {  	v3 =	vld [tilespmem:s22+$0x7280];
	[tilespmem:s22+$0x14EB0] =	vst v5  }
0x2fd: {  	v22 =	vld [tilespmem:s22+$0x7290];
	[tilespmem:s22+$0x14200] =	vst v0  }
0x2fe: {  	v23 =	vld [tilespmem:s22+$0x72A0];
	[tilespmem:s22+$0x14210] =	vst v1  }
0x2ff: {  	v24 =	vld [tilespmem:s22+$0x72B0];
	[tilespmem:s22+$0x14220] =	vst v2  }
0x300: {  	v25 =	vld [tilespmem:s22+$0x7300];
	[tilespmem:s22+$0x14230] =	vst v4  }
0x301: {  	v26 =	vld [tilespmem:s22+$0x7310];
	[tilespmem:s22+$0x14280] =	vst v3  }
0x302: {  	v27 =	vld [tilespmem:s22+$0x7320];
	[tilespmem:s22+$0x14290] =	vst v22  }
0x303: {  	v28 =	vld [tilespmem:s22+$0x7330];
	[tilespmem:s22+$0x142A0] =	vst v23  }
0x304: {  	v29 =	vld [tilespmem:s22+$0x7380];
	[tilespmem:s22+$0x142B0] =	vst v24  }
0x305: {  	v30 =	vld [tilespmem:s22+$0x7390];
	[tilespmem:s22+$0x14300] =	vst v25  }
0x306: {  	v31 =	vld [tilespmem:s22+$0x73A0];
	[tilespmem:s22+$0x14310] =	vst v26  }
0x307: {  	v32 =	vld [tilespmem:s22+$0x73B0];
	[tilespmem:s22+$0x14320] =	vst v27  }
0x308: {  	v33 =	vld [tilespmem:s22+$0x7400];
	[tilespmem:s22+$0x14330] =	vst v28  }
0x309: {  	v34 =	vld [tilespmem:s22+$0x7410];
	[tilespmem:s22+$0x14380] =	vst v29  }
0x30a: {  	v35 =	vld [tilespmem:s22+$0x7420];
	[tilespmem:s22+$0x14390] =	vst v30  }
0x30b: {  	v36 =	vld [tilespmem:s22+$0x7430];
	[tilespmem:s22+$0x143A0] =	vst v31  }
0x30c: {  	v37 =	vld [tilespmem:s22+$0x7480];
	[tilespmem:s22+$0x143B0] =	vst v32  }
0x30d: {  	v38 =	vld [tilespmem:s22+$0x7490];
	[tilespmem:s22+$0x14400] =	vst v33  }
0x30e: {  	v39 =	vld [tilespmem:s22+$0x74A0];
	[tilespmem:s22+$0x14410] =	vst v34  }
0x30f: {  	v40 =	vld [tilespmem:s22+$0x74B0];
	[tilespmem:s22+$0x14420] =	vst v35  }
0x310: {  	v41 =	vld [tilespmem:s22+$0x7500];
	[tilespmem:s22+$0x14430] =	vst v36  }
0x311: {  	v42 =	vld [tilespmem:s22+$0x7510];
	[tilespmem:s22+$0x14480] =	vst v37  }
0x312: {  	v43 =	vld [tilespmem:s22+$0x7520];
	[tilespmem:s22+$0x14490] =	vst v38  }
0x313: {  	v44 =	vld [tilespmem:s22+$0x7530];
	[tilespmem:s22+$0x144A0] =	vst v39  }
0x314: {  	v45 =	vld [tilespmem:s22+$0x7580];
	[tilespmem:s22+$0x144B0] =	vst v40  }
0x315: {  	v46 =	vld [tilespmem:s22+$0x7590];
	[tilespmem:s22+$0x14500] =	vst v41  }
0x316: {  	v47 =	vld [tilespmem:s22+$0x75A0];
	[tilespmem:s22+$0x14510] =	vst v42  }
0x317: {  	v48 =	vld [tilespmem:s22+$0x75B0];
	[tilespmem:s22+$0x14520] =	vst v43  }
0x318: {  	v49 =	vld [tilespmem:s22+$0x7600];
	[tilespmem:s22+$0x14530] =	vst v44  }
0x319: {  	v50 =	vld [tilespmem:s22+$0x7610];
	[tilespmem:s22+$0x14580] =	vst v45  }
0x31a: {  	v51 =	vld [tilespmem:s22+$0x7620];
	[tilespmem:s22+$0x14590] =	vst v46  }
0x31b: {  	v52 =	vld [tilespmem:s22+$0x7630];
	[tilespmem:s22+$0x145A0] =	vst v47  }
0x31c: {  	v53 =	vld [tilespmem:s22+$0x7680];
	[tilespmem:s22+$0x145B0] =	vst v48  }
0x31d: {  	v54 =	vld [tilespmem:s22+$0x7690];
	[tilespmem:s22+$0x14600] =	vst v49  }
0x31e: {  	v55 =	vld [tilespmem:s22+$0x76A0];
	[tilespmem:s22+$0x14610] =	vst v50  }
0x31f: {  	v56 =	vld [tilespmem:s22+$0x76B0];
	[tilespmem:s22+$0x14620] =	vst v51  }
0x320: {  	v57 =	vld [tilespmem:s22+$0x7700];
	[tilespmem:s22+$0x14630] =	vst v52  }
0x321: {  	v58 =	vld [tilespmem:s22+$0x7710];
	[tilespmem:s22+$0x14680] =	vst v53  }
0x322: {  	v59 =	vld [tilespmem:s22+$0x7720];
	[tilespmem:s22+$0x14690] =	vst v54  }
0x323: {  	v60 =	vld [tilespmem:s22+$0x7730];
	[tilespmem:s22+$0x146A0] =	vst v55  }
0x324: {  	v61 =	vld [tilespmem:s22+$0x7780];
	[tilespmem:s22+$0x146B0] =	vst v56  }
0x325: {  	v62 =	vld [tilespmem:s22+$0x7790];
	[tilespmem:s22+$0x14700] =	vst v57  }
0x326: {  	v63 =	vld [tilespmem:s22+$0x77A0];
	[tilespmem:s22+$0x14710] =	vst v58  }
0x327: {  	v8 =	vld [tilespmem:s22+$0x77B0];
	[tilespmem:s22+$0x14720] =	vst v59  }
0x328: {  	v9 =	vld [tilespmem:s22+$0x7800];
	[tilespmem:s22+$0x14730] =	vst v60  }
0x329: {  	v10 =	vld [tilespmem:s22+$0x7810];
	[tilespmem:s22+$0x14780] =	vst v61  }
0x32a: {  	v11 =	vld [tilespmem:s22+$0x7820];
	[tilespmem:s22+$0x14790] =	vst v62  }
0x32b: {  	v12 =	vld [tilespmem:s22+$0x7830];
	[tilespmem:s22+$0x147A0] =	vst v63  }
0x32c: {  	v13 =	vld [tilespmem:s22+$0x7880];
	[tilespmem:s22+$0x147B0] =	vst v8  }
0x32d: {  	v14 =	vld [tilespmem:s22+$0x7890];
	[tilespmem:s22+$0x14800] =	vst v9  }
0x32e: {  	v15 =	vld [tilespmem:s22+$0x78A0];
	[tilespmem:s22+$0x14810] =	vst v10  }
0x32f: {  	v16 =	vld [tilespmem:s22+$0x78B0];
	[tilespmem:s22+$0x14820] =	vst v11  }
0x330: {  	v17 =	vld [tilespmem:s22+$0x7900];
	[tilespmem:s22+$0x14830] =	vst v12  }
0x331: {  	v18 =	vld [tilespmem:s22+$0x7910];
	[tilespmem:s22+$0x14880] =	vst v13  }
0x332: {  	v19 =	vld [tilespmem:s22+$0x7920];
	[tilespmem:s22+$0x14890] =	vst v14  }
0x333: {  	v20 =	vld [tilespmem:s22+$0x7930];
	[tilespmem:s22+$0x148A0] =	vst v15  }
0x334: {  	v21 =	vld [tilespmem:s22+$0x7980];
	[tilespmem:s22+$0x148B0] =	vst v16  }
0x335: {  	[tilespmem:s22+$0x14900] =	vst v17;
	v22 =	vld [tilespmem:s22+$0x7990]  }
0x336: {  	[tilespmem:s22+$0x14910] =	vst v18;
	v23 =	vld [tilespmem:s22+$0x79A0]  }
0x337: {  	[tilespmem:s22+$0x14920] =	vst v19;
	v24 =	vld [tilespmem:s22+$0x79B0]  }
0x338: {  	[tilespmem:s22+$0x14930] =	vst v20;
	v25 =	vld [tilespmem:s22+$0x7A00]  }
0x339: {  	[tilespmem:s22+$0x14980] =	vst v21;
	v26 =	vld [tilespmem:s22+$0x7A10]  }
0x33a: {  	v27 =	vld [tilespmem:s22+$0x7A20];
	[tilespmem:s22+$0x14990] =	vst v22  }
0x33b: {  	v28 =	vld [tilespmem:s22+$0x7A30];
	[tilespmem:s22+$0x149A0] =	vst v23  }
0x33c: {  	v29 =	vld [tilespmem:s22+$0x7A80];
	[tilespmem:s22+$0x149B0] =	vst v24  }
0x33d: {  	v30 =	vld [tilespmem:s22+$0x7A90];
	[tilespmem:s22+$0x14A00] =	vst v25  }
0x33e: {  	v31 =	vld [tilespmem:s22+$0x7AA0];
	[tilespmem:s22+$0x14A10] =	vst v26  }
0x33f: {  	v32 =	vld [tilespmem:s22+$0x7AB0];
	[tilespmem:s22+$0x14A20] =	vst v27  }
0x340: {  	v33 =	vld [tilespmem:s22+$0x7B00];
	[tilespmem:s22+$0x14A30] =	vst v28  }
0x341: {  	v34 =	vld [tilespmem:s22+$0x7B10];
	[tilespmem:s22+$0x14A80] =	vst v29  }
0x342: {  	v35 =	vld [tilespmem:s22+$0x7B20];
	[tilespmem:s22+$0x14A90] =	vst v30  }
0x343: {  	v36 =	vld [tilespmem:s22+$0x7B30];
	[tilespmem:s22+$0x14AA0] =	vst v31  }
0x344: {  	v37 =	vld [tilespmem:s22+$0x7B80];
	[tilespmem:s22+$0x14AB0] =	vst v32  }
0x345: {  	v38 =	vld [tilespmem:s22+$0x7B90];
	[tilespmem:s22+$0x14B00] =	vst v33  }
0x346: {  	v39 =	vld [tilespmem:s22+$0x7BA0];
	[tilespmem:s22+$0x14B10] =	vst v34  }
0x347: {  	v40 =	vld [tilespmem:s22+$0x7BB0];
	[tilespmem:s22+$0x14B20] =	vst v35  }
0x348: {  	v41 =	vld [tilespmem:s22+$0x7C00];
	[tilespmem:s22+$0x14B30] =	vst v36  }
0x349: {  	v42 =	vld [tilespmem:s22+$0x7C10];
	[tilespmem:s22+$0x14B80] =	vst v37  }
0x34a: {  	v43 =	vld [tilespmem:s22+$0x7C20];
	[tilespmem:s22+$0x14B90] =	vst v38  }
0x34b: {  	v44 =	vld [tilespmem:s22+$0x7C30];
	[tilespmem:s22+$0x14BA0] =	vst v39  }
0x34c: {  	v45 =	vld [tilespmem:s22+$0x7C80];
	[tilespmem:s22+$0x14BB0] =	vst v40  }
0x34d: {  	v46 =	vld [tilespmem:s22+$0x7C90];
	[tilespmem:s22+$0x14C00] =	vst v41  }
0x34e: {  	v47 =	vld [tilespmem:s22+$0x7CA0];
	[tilespmem:s22+$0x14C10] =	vst v42  }
0x34f: {  	v48 =	vld [tilespmem:s22+$0x7CB0];
	[tilespmem:s22+$0x14C20] =	vst v43  }
0x350: {  	v49 =	vld [tilespmem:s22+$0x7D00];
	[tilespmem:s22+$0x14C30] =	vst v44  }
0x351: {  	v50 =	vld [tilespmem:s22+$0x7D10];
	[tilespmem:s22+$0x14C80] =	vst v45  }
0x352: {  	v51 =	vld [tilespmem:s22+$0x7D20];
	[tilespmem:s22+$0x14C90] =	vst v46  }
0x353: {  	v52 =	vld [tilespmem:s22+$0x7D30];
	[tilespmem:s22+$0x14CA0] =	vst v47  }
0x354: {  	v53 =	vld [tilespmem:s22+$0x7D80];
	[tilespmem:s22+$0x14CB0] =	vst v48  }
0x355: {  	v54 =	vld [tilespmem:s22+$0x7D90];
	[tilespmem:s22+$0x14D00] =	vst v49  }
0x356: {  	v55 =	vld [tilespmem:s22+$0x7DA0];
	[tilespmem:s22+$0x14D10] =	vst v50  }
0x357: {  	v56 =	vld [tilespmem:s22+$0x7DB0];
	[tilespmem:s22+$0x14D20] =	vst v51  }
0x358: {  	v57 =	vld [tilespmem:s22+$0x7E00];
	[tilespmem:s22+$0x14D30] =	vst v52  }
0x359: {  	v58 =	vld [tilespmem:s22+$0x7E10];
	[tilespmem:s22+$0x14D80] =	vst v53  }
0x35a: {  	v59 =	vld [tilespmem:s22+$0x7E20];
	[tilespmem:s22+$0x14D90] =	vst v54  }
0x35b: {  	v60 =	vld [tilespmem:s22+$0x7E30];
	[tilespmem:s22+$0x14DA0] =	vst v55  }
0x35c: {  	v61 =	vld [tilespmem:s22+$0x7E80];
	[tilespmem:s22+$0x14DB0] =	vst v56  }
0x35d: {  	v62 =	vld [tilespmem:s22+$0x7E90];
	[tilespmem:s22+$0x14E00] =	vst v57  }
0x35e: {  	v63 =	vld [tilespmem:s22+$0x7EA0];
	[tilespmem:s22+$0x14E10] =	vst v58  }
0x35f: {  	[tilespmem:s22+$0x14E20] =	vst v59  }
0x360: {  	[tilespmem:s22+$0x14E30] =	vst v60  }
0x361: {  	[tilespmem:s22+$0x14E80] =	vst v61  }
0x362: {  	s2 =	sor.u32 $0x1000, s2;
	[tilespmem:s22+$0x14E90] =	vst v62  }
0x363: {  	s17 =	simm.s32 $0x14200;
	[tilespmem:s22+$0x14EA0] =	vst v63;
	s22 =	sadd.s32 s5, s2  }
0x364: {  	[hbm4b:s22+s3] =	stream.linear.scatter [tilespmem:s17], [sflag:$0x4], $0xD00, $0x38;
	[tilespmem:$0x1AA00] =	vst v63  }
0x365: {  	s17 =	sadd.s32 s2, s8  }
0x366: {  	[hbm4b:s17+s3] =	stream.linear.scatter [tilespmem:s15], [sflag:$0x4], $0xD00, $0x38;
	[tilespmem:$0x1AA00] =	vst v63  }
0x367: {  	s22 =	sadd.s32 s2, s9  }
0x368: {  	[hbm4b:s22+s3] =	stream.linear.scatter [tilespmem:s23], [sflag:$0x4], $0xD00, $0x38;
	[tilespmem:$0x1AA00] =	vst v63  }
0x369: {  	s17 =	sadd.s32 s2, s10  }
0x36a: {  	[hbm4b:s17+s3] =	stream.linear.scatter [tilespmem:s24], [sflag:$0x4], $0xD00, $0x38;
	[tilespmem:$0x1AA00] =	vst v63  }
0x36b: {  	s22 =	sadd.s32 s2, s11  }
0x36c: {  	[hbm4b:s22+s3] =	stream.linear.scatter [tilespmem:s25], [sflag:$0x4], $0xD00, $0x38;
	[tilespmem:$0x1AA00] =	vst v63  }
0x36d: {  	p0 =	seq.s32 s31, $0x1F;
	s17 =	sadd.s32 s2, s12  }
0x36e: {  	[hbm4b:s17+s3] =	stream.linear.scatter [tilespmem:s28], [sflag:$0x4], $0xD00, $0x38;
	[tilespmem:$0x1AA00] =	vst v63  }
.Ltmp7:
0x36f: {  	_ = 	snop;
	(pc) =	sbr.rel @p0 .LBB2_12-.Ltmp7, $4  }
0x370: {  	s22 =	sadd.s32 s2, s13  }
0x371: {  	[hbm4b:s22+s3] =	stream.linear.scatter [tilespmem:s29], [sflag:$0x4], $0xD00, $0x38;
	[tilespmem:$0x1AA00] =	vst v63  }
0x372: {  	s2 =	sadd.s32 s2, s14  }
0x373: {  	[hbm4b:s2+s3] =	stream.linear.scatter [tilespmem:s30], [sflag:$0x4], $0xD00, $0x38;
	[tilespmem:$0x1AA00] =	vst v63  }
0x374: {  	s0 =	sadd.s32 s0, s16  }
0x375: {  	s0 =	sshll.u32 s0, $0x7  }
0x376: {  	s2 =	simm.s32 $0x400;
	s0 =	sadd.s32 s1, s0  }
0x377: {  	[tilespmem:s2], [sflag:$0x5] =	stream.linear.gather [hbm4b:s0+s3], $0x400, $0x38;
	[tilespmem:$0x1AA00] =	vst v63  }
0x378: {  	_ =	swait.ge [sflag:s19], $0x400  }
0x379: {  	[sflag:s19] =	ssyncset.done $0x0  }
0x37a: {  	[sflag:s19] =	ssyncadd.s32 $0xFFFFFC00  }
0x37b: {  	v0 =	vld [tilespmem:$0x400]  }
0x37c: {  	v2 =	vld [tilespmem:$0x480]  }
0x37d: {  	v4 =	vld [tilespmem:$0x500]  }
0x37e: {  	v54 =	vld [tilespmem:$0x580]  }
0x37f: {  	v56 =	vld [tilespmem:$0x600]  }
0x380: {  	v58 =	vld [tilespmem:$0x680];
	[tilespmem:$0x900] =	vst v0  }
0x381: {  	v60 =	vld [tilespmem:$0x700];
	[tilespmem:$0x91A] =	vst v2  }
0x382: {  	v62 =	vld [tilespmem:$0x780];
	[tilespmem:$0x934] =	vst v4  }
0x383: {  	v1 =	vld [tilespmem:$0x40A];
	[tilespmem:$0x94E] =	vst v54  }
0x384: {  	v3 =	vld [tilespmem:$0x48A];
	[tilespmem:$0x968] =	vst v56  }
0x385: {  	v53 =	vld [tilespmem:$0x50A];
	[tilespmem:$0x982] =	vst v58  }
0x386: {  	v55 =	vld [tilespmem:$0x58A];
	[tilespmem:$0x99C] =	vst v60  }
0x387: {  	v57 =	vld [tilespmem:$0x60A];
	[tilespmem:$0x9B6] =	vst v62  }
0x388: {  	v59 =	vld [tilespmem:$0x68A];
	[tilespmem:$0x90A] =	vst v1  }
0x389: {  	v61 =	vld [tilespmem:$0x70A];
	[tilespmem:$0x924] =	vst v3  }
0x38a: {  	v63 =	vld [tilespmem:$0x78A];
	[tilespmem:$0x93E] =	vst v53  }
0x38b: {  	[tilespmem:$0x958] =	vst v55  }
.Ltmp8:
0x38c: {  	[tilespmem:$0x972] =	vst v57;
	(pc) =	sbr.rel .LBB2_2-.Ltmp8, $4  }
0x38d: {  	[tilespmem:$0x98C] =	vst v59  }
0x38e: {  	[tilespmem:$0x9A6] =	vst v61  }
0x38f: {  	s17 =	simm.s32 $0x900;
	s22 =	simm.s32 $0x7200;
	s31 =	sadd.s32 $0x1, s31;
	[tilespmem:$0x9C0] =	vst v63  }
0x390: {  	[tilespmem:s22], [sflag:$0x2] =	stream.indirect.gather [hbm4b:s4+s20], $0x80, s17, s20, $0xb8;
	[tilespmem:$0x1AA00] =	vst v63  }
.LBB2_13:
0x391: {  	_ =	sfence.sel $0x180000  }
0x392: {  	[bflag:$0x0] =	sbarrier.arrive $0xFFFF  }
0x393: {  	_ =	strace $0x9000004A  }
0x394: {  	s0 =	stileid.u32;
	[bflag:$0x2] =	sbarrier.arrive $0xFFFF  }
0x395: {  	p0 =	sne.s32 s0, $0x0;
	s0 =	rddreg [dreg:$0x2]  }
0x396: {  	s0 =	sadd.s32 @!p0 $0x100000, s0  }
0x397: {  	[sflag:s0] =	ssyncadd.tile.s32 @!p0 $0x1;
	_ =	shalt  }
.Lfunc_end2:
_tile_overlayer_lowered:
.L_overlay_start_2:
0x398: {  	(tag) =	ssettag $0x2  }
0x399: {  	s0 =	rddreg [dreg:$0x0];
	s2 =	stileid.u32  }
0x39a: {  	s1 =	rddreg [dreg:$0x1];
	p0 =	sne.s32 s2, $0x0  }
0x39b: {  	s3 =	rddreg [dreg:$0x2];
	[bflag:$0x3] =	sbarrier.arrive $0xFFFF;
	s2 =	simm.s32 @!p0 $0x1C05  }
0x39c: {  	[timem:s3], [sflag:s2] =	dma.local @!p0 [hbm:s0], s1  }
0x39d: {  	s0 =	simm.s32 @!p0 $0x5  }
0x39e: {  	_ =	swait.ge @!p0 [sflag:s0], s1  }
0x39f: {  	s1 =	ssub.s32 @!p0 $0x0, s1;
	[sflag:s0] =	ssyncset.done @!p0 $0x0  }
0x3a0: {  	[sflag:s0] =	ssyncadd.s32 @!p0 s1  }
0x3a1: {  	[bflag:$0x3] =	sbarrier.arrive $0xFFFF  }
0x3a2: {  	_ =	shalt  }

// kernel: sparse-core-data-format-call.1.cloned.1.call-start
scs
called_computation.1_lowered:
.L_overlay_start_0:
0x0: {  	s2 =	sld [smem:$0x3FD9]  }
0x1: {  	s3 =	sld [smem:$0x3FFE];
	_ =	sdelay $0x1  }
0x2: {  	s1 =	srdreg.scid  }
0x3: {  	s0 =	sand.u32 $0x1, s1  }
0x4: {  	s18 =	sshll.u32 s0, $0xA;
	s2 =	sadd.s32 s3, s2  }
0x5: {  	s2 =	sadd.s32 s2, s18  }
0x6: {  	[smem:$0x3FC6] =	sst s2  }
0x7: {  	_ = 	snop  }
0x8: {  	s2 =	sld [smem:$0x3FC8];
	(tm) =	ssettm $0x1  }
0x9: {  	s19 =	sld [smem:$0x3FFB];
	_ =	sdelay $0x3  }
0xa: {  	_ =	strace s19  }
0xb: {  	s3 =	sld [smem:$0x3FFC];
	_ =	sdelay $0x3  }
0xc: {  	_ =	strace s3  }
0xd: {  	s3 =	sld [smem:$0x3FFD];
	_ =	sdelay $0x3  }
0xe: {  	_ =	strace s3  }
0xf: {  	_ =	strace $0x8FFFFFFF  }
0x10: {  	s20 =	sld [smem:$0x3FDB];
	_ =	sdelay $0x1  }
0x11: {  	s4 =	simm.s32 $_scs_section_size  }
0x12: {  	s5 =	simm.s32 $_size__tile_overlayer_lowered;
	s6 =	simm.s32 $_tile_overlayer_lowered  }
0x13: {  	s23 =	simm.s32 $0x1BFF;
	s22 =	sshll.u32 s6, $0x1;
	s3 =	sadd.s32 s4, s20  }
0x14: {  	s7 =	simm.s32 $0x0;
	s21 =	sshll.u32 s5, $0x1;
	s5 =	sadd.s32 s22, s3  }
0x15: {  	[timem:s7], [sflag:s23] =	dma.local [hbm:s5], s21  }
0x16: {  	_ =	swait.ge [sflag:s23], s21  }
0x17: {  	s4 =	ssub.s32 $0x0, s21;
	[sflag:s23] =	ssyncset.done $0x0  }
0x18: {  	[sflag:s23] =	ssyncadd.s32 s4;
	_ =	sdelay $0x1  }
0x19: {  	s24 =	simm.s32 $0x1B8B  }
0x1a: {  	_ =	swait.ge [sflag:s24], $0x1  }
0x1b: {  	[sflag:s24] =	ssyncset.done $0x0  }
0x1c: {  	s26 =	simm.s32 $0x1B8E;
	s25 =	sld [smem:$0x3FFE];
	[sflag:s24] =	ssyncadd.s32 $0xFFFFFFFF  }
0x1d: {  	s27 =	simm.s32 $execute0_lowered;
	[smem:$0x3FD2] =	sst s26  }
0x1e: {  	s5 =	sshll.u32 s27, $0x1;
	_ =	strace $0x80000046;
	[dreg:$0x1] =	wrdreg $0xFFFFFFFF  }
0x1f: {  	s28 =	simm.s32 $_size_execute0_lowered;
	s3 =	sadd.s32 s3, s5;
	[dreg:$0x0] =	wrdreg $0x0  }
0x20: {  	s5 =	sshll.u32 s28, $0x1;
	[dreg:$0x2] =	wrdreg s3  }
0x21: {  	[dreg:$0x3] =	wrdreg s5  }
0x22: {  	[dreg:$0x4] =	wrdreg $0xC0  }
0x23: {  	_ =	task [dreg:s7], $0x5FFFF  }
0x24: {  	[dreg:$0x1] =	wrdreg $0xFFFFFFFF  }
0x25: {  	[dreg:$0x0] =	wrdreg $0x60  }
0x26: {  	[dreg:$0x2] =	wrdreg s2  }
0x27: {  	[dreg:$0x3] =	wrdreg s25  }
0x28: {  	[dreg:$0x4] =	wrdreg $0x9  }
0x29: {  	_ =	task.clear_ibuf [dreg:s7], $0x5FFFF;
	_ =	strace $0x90000046  }
0x2a: {  	s29 =	simm.s32 $0x9;
	_ =	strace $0x80000048  }
0x2b: {  	_ =	swait.ge [sflag:s29], $0x1  }
0x2c: {  	[sflag:s29] =	ssyncadd.s32 $0xFFFFFFFF  }
0x2d: {  	_ =	strace $0x90000048  }
0x2e: {  	_ =	sfence  }
0x2f: {  	s30 =	sld [smem:$0x0];
	_ =	sdelay $0x2  }
0x30: {  	s31 =	sshll.u32 s1, $0xD;
	s1 =	sshrl.u32 s1, $0x2  }
0x31: {  	s3 =	sand.u32 $0x4000, s31;
	s1 =	sadd.s32 s1, s30  }
0x32: {  	s0 =	sor.u32 s3, s0;
	s1 =	sshll.u32 s1, $0x11  }
0x33: {  	s0 =	sor.u32 s1, s0  }
0x34: {  	s0 =	sadd.s32 $0x8F2B, s0  }
0x35: {  	[sflag:s0] =	ssyncadd.remote.s32 $0x1  }
0x36: {  	_ =	sfence.sel $0xFFFF  }
0x37: {  	[dreg:$0x0] =	wrdreg $0xFFFFFFFF;
	(pc) =	sbr.abs _section_cstart, $3  }
0x38: {  	[dreg:$0x1] =	wrdreg $0xFFFFFFFF  }
0x39: {  	_ =	task.clear_ibuf [dreg:s7], $0x2FFFF;
	_ =	strace $0x9FFFFFFF  }
0x3a: {  	(tm) =	ssettm $0x7FFFFFFF  }
0x3b: {  	_ =	shalt  }
tec
execute0_lowered:
.L_overlay_start_1:
0x0: {  	(tag) =	ssettag $0x1  }
0x1: {  	s0 =	srdreg.scid;
	s2 =	rddreg [dreg:$0x0]  }
0x2: {  	s5 =	rddreg [dreg:$0x1];
	s1 =	stileid.u32  }
0x3: {  	s4 =	simm.s32 $0x1;
	s6 =	simm.s32 $0x2;
	s15 =	simm.s32 $0x0  }
0x4: {  	p0 =	por $0x0, $0x0;
	s8 =	simm.s32 $0x80;
	s0 =	sshll.u32 s0, $0x4  }
0x5: {  	s14 =	simm.s32 $0x0;
	s9 =	simm.s32 $0x0;
	s3 =	sand.u32 $0x10, s0  }
.Ltmp0:
0x6: {  	s10 =	simm.s32 $0x0;
	s3 =	sor.u32 s1, s3;
	(pc) =	sbr.rel .LBB1_1-.Ltmp0, $4  }
0x7: {  	s0 =	rddreg [dreg:$0x2];
	_ =	strace $0x80000047;
	s3 =	sshll.u32 s3, $0x7  }
0x8: {  	s12 =	simm.s32 $0x0;
	[sflag:s4] =	ssyncpa.u1 $0x0;
	s7 =	ssub.s32 $0xF4200, s3  }
0x9: {  	s13 =	simm.s32 $0x0;
	[sflag:s6] =	ssyncpa.u1 $0x0;
	s6 =	sshrl.u32 s7, $0xC  }
0xa: {  	s5 =	sadd.s32 $0xE00, s5;
	s11 =	smov.u32 s3;
	s7 =	sadd.s32 $0x2, s6  }
.LBB1_5:
0xb: {  	p1 =	slt.u32 s13, $0x2  }
0xc: {  	s17 =	smov.u32 s15;
	p2 =	sgt.s32 @!p1 s15, $0xF41C0;
	s16 =	sshra.s32 @!p1 s15, $0x1F  }
0xd: {  	p3 =	sgt.s32 @!p1 s14, $0x40;
	s18 =	sshra.s32 @!p1 s14, $0x1F;
	p2 =	por !p2, p1  }
0xe: {  	s15 =	sand.u32 @!p1 s16, s15;
	p3 =	por !p3, p1;
	s16 =	smov.u32 s14  }
0xf: {  	s14 =	sand.u32 @!p1 s18, s14;
	s17 =	simm.s32 @p2 $0xF41C0;
	s16 =	simm.s32 @p3 $0x40  }
0x10: {  	s15 =	ssub.s32 @!p1 s17, s15;
	s14 =	ssub.s32 @!p1 s16, s14  }
0x11: {  	s18 =	smov.u32 s12;
	s16 =	sadd.s32 @!p1 $0xFFF0BE40, s15;
	s17 =	sadd.s32 @!p1 $0xFFFFFFC0, s14  }
0x12: {  	s15 =	ssub.s32 @!p1 $0xF4240, s15;
	p2 =	sgt.s32 @!p1 s16, $0x7F;
	p3 =	sgt.s32 @!p1 s17, $0x3F  }
0x13: {  	s14 =	ssub.s32 @!p1 $0x80, s14;
	p2 =	por !p2, p1;
	p3 =	por !p3, p1  }
0x14: {  	s16 =	sadd.s32 $0x1000, s11;
	s15 =	simm.s32 @!p2 $0x0;
	s14 =	simm.s32 @!p3 $0x0  }
0x15: {  	p2 =	sgt.s32 s16, $0xF423F;
	s14 =	smul.u32 @!p1 s14, s15;
	s15 =	sadd.s32 $0x40, s12  }
0x16: {  	s18 =	smov.u32 @p2 s15  }
0x17: {  	s16 =	smov.u32 @p2 s3;
	p2 =	sgt.s32 s18, $0x3F  }
0x18: {  	s18 =	simm.s32 @p2 $0x0;
	p2 =	sne.s32 s13, s7  }
.Ltmp1:
0x19: {  	p0 =	por !p0, !p0;
	s17 =	simm.s32 @!p1 $0x2;
	(pc) =	sbr.rel @!p2 .LBB1_6-.Ltmp1, $4  }
0x1a: {  	s15 =	smov.u32 s9;
	s9 =	smov.u32 s11;
	s14 =	sand.u32 @!p1 $0x3FFFFFFF, s14  }
0x1b: {  	s11 =	smov.u32 s16;
	_ =	swait.ge @!p1 [sflag:s17], s14;
	s19 =	ssub.s32 @!p1 $0x0, s14  }
0x1c: {  	s14 =	smov.u32 s10;
	s13 =	sadd.s32 $0x1, s13;
	[sflag:s17] =	ssyncset.done @!p1 $0x0  }
0x1d: {  	s10 =	smov.u32 s12;
	s12 =	smov.u32 s18;
	[sflag:s17] =	ssyncadd.s32 @!p1 s19  }
.LBB1_1:
0x1e: {  	p1 =	sgt.u32 s13, s6  }
0x1f: {  	s16 =	sshrl.u32 @!p1 s12, $0x3  }
0x20: {  	s17 =	sshll.u32 @!p1 s11, $0x3;
	s16 =	smul.u32 @!p1 $0x7A1400, s16  }
0x21: {  	s18 =	sshll.u32 @!p1 s12, $0x7;
	s17 =	sand.u32 @!p1 $0xFFFFFC00, s17  }
0x22: {  	s16 =	sadd.s32 @!p1 s16, s17;
	s17 =	sand.u32 @!p1 $0x380, s18  }
0x23: {  	s18 =	sand.u32 @!p1 $0x7F, s11;
	s16 =	sor.u32 @!p1 s17, s16  }
0x24: {  	s17 =	sor.u32 @!p1 s18, s16  }
0x25: {  	s18 =	smulhi.u32 @!p1 $0x218D6287, s17;
	_ =	sdelay $0x1  }
0x26: {  	s16 =	smulhi.u32 @!p1 $0x218D6287, s16;
	s18 =	sshrl.u32 @!p1 s18, $0x11  }
0x27: {  	s18 =	smul.u32 @!p1 $0xF4280, s18  }
0x28: {  	s19 =	sxor.u32 @!p1 $0xFFFFFFFF, s13;
	s16 =	sshrl.u32 @!p1 s16, $0x11  }
0x29: {  	s19 =	sshll.u32 @!p1 s19, $0xD;
	s16 =	sand.u32 @!p1 $0x3F, s16;
	s17 =	ssub.s32 @!p1 s17, s18  }
0x2a: {  	s16 =	smul.u32 @!p1 $0x1E850, s16;
	s18 =	sshrl.u32 @!p1 s17, $0x3;
	s17 =	sand.u32 @!p1 $0x7, s17  }
0x2b: {  	s19 =	sand.u32 @!p1 $0x2000, s19;
	s18 =	sadd.s32 @!p1 s2, s18;
	s17 =	sshll.u32 @!p1 s17, $0x12  }
0x2c: {  	s16 =	sadd.s32 @!p1 s16, s18;
	s17 =	sor.u32 @!p1 $0x400, s17;
	s18 =	simm.s32 @!p1 $0x7A1400  }
0x2d: {  	[tilespmem:s19], [sflag:$0x1] =	stream.strided.gather @!p1 [hbm4b:s16+s17], $0x2000, s18, s17, $0x38;
	[tilespmem:$0x8100] =	vst v63  }
0x2e: {  	p1 =	seq.s32 s13, $0x0  }
0x2f: {  	p2 =	sge.u32 @!p1 s13, s7  }
0x30: {  	p1 =	por p1, p2  }
.Ltmp2:
0x31: {  	_ = 	snop;
	(pc) =	sbr.rel @p1 .LBB1_5-.Ltmp2, $1  }
0x32: {  	_ =	sdelay $0x3  }
0x33: {  	s16 =	simm.s32 $0x1  }
0x34: {  	_ =	swait.ge [sflag:s4], $0x2000;
	s16 =	simm.s32 @!p0 $0x0  }
0x35: {  	[sflag:s4] =	ssyncset.done $0x0;
	s17 =	sshll.u32 s16, $0xD  }
0x36: {  	[sflag:s4] =	ssyncadd.s32 $0xFFFFE000;
	s17 =	sor.u32 $0x40, s17  }
0x37: {  	s16 =	smul.u32 $0x8200, s16;
	v0 =	vld [tilespmem:s17+$0x30]  }
0x38: {  	v1 =	vld [tilespmem:s17+$0xFFFFFFD0]  }
0x39: {  	s16 =	sshrl.u32 s16, $0x2;
	v5 =	vld [tilespmem:s17+$0xFFFFFFE0]  }
0x3a: {  	v6 =	vld [tilespmem:s17+$0xFFFFFFF0];
	s19 =	sor.u32 $0x4000, s16  }
0x3b: {  	s31 =	sand.u32 $0x1, s13;
	v4 =	vld [tilespmem:s17+$0x0];
	s18 =	sadd.s32 $0x0, s19  }
0x3c: {  	v3 =	vld [tilespmem:s17+$0x10];
	s16 =	smul.u32 $0x8200, s31;
	[tilespmem:s18+$0x1C70 ss:$0x41] =	vst.msk $0xffff, v0  }
0x3d: {  	v2 =	vld [tilespmem:s17+$0x20];
	[tilespmem:s18+$0x410 ss:$0x41] =	vst.msk $0xffff, v1  }
0x3e: {  	s16 =	sshrl.u32 s16, $0x2;
	v1 =	vld [tilespmem:s17+$0xFFFFFFC0];
	[tilespmem:s18+$0x820 ss:$0x41] =	vst.msk $0xffff, v5;
	s17 =	sadd.s32 $0x80, s17  }
0x3f: {  	s20 =	simm.s32 $0x4;
	s21 =	simm.s32 $0x8;
	s16 =	sor.u32 $0x4000, s16;
	[tilespmem:s18+$0xC30 ss:$0x41] =	vst.msk $0xffff, v6;
	v0 =	vld [tilespmem:s17+$0x30]  }
.LBB1_3:
0x40: {  	p1 =	sne.s32 s21, $0xFC;
	v5 =	vld [tilespmem:s17+$0xFFFFFFD0];
	[tilespmem:s18+$0x1040 ss:$0x41] =	vst.msk $0xffff, v4  }
0x41: {  	v6 =	vld [tilespmem:s17+$0xFFFFFFE0];
	[tilespmem:s18+$0x1450 ss:$0x41] =	vst.msk $0xffff, v3  }
0x42: {  	s22 =	sshra.s32 s20, $0x2;
	s20 =	smov.u32 s21;
	v7 =	vld [tilespmem:s17+$0xFFFFFFF0];
	[tilespmem:s18+$0x1860 ss:$0x41] =	vst.msk $0xffff, v2  }
.Ltmp3:
0x43: {  	v4 =	vld [tilespmem:s17+$0x0];
	[tilespmem:s18+$0x0 ss:$0x41] =	vst.msk $0xffff, v1;
	s18 =	sadd.s32 s22, s19;
	(pc) =	sbr.rel @p1 .LBB1_3-.Ltmp3, $4  }
0x44: {  	v3 =	vld [tilespmem:s17+$0x10];
	[tilespmem:s18+$0x1C70 ss:$0x41] =	vst.msk $0xffff, v0  }
0x45: {  	[tilespmem:s18+$0x410 ss:$0x41] =	vst.msk $0xffff, v5;
	v2 =	vld [tilespmem:s17+$0x20]  }
0x46: {  	v1 =	vld [tilespmem:s17+$0xFFFFFFC0];
	[tilespmem:s18+$0x820 ss:$0x41] =	vst.msk $0xffff, v6;
	s17 =	sadd.s32 $0x80, s17  }
0x47: {  	s21 =	sadd.s32 $0x4, s21;
	v0 =	vld [tilespmem:s17+$0x30];
	[tilespmem:s18+$0xC30 ss:$0x41] =	vst.msk $0xffff, v7  }
0x48: {  	s21 =	sshll.u32 s9, $0x7;
	s22 =	sshll.u32 s10, $0x3;
	s20 =	sshra.s32 s20, $0x2  }
0x49: {  	p1 =	sgt.s32 s9, $0xF41C0;
	s30 =	sshra.s32 s9, $0x1F;
	s25 =	sshra.s32 s10, $0x1F  }
0x4a: {  	v5 =	vld [tilespmem:s17+$0xFFFFFFD0];
	s28 =	sshrl.u32 s10, $0x3;
	s23 =	sand.u32 $0xFFFFFC00, s21;
	s22 =	sand.u32 $0xFFFFFC00, s22  }
0x4b: {  	[tilespmem:s18+$0x1040 ss:$0x41] =	vst.msk $0xffff, v4;
	v58 =	vld [tilespmem:s17+$0xFFFFFFE0];
	s21 =	sand.u32 $0x380, s21;
	s19 =	sadd.s32 s20, s19;
	s22 =	sadd.s32 s22, s23  }
0x4c: {  	v59 =	vld [tilespmem:s17+$0xFFFFFFF0];
	[tilespmem:s18+$0x1450 ss:$0x41] =	vst.msk $0xffff, v3;
	s29 =	sor.u32 s21, s22;
	s21 =	smov.u32 s9;
	s22 =	sand.u32 s30, s9  }
0x4d: {  	v60 =	vld [tilespmem:s17+$0x0];
	[tilespmem:s18+$0x1860 ss:$0x41] =	vst.msk $0xffff, v2;
	s30 =	sand.u32 $0x7, s10;
	s20 =	sshrl.u32 s29, $0x7;
	s21 =	simm.s32 @!p1 $0xF41C0  }
0x4e: {  	v61 =	vld [tilespmem:s17+$0x10];
	[tilespmem:s18+$0x0 ss:$0x41] =	vst.msk $0xffff, v1;
	p1 =	sgt.s32 s10, $0x40;
	s24 =	ssub.s32 s21, s22;
	s21 =	smov.u32 s10  }
0x4f: {  	v62 =	vld [tilespmem:s17+$0x20];
	[tilespmem:s19+$0x1C70 ss:$0x41] =	vst.msk $0xffff, v0;
	s31 =	smulhi.u32 $0x218DEF5, s20;
	s22 =	sand.u32 s25, s10;
	s21 =	simm.s32 @!p1 $0x40  }
0x50: {  	v63 =	vld [tilespmem:s17+$0xFFFFFFC0];
	[tilespmem:s19+$0x410 ss:$0x41] =	vst.msk $0xffff, v5;
	s26 =	sadd.s32 $0xFFF0BE40, s24;
	s17 =	ssub.s32 $0xF4240, s24;
	s21 =	ssub.s32 s21, s22  }
0x51: {  	[tilespmem:s19+$0x820 ss:$0x41] =	vst.msk $0xffff, v58;
	s23 =	sshrl.u32 s31, $0xD;
	p1 =	sgt.s32 s26, $0x7F;
	s27 =	sadd.s32 $0xFFFFFFC0, s21  }
0x52: {  	[tilespmem:s19+$0xC30 ss:$0x41] =	vst.msk $0xffff, v59;
	s23 =	smul.u32 $0xF4240, s23;
	s18 =	ssub.s32 $0x80, s21;
	p2 =	sgt.s32 s27, $0x3F  }
.Ltmp4:
0x53: {  	[tilespmem:s19+$0x1040 ss:$0x41] =	vst.msk $0xffff, v60;
	s17 =	simm.s32 @p1 $0x0;
	s18 =	simm.s32 @p2 $0x0;
	(pc) =	sbr.rel .LBB1_5-.Ltmp4, $4  }
0x54: {  	s29 =	sand.u32 $0xF, s28;
	[tilespmem:s19+$0x1450 ss:$0x41] =	vst.msk $0xffff, v61;
	s20 =	ssub.s32 s20, s23;
	s17 =	smul.u32 s18, s17  }
0x55: {  	[tilespmem:s19+$0x1860 ss:$0x41] =	vst.msk $0xffff, v62;
	s21 =	sshll.u32 s30, $0x12;
	s20 =	sshll.u32 s20, $0x4;
	s18 =	sadd.s32 s5, s29  }
0x56: {  	[tilespmem:s19+$0x0 ss:$0x41] =	vst.msk $0xffff, v63;
	s31 =	sor.u32 $0x40, s21;
	s18 =	sadd.s32 s20, s18;
	s17 =	sand.u32 $0x3FFFFFFF, s17  }
0x57: {  	[hbm4b:s18+s31] =	stream.strided.scatter [tilespmem:s16], [sflag:$0x2], s17, s8, s31, $0x18;
	[tilespmem:$0x8100] =	vst v63  }
.LBB1_6:
0x58: {  	_ =	sfence.sel $0x180000  }
0x59: {  	s2 =	simm.s32 $0x1;
	[bflag:$0x0] =	sbarrier.arrive $0xFFFF  }
0x5a: {  	s31 =	simm.s32 $0x2;
	[sflag:s2] =	ssyncpa.u1 $0x1  }
0x5b: {  	[sflag:s31] =	ssyncpa.u1 $0x1  }
0x5c: {  	p0 =	sne.s32 s1, $0x0;
	_ =	strace $0x90000047  }
0x5d: {  	s0 =	sadd.s32 @!p0 $0x100000, s0;
	[bflag:$0x2] =	sbarrier.arrive $0xFFFF  }
0x5e: {  	[sflag:s0] =	ssyncadd.tile.s32 @!p0 $0x1;
	_ =	shalt  }
.Lfunc_end1:
_tile_overlayer_lowered:
.L_overlay_start_2:
0x5f: {  	(tag) =	ssettag $0x2  }
0x60: {  	s0 =	rddreg [dreg:$0x0];
	s2 =	stileid.u32  }
0x61: {  	s1 =	rddreg [dreg:$0x1];
	p0 =	sne.s32 s2, $0x0  }
0x62: {  	s3 =	rddreg [dreg:$0x2];
	[bflag:$0x3] =	sbarrier.arrive $0xFFFF;
	s2 =	simm.s32 @!p0 $0x1C01  }
0x63: {  	[timem:s3], [sflag:s2] =	dma.local @!p0 [hbm:s0], s1  }
0x64: {  	s0 =	simm.s32 @!p0 $0x1  }
0x65: {  	_ =	swait.ge @!p0 [sflag:s0], s1  }
0x66: {  	s1 =	ssub.s32 @!p0 $0x0, s1;
	[sflag:s0] =	ssyncset.done @!p0 $0x0  }
0x67: {  	[sflag:s0] =	ssyncadd.s32 @!p0 s1  }
0x68: {  	[bflag:$0x3] =	sbarrier.arrive $0xFFFF  }
0x69: {  	_ =	shalt  }

// kernel: sparse-core-data-format-call.cloned.1.call-start
scs
called_computation_lowered:
.L_overlay_start_0:
0x0: {  	s2 =	sld [smem:$0x3FD9]  }
0x1: {  	s3 =	sld [smem:$0x3FFE];
	_ =	sdelay $0x1  }
0x2: {  	s1 =	srdreg.scid  }
0x3: {  	s0 =	sand.u32 $0x1, s1  }
0x4: {  	s18 =	sshll.u32 s0, $0xA;
	s2 =	sadd.s32 s3, s2  }
0x5: {  	s2 =	sadd.s32 s2, s18  }
0x6: {  	[smem:$0x3FC6] =	sst s2  }
0x7: {  	_ = 	snop  }
0x8: {  	s2 =	sld [smem:$0x3FD0];
	(tm) =	ssettm $0x1  }
0x9: {  	s19 =	sld [smem:$0x3FFB];
	_ =	sdelay $0x3  }
0xa: {  	_ =	strace s19  }
0xb: {  	s3 =	sld [smem:$0x3FFC];
	_ =	sdelay $0x3  }
0xc: {  	_ =	strace s3  }
0xd: {  	s3 =	sld [smem:$0x3FFD];
	_ =	sdelay $0x3  }
0xe: {  	_ =	strace s3  }
0xf: {  	_ =	strace $0x8FFFFFFF  }
0x10: {  	s20 =	sld [smem:$0x3FDB];
	_ =	sdelay $0x1  }
0x11: {  	s4 =	simm.s32 $_scs_section_size  }
0x12: {  	s5 =	simm.s32 $_size__tile_overlayer_lowered;
	s6 =	simm.s32 $_tile_overlayer_lowered  }
0x13: {  	s23 =	simm.s32 $0x1BFF;
	s22 =	sshll.u32 s6, $0x1;
	s3 =	sadd.s32 s4, s20  }
0x14: {  	s7 =	simm.s32 $0x0;
	s21 =	sshll.u32 s5, $0x1;
	s5 =	sadd.s32 s22, s3  }
0x15: {  	[timem:s7], [sflag:s23] =	dma.local [hbm:s5], s21  }
0x16: {  	_ =	swait.ge [sflag:s23], s21  }
0x17: {  	s4 =	ssub.s32 $0x0, s21;
	[sflag:s23] =	ssyncset.done $0x0  }
0x18: {  	[sflag:s23] =	ssyncadd.s32 s4;
	_ =	sdelay $0x1  }
0x19: {  	s24 =	simm.s32 $0x1B8B  }
0x1a: {  	_ =	swait.ge [sflag:s24], $0x1  }
0x1b: {  	[sflag:s24] =	ssyncset.done $0x0  }
0x1c: {  	s26 =	simm.s32 $0x1B8E;
	s25 =	sld [smem:$0x3FFE];
	[sflag:s24] =	ssyncadd.s32 $0xFFFFFFFF  }
0x1d: {  	s27 =	simm.s32 $execute0_lowered;
	[smem:$0x3FD2] =	sst s26  }
0x1e: {  	s5 =	sshll.u32 s27, $0x1;
	_ =	strace $0x8000004C;
	[dreg:$0x1] =	wrdreg $0xFFFFFFFF  }
0x1f: {  	s28 =	simm.s32 $_size_execute0_lowered;
	s3 =	sadd.s32 s3, s5;
	[dreg:$0x0] =	wrdreg $0x0  }
0x20: {  	s5 =	sshll.u32 s28, $0x1;
	[dreg:$0x2] =	wrdreg s3  }
0x21: {  	[dreg:$0x3] =	wrdreg s5  }
0x22: {  	[dreg:$0x4] =	wrdreg $0xC0  }
0x23: {  	_ =	task [dreg:s7], $0x5FFFF  }
0x24: {  	[dreg:$0x1] =	wrdreg $0xFFFFFFFF  }
0x25: {  	[dreg:$0x0] =	wrdreg $0x60  }
0x26: {  	[dreg:$0x2] =	wrdreg s25  }
0x27: {  	[dreg:$0x3] =	wrdreg s2  }
0x28: {  	[dreg:$0x4] =	wrdreg $0x9  }
0x29: {  	_ =	task.clear_ibuf [dreg:s7], $0x5FFFF;
	_ =	strace $0x9000004C  }
0x2a: {  	s29 =	simm.s32 $0x9;
	_ =	strace $0x8000004E  }
0x2b: {  	_ =	swait.ge [sflag:s29], $0x1  }
0x2c: {  	[sflag:s29] =	ssyncadd.s32 $0xFFFFFFFF  }
0x2d: {  	_ =	strace $0x9000004E  }
0x2e: {  	_ =	sfence  }
0x2f: {  	s30 =	sld [smem:$0x0];
	_ =	sdelay $0x2  }
0x30: {  	s31 =	sshll.u32 s1, $0xD;
	s1 =	sshrl.u32 s1, $0x2  }
0x31: {  	s3 =	sand.u32 $0x4000, s31;
	s1 =	sadd.s32 s1, s30  }
0x32: {  	s0 =	sor.u32 s3, s0;
	s1 =	sshll.u32 s1, $0x11  }
0x33: {  	s0 =	sor.u32 s1, s0  }
0x34: {  	s0 =	sadd.s32 $0x8F2B, s0  }
0x35: {  	[sflag:s0] =	ssyncadd.remote.s32 $0x1  }
0x36: {  	_ =	sfence.sel $0xFFFF  }
0x37: {  	[dreg:$0x0] =	wrdreg $0xFFFFFFFF;
	(pc) =	sbr.abs _section_cstart, $3  }
0x38: {  	[dreg:$0x1] =	wrdreg $0xFFFFFFFF  }
0x39: {  	_ =	task.clear_ibuf [dreg:s7], $0x2FFFF;
	_ =	strace $0x9FFFFFFF  }
0x3a: {  	(tm) =	ssettm $0x7FFFFFFF  }
0x3b: {  	_ =	shalt  }
tec
execute0_lowered:
.L_overlay_start_1:
0x0: {  	(tag) =	ssettag $0x1  }
0x1: {  	s0 =	srdreg.scid  }
0x2: {  	s1 =	sshll.u32 s0, $0x4  }
0x3: {  	s0 =	stileid.u32;
	s1 =	sand.u32 $0x10, s1  }
0x4: {  	s1 =	sor.u32 s0, s1  }
0x5: {  	s6 =	rddreg [dreg:$0x0];
	s4 =	simm.s32 $0x1;
	s2 =	sshll.u32 s1, $0x7  }
0x6: {  	s7 =	simm.s32 $0x2;
	s12 =	simm.s32 $0x0;
	s1 =	ssub.s32 $0x4000, s2  }
0x7: {  	s8 =	simm.s32 $0x20000;
	s13 =	simm.s32 $0x0;
	s3 =	sand.u32 $0xF80, s1  }
0x8: {  	s9 =	simm.s32 $0x0;
	s5 =	sshrl.u32 s1, $0xC;
	p0 =	sne.s32 s3, $0x0  }
.Ltmp0:
0x9: {  	s1 =	rddreg [dreg:$0x2];
	s4 =	simm.s32 @!p0 $0x0;
	(pc) =	sbr.rel .LBB1_1-.Ltmp0, $4  }
0xa: {  	s11 =	simm.s32 $0x0;
	s3 =	rddreg [dreg:$0x1];
	s5 =	sadd.s32 s4, s5  }
0xb: {  	_ =	strace $0x8000004D;
	s4 =	simm.s32 $0x1;
	s5 =	smul.u32 $0x1A, s5  }
0xc: {  	s6 =	sadd.s32 $0xE00, s6;
	s10 =	smov.u32 s2;
	[sflag:s4] =	ssyncpa.u1 $0x0  }
0xd: {  	p0 =	por $0x0, $0x0;
	[sflag:s7] =	ssyncpa.u1 $0x0;
	s7 =	sor.u32 $0x1, s5  }
.LBB1_4:
0xe: {  	s16 =	sshll.u32 s13, $0x3;
	s17 =	sand.u32 $0x78, s13  }
0xf: {  	s30 =	sand.u32 $0x1F800, s13;
	s12 =	sshll.u32 s12, $0x11;
	s16 =	sand.u32 $0x3C00, s16  }
0x10: {  	[tilespmem:s15+$0x810 ss:$0x81] =	vst.msk $0xffff, v2;
	s31 =	sand.u32 $0x7, s13;
	s16 =	sor.u32 s17, s16;
	s17 =	sadd.s32 s3, s30  }
0x11: {  	[tilespmem:s15+$0x1020 ss:$0x81] =	vst.msk $0xffff, v0;
	s13 =	sshll.u32 s31, $0x12;
	s12 =	sadd.s32 s12, s17;
	s16 =	sshrl.u32 s16, $0x3  }
0x12: {  	[tilespmem:s15+$0x0 ss:$0x81] =	vst.msk $0xffff, v1;
	s13 =	sor.u32 $0x400, s13;
	s12 =	sadd.s32 s16, s12  }
0x13: {  	[hbm4b:s12+s13] =	stream.strided.scatter [tilespmem:s14], [sflag:$0x2], $0x2000, s8, s13, $0x20;
	[tilespmem:$0x8080] =	vst v63  }
.LBB1_5:
0x14: {  	s14 =	sadd.s32 $0x1, s9  }
0x15: {  	s12 =	sadd.s32 $0x1000, s10;
	s16 =	smov.u32 s10;
	p2 =	sgt.s32 s14, $0x19  }
0x16: {  	s16 =	smov.u32 @p2 s12  }
0x17: {  	s14 =	simm.s32 @p2 $0x0;
	p2 =	sgt.s32 s16, $0x3FFF  }
0x18: {  	s16 =	smov.u32 @p2 s2;
	p2 =	sne.s32 s11, s7  }
.Ltmp1:
0x19: {  	p1 =	slt.u32 s11, $0x2;
	(pc) =	sbr.rel @!p2 .LBB1_6-.Ltmp1, $4  }
0x1a: {  	s15 =	simm.s32 @!p1 $0x2  }
0x1b: {  	s13 =	smov.u32 s10;
	p0 =	por !p0, !p0;
	_ =	swait.ge @!p1 [sflag:s15], $0x2000  }
0x1c: {  	s12 =	smov.u32 s9;
	[sflag:s15] =	ssyncset.done @!p1 $0x0;
	s9 =	smov.u32 s14  }
0x1d: {  	s11 =	sadd.s32 $0x1, s11;
	[sflag:s15] =	ssyncadd.s32 @!p1 $0xFFFFE000;
	s10 =	smov.u32 s16  }
.LBB1_1:
0x1e: {  	p1 =	sge.u32 s11, s5  }
0x1f: {  	s31 =	sadd.s32 $0xFFFFFFFF, s11;
	s14 =	sxor.u32 @!p1 $0xFFFFFFFF, s11  }
0x20: {  	s15 =	sshll.u32 @!p1 s10, $0x9;
	s16 =	sshll.u32 @!p1 s9, $0x4;
	s17 =	simm.s32 @!p1 $0x1000  }
0x21: {  	s14 =	sshll.u32 @!p1 s14, $0xD;
	s16 =	sand.u32 @!p1 $0x1F0, s16;
	s15 =	sadd.s32 @!p1 s6, s15  }
0x22: {  	s14 =	sand.u32 @!p1 $0x2000, s14;
	s15 =	sadd.s32 @!p1 s16, s15;
	s16 =	simm.s32 @!p1 $0x40  }
0x23: {  	[tilespmem:s14], [sflag:$0x1] =	stream.strided.gather @!p1 [hbm4b:s15+s16], $0x2000, s17, s16, $0x38;
	[tilespmem:$0x8080] =	vst v63  }
0x24: {  	p1 =	sge.u32 s31, s5  }
.Ltmp2:
0x25: {  	_ = 	snop;
	(pc) =	sbr.rel @p1 .LBB1_5-.Ltmp2, $1  }
0x26: {  	_ =	sdelay $0x3  }
0x27: {  	s14 =	simm.s32 $0x1  }
0x28: {  	_ =	swait.ge [sflag:s4], $0x2000;
	s14 =	simm.s32 @!p0 $0x0  }
0x29: {  	[sflag:s4] =	ssyncset.done $0x0;
	s15 =	sshll.u32 s14, $0xD  }
0x2a: {  	[sflag:s4] =	ssyncadd.s32 $0xFFFFE000;
	s18 =	sor.u32 $0x20, s15  }
0x2b: {  	s14 =	smul.u32 $0x8100, s14;
	v3 =	vld [tilespmem:s18+$0x10]  }
0x2c: {  	s30 =	sand.u32 $0x1, s11;
	v2 =	vld [tilespmem:s18+$0xFFFFFFF0]  }
0x2d: {  	s15 =	smul.u32 $0x8100, s30;
	s14 =	sshrl.u32 s14, $0x2;
	v0 =	vld [tilespmem:s18+$0x0]  }
0x2e: {  	v1 =	vld [tilespmem:s18+$0xFFFFFFE0];
	s16 =	sor.u32 $0x4000, s14  }
0x2f: {  	s31 =	sshrl.u32 s15, $0x2;
	s15 =	sadd.s32 $0x0, s16  }
0x30: {  	s17 =	simm.s32 $0x4;
	s18 =	sadd.s32 $0x40, s18;
	s14 =	sor.u32 $0x4000, s31;
	[tilespmem:s15+$0x1830 ss:$0x81] =	vst.msk $0xffff, v3  }
.LBB1_3:
0x31: {  	v3 =	vld [tilespmem:s18+$0x10];
	p1 =	sne.s32 s17, $0x1FC;
	[tilespmem:s15+$0x810 ss:$0x81] =	vst.msk $0xffff, v2;
	s19 =	smov.u32 s17;
	s17 =	sadd.s32 $0x4, s17  }
.Ltmp3:
0x32: {  	v2 =	vld [tilespmem:s18+$0xFFFFFFF0];
	[tilespmem:s15+$0x1020 ss:$0x81] =	vst.msk $0xffff, v0;
	(pc) =	sbr.rel @p1 .LBB1_3-.Ltmp3, $4  }
0x33: {  	v0 =	vld [tilespmem:s18+$0x0];
	[tilespmem:s15+$0x0 ss:$0x81] =	vst.msk $0xffff, v1  }
0x34: {  	s15 =	sshra.s32 s19, $0x2;
	v1 =	vld [tilespmem:s18+$0xFFFFFFE0]  }
0x35: {  	s15 =	sadd.s32 s15, s16  }
0x36: {  	s18 =	sadd.s32 $0x40, s18;
	[tilespmem:s15+$0x1830 ss:$0x81] =	vst.msk $0xffff, v3  }
.Ltmp4:
0x37: {  	_ = 	snop;
	(pc) =	sbr.rel .LBB1_4-.Ltmp4, $1  }
0x38: {  	_ =	sdelay $0x3  }
.LBB1_6:
0x39: {  	_ =	sfence.sel $0x180000  }
0x3a: {  	s2 =	simm.s32 $0x1;
	[bflag:$0x0] =	sbarrier.arrive $0xFFFF  }
0x3b: {  	s31 =	simm.s32 $0x2;
	[sflag:s2] =	ssyncpa.u1 $0x1  }
0x3c: {  	[sflag:s31] =	ssyncpa.u1 $0x1  }
0x3d: {  	p0 =	sne.s32 s0, $0x0;
	_ =	strace $0x9000004D  }
0x3e: {  	s0 =	sadd.s32 @!p0 $0x100000, s1;
	[bflag:$0x2] =	sbarrier.arrive $0xFFFF  }
0x3f: {  	[sflag:s0] =	ssyncadd.tile.s32 @!p0 $0x1;
	_ =	shalt  }
.Lfunc_end1:
_tile_overlayer_lowered:
.L_overlay_start_2:
0x40: {  	(tag) =	ssettag $0x2  }
0x41: {  	s0 =	rddreg [dreg:$0x0];
	s2 =	stileid.u32  }
0x42: {  	s1 =	rddreg [dreg:$0x1];
	p0 =	sne.s32 s2, $0x0  }
0x43: {  	s3 =	rddreg [dreg:$0x2];
	[bflag:$0x3] =	sbarrier.arrive $0xFFFF;
	s2 =	simm.s32 @!p0 $0x1C01  }
0x44: {  	[timem:s3], [sflag:s2] =	dma.local @!p0 [hbm:s0], s1  }
0x45: {  	s0 =	simm.s32 @!p0 $0x1  }
0x46: {  	_ =	swait.ge @!p0 [sflag:s0], s1  }
0x47: {  	s1 =	ssub.s32 @!p0 $0x0, s1;
	[sflag:s0] =	ssyncset.done @!p0 $0x0  }
0x48: {  	[sflag:s0] =	ssyncadd.s32 @!p0 s1  }
0x49: {  	[bflag:$0x3] =	sbarrier.arrive $0xFFFF  }
0x4a: {  	_ =	shalt  }

</sc_bundles>
